<compile_context>
chip_gen: v7x
topology: tpu7x:2x2x1
jax: 0.10.2.dev20260603
libtpu: 0.0.44.dev20260713+nightly
codegen_flags: <defaults>
</compile_context>

<pallas_src>
import functools

import jax
import jax.numpy as jnp
from jax import lax
from jax.experimental import pallas as pl
from jax.experimental.pallas import tpu as pltpu
from jax.experimental.pallas import tpu_sc as plsc

NIN = 26
VOCAB_P1 = 1001
D_MODEL = 64
BATCH = 1024
SEQ = 20
TAB_ELEMS = NIN * D_MODEL * VOCAB_P1
TBLK = 8 * VOCAB_P1 + 8

_info = plsc.get_sparse_core_info()
_NC, _NS = _info.num_cores, _info.num_subcores
_NW = _NC * _NS
_DB = 8
_LH = SEQ // 2
_UNITS = NIN * (D_MODEL // _DB) * 2
_UPW = _UNITS // _NW


def _make_emb():
    mesh = plsc.VectorSubcoreMesh(core_axis_name="c", subcore_axis_name="s")

    @functools.partial(
        pl.kernel,
        mesh=mesh,
        out_type=jax.ShapeDtypeStruct(
            (SEQ, NIN, D_MODEL // 8, BATCH // 128, 8, 128), jnp.float32),
        scratch_types=[
            pltpu.VMEM((_LH, BATCH), jnp.int32),
            pltpu.VMEM((_LH, BATCH), jnp.int32),
            pltpu.VMEM((TBLK,), jnp.float32),
            pltpu.VMEM((TBLK,), jnp.float32),
            pltpu.VMEM((_LH, BATCH // 128, 4, 128), jnp.float32),
            pltpu.VMEM((_LH, BATCH // 128, 4, 128), jnp.float32),
            pltpu.SemaphoreType.DMA,
            pltpu.SemaphoreType.DMA,
            pltpu.SemaphoreType.DMA,
            pltpu.SemaphoreType.DMA,
        ],
        compiler_params=pltpu.CompilerParams(
            use_tc_tiling_on_sc=False, needs_layout_passes=False),
    )
    def emb(xt_hbm, tab_hbm, out_hbm, ib0, ib1, trb0, trb1, ob0, ob1,
            isem, tsem, osem0, osem1):
        wid = lax.axis_index("s") * _NC + lax.axis_index("c")
        obufs = (ob0, ob1)
        osems = (osem0, osem1)

        def unit_params(i):
            u = wid + i * _NW
            f = u // 16
            r = u - f * 16
            db = r // 2
            lbase = (r - db * 2) * _LH
            return f, db, lbase

        def tab_base(i):
            f, db, lbase = unit_params(i)
            orig = (f * D_MODEL + db * 8) * VOCAB_P1
            base = orig - orig % 8
            base = jnp.where(base + TBLK > TAB_ELEMS, base - 8, base)
            return pl.multiple_of(base, 8), orig - base

        def i_copy(i, buf):
            f, db, lbase = unit_params(i)
            return pltpu.make_async_copy(
                xt_hbm.at[f, pl.ds(lbase, _LH)], buf, isem)

        def t_copy(i, buf):
            base, _ = tab_base(i)
            return pltpu.make_async_copy(
                tab_hbm.at[pl.ds(base, TBLK)], buf, tsem)

        def o_copy(i, dq, buf, sem):
            f, db, lbase = unit_params(i)
            return pltpu.make_async_copy(
                buf,
                out_hbm.at[pl.ds(lbase, _LH), f, db, :, pl.ds(dq * 4, 4)],
                sem)

        i_copy(0, ib0).start()
        t_copy(0, trb0).start()

        def one_unit(i, ib, ib_next, trb, trb_next, first):
            i_copy(i, ib).wait()
            t_copy(i, trb).wait()

            @pl.when(i + 1 < _UPW)
            def _():
                i_copy(i + 1, ib_next).start()
                t_copy(i + 1, trb_next).start()

            _, delta = tab_base(i)
            for dq in range(_DB // 4):
                ob = obufs[dq]
                if not first:
                    o_copy(i, dq, ob, osems[dq]).wait()

                off = delta + dq * 4 * VOCAB_P1

                def l_body(l, carry2):
                    @plsc.parallel_loop(0, BATCH // 16, unroll=8)
                    def gather_c(c):
                        ivec = ib[l, pl.ds(c * 16, 16)] + off
                        for s in range(4):
                            ob[l, c // 8, s, pl.ds((c % 8) * 16, 16)] = (
                                plsc.load_gather(trb, [ivec + s * VOCAB_P1]))
                    return carry2

                lax.fori_loop(0, _LH, l_body, 0)

                o_copy(i, dq, ob, osems[dq]).start()

        one_unit(0, ib0, ib1, trb0, trb1, True)

        def pair_body(p, carry):
            one_unit(2 * p + 1, ib1, ib0, trb1, trb0, False)
            one_unit(2 * p + 2, ib0, ib1, trb0, trb1, False)
            return carry

        lax.fori_loop(0, (_UPW - 1) // 2, pair_body, 0)
        for j in range(2):
            o_copy(0, j, obufs[j], osems[j]).wait()

    return emb


def kernel(x, tables):
    xt = jnp.transpose(x.astype(jnp.int32), (2, 1, 0))
    tab = jnp.transpose(tables, (0, 2, 1)).reshape(TAB_ELEMS)
    out_t = _make_emb()(xt, tab)
    out_p = jnp.transpose(out_t, (3, 5, 0, 1, 2, 4))
    return out_p.reshape(BATCH, SEQ, NIN, D_MODEL)

# --- scband reference (transcript-rebuilt; emitter-appended) ---
"""Pipeline reference for scband-embedding-75685913690202 (READ-ONLY COPY).

The authoritative reference and input builder live on the scoring server;
editing this copy changes nothing except your own understanding.
"""

import jax, jax.numpy as jnp
import numpy as np

NIN = 26
VOCAB = 1000
D_MODEL = 64
B = 1024
L = 20


def setup_inputs(seed: int = 0) -> dict:
    key = jax.random.key(seed)
    k_x, k_t = jax.random.split(key)
    x = jax.random.randint(k_x, (B, L, NIN), 0, VOCAB, dtype=jnp.int64 if jax.config.jax_enable_x64 else jnp.int32)
    # one embedding table per field, each of size (VOCAB + 1, D_MODEL), stacked into one array
    tables = jax.random.normal(k_t, (NIN, VOCAB + 1, D_MODEL), dtype=jnp.float32) * 0.02
    return {"x": x, "tables": tables}


def reference(x, tables):
    # Faithful translation of Embedding.forward: per-field gather, then stack on dim 2
    y_embed = []
    for nat_idx in range(NIN):
        y_embed.append(jnp.take(tables[nat_idx], x[:, :, nat_idx], axis=0))
    inp = jnp.stack(y_embed, axis=2)
    return inp

if __name__ == "__main__":
    import jax
    _d = setup_inputs()
    print(jax.jit(kernel)(*tuple(_d.values())))

</pallas_src>

<mosaic_0001>
#map = affine_map<(d0, d1) -> (0, 0, 0)>
#map1 = affine_map<(d0, d1) -> (0)>
#map2 = affine_map<(d0, d1) -> (0, 0, 0, 0, 0, 0)>
module attributes {stable_mosaic.version = 14 : i64} {
  func.func @emb(%arg0: i32, %arg1: i32, %arg2: memref<26x20x1024xi32, #tpu.memory_space<hbm>>, %arg3: memref<1665664xf32, #tpu.memory_space<hbm>>, %arg4: memref<20x26x8x8x8x128xf32, #tpu.memory_space<hbm>>, %arg5: memref<10x1024xi32, #tpu.memory_space<vmem>>, %arg6: memref<10x1024xi32, #tpu.memory_space<vmem>>, %arg7: memref<8016xf32, #tpu.memory_space<vmem>>, %arg8: memref<8016xf32, #tpu.memory_space<vmem>>, %arg9: memref<10x8x4x128xf32, #tpu.memory_space<vmem>>, %arg10: memref<10x8x4x128xf32, #tpu.memory_space<vmem>>, %arg11: memref<!tpu.dma_semaphore, #tpu.memory_space<semaphore_mem>>, %arg12: memref<!tpu.dma_semaphore, #tpu.memory_space<semaphore_mem>>, %arg13: memref<!tpu.dma_semaphore, #tpu.memory_space<semaphore_mem>>, %arg14: memref<!tpu.dma_semaphore, #tpu.memory_space<semaphore_mem>>) attributes {dimension_semantics = [#tpu.dimension_semantics<core_parallel>, #tpu.dimension_semantics<subcore_parallel>], iteration_bounds = array<i64: 2, 16>, scalar_prefetch = 0 : i64, scratch_operands = 10 : i64, tpu.core_type = #tpu.core_type<sc_vector_subcore>, window_params = [{transform_indices = #map}, {transform_indices = #map1}, {transform_indices = #map2}]} {
    %mul3A = arith.constant 2 : i32
    %mul3A_0 = arith.muli %arg1, %mul3A : i32
    %add3A = arith.addi %mul3A_0, %arg0 : i32
    %add3A_1 = arith.constant 0 : i32
    %add3A_2 = arith.addi %add3A, %add3A_1 : i32
    %jit3A = arith.constant 16 : i32
    %div3A = arith.divsi %add3A_2, %jit3A : i32
    %sign3A = arith.constant 0 : i32
    %sign3A_3 = arith.cmpi sgt, %add3A_2, %sign3A : i32
    %sign3A_4 = arith.extui %sign3A_3 : i1 to i32
    %sign3A_5 = arith.constant 0 : i32
    %sign3A_6 = arith.cmpi slt, %add3A_2, %sign3A_5 : i32
    %sign3A_7 = arith.extui %sign3A_6 : i1 to i32
    %sign3A_8 = arith.subi %sign3A_4, %sign3A_7 : i32
    %sign3A_9 = arith.constant 0 : i32
    %sign3A_10 = arith.cmpi sgt, %jit3A, %sign3A_9 : i32
    %sign3A_11 = arith.extui %sign3A_10 : i1 to i32
    %sign3A_12 = arith.constant 0 : i32
    %sign3A_13 = arith.cmpi slt, %jit3A, %sign3A_12 : i32
    %sign3A_14 = arith.extui %sign3A_13 : i1 to i32
    %sign3A_15 = arith.subi %sign3A_11, %sign3A_14 : i32
    %ne3A = arith.cmpi ne, %sign3A_8, %sign3A_15 : i32
    %rem3A = arith.remsi %add3A_2, %jit3A : i32
    %ne3A_16 = arith.constant 0 : i32
    %ne3A_17 = arith.cmpi ne, %rem3A, %ne3A_16 : i32
    %and3A = arith.andi %ne3A, %ne3A_17 : i1
    %sub3A = arith.constant 1 : i32
    %sub3A_18 = arith.subi %div3A, %sub3A : i32
    %select_n3A = arith.select %and3A, %sub3A_18, %div3A : i32
    %mul3A_19 = arith.constant 16 : i32
    %mul3A_20 = arith.muli %select_n3A, %mul3A_19 : i32
    %sub3A_21 = arith.subi %add3A_2, %mul3A_20 : i32
    %jit3A_22 = arith.constant 2 : i32
    %div3A_23 = arith.divsi %sub3A_21, %jit3A_22 : i32
    %sign3A_24 = arith.constant 0 : i32
    %sign3A_25 = arith.cmpi sgt, %sub3A_21, %sign3A_24 : i32
    %sign3A_26 = arith.extui %sign3A_25 : i1 to i32
    %sign3A_27 = arith.constant 0 : i32
    %sign3A_28 = arith.cmpi slt, %sub3A_21, %sign3A_27 : i32
    %sign3A_29 = arith.extui %sign3A_28 : i1 to i32
    %sign3A_30 = arith.subi %sign3A_26, %sign3A_29 : i32
    %sign3A_31 = arith.constant 0 : i32
    %sign3A_32 = arith.cmpi sgt, %jit3A_22, %sign3A_31 : i32
    %sign3A_33 = arith.extui %sign3A_32 : i1 to i32
    %sign3A_34 = arith.constant 0 : i32
    %sign3A_35 = arith.cmpi slt, %jit3A_22, %sign3A_34 : i32
    %sign3A_36 = arith.extui %sign3A_35 : i1 to i32
    %sign3A_37 = arith.subi %sign3A_33, %sign3A_36 : i32
    %ne3A_38 = arith.cmpi ne, %sign3A_30, %sign3A_37 : i32
    %rem3A_39 = arith.remsi %sub3A_21, %jit3A_22 : i32
    %ne3A_40 = arith.constant 0 : i32
    %ne3A_41 = arith.cmpi ne, %rem3A_39, %ne3A_40 : i32
    %and3A_42 = arith.andi %ne3A_38, %ne3A_41 : i1
    %sub3A_43 = arith.constant 1 : i32
    %sub3A_44 = arith.subi %div3A_23, %sub3A_43 : i32
    %select_n3A_45 = arith.select %and3A_42, %sub3A_44, %div3A_23 : i32
    %mul3A_46 = arith.constant 2 : i32
    %mul3A_47 = arith.muli %select_n3A_45, %mul3A_46 : i32
    %sub3A_48 = arith.subi %sub3A_21, %mul3A_47 : i32
    %mul3A_49 = arith.constant 10 : i32
    %mul3A_50 = arith.muli %sub3A_48, %mul3A_49 : i32
    %dma_start3A = arith.constant 0 : i32
    %dma_start3A_51 = tpu.memref_slice %arg2[%select_n3A, %mul3A_50, %dma_start3A] : memref<26x20x1024xi32, #tpu.memory_space<hbm>> -> memref<1x10x1024xi32, #tpu.memory_space<hbm>>
    %dma_start3A_52 = tpu.memref_squeeze %dma_start3A_51 : memref<1x10x1024xi32, #tpu.memory_space<hbm>> -> memref<10x1024xi32, #tpu.memory_space<hbm>>
    %dma_start3A_53 = arith.constant 0 : i32
    %dma_start3A_54 = tpu.memref_slice %arg2[%select_n3A, %mul3A_50, %dma_start3A_53] : memref<26x20x1024xi32, #tpu.memory_space<hbm>> -> memref<1x10x1024xi32, #tpu.memory_space<hbm>>
    %dma_start3A_55 = tpu.memref_squeeze %dma_start3A_54 : memref<1x10x1024xi32, #tpu.memory_space<hbm>> -> memref<10x1024xi32, #tpu.memory_space<hbm>>
    tpu.enqueue_dma source(%dma_start3A_55 : memref<10x1024xi32, #tpu.memory_space<hbm>>) target(%arg5 : memref<10x1024xi32, #tpu.memory_space<vmem>>) target_semaphore(%arg11 : memref<!tpu.dma_semaphore, #tpu.memory_space<semaphore_mem>>)
    %add3A_56 = arith.constant 0 : i32
    %add3A_57 = arith.addi %add3A, %add3A_56 : i32
    %jit3A_58 = arith.constant 16 : i32
    %div3A_59 = arith.divsi %add3A_57, %jit3A_58 : i32
    %sign3A_60 = arith.constant 0 : i32
    %sign3A_61 = arith.cmpi sgt, %add3A_57, %sign3A_60 : i32
    %sign3A_62 = arith.extui %sign3A_61 : i1 to i32
    %sign3A_63 = arith.constant 0 : i32
    %sign3A_64 = arith.cmpi slt, %add3A_57, %sign3A_63 : i32
    %sign3A_65 = arith.extui %sign3A_64 : i1 to i32
    %sign3A_66 = arith.subi %sign3A_62, %sign3A_65 : i32
    %sign3A_67 = arith.constant 0 : i32
    %sign3A_68 = arith.cmpi sgt, %jit3A_58, %sign3A_67 : i32
    %sign3A_69 = arith.extui %sign3A_68 : i1 to i32
    %sign3A_70 = arith.constant 0 : i32
    %sign3A_71 = arith.cmpi slt, %jit3A_58, %sign3A_70 : i32
    %sign3A_72 = arith.extui %sign3A_71 : i1 to i32
    %sign3A_73 = arith.subi %sign3A_69, %sign3A_72 : i32
    %ne3A_74 = arith.cmpi ne, %sign3A_66, %sign3A_73 : i32
    %rem3A_75 = arith.remsi %add3A_57, %jit3A_58 : i32
    %ne3A_76 = arith.constant 0 : i32
    %ne3A_77 = arith.cmpi ne, %rem3A_75, %ne3A_76 : i32
    %and3A_78 = arith.andi %ne3A_74, %ne3A_77 : i1
    %sub3A_79 = arith.constant 1 : i32
    %sub3A_80 = arith.subi %div3A_59, %sub3A_79 : i32
    %select_n3A_81 = arith.select %and3A_78, %sub3A_80, %div3A_59 : i32
    %mul3A_82 = arith.constant 16 : i32
    %mul3A_83 = arith.muli %select_n3A_81, %mul3A_82 : i32
    %sub3A_84 = arith.subi %add3A_57, %mul3A_83 : i32
    %jit3A_85 = arith.constant 2 : i32
    %div3A_86 = arith.divsi %sub3A_84, %jit3A_85 : i32
    %sign3A_87 = arith.constant 0 : i32
    %sign3A_88 = arith.cmpi sgt, %sub3A_84, %sign3A_87 : i32
    %sign3A_89 = arith.extui %sign3A_88 : i1 to i32
    %sign3A_90 = arith.constant 0 : i32
    %sign3A_91 = arith.cmpi slt, %sub3A_84, %sign3A_90 : i32
    %sign3A_92 = arith.extui %sign3A_91 : i1 to i32
    %sign3A_93 = arith.subi %sign3A_89, %sign3A_92 : i32
    %sign3A_94 = arith.constant 0 : i32
    %sign3A_95 = arith.cmpi sgt, %jit3A_85, %sign3A_94 : i32
    %sign3A_96 = arith.extui %sign3A_95 : i1 to i32
    %sign3A_97 = arith.constant 0 : i32
    %sign3A_98 = arith.cmpi slt, %jit3A_85, %sign3A_97 : i32
    %sign3A_99 = arith.extui %sign3A_98 : i1 to i32
    %sign3A_100 = arith.subi %sign3A_96, %sign3A_99 : i32
    %ne3A_101 = arith.cmpi ne, %sign3A_93, %sign3A_100 : i32
    %rem3A_102 = arith.remsi %sub3A_84, %jit3A_85 : i32
    %ne3A_103 = arith.constant 0 : i32
    %ne3A_104 = arith.cmpi ne, %rem3A_102, %ne3A_103 : i32
    %and3A_105 = arith.andi %ne3A_101, %ne3A_104 : i1
    %sub3A_106 = arith.constant 1 : i32
    %sub3A_107 = arith.subi %div3A_86, %sub3A_106 : i32
    %select_n3A_108 = arith.select %and3A_105, %sub3A_107, %div3A_86 : i32
    %mul3A_109 = arith.constant 2 : i32
    %mul3A_110 = arith.muli %select_n3A_108, %mul3A_109 : i32
    %sub3A_111 = arith.subi %sub3A_84, %mul3A_110 : i32
    %mul3A_112 = arith.constant 10 : i32
    %mul3A_113 = arith.muli %sub3A_111, %mul3A_112 : i32
    %mul3A_114 = arith.constant 64 : i32
    %mul3A_115 = arith.muli %select_n3A_81, %mul3A_114 : i32
    %mul3A_116 = arith.constant 8 : i32
    %mul3A_117 = arith.muli %select_n3A_108, %mul3A_116 : i32
    %add3A_118 = arith.addi %mul3A_115, %mul3A_117 : i32
    %mul3A_119 = arith.constant 1001 : i32
    %mul3A_120 = arith.muli %add3A_118, %mul3A_119 : i32
    %jit3A_121 = arith.constant 8 : i32
    %eq3A = arith.constant 0 : i32
    %eq3A_122 = arith.cmpi eq, %jit3A_121, %eq3A : i32
    %jit3A_123 = arith.constant 1 : i32
    %select_n3A_124 = arith.select %eq3A_122, %jit3A_123, %jit3A_121 : i32
    %rem3A_125 = arith.remsi %mul3A_120, %select_n3A_124 : i32
    %ne3A_126 = arith.constant 0 : i32
    %ne3A_127 = arith.cmpi ne, %rem3A_125, %ne3A_126 : i32
    %lt3A = arith.constant 0 : i32
    %lt3A_128 = arith.cmpi slt, %rem3A_125, %lt3A : i32
    %lt3A_129 = arith.constant 0 : i32
    %lt3A_130 = arith.cmpi slt, %select_n3A_124, %lt3A_129 : i32
    %ne3A_131 = arith.xori %lt3A_128, %lt3A_130 : i1
    %and3A_132 = arith.andi %ne3A_131, %ne3A_127 : i1
    %add3A_133 = arith.addi %rem3A_125, %select_n3A_124 : i32
    %select_n3A_134 = arith.select %and3A_132, %add3A_133, %rem3A_125 : i32
    %sub3A_135 = arith.subi %mul3A_120, %select_n3A_134 : i32
    %add3A_136 = arith.constant 8016 : i32
    %add3A_137 = arith.addi %sub3A_135, %add3A_136 : i32
    %gt3A = arith.constant 1665664 : i32
    %gt3A_138 = arith.cmpi sgt, %add3A_137, %gt3A : i32
    %sub3A_139 = arith.constant 8 : i32
    %sub3A_140 = arith.subi %sub3A_135, %sub3A_139 : i32
    %select_n3A_141 = arith.select %gt3A_138, %sub3A_140, %sub3A_135 : i32
    %multiple_of3A = tpu.assume_multiple %select_n3A_141, 8 : i32
    %sub3A_142 = arith.subi %mul3A_120, %select_n3A_141 : i32
    %dma_start3A_143 = tpu.memref_slice %arg3[%multiple_of3A] : memref<1665664xf32, #tpu.memory_space<hbm>> -> memref<8016xf32, #tpu.memory_space<hbm>>
    %dma_start3A_144 = tpu.memref_slice %arg3[%multiple_of3A] : memref<1665664xf32, #tpu.memory_space<hbm>> -> memref<8016xf32, #tpu.memory_space<hbm>>
    tpu.enqueue_dma source(%dma_start3A_144 : memref<8016xf32, #tpu.memory_space<hbm>>) target(%arg7 : memref<8016xf32, #tpu.memory_space<vmem>>) target_semaphore(%arg12 : memref<!tpu.dma_semaphore, #tpu.memory_space<semaphore_mem>>)
    %add3A_145 = arith.constant 0 : i32
    %add3A_146 = arith.addi %add3A, %add3A_145 : i32
    %jit3A_147 = arith.constant 16 : i32
    %div3A_148 = arith.divsi %add3A_146, %jit3A_147 : i32
    %sign3A_149 = arith.constant 0 : i32
    %sign3A_150 = arith.cmpi sgt, %add3A_146, %sign3A_149 : i32
    %sign3A_151 = arith.extui %sign3A_150 : i1 to i32
    %sign3A_152 = arith.constant 0 : i32
    %sign3A_153 = arith.cmpi slt, %add3A_146, %sign3A_152 : i32
    %sign3A_154 = arith.extui %sign3A_153 : i1 to i32
    %sign3A_155 = arith.subi %sign3A_151, %sign3A_154 : i32
    %sign3A_156 = arith.constant 0 : i32
    %sign3A_157 = arith.cmpi sgt, %jit3A_147, %sign3A_156 : i32
    %sign3A_158 = arith.extui %sign3A_157 : i1 to i32
    %sign3A_159 = arith.constant 0 : i32
    %sign3A_160 = arith.cmpi slt, %jit3A_147, %sign3A_159 : i32
    %sign3A_161 = arith.extui %sign3A_160 : i1 to i32
    %sign3A_162 = arith.subi %sign3A_158, %sign3A_161 : i32
    %ne3A_163 = arith.cmpi ne, %sign3A_155, %sign3A_162 : i32
    %rem3A_164 = arith.remsi %add3A_146, %jit3A_147 : i32
    %ne3A_165 = arith.constant 0 : i32
    %ne3A_166 = arith.cmpi ne, %rem3A_164, %ne3A_165 : i32
    %and3A_167 = arith.andi %ne3A_163, %ne3A_166 : i1
    %sub3A_168 = arith.constant 1 : i32
    %sub3A_169 = arith.subi %div3A_148, %sub3A_168 : i32
    %select_n3A_170 = arith.select %and3A_167, %sub3A_169, %div3A_148 : i32
    %mul3A_171 = arith.constant 16 : i32
    %mul3A_172 = arith.muli %select_n3A_170, %mul3A_171 : i32
    %sub3A_173 = arith.subi %add3A_146, %mul3A_172 : i32
    %jit3A_174 = arith.constant 2 : i32
    %div3A_175 = arith.divsi %sub3A_173, %jit3A_174 : i32
    %sign3A_176 = arith.constant 0 : i32
    %sign3A_177 = arith.cmpi sgt, %sub3A_173, %sign3A_176 : i32
    %sign3A_178 = arith.extui %sign3A_177 : i1 to i32
    %sign3A_179 = arith.constant 0 : i32
    %sign3A_180 = arith.cmpi slt, %sub3A_173, %sign3A_179 : i32
    %sign3A_181 = arith.extui %sign3A_180 : i1 to i32
    %sign3A_182 = arith.subi %sign3A_178, %sign3A_181 : i32
    %sign3A_183 = arith.constant 0 : i32
    %sign3A_184 = arith.cmpi sgt, %jit3A_174, %sign3A_183 : i32
    %sign3A_185 = arith.extui %sign3A_184 : i1 to i32
    %sign3A_186 = arith.constant 0 : i32
    %sign3A_187 = arith.cmpi slt, %jit3A_174, %sign3A_186 : i32
    %sign3A_188 = arith.extui %sign3A_187 : i1 to i32
    %sign3A_189 = arith.subi %sign3A_185, %sign3A_188 : i32
    %ne3A_190 = arith.cmpi ne, %sign3A_182, %sign3A_189 : i32
    %rem3A_191 = arith.remsi %sub3A_173, %jit3A_174 : i32
    %ne3A_192 = arith.constant 0 : i32
    %ne3A_193 = arith.cmpi ne, %rem3A_191, %ne3A_192 : i32
    %and3A_194 = arith.andi %ne3A_190, %ne3A_193 : i1
    %sub3A_195 = arith.constant 1 : i32
    %sub3A_196 = arith.subi %div3A_175, %sub3A_195 : i32
    %select_n3A_197 = arith.select %and3A_194, %sub3A_196, %div3A_175 : i32
    %mul3A_198 = arith.constant 2 : i32
    %mul3A_199 = arith.muli %select_n3A_197, %mul3A_198 : i32
    %sub3A_200 = arith.subi %sub3A_173, %mul3A_199 : i32
    %mul3A_201 = arith.constant 10 : i32
    %mul3A_202 = arith.muli %sub3A_200, %mul3A_201 : i32
    %dma_wait3A = arith.constant 0 : i32
    %dma_wait3A_203 = tpu.memref_slice %arg2[%select_n3A_170, %mul3A_202, %dma_wait3A] : memref<26x20x1024xi32, #tpu.memory_space<hbm>> -> memref<1x10x1024xi32, #tpu.memory_space<hbm>>
    %dma_wait3A_204 = tpu.memref_squeeze %dma_wait3A_203 : memref<1x10x1024xi32, #tpu.memory_space<hbm>> -> memref<10x1024xi32, #tpu.memory_space<hbm>>
    %dma_wait3A_205 = arith.constant 0 : i32
    %dma_wait3A_206 = tpu.memref_slice %arg2[%select_n3A_170, %mul3A_202, %dma_wait3A_205] : memref<26x20x1024xi32, #tpu.memory_space<hbm>> -> memref<1x10x1024xi32, #tpu.memory_space<hbm>>
    %dma_wait3A_207 = tpu.memref_squeeze %dma_wait3A_206 : memref<1x10x1024xi32, #tpu.memory_space<hbm>> -> memref<10x1024xi32, #tpu.memory_space<hbm>>
    tpu.wait_dma2 semaphore(%arg11 : memref<!tpu.dma_semaphore, #tpu.memory_space<semaphore_mem>>) src(%dma_wait3A_207 : memref<10x1024xi32, #tpu.memory_space<hbm>>) dst(%arg5 : memref<10x1024xi32, #tpu.memory_space<vmem>>)
    %add3A_208 = arith.constant 0 : i32
    %add3A_209 = arith.addi %add3A, %add3A_208 : i32
    %jit3A_210 = arith.constant 16 : i32
    %div3A_211 = arith.divsi %add3A_209, %jit3A_210 : i32
    %sign3A_212 = arith.constant 0 : i32
    %sign3A_213 = arith.cmpi sgt, %add3A_209, %sign3A_212 : i32
    %sign3A_214 = arith.extui %sign3A_213 : i1 to i32
    %sign3A_215 = arith.constant 0 : i32
    %sign3A_216 = arith.cmpi slt, %add3A_209, %sign3A_215 : i32
    %sign3A_217 = arith.extui %sign3A_216 : i1 to i32
    %sign3A_218 = arith.subi %sign3A_214, %sign3A_217 : i32
    %sign3A_219 = arith.constant 0 : i32
    %sign3A_220 = arith.cmpi sgt, %jit3A_210, %sign3A_219 : i32
    %sign3A_221 = arith.extui %sign3A_220 : i1 to i32
    %sign3A_222 = arith.constant 0 : i32
    %sign3A_223 = arith.cmpi slt, %jit3A_210, %sign3A_222 : i32
    %sign3A_224 = arith.extui %sign3A_223 : i1 to i32
    %sign3A_225 = arith.subi %sign3A_221, %sign3A_224 : i32
    %ne3A_226 = arith.cmpi ne, %sign3A_218, %sign3A_225 : i32
    %rem3A_227 = arith.remsi %add3A_209, %jit3A_210 : i32
    %ne3A_228 = arith.constant 0 : i32
    %ne3A_229 = arith.cmpi ne, %rem3A_227, %ne3A_228 : i32
    %and3A_230 = arith.andi %ne3A_226, %ne3A_229 : i1
    %sub3A_231 = arith.constant 1 : i32
    %sub3A_232 = arith.subi %div3A_211, %sub3A_231 : i32
    %select_n3A_233 = arith.select %and3A_230, %sub3A_232, %div3A_211 : i32
    %mul3A_234 = arith.constant 16 : i32
    %mul3A_235 = arith.muli %select_n3A_233, %mul3A_234 : i32
    %sub3A_236 = arith.subi %add3A_209, %mul3A_235 : i32
    %jit3A_237 = arith.constant 2 : i32
    %div3A_238 = arith.divsi %sub3A_236, %jit3A_237 : i32
    %sign3A_239 = arith.constant 0 : i32
    %sign3A_240 = arith.cmpi sgt, %sub3A_236, %sign3A_239 : i32
    %sign3A_241 = arith.extui %sign3A_240 : i1 to i32
    %sign3A_242 = arith.constant 0 : i32
    %sign3A_243 = arith.cmpi slt, %sub3A_236, %sign3A_242 : i32
    %sign3A_244 = arith.extui %sign3A_243 : i1 to i32
    %sign3A_245 = arith.subi %sign3A_241, %sign3A_244 : i32
    %sign3A_246 = arith.constant 0 : i32
    %sign3A_247 = arith.cmpi sgt, %jit3A_237, %sign3A_246 : i32
    %sign3A_248 = arith.extui %sign3A_247 : i1 to i32
    %sign3A_249 = arith.constant 0 : i32
    %sign3A_250 = arith.cmpi slt, %jit3A_237, %sign3A_249 : i32
    %sign3A_251 = arith.extui %sign3A_250 : i1 to i32
    %sign3A_252 = arith.subi %sign3A_248, %sign3A_251 : i32
    %ne3A_253 = arith.cmpi ne, %sign3A_245, %sign3A_252 : i32
    %rem3A_254 = arith.remsi %sub3A_236, %jit3A_237 : i32
    %ne3A_255 = arith.constant 0 : i32
    %ne3A_256 = arith.cmpi ne, %rem3A_254, %ne3A_255 : i32
    %and3A_257 = arith.andi %ne3A_253, %ne3A_256 : i1
    %sub3A_258 = arith.constant 1 : i32
    %sub3A_259 = arith.subi %div3A_238, %sub3A_258 : i32
    %select_n3A_260 = arith.select %and3A_257, %sub3A_259, %div3A_238 : i32
    %mul3A_261 = arith.constant 2 : i32
    %mul3A_262 = arith.muli %select_n3A_260, %mul3A_261 : i32
    %sub3A_263 = arith.subi %sub3A_236, %mul3A_262 : i32
    %mul3A_264 = arith.constant 10 : i32
    %mul3A_265 = arith.muli %sub3A_263, %mul3A_264 : i32
    %mul3A_266 = arith.constant 64 : i32
    %mul3A_267 = arith.muli %select_n3A_233, %mul3A_266 : i32
    %mul3A_268 = arith.constant 8 : i32
    %mul3A_269 = arith.muli %select_n3A_260, %mul3A_268 : i32
    %add3A_270 = arith.addi %mul3A_267, %mul3A_269 : i32
    %mul3A_271 = arith.constant 1001 : i32
    %mul3A_272 = arith.muli %add3A_270, %mul3A_271 : i32
    %jit3A_273 = arith.constant 8 : i32
    %eq3A_274 = arith.constant 0 : i32
    %eq3A_275 = arith.cmpi eq, %jit3A_273, %eq3A_274 : i32
    %jit3A_276 = arith.constant 1 : i32
    %select_n3A_277 = arith.select %eq3A_275, %jit3A_276, %jit3A_273 : i32
    %rem3A_278 = arith.remsi %mul3A_272, %select_n3A_277 : i32
    %ne3A_279 = arith.constant 0 : i32
    %ne3A_280 = arith.cmpi ne, %rem3A_278, %ne3A_279 : i32
    %lt3A_281 = arith.constant 0 : i32
    %lt3A_282 = arith.cmpi slt, %rem3A_278, %lt3A_281 : i32
    %lt3A_283 = arith.constant 0 : i32
    %lt3A_284 = arith.cmpi slt, %select_n3A_277, %lt3A_283 : i32
    %ne3A_285 = arith.xori %lt3A_282, %lt3A_284 : i1
    %and3A_286 = arith.andi %ne3A_285, %ne3A_280 : i1
    %add3A_287 = arith.addi %rem3A_278, %select_n3A_277 : i32
    %select_n3A_288 = arith.select %and3A_286, %add3A_287, %rem3A_278 : i32
    %sub3A_289 = arith.subi %mul3A_272, %select_n3A_288 : i32
    %add3A_290 = arith.constant 8016 : i32
    %add3A_291 = arith.addi %sub3A_289, %add3A_290 : i32
    %gt3A_292 = arith.constant 1665664 : i32
    %gt3A_293 = arith.cmpi sgt, %add3A_291, %gt3A_292 : i32
    %sub3A_294 = arith.constant 8 : i32
    %sub3A_295 = arith.subi %sub3A_289, %sub3A_294 : i32
    %select_n3A_296 = arith.select %gt3A_293, %sub3A_295, %sub3A_289 : i32
    %multiple_of3A_297 = tpu.assume_multiple %select_n3A_296, 8 : i32
    %sub3A_298 = arith.subi %mul3A_272, %select_n3A_296 : i32
    %dma_wait3A_299 = tpu.memref_slice %arg3[%multiple_of3A_297] : memref<1665664xf32, #tpu.memory_space<hbm>> -> memref<8016xf32, #tpu.memory_space<hbm>>
    %dma_wait3A_300 = tpu.memref_slice %arg3[%multiple_of3A_297] : memref<1665664xf32, #tpu.memory_space<hbm>> -> memref<8016xf32, #tpu.memory_space<hbm>>
    tpu.wait_dma2 semaphore(%arg12 : memref<!tpu.dma_semaphore, #tpu.memory_space<semaphore_mem>>) src(%dma_wait3A_300 : memref<8016xf32, #tpu.memory_space<hbm>>) dst(%arg7 : memref<8016xf32, #tpu.memory_space<vmem>>)
    %add3A_301 = arith.constant 32 : i32
    %add3A_302 = arith.addi %add3A, %add3A_301 : i32
    %jit3A_303 = arith.constant 16 : i32
    %div3A_304 = arith.divsi %add3A_302, %jit3A_303 : i32
    %sign3A_305 = arith.constant 0 : i32
    %sign3A_306 = arith.cmpi sgt, %add3A_302, %sign3A_305 : i32
    %sign3A_307 = arith.extui %sign3A_306 : i1 to i32
    %sign3A_308 = arith.constant 0 : i32
    %sign3A_309 = arith.cmpi slt, %add3A_302, %sign3A_308 : i32
    %sign3A_310 = arith.extui %sign3A_309 : i1 to i32
    %sign3A_311 = arith.subi %sign3A_307, %sign3A_310 : i32
    %sign3A_312 = arith.constant 0 : i32
    %sign3A_313 = arith.cmpi sgt, %jit3A_303, %sign3A_312 : i32
    %sign3A_314 = arith.extui %sign3A_313 : i1 to i32
    %sign3A_315 = arith.constant 0 : i32
    %sign3A_316 = arith.cmpi slt, %jit3A_303, %sign3A_315 : i32
    %sign3A_317 = arith.extui %sign3A_316 : i1 to i32
    %sign3A_318 = arith.subi %sign3A_314, %sign3A_317 : i32
    %ne3A_319 = arith.cmpi ne, %sign3A_311, %sign3A_318 : i32
    %rem3A_320 = arith.remsi %add3A_302, %jit3A_303 : i32
    %ne3A_321 = arith.constant 0 : i32
    %ne3A_322 = arith.cmpi ne, %rem3A_320, %ne3A_321 : i32
    %and3A_323 = arith.andi %ne3A_319, %ne3A_322 : i1
    %sub3A_324 = arith.constant 1 : i32
    %sub3A_325 = arith.subi %div3A_304, %sub3A_324 : i32
    %select_n3A_326 = arith.select %and3A_323, %sub3A_325, %div3A_304 : i32
    %mul3A_327 = arith.constant 16 : i32
    %mul3A_328 = arith.muli %select_n3A_326, %mul3A_327 : i32
    %sub3A_329 = arith.subi %add3A_302, %mul3A_328 : i32
    %jit3A_330 = arith.constant 2 : i32
    %div3A_331 = arith.divsi %sub3A_329, %jit3A_330 : i32
    %sign3A_332 = arith.constant 0 : i32
    %sign3A_333 = arith.cmpi sgt, %sub3A_329, %sign3A_332 : i32
    %sign3A_334 = arith.extui %sign3A_333 : i1 to i32
    %sign3A_335 = arith.constant 0 : i32
    %sign3A_336 = arith.cmpi slt, %sub3A_329, %sign3A_335 : i32
    %sign3A_337 = arith.extui %sign3A_336 : i1 to i32
    %sign3A_338 = arith.subi %sign3A_334, %sign3A_337 : i32
    %sign3A_339 = arith.constant 0 : i32
    %sign3A_340 = arith.cmpi sgt, %jit3A_330, %sign3A_339 : i32
    %sign3A_341 = arith.extui %sign3A_340 : i1 to i32
    %sign3A_342 = arith.constant 0 : i32
    %sign3A_343 = arith.cmpi slt, %jit3A_330, %sign3A_342 : i32
    %sign3A_344 = arith.extui %sign3A_343 : i1 to i32
    %sign3A_345 = arith.subi %sign3A_341, %sign3A_344 : i32
    %ne3A_346 = arith.cmpi ne, %sign3A_338, %sign3A_345 : i32
    %rem3A_347 = arith.remsi %sub3A_329, %jit3A_330 : i32
    %ne3A_348 = arith.constant 0 : i32
    %ne3A_349 = arith.cmpi ne, %rem3A_347, %ne3A_348 : i32
    %and3A_350 = arith.andi %ne3A_346, %ne3A_349 : i1
    %sub3A_351 = arith.constant 1 : i32
    %sub3A_352 = arith.subi %div3A_331, %sub3A_351 : i32
    %select_n3A_353 = arith.select %and3A_350, %sub3A_352, %div3A_331 : i32
    %mul3A_354 = arith.constant 2 : i32
    %mul3A_355 = arith.muli %select_n3A_353, %mul3A_354 : i32
    %sub3A_356 = arith.subi %sub3A_329, %mul3A_355 : i32
    %mul3A_357 = arith.constant 10 : i32
    %mul3A_358 = arith.muli %sub3A_356, %mul3A_357 : i32
    %dma_start3A_359 = arith.constant 0 : i32
    %dma_start3A_360 = tpu.memref_slice %arg2[%select_n3A_326, %mul3A_358, %dma_start3A_359] : memref<26x20x1024xi32, #tpu.memory_space<hbm>> -> memref<1x10x1024xi32, #tpu.memory_space<hbm>>
    %dma_start3A_361 = tpu.memref_squeeze %dma_start3A_360 : memref<1x10x1024xi32, #tpu.memory_space<hbm>> -> memref<10x1024xi32, #tpu.memory_space<hbm>>
    %dma_start3A_362 = arith.constant 0 : i32
    %dma_start3A_363 = tpu.memref_slice %arg2[%select_n3A_326, %mul3A_358, %dma_start3A_362] : memref<26x20x1024xi32, #tpu.memory_space<hbm>> -> memref<1x10x1024xi32, #tpu.memory_space<hbm>>
    %dma_start3A_364 = tpu.memref_squeeze %dma_start3A_363 : memref<1x10x1024xi32, #tpu.memory_space<hbm>> -> memref<10x1024xi32, #tpu.memory_space<hbm>>
    tpu.enqueue_dma source(%dma_start3A_364 : memref<10x1024xi32, #tpu.memory_space<hbm>>) target(%arg6 : memref<10x1024xi32, #tpu.memory_space<vmem>>) target_semaphore(%arg11 : memref<!tpu.dma_semaphore, #tpu.memory_space<semaphore_mem>>)
    %add3A_365 = arith.constant 32 : i32
    %add3A_366 = arith.addi %add3A, %add3A_365 : i32
    %jit3A_367 = arith.constant 16 : i32
    %div3A_368 = arith.divsi %add3A_366, %jit3A_367 : i32
    %sign3A_369 = arith.constant 0 : i32
    %sign3A_370 = arith.cmpi sgt, %add3A_366, %sign3A_369 : i32
    %sign3A_371 = arith.extui %sign3A_370 : i1 to i32
    %sign3A_372 = arith.constant 0 : i32
    %sign3A_373 = arith.cmpi slt, %add3A_366, %sign3A_372 : i32
    %sign3A_374 = arith.extui %sign3A_373 : i1 to i32
    %sign3A_375 = arith.subi %sign3A_371, %sign3A_374 : i32
    %sign3A_376 = arith.constant 0 : i32
    %sign3A_377 = arith.cmpi sgt, %jit3A_367, %sign3A_376 : i32
    %sign3A_378 = arith.extui %sign3A_377 : i1 to i32
    %sign3A_379 = arith.constant 0 : i32
    %sign3A_380 = arith.cmpi slt, %jit3A_367, %sign3A_379 : i32
    %sign3A_381 = arith.extui %sign3A_380 : i1 to i32
    %sign3A_382 = arith.subi %sign3A_378, %sign3A_381 : i32
    %ne3A_383 = arith.cmpi ne, %sign3A_375, %sign3A_382 : i32
    %rem3A_384 = arith.remsi %add3A_366, %jit3A_367 : i32
    %ne3A_385 = arith.constant 0 : i32
    %ne3A_386 = arith.cmpi ne, %rem3A_384, %ne3A_385 : i32
    %and3A_387 = arith.andi %ne3A_383, %ne3A_386 : i1
    %sub3A_388 = arith.constant 1 : i32
    %sub3A_389 = arith.subi %div3A_368, %sub3A_388 : i32
    %select_n3A_390 = arith.select %and3A_387, %sub3A_389, %div3A_368 : i32
    %mul3A_391 = arith.constant 16 : i32
    %mul3A_392 = arith.muli %select_n3A_390, %mul3A_391 : i32
    %sub3A_393 = arith.subi %add3A_366, %mul3A_392 : i32
    %jit3A_394 = arith.constant 2 : i32
    %div3A_395 = arith.divsi %sub3A_393, %jit3A_394 : i32
    %sign3A_396 = arith.constant 0 : i32
    %sign3A_397 = arith.cmpi sgt, %sub3A_393, %sign3A_396 : i32
    %sign3A_398 = arith.extui %sign3A_397 : i1 to i32
    %sign3A_399 = arith.constant 0 : i32
    %sign3A_400 = arith.cmpi slt, %sub3A_393, %sign3A_399 : i32
    %sign3A_401 = arith.extui %sign3A_400 : i1 to i32
    %sign3A_402 = arith.subi %sign3A_398, %sign3A_401 : i32
    %sign3A_403 = arith.constant 0 : i32
    %sign3A_404 = arith.cmpi sgt, %jit3A_394, %sign3A_403 : i32
    %sign3A_405 = arith.extui %sign3A_404 : i1 to i32
    %sign3A_406 = arith.constant 0 : i32
    %sign3A_407 = arith.cmpi slt, %jit3A_394, %sign3A_406 : i32
    %sign3A_408 = arith.extui %sign3A_407 : i1 to i32
    %sign3A_409 = arith.subi %sign3A_405, %sign3A_408 : i32
    %ne3A_410 = arith.cmpi ne, %sign3A_402, %sign3A_409 : i32
    %rem3A_411 = arith.remsi %sub3A_393, %jit3A_394 : i32
    %ne3A_412 = arith.constant 0 : i32
    %ne3A_413 = arith.cmpi ne, %rem3A_411, %ne3A_412 : i32
    %and3A_414 = arith.andi %ne3A_410, %ne3A_413 : i1
    %sub3A_415 = arith.constant 1 : i32
    %sub3A_416 = arith.subi %div3A_395, %sub3A_415 : i32
    %select_n3A_417 = arith.select %and3A_414, %sub3A_416, %div3A_395 : i32
    %mul3A_418 = arith.constant 2 : i32
    %mul3A_419 = arith.muli %select_n3A_417, %mul3A_418 : i32
    %sub3A_420 = arith.subi %sub3A_393, %mul3A_419 : i32
    %mul3A_421 = arith.constant 10 : i32
    %mul3A_422 = arith.muli %sub3A_420, %mul3A_421 : i32
    %mul3A_423 = arith.constant 64 : i32
    %mul3A_424 = arith.muli %select_n3A_390, %mul3A_423 : i32
    %mul3A_425 = arith.constant 8 : i32
    %mul3A_426 = arith.muli %select_n3A_417, %mul3A_425 : i32
    %add3A_427 = arith.addi %mul3A_424, %mul3A_426 : i32
    %mul3A_428 = arith.constant 1001 : i32
    %mul3A_429 = arith.muli %add3A_427, %mul3A_428 : i32
    %jit3A_430 = arith.constant 8 : i32
    %eq3A_431 = arith.constant 0 : i32
    %eq3A_432 = arith.cmpi eq, %jit3A_430, %eq3A_431 : i32
    %jit3A_433 = arith.constant 1 : i32
    %select_n3A_434 = arith.select %eq3A_432, %jit3A_433, %jit3A_430 : i32
    %rem3A_435 = arith.remsi %mul3A_429, %select_n3A_434 : i32
    %ne3A_436 = arith.constant 0 : i32
    %ne3A_437 = arith.cmpi ne, %rem3A_435, %ne3A_436 : i32
    %lt3A_438 = arith.constant 0 : i32
    %lt3A_439 = arith.cmpi slt, %rem3A_435, %lt3A_438 : i32
    %lt3A_440 = arith.constant 0 : i32
    %lt3A_441 = arith.cmpi slt, %select_n3A_434, %lt3A_440 : i32
    %ne3A_442 = arith.xori %lt3A_439, %lt3A_441 : i1
    %and3A_443 = arith.andi %ne3A_442, %ne3A_437 : i1
    %add3A_444 = arith.addi %rem3A_435, %select_n3A_434 : i32
    %select_n3A_445 = arith.select %and3A_443, %add3A_444, %rem3A_435 : i32
    %sub3A_446 = arith.subi %mul3A_429, %select_n3A_445 : i32
    %add3A_447 = arith.constant 8016 : i32
    %add3A_448 = arith.addi %sub3A_446, %add3A_447 : i32
    %gt3A_449 = arith.constant 1665664 : i32
    %gt3A_450 = arith.cmpi sgt, %add3A_448, %gt3A_449 : i32
    %sub3A_451 = arith.constant 8 : i32
    %sub3A_452 = arith.subi %sub3A_446, %sub3A_451 : i32
    %select_n3A_453 = arith.select %gt3A_450, %sub3A_452, %sub3A_446 : i32
    %multiple_of3A_454 = tpu.assume_multiple %select_n3A_453, 8 : i32
    %sub3A_455 = arith.subi %mul3A_429, %select_n3A_453 : i32
    %dma_start3A_456 = tpu.memref_slice %arg3[%multiple_of3A_454] : memref<1665664xf32, #tpu.memory_space<hbm>> -> memref<8016xf32, #tpu.memory_space<hbm>>
    %dma_start3A_457 = tpu.memref_slice %arg3[%multiple_of3A_454] : memref<1665664xf32, #tpu.memory_space<hbm>> -> memref<8016xf32, #tpu.memory_space<hbm>>
    tpu.enqueue_dma source(%dma_start3A_457 : memref<8016xf32, #tpu.memory_space<hbm>>) target(%arg8 : memref<8016xf32, #tpu.memory_space<vmem>>) target_semaphore(%arg12 : memref<!tpu.dma_semaphore, #tpu.memory_space<semaphore_mem>>)
    %add3A_458 = arith.constant 0 : i32
    %add3A_459 = arith.addi %add3A, %add3A_458 : i32
    %jit3A_460 = arith.constant 16 : i32
    %div3A_461 = arith.divsi %add3A_459, %jit3A_460 : i32
    %sign3A_462 = arith.constant 0 : i32
    %sign3A_463 = arith.cmpi sgt, %add3A_459, %sign3A_462 : i32
    %sign3A_464 = arith.extui %sign3A_463 : i1 to i32
    %sign3A_465 = arith.constant 0 : i32
    %sign3A_466 = arith.cmpi slt, %add3A_459, %sign3A_465 : i32
    %sign3A_467 = arith.extui %sign3A_466 : i1 to i32
    %sign3A_468 = arith.subi %sign3A_464, %sign3A_467 : i32
    %sign3A_469 = arith.constant 0 : i32
    %sign3A_470 = arith.cmpi sgt, %jit3A_460, %sign3A_469 : i32
    %sign3A_471 = arith.extui %sign3A_470 : i1 to i32
    %sign3A_472 = arith.constant 0 : i32
    %sign3A_473 = arith.cmpi slt, %jit3A_460, %sign3A_472 : i32
    %sign3A_474 = arith.extui %sign3A_473 : i1 to i32
    %sign3A_475 = arith.subi %sign3A_471, %sign3A_474 : i32
    %ne3A_476 = arith.cmpi ne, %sign3A_468, %sign3A_475 : i32
    %rem3A_477 = arith.remsi %add3A_459, %jit3A_460 : i32
    %ne3A_478 = arith.constant 0 : i32
    %ne3A_479 = arith.cmpi ne, %rem3A_477, %ne3A_478 : i32
    %and3A_480 = arith.andi %ne3A_476, %ne3A_479 : i1
    %sub3A_481 = arith.constant 1 : i32
    %sub3A_482 = arith.subi %div3A_461, %sub3A_481 : i32
    %select_n3A_483 = arith.select %and3A_480, %sub3A_482, %div3A_461 : i32
    %mul3A_484 = arith.constant 16 : i32
    %mul3A_485 = arith.muli %select_n3A_483, %mul3A_484 : i32
    %sub3A_486 = arith.subi %add3A_459, %mul3A_485 : i32
    %jit3A_487 = arith.constant 2 : i32
    %div3A_488 = arith.divsi %sub3A_486, %jit3A_487 : i32
    %sign3A_489 = arith.constant 0 : i32
    %sign3A_490 = arith.cmpi sgt, %sub3A_486, %sign3A_489 : i32
    %sign3A_491 = arith.extui %sign3A_490 : i1 to i32
    %sign3A_492 = arith.constant 0 : i32
    %sign3A_493 = arith.cmpi slt, %sub3A_486, %sign3A_492 : i32
    %sign3A_494 = arith.extui %sign3A_493 : i1 to i32
    %sign3A_495 = arith.subi %sign3A_491, %sign3A_494 : i32
    %sign3A_496 = arith.constant 0 : i32
    %sign3A_497 = arith.cmpi sgt, %jit3A_487, %sign3A_496 : i32
    %sign3A_498 = arith.extui %sign3A_497 : i1 to i32
    %sign3A_499 = arith.constant 0 : i32
    %sign3A_500 = arith.cmpi slt, %jit3A_487, %sign3A_499 : i32
    %sign3A_501 = arith.extui %sign3A_500 : i1 to i32
    %sign3A_502 = arith.subi %sign3A_498, %sign3A_501 : i32
    %ne3A_503 = arith.cmpi ne, %sign3A_495, %sign3A_502 : i32
    %rem3A_504 = arith.remsi %sub3A_486, %jit3A_487 : i32
    %ne3A_505 = arith.constant 0 : i32
    %ne3A_506 = arith.cmpi ne, %rem3A_504, %ne3A_505 : i32
    %and3A_507 = arith.andi %ne3A_503, %ne3A_506 : i1
    %sub3A_508 = arith.constant 1 : i32
    %sub3A_509 = arith.subi %div3A_488, %sub3A_508 : i32
    %select_n3A_510 = arith.select %and3A_507, %sub3A_509, %div3A_488 : i32
    %mul3A_511 = arith.constant 2 : i32
    %mul3A_512 = arith.muli %select_n3A_510, %mul3A_511 : i32
    %sub3A_513 = arith.subi %sub3A_486, %mul3A_512 : i32
    %mul3A_514 = arith.constant 10 : i32
    %mul3A_515 = arith.muli %sub3A_513, %mul3A_514 : i32
    %mul3A_516 = arith.constant 64 : i32
    %mul3A_517 = arith.muli %select_n3A_483, %mul3A_516 : i32
    %mul3A_518 = arith.constant 8 : i32
    %mul3A_519 = arith.muli %select_n3A_510, %mul3A_518 : i32
    %add3A_520 = arith.addi %mul3A_517, %mul3A_519 : i32
    %mul3A_521 = arith.constant 1001 : i32
    %mul3A_522 = arith.muli %add3A_520, %mul3A_521 : i32
    %jit3A_523 = arith.constant 8 : i32
    %eq3A_524 = arith.constant 0 : i32
    %eq3A_525 = arith.cmpi eq, %jit3A_523, %eq3A_524 : i32
    %jit3A_526 = arith.constant 1 : i32
    %select_n3A_527 = arith.select %eq3A_525, %jit3A_526, %jit3A_523 : i32
    %rem3A_528 = arith.remsi %mul3A_522, %select_n3A_527 : i32
    %ne3A_529 = arith.constant 0 : i32
    %ne3A_530 = arith.cmpi ne, %rem3A_528, %ne3A_529 : i32
    %lt3A_531 = arith.constant 0 : i32
    %lt3A_532 = arith.cmpi slt, %rem3A_528, %lt3A_531 : i32
    %lt3A_533 = arith.constant 0 : i32
    %lt3A_534 = arith.cmpi slt, %select_n3A_527, %lt3A_533 : i32
    %ne3A_535 = arith.xori %lt3A_532, %lt3A_534 : i1
    %and3A_536 = arith.andi %ne3A_535, %ne3A_530 : i1
    %add3A_537 = arith.addi %rem3A_528, %select_n3A_527 : i32
    %select_n3A_538 = arith.select %and3A_536, %add3A_537, %rem3A_528 : i32
    %sub3A_539 = arith.subi %mul3A_522, %select_n3A_538 : i32
    %add3A_540 = arith.constant 8016 : i32
    %add3A_541 = arith.addi %sub3A_539, %add3A_540 : i32
    %gt3A_542 = arith.constant 1665664 : i32
    %gt3A_543 = arith.cmpi sgt, %add3A_541, %gt3A_542 : i32
    %sub3A_544 = arith.constant 8 : i32
    %sub3A_545 = arith.subi %sub3A_539, %sub3A_544 : i32
    %select_n3A_546 = arith.select %gt3A_543, %sub3A_545, %sub3A_539 : i32
    %multiple_of3A_547 = tpu.assume_multiple %select_n3A_546, 8 : i32
    %sub3A_548 = arith.subi %mul3A_522, %select_n3A_546 : i32
    %add3A_549 = arith.constant 0 : i32
    %add3A_550 = arith.addi %sub3A_548, %add3A_549 : i32
    %scan3A = arith.constant 0 : i32
    %scan3A_551 = arith.constant 0 : i32
    %scan3A_552 = arith.constant 10 : i32
    %scan3A_553 = arith.addi %scan3A_551, %scan3A_552 : i32
    %scan3A_554 = arith.constant 1 : i32
    scf.for %scan3A_842 = %scan3A_551 to %scan3A_553 step %scan3A_554  : i32 {
      %parallel_loop3A = arith.constant 0 : i32
      %parallel_loop3A_843 = arith.constant 64 : i32
      %parallel_loop3A_844 = arith.constant 1 : i32
      scf.for %parallel_loop3A_845 = %parallel_loop3A to %parallel_loop3A_843 step %parallel_loop3A_844  : i32 {
        %parallel_loop3A_846 = arith.constant 16 : i32
        %parallel_loop3A_847 = arith.muli %parallel_loop3A_845, %parallel_loop3A_846 : i32
        %parallel_loop3A_848 = arith.index_cast %scan3A_842 : i32 to index
        %parallel_loop3A_849 = arith.index_cast %parallel_loop3A_847 : i32 to index
        %parallel_loop3A_850 = tpu.vector_load %arg5[%parallel_loop3A_848, %parallel_loop3A_849] {strides = array<i32>} : memref<10x1024xi32, #tpu.memory_space<vmem>>, vector<16xi32>,
        %parallel_loop3A_851 = vector.broadcast %add3A_550 : i32 to vector<16xi32>
        %parallel_loop3A_852 = arith.addi %parallel_loop3A_850, %parallel_loop3A_851 : vector<16xi32>
        %parallel_loop3A_853 = arith.constant 0 : i32
        %parallel_loop3A_854 = vector.broadcast %parallel_loop3A_853 : i32 to vector<16xi32>
        %parallel_loop3A_855 = arith.addi %parallel_loop3A_852, %parallel_loop3A_854 : vector<16xi32>
        %parallel_loop3A_856 = tpu.vector_load_idx %arg7[%parallel_loop3A_855] : memref<8016xf32, #tpu.memory_space<vmem>>[vector<16xi32>], vector<16xf32>,
        %parallel_loop3A_857 = arith.constant 8 : i32
        %parallel_loop3A_858 = arith.divsi %parallel_loop3A_845, %parallel_loop3A_857 : i32
        %parallel_loop3A_859 = arith.constant 0 : i32
        %parallel_loop3A_860 = arith.cmpi sgt, %parallel_loop3A_845, %parallel_loop3A_859 : i32
        %parallel_loop3A_861 = arith.extui %parallel_loop3A_860 : i1 to i32
        %parallel_loop3A_862 = arith.constant 0 : i32
        %parallel_loop3A_863 = arith.cmpi slt, %parallel_loop3A_845, %parallel_loop3A_862 : i32
        %parallel_loop3A_864 = arith.extui %parallel_loop3A_863 : i1 to i32
        %parallel_loop3A_865 = arith.subi %parallel_loop3A_861, %parallel_loop3A_864 : i32
        %parallel_loop3A_866 = arith.constant 0 : i32
        %parallel_loop3A_867 = arith.cmpi sgt, %parallel_loop3A_857, %parallel_loop3A_866 : i32
        %parallel_loop3A_868 = arith.extui %parallel_loop3A_867 : i1 to i32
        %parallel_loop3A_869 = arith.constant 0 : i32
        %parallel_loop3A_870 = arith.cmpi slt, %parallel_loop3A_857, %parallel_loop3A_869 : i32
        %parallel_loop3A_871 = arith.extui %parallel_loop3A_870 : i1 to i32
        %parallel_loop3A_872 = arith.subi %parallel_loop3A_868, %parallel_loop3A_871 : i32
        %parallel_loop3A_873 = arith.cmpi ne, %parallel_loop3A_865, %parallel_loop3A_872 : i32
        %parallel_loop3A_874 = arith.remsi %parallel_loop3A_845, %parallel_loop3A_857 : i32
        %parallel_loop3A_875 = arith.constant 0 : i32
        %parallel_loop3A_876 = arith.cmpi ne, %parallel_loop3A_874, %parallel_loop3A_875 : i32
        %parallel_loop3A_877 = arith.andi %parallel_loop3A_873, %parallel_loop3A_876 : i1
        %parallel_loop3A_878 = arith.constant 1 : i32
        %parallel_loop3A_879 = arith.subi %parallel_loop3A_858, %parallel_loop3A_878 : i32
        %parallel_loop3A_880 = arith.select %parallel_loop3A_877, %parallel_loop3A_879, %parallel_loop3A_858 : i32
        %parallel_loop3A_881 = arith.constant 8 : i32
        %parallel_loop3A_882 = arith.constant 0 : i32
        %parallel_loop3A_883 = arith.cmpi eq, %parallel_loop3A_881, %parallel_loop3A_882 : i32
        %parallel_loop3A_884 = arith.constant 1 : i32
        %parallel_loop3A_885 = arith.select %parallel_loop3A_883, %parallel_loop3A_884, %parallel_loop3A_881 : i32
        %parallel_loop3A_886 = arith.remsi %parallel_loop3A_845, %parallel_loop3A_885 : i32
        %parallel_loop3A_887 = arith.constant 0 : i32
        %parallel_loop3A_888 = arith.cmpi ne, %parallel_loop3A_886, %parallel_loop3A_887 : i32
        %parallel_loop3A_889 = arith.constant 0 : i32
        %parallel_loop3A_890 = arith.cmpi slt, %parallel_loop3A_886, %parallel_loop3A_889 : i32
        %parallel_loop3A_891 = arith.constant 0 : i32
        %parallel_loop3A_892 = arith.cmpi slt, %parallel_loop3A_885, %parallel_loop3A_891 : i32
        %parallel_loop3A_893 = arith.xori %parallel_loop3A_890, %parallel_loop3A_892 : i1
        %parallel_loop3A_894 = arith.andi %parallel_loop3A_893, %parallel_loop3A_888 : i1
        %parallel_loop3A_895 = arith.addi %parallel_loop3A_886, %parallel_loop3A_885 : i32
        %parallel_loop3A_896 = arith.select %parallel_loop3A_894, %parallel_loop3A_895, %parallel_loop3A_886 : i32
        %parallel_loop3A_897 = arith.constant 16 : i32
        %parallel_loop3A_898 = arith.muli %parallel_loop3A_896, %parallel_loop3A_897 : i32
        %parallel_loop3A_899 = arith.constant 0 : i32
        %parallel_loop3A_900 = arith.index_cast %scan3A_842 : i32 to index
        %parallel_loop3A_901 = arith.index_cast %parallel_loop3A_880 : i32 to index
        %parallel_loop3A_902 = arith.index_cast %parallel_loop3A_899 : i32 to index
        %parallel_loop3A_903 = arith.index_cast %parallel_loop3A_898 : i32 to index
        %parallel_loop3A_904 = tpu.vector_load %arg9[%parallel_loop3A_900, %parallel_loop3A_901, %parallel_loop3A_902, %parallel_loop3A_903] {strides = array<i32>} : memref<10x8x4x128xf32, #tpu.memory_space<vmem>>, vector<16xf32>,
        tpu.vector_store %arg9[%parallel_loop3A_900, %parallel_loop3A_901, %parallel_loop3A_902, %parallel_loop3A_903], %parallel_loop3A_856 {strides = array<i32>} : memref<10x8x4x128xf32, #tpu.memory_space<vmem>>, vector<16xf32>,
        %parallel_loop3A_905 = arith.constant 1001 : i32
        %parallel_loop3A_906 = vector.broadcast %parallel_loop3A_905 : i32 to vector<16xi32>
        %parallel_loop3A_907 = arith.addi %parallel_loop3A_852, %parallel_loop3A_906 : vector<16xi32>
        %parallel_loop3A_908 = tpu.vector_load_idx %arg7[%parallel_loop3A_907] : memref<8016xf32, #tpu.memory_space<vmem>>[vector<16xi32>], vector<16xf32>,
        %parallel_loop3A_909 = arith.constant 8 : i32
        %parallel_loop3A_910 = arith.divsi %parallel_loop3A_845, %parallel_loop3A_909 : i32
        %parallel_loop3A_911 = arith.constant 0 : i32
        %parallel_loop3A_912 = arith.cmpi sgt, %parallel_loop3A_845, %parallel_loop3A_911 : i32
        %parallel_loop3A_913 = arith.extui %parallel_loop3A_912 : i1 to i32
        %parallel_loop3A_914 = arith.constant 0 : i32
        %parallel_loop3A_915 = arith.cmpi slt, %parallel_loop3A_845, %parallel_loop3A_914 : i32
        %parallel_loop3A_916 = arith.extui %parallel_loop3A_915 : i1 to i32
        %parallel_loop3A_917 = arith.subi %parallel_loop3A_913, %parallel_loop3A_916 : i32
        %parallel_loop3A_918 = arith.constant 0 : i32
        %parallel_loop3A_919 = arith.cmpi sgt, %parallel_loop3A_909, %parallel_loop3A_918 : i32
        %parallel_loop3A_920 = arith.extui %parallel_loop3A_919 : i1 to i32
        %parallel_loop3A_921 = arith.constant 0 : i32
        %parallel_loop3A_922 = arith.cmpi slt, %parallel_loop3A_909, %parallel_loop3A_921 : i32
        %parallel_loop3A_923 = arith.extui %parallel_loop3A_922 : i1 to i32
        %parallel_loop3A_924 = arith.subi %parallel_loop3A_920, %parallel_loop3A_923 : i32
        %parallel_loop3A_925 = arith.cmpi ne, %parallel_loop3A_917, %parallel_loop3A_924 : i32
        %parallel_loop3A_926 = arith.remsi %parallel_loop3A_845, %parallel_loop3A_909 : i32
        %parallel_loop3A_927 = arith.constant 0 : i32
        %parallel_loop3A_928 = arith.cmpi ne, %parallel_loop3A_926, %parallel_loop3A_927 : i32
        %parallel_loop3A_929 = arith.andi %parallel_loop3A_925, %parallel_loop3A_928 : i1
        %parallel_loop3A_930 = arith.constant 1 : i32
        %parallel_loop3A_931 = arith.subi %parallel_loop3A_910, %parallel_loop3A_930 : i32
        %parallel_loop3A_932 = arith.select %parallel_loop3A_929, %parallel_loop3A_931, %parallel_loop3A_910 : i32
        %parallel_loop3A_933 = arith.constant 8 : i32
        %parallel_loop3A_934 = arith.constant 0 : i32
        %parallel_loop3A_935 = arith.cmpi eq, %parallel_loop3A_933, %parallel_loop3A_934 : i32
        %parallel_loop3A_936 = arith.constant 1 : i32
        %parallel_loop3A_937 = arith.select %parallel_loop3A_935, %parallel_loop3A_936, %parallel_loop3A_933 : i32
        %parallel_loop3A_938 = arith.remsi %parallel_loop3A_845, %parallel_loop3A_937 : i32
        %parallel_loop3A_939 = arith.constant 0 : i32
        %parallel_loop3A_940 = arith.cmpi ne, %parallel_loop3A_938, %parallel_loop3A_939 : i32
        %parallel_loop3A_941 = arith.constant 0 : i32
        %parallel_loop3A_942 = arith.cmpi slt, %parallel_loop3A_938, %parallel_loop3A_941 : i32
        %parallel_loop3A_943 = arith.constant 0 : i32
        %parallel_loop3A_944 = arith.cmpi slt, %parallel_loop3A_937, %parallel_loop3A_943 : i32
        %parallel_loop3A_945 = arith.xori %parallel_loop3A_942, %parallel_loop3A_944 : i1
        %parallel_loop3A_946 = arith.andi %parallel_loop3A_945, %parallel_loop3A_940 : i1
        %parallel_loop3A_947 = arith.addi %parallel_loop3A_938, %parallel_loop3A_937 : i32
        %parallel_loop3A_948 = arith.select %parallel_loop3A_946, %parallel_loop3A_947, %parallel_loop3A_938 : i32
        %parallel_loop3A_949 = arith.constant 16 : i32
        %parallel_loop3A_950 = arith.muli %parallel_loop3A_948, %parallel_loop3A_949 : i32
        %parallel_loop3A_951 = arith.constant 1 : i32
        %parallel_loop3A_952 = arith.index_cast %scan3A_842 : i32 to index
        %parallel_loop3A_953 = arith.index_cast %parallel_loop3A_932 : i32 to index
        %parallel_loop3A_954 = arith.index_cast %parallel_loop3A_951 : i32 to index
        %parallel_loop3A_955 = arith.index_cast %parallel_loop3A_950 : i32 to index
        %parallel_loop3A_956 = tpu.vector_load %arg9[%parallel_loop3A_952, %parallel_loop3A_953, %parallel_loop3A_954, %parallel_loop3A_955] {strides = array<i32>} : memref<10x8x4x128xf32, #tpu.memory_space<vmem>>, vector<16xf32>,
        tpu.vector_store %arg9[%parallel_loop3A_952, %parallel_loop3A_953, %parallel_loop3A_954, %parallel_loop3A_955], %parallel_loop3A_908 {strides = array<i32>} : memref<10x8x4x128xf32, #tpu.memory_space<vmem>>, vector<16xf32>,
        %parallel_loop3A_957 = arith.constant 2002 : i32
        %parallel_loop3A_958 = vector.broadcast %parallel_loop3A_957 : i32 to vector<16xi32>
        %parallel_loop3A_959 = arith.addi %parallel_loop3A_852, %parallel_loop3A_958 : vector<16xi32>
        %parallel_loop3A_960 = tpu.vector_load_idx %arg7[%parallel_loop3A_959] : memref<8016xf32, #tpu.memory_space<vmem>>[vector<16xi32>], vector<16xf32>,
        %parallel_loop3A_961 = arith.constant 8 : i32
        %parallel_loop3A_962 = arith.divsi %parallel_loop3A_845, %parallel_loop3A_961 : i32
        %parallel_loop3A_963 = arith.constant 0 : i32
        %parallel_loop3A_964 = arith.cmpi sgt, %parallel_loop3A_845, %parallel_loop3A_963 : i32
        %parallel_loop3A_965 = arith.extui %parallel_loop3A_964 : i1 to i32
        %parallel_loop3A_966 = arith.constant 0 : i32
        %parallel_loop3A_967 = arith.cmpi slt, %parallel_loop3A_845, %parallel_loop3A_966 : i32
        %parallel_loop3A_968 = arith.extui %parallel_loop3A_967 : i1 to i32
        %parallel_loop3A_969 = arith.subi %parallel_loop3A_965, %parallel_loop3A_968 : i32
        %parallel_loop3A_970 = arith.constant 0 : i32
        %parallel_loop3A_971 = arith.cmpi sgt, %parallel_loop3A_961, %parallel_loop3A_970 : i32
        %parallel_loop3A_972 = arith.extui %parallel_loop3A_971 : i1 to i32
        %parallel_loop3A_973 = arith.constant 0 : i32
        %parallel_loop3A_974 = arith.cmpi slt, %parallel_loop3A_961, %parallel_loop3A_973 : i32
        %parallel_loop3A_975 = arith.extui %parallel_loop3A_974 : i1 to i32
        %parallel_loop3A_976 = arith.subi %parallel_loop3A_972, %parallel_loop3A_975 : i32
        %parallel_loop3A_977 = arith.cmpi ne, %parallel_loop3A_969, %parallel_loop3A_976 : i32
        %parallel_loop3A_978 = arith.remsi %parallel_loop3A_845, %parallel_loop3A_961 : i32
        %parallel_loop3A_979 = arith.constant 0 : i32
        %parallel_loop3A_980 = arith.cmpi ne, %parallel_loop3A_978, %parallel_loop3A_979 : i32
        %parallel_loop3A_981 = arith.andi %parallel_loop3A_977, %parallel_loop3A_980 : i1
        %parallel_loop3A_982 = arith.constant 1 : i32
        %parallel_loop3A_983 = arith.subi %parallel_loop3A_962, %parallel_loop3A_982 : i32
        %parallel_loop3A_984 = arith.select %parallel_loop3A_981, %parallel_loop3A_983, %parallel_loop3A_962 : i32
        %parallel_loop3A_985 = arith.constant 8 : i32
        %parallel_loop3A_986 = arith.constant 0 : i32
        %parallel_loop3A_987 = arith.cmpi eq, %parallel_loop3A_985, %parallel_loop3A_986 : i32
        %parallel_loop3A_988 = arith.constant 1 : i32
        %parallel_loop3A_989 = arith.select %parallel_loop3A_987, %parallel_loop3A_988, %parallel_loop3A_985 : i32
        %parallel_loop3A_990 = arith.remsi %parallel_loop3A_845, %parallel_loop3A_989 : i32
        %parallel_loop3A_991 = arith.constant 0 : i32
        %parallel_loop3A_992 = arith.cmpi ne, %parallel_loop3A_990, %parallel_loop3A_991 : i32
        %parallel_loop3A_993 = arith.constant 0 : i32
        %parallel_loop3A_994 = arith.cmpi slt, %parallel_loop3A_990, %parallel_loop3A_993 : i32
        %parallel_loop3A_995 = arith.constant 0 : i32
        %parallel_loop3A_996 = arith.cmpi slt, %parallel_loop3A_989, %parallel_loop3A_995 : i32
        %parallel_loop3A_997 = arith.xori %parallel_loop3A_994, %parallel_loop3A_996 : i1
        %parallel_loop3A_998 = arith.andi %parallel_loop3A_997, %parallel_loop3A_992 : i1
        %parallel_loop3A_999 = arith.addi %parallel_loop3A_990, %parallel_loop3A_989 : i32
        %parallel_loop3A_1000 = arith.select %parallel_loop3A_998, %parallel_loop3A_999, %parallel_loop3A_990 : i32
        %parallel_loop3A_1001 = arith.constant 16 : i32
        %parallel_loop3A_1002 = arith.muli %parallel_loop3A_1000, %parallel_loop3A_1001 : i32
        %parallel_loop3A_1003 = arith.constant 2 : i32
        %parallel_loop3A_1004 = arith.index_cast %scan3A_842 : i32 to index
        %parallel_loop3A_1005 = arith.index_cast %parallel_loop3A_984 : i32 to index
        %parallel_loop3A_1006 = arith.index_cast %parallel_loop3A_1003 : i32 to index
        %parallel_loop3A_1007 = arith.index_cast %parallel_loop3A_1002 : i32 to index
        %parallel_loop3A_1008 = tpu.vector_load %arg9[%parallel_loop3A_1004, %parallel_loop3A_1005, %parallel_loop3A_1006, %parallel_loop3A_1007] {strides = array<i32>} : memref<10x8x4x128xf32, #tpu.memory_space<vmem>>, vector<16xf32>,
        tpu.vector_store %arg9[%parallel_loop3A_1004, %parallel_loop3A_1005, %parallel_loop3A_1006, %parallel_loop3A_1007], %parallel_loop3A_960 {strides = array<i32>} : memref<10x8x4x128xf32, #tpu.memory_space<vmem>>, vector<16xf32>,
        %parallel_loop3A_1009 = arith.constant 3003 : i32
        %parallel_loop3A_1010 = vector.broadcast %parallel_loop3A_1009 : i32 to vector<16xi32>
        %parallel_loop3A_1011 = arith.addi %parallel_loop3A_852, %parallel_loop3A_1010 : vector<16xi32>
        %parallel_loop3A_1012 = tpu.vector_load_idx %arg7[%parallel_loop3A_1011] : memref<8016xf32, #tpu.memory_space<vmem>>[vector<16xi32>], vector<16xf32>,
        %parallel_loop3A_1013 = arith.constant 8 : i32
        %parallel_loop3A_1014 = arith.divsi %parallel_loop3A_845, %parallel_loop3A_1013 : i32
        %parallel_loop3A_1015 = arith.constant 0 : i32
        %parallel_loop3A_1016 = arith.cmpi sgt, %parallel_loop3A_845, %parallel_loop3A_1015 : i32
        %parallel_loop3A_1017 = arith.extui %parallel_loop3A_1016 : i1 to i32
        %parallel_loop3A_1018 = arith.constant 0 : i32
        %parallel_loop3A_1019 = arith.cmpi slt, %parallel_loop3A_845, %parallel_loop3A_1018 : i32
        %parallel_loop3A_1020 = arith.extui %parallel_loop3A_1019 : i1 to i32
        %parallel_loop3A_1021 = arith.subi %parallel_loop3A_1017, %parallel_loop3A_1020 : i32
        %parallel_loop3A_1022 = arith.constant 0 : i32
        %parallel_loop3A_1023 = arith.cmpi sgt, %parallel_loop3A_1013, %parallel_loop3A_1022 : i32
        %parallel_loop3A_1024 = arith.extui %parallel_loop3A_1023 : i1 to i32
        %parallel_loop3A_1025 = arith.constant 0 : i32
        %parallel_loop3A_1026 = arith.cmpi slt, %parallel_loop3A_1013, %parallel_loop3A_1025 : i32
        %parallel_loop3A_1027 = arith.extui %parallel_loop3A_1026 : i1 to i32
        %parallel_loop3A_1028 = arith.subi %parallel_loop3A_1024, %parallel_loop3A_1027 : i32
        %parallel_loop3A_1029 = arith.cmpi ne, %parallel_loop3A_1021, %parallel_loop3A_1028 : i32
        %parallel_loop3A_1030 = arith.remsi %parallel_loop3A_845, %parallel_loop3A_1013 : i32
        %parallel_loop3A_1031 = arith.constant 0 : i32
        %parallel_loop3A_1032 = arith.cmpi ne, %parallel_loop3A_1030, %parallel_loop3A_1031 : i32
        %parallel_loop3A_1033 = arith.andi %parallel_loop3A_1029, %parallel_loop3A_1032 : i1
        %parallel_loop3A_1034 = arith.constant 1 : i32
        %parallel_loop3A_1035 = arith.subi %parallel_loop3A_1014, %parallel_loop3A_1034 : i32
        %parallel_loop3A_1036 = arith.select %parallel_loop3A_1033, %parallel_loop3A_1035, %parallel_loop3A_1014 : i32
        %parallel_loop3A_1037 = arith.constant 8 : i32
        %parallel_loop3A_1038 = arith.constant 0 : i32
        %parallel_loop3A_1039 = arith.cmpi eq, %parallel_loop3A_1037, %parallel_loop3A_1038 : i32
        %parallel_loop3A_1040 = arith.constant 1 : i32
        %parallel_loop3A_1041 = arith.select %parallel_loop3A_1039, %parallel_loop3A_1040, %parallel_loop3A_1037 : i32
        %parallel_loop3A_1042 = arith.remsi %parallel_loop3A_845, %parallel_loop3A_1041 : i32
        %parallel_loop3A_1043 = arith.constant 0 : i32
        %parallel_loop3A_1044 = arith.cmpi ne, %parallel_loop3A_1042, %parallel_loop3A_1043 : i32
        %parallel_loop3A_1045 = arith.constant 0 : i32
        %parallel_loop3A_1046 = arith.cmpi slt, %parallel_loop3A_1042, %parallel_loop3A_1045 : i32
        %parallel_loop3A_1047 = arith.constant 0 : i32
        %parallel_loop3A_1048 = arith.cmpi slt, %parallel_loop3A_1041, %parallel_loop3A_1047 : i32
        %parallel_loop3A_1049 = arith.xori %parallel_loop3A_1046, %parallel_loop3A_1048 : i1
        %parallel_loop3A_1050 = arith.andi %parallel_loop3A_1049, %parallel_loop3A_1044 : i1
        %parallel_loop3A_1051 = arith.addi %parallel_loop3A_1042, %parallel_loop3A_1041 : i32
        %parallel_loop3A_1052 = arith.select %parallel_loop3A_1050, %parallel_loop3A_1051, %parallel_loop3A_1042 : i32
        %parallel_loop3A_1053 = arith.constant 16 : i32
        %parallel_loop3A_1054 = arith.muli %parallel_loop3A_1052, %parallel_loop3A_1053 : i32
        %parallel_loop3A_1055 = arith.constant 3 : i32
        %parallel_loop3A_1056 = arith.index_cast %scan3A_842 : i32 to index
        %parallel_loop3A_1057 = arith.index_cast %parallel_loop3A_1036 : i32 to index
        %parallel_loop3A_1058 = arith.index_cast %parallel_loop3A_1055 : i32 to index
        %parallel_loop3A_1059 = arith.index_cast %parallel_loop3A_1054 : i32 to index
        %parallel_loop3A_1060 = tpu.vector_load %arg9[%parallel_loop3A_1056, %parallel_loop3A_1057, %parallel_loop3A_1058, %parallel_loop3A_1059] {strides = array<i32>} : memref<10x8x4x128xf32, #tpu.memory_space<vmem>>, vector<16xf32>,
        tpu.vector_store %arg9[%parallel_loop3A_1056, %parallel_loop3A_1057, %parallel_loop3A_1058, %parallel_loop3A_1059], %parallel_loop3A_1012 {strides = array<i32>} : memref<10x8x4x128xf32, #tpu.memory_space<vmem>>, vector<16xf32>,
      } {sc.loop_unroll_factor = 8 : i64, sc.parallel_access}
    }
    %scan3A_555 = arith.constant 10 : i32
    %add3A_556 = arith.constant 0 : i32
    %add3A_557 = arith.addi %add3A, %add3A_556 : i32
    %jit3A_558 = arith.constant 16 : i32
    %div3A_559 = arith.divsi %add3A_557, %jit3A_558 : i32
    %sign3A_560 = arith.constant 0 : i32
    %sign3A_561 = arith.cmpi sgt, %add3A_557, %sign3A_560 : i32
    %sign3A_562 = arith.extui %sign3A_561 : i1 to i32
    %sign3A_563 = arith.constant 0 : i32
    %sign3A_564 = arith.cmpi slt, %add3A_557, %sign3A_563 : i32
    %sign3A_565 = arith.extui %sign3A_564 : i1 to i32
    %sign3A_566 = arith.subi %sign3A_562, %sign3A_565 : i32
    %sign3A_567 = arith.constant 0 : i32
    %sign3A_568 = arith.cmpi sgt, %jit3A_558, %sign3A_567 : i32
    %sign3A_569 = arith.extui %sign3A_568 : i1 to i32
    %sign3A_570 = arith.constant 0 : i32
    %sign3A_571 = arith.cmpi slt, %jit3A_558, %sign3A_570 : i32
    %sign3A_572 = arith.extui %sign3A_571 : i1 to i32
    %sign3A_573 = arith.subi %sign3A_569, %sign3A_572 : i32
    %ne3A_574 = arith.cmpi ne, %sign3A_566, %sign3A_573 : i32
    %rem3A_575 = arith.remsi %add3A_557, %jit3A_558 : i32
    %ne3A_576 = arith.constant 0 : i32
    %ne3A_577 = arith.cmpi ne, %rem3A_575, %ne3A_576 : i32
    %and3A_578 = arith.andi %ne3A_574, %ne3A_577 : i1
    %sub3A_579 = arith.constant 1 : i32
    %sub3A_580 = arith.subi %div3A_559, %sub3A_579 : i32
    %select_n3A_581 = arith.select %and3A_578, %sub3A_580, %div3A_559 : i32
    %mul3A_582 = arith.constant 16 : i32
    %mul3A_583 = arith.muli %select_n3A_581, %mul3A_582 : i32
    %sub3A_584 = arith.subi %add3A_557, %mul3A_583 : i32
    %jit3A_585 = arith.constant 2 : i32
    %div3A_586 = arith.divsi %sub3A_584, %jit3A_585 : i32
    %sign3A_587 = arith.constant 0 : i32
    %sign3A_588 = arith.cmpi sgt, %sub3A_584, %sign3A_587 : i32
    %sign3A_589 = arith.extui %sign3A_588 : i1 to i32
    %sign3A_590 = arith.constant 0 : i32
    %sign3A_591 = arith.cmpi slt, %sub3A_584, %sign3A_590 : i32
    %sign3A_592 = arith.extui %sign3A_591 : i1 to i32
    %sign3A_593 = arith.subi %sign3A_589, %sign3A_592 : i32
    %sign3A_594 = arith.constant 0 : i32
    %sign3A_595 = arith.cmpi sgt, %jit3A_585, %sign3A_594 : i32
    %sign3A_596 = arith.extui %sign3A_595 : i1 to i32
    %sign3A_597 = arith.constant 0 : i32
    %sign3A_598 = arith.cmpi slt, %jit3A_585, %sign3A_597 : i32
    %sign3A_599 = arith.extui %sign3A_598 : i1 to i32
    %sign3A_600 = arith.subi %sign3A_596, %sign3A_599 : i32
    %ne3A_601 = arith.cmpi ne, %sign3A_593, %sign3A_600 : i32
    %rem3A_602 = arith.remsi %sub3A_584, %jit3A_585 : i32
    %ne3A_603 = arith.constant 0 : i32
    %ne3A_604 = arith.cmpi ne, %rem3A_602, %ne3A_603 : i32
    %and3A_605 = arith.andi %ne3A_601, %ne3A_604 : i1
    %sub3A_606 = arith.constant 1 : i32
    %sub3A_607 = arith.subi %div3A_586, %sub3A_606 : i32
    %select_n3A_608 = arith.select %and3A_605, %sub3A_607, %div3A_586 : i32
    %mul3A_609 = arith.constant 2 : i32
    %mul3A_610 = arith.muli %select_n3A_608, %mul3A_609 : i32
    %sub3A_611 = arith.subi %sub3A_584, %mul3A_610 : i32
    %mul3A_612 = arith.constant 10 : i32
    %mul3A_613 = arith.muli %sub3A_611, %mul3A_612 : i32
    %dma_start3A_614 = arith.constant 0 : i32
    %dma_start3A_615 = arith.constant 0 : i32
    %dma_start3A_616 = arith.constant 0 : i32
    %dma_start3A_617 = tpu.memref_slice %arg4[%mul3A_613, %select_n3A_581, %select_n3A_608, %dma_start3A_614, %dma_start3A_615, %dma_start3A_616] : memref<20x26x8x8x8x128xf32, #tpu.memory_space<hbm>> -> memref<10x1x1x8x4x128xf32, #tpu.memory_space<hbm>>
    %dma_start3A_618 = tpu.memref_squeeze %dma_start3A_617 : memref<10x1x1x8x4x128xf32, #tpu.memory_space<hbm>> -> memref<10x8x4x128xf32, #tpu.memory_space<hbm>>
    %dma_start3A_619 = arith.constant 0 : i32
    %dma_start3A_620 = arith.constant 0 : i32
    %dma_start3A_621 = arith.constant 0 : i32
    %dma_start3A_622 = tpu.memref_slice %arg4[%mul3A_613, %select_n3A_581, %select_n3A_608, %dma_start3A_619, %dma_start3A_620, %dma_start3A_621] : memref<20x26x8x8x8x128xf32, #tpu.memory_space<hbm>> -> memref<10x1x1x8x4x128xf32, #tpu.memory_space<hbm>>
    %dma_start3A_623 = tpu.memref_squeeze %dma_start3A_622 : memref<10x1x1x8x4x128xf32, #tpu.memory_space<hbm>> -> memref<10x8x4x128xf32, #tpu.memory_space<hbm>>
    tpu.enqueue_dma source(%arg9 : memref<10x8x4x128xf32, #tpu.memory_space<vmem>>) target(%dma_start3A_623 : memref<10x8x4x128xf32, #tpu.memory_space<hbm>>) target_semaphore(%arg13 : memref<!tpu.dma_semaphore, #tpu.memory_space<semaphore_mem>>)
    %add3A_624 = arith.constant 4004 : i32
    %add3A_625 = arith.addi %sub3A_548, %add3A_624 : i32
    %scan3A_626 = arith.constant 0 : i32
    %scan3A_627 = arith.constant 0 : i32
    %scan3A_628 = arith.constant 10 : i32
    %scan3A_629 = arith.addi %scan3A_627, %scan3A_628 : i32
    %scan3A_630 = arith.constant 1 : i32
    scf.for %scan3A_842 = %scan3A_627 to %scan3A_629 step %scan3A_630  : i32 {
      %parallel_loop3A = arith.constant 0 : i32
      %parallel_loop3A_843 = arith.constant 64 : i32
      %parallel_loop3A_844 = arith.constant 1 : i32
      scf.for %parallel_loop3A_845 = %parallel_loop3A to %parallel_loop3A_843 step %parallel_loop3A_844  : i32 {
        %parallel_loop3A_846 = arith.constant 16 : i32
        %parallel_loop3A_847 = arith.muli %parallel_loop3A_845, %parallel_loop3A_846 : i32
        %parallel_loop3A_848 = arith.index_cast %scan3A_842 : i32 to index
        %parallel_loop3A_849 = arith.index_cast %parallel_loop3A_847 : i32 to index
        %parallel_loop3A_850 = tpu.vector_load %arg5[%parallel_loop3A_848, %parallel_loop3A_849] {strides = array<i32>} : memref<10x1024xi32, #tpu.memory_space<vmem>>, vector<16xi32>,
        %parallel_loop3A_851 = vector.broadcast %add3A_625 : i32 to vector<16xi32>
        %parallel_loop3A_852 = arith.addi %parallel_loop3A_850, %parallel_loop3A_851 : vector<16xi32>
        %parallel_loop3A_853 = arith.constant 0 : i32
        %parallel_loop3A_854 = vector.broadcast %parallel_loop3A_853 : i32 to vector<16xi32>
        %parallel_loop3A_855 = arith.addi %parallel_loop3A_852, %parallel_loop3A_854 : vector<16xi32>
        %parallel_loop3A_856 = tpu.vector_load_idx %arg7[%parallel_loop3A_855] : memref<8016xf32, #tpu.memory_space<vmem>>[vector<16xi32>], vector<16xf32>,
        %parallel_loop3A_857 = arith.constant 8 : i32
        %parallel_loop3A_858 = arith.divsi %parallel_loop3A_845, %parallel_loop3A_857 : i32
        %parallel_loop3A_859 = arith.constant 0 : i32
        %parallel_loop3A_860 = arith.cmpi sgt, %parallel_loop3A_845, %parallel_loop3A_859 : i32
        %parallel_loop3A_861 = arith.extui %parallel_loop3A_860 : i1 to i32
        %parallel_loop3A_862 = arith.constant 0 : i32
        %parallel_loop3A_863 = arith.cmpi slt, %parallel_loop3A_845, %parallel_loop3A_862 : i32
        %parallel_loop3A_864 = arith.extui %parallel_loop3A_863 : i1 to i32
        %parallel_loop3A_865 = arith.subi %parallel_loop3A_861, %parallel_loop3A_864 : i32
        %parallel_loop3A_866 = arith.constant 0 : i32
        %parallel_loop3A_867 = arith.cmpi sgt, %parallel_loop3A_857, %parallel_loop3A_866 : i32
        %parallel_loop3A_868 = arith.extui %parallel_loop3A_867 : i1 to i32
        %parallel_loop3A_869 = arith.constant 0 : i32
        %parallel_loop3A_870 = arith.cmpi slt, %parallel_loop3A_857, %parallel_loop3A_869 : i32
        %parallel_loop3A_871 = arith.extui %parallel_loop3A_870 : i1 to i32
        %parallel_loop3A_872 = arith.subi %parallel_loop3A_868, %parallel_loop3A_871 : i32
        %parallel_loop3A_873 = arith.cmpi ne, %parallel_loop3A_865, %parallel_loop3A_872 : i32
        %parallel_loop3A_874 = arith.remsi %parallel_loop3A_845, %parallel_loop3A_857 : i32
        %parallel_loop3A_875 = arith.constant 0 : i32
        %parallel_loop3A_876 = arith.cmpi ne, %parallel_loop3A_874, %parallel_loop3A_875 : i32
        %parallel_loop3A_877 = arith.andi %parallel_loop3A_873, %parallel_loop3A_876 : i1
        %parallel_loop3A_878 = arith.constant 1 : i32
        %parallel_loop3A_879 = arith.subi %parallel_loop3A_858, %parallel_loop3A_878 : i32
        %parallel_loop3A_880 = arith.select %parallel_loop3A_877, %parallel_loop3A_879, %parallel_loop3A_858 : i32
        %parallel_loop3A_881 = arith.constant 8 : i32
        %parallel_loop3A_882 = arith.constant 0 : i32
        %parallel_loop3A_883 = arith.cmpi eq, %parallel_loop3A_881, %parallel_loop3A_882 : i32
        %parallel_loop3A_884 = arith.constant 1 : i32
        %parallel_loop3A_885 = arith.select %parallel_loop3A_883, %parallel_loop3A_884, %parallel_loop3A_881 : i32
        %parallel_loop3A_886 = arith.remsi %parallel_loop3A_845, %parallel_loop3A_885 : i32
        %parallel_loop3A_887 = arith.constant 0 : i32
        %parallel_loop3A_888 = arith.cmpi ne, %parallel_loop3A_886, %parallel_loop3A_887 : i32
        %parallel_loop3A_889 = arith.constant 0 : i32
        %parallel_loop3A_890 = arith.cmpi slt, %parallel_loop3A_886, %parallel_loop3A_889 : i32
        %parallel_loop3A_891 = arith.constant 0 : i32
        %parallel_loop3A_892 = arith.cmpi slt, %parallel_loop3A_885, %parallel_loop3A_891 : i32
        %parallel_loop3A_893 = arith.xori %parallel_loop3A_890, %parallel_loop3A_892 : i1
        %parallel_loop3A_894 = arith.andi %parallel_loop3A_893, %parallel_loop3A_888 : i1
        %parallel_loop3A_895 = arith.addi %parallel_loop3A_886, %parallel_loop3A_885 : i32
        %parallel_loop3A_896 = arith.select %parallel_loop3A_894, %parallel_loop3A_895, %parallel_loop3A_886 : i32
        %parallel_loop3A_897 = arith.constant 16 : i32
        %parallel_loop3A_898 = arith.muli %parallel_loop3A_896, %parallel_loop3A_897 : i32
        %parallel_loop3A_899 = arith.constant 0 : i32
        %parallel_loop3A_900 = arith.index_cast %scan3A_842 : i32 to index
        %parallel_loop3A_901 = arith.index_cast %parallel_loop3A_880 : i32 to index
        %parallel_loop3A_902 = arith.index_cast %parallel_loop3A_899 : i32 to index
        %parallel_loop3A_903 = arith.index_cast %parallel_loop3A_898 : i32 to index
        %parallel_loop3A_904 = tpu.vector_load %arg10[%parallel_loop3A_900, %parallel_loop3A_901, %parallel_loop3A_902, %parallel_loop3A_903] {strides = array<i32>} : memref<10x8x4x128xf32, #tpu.memory_space<vmem>>, vector<16xf32>,
        tpu.vector_store %arg10[%parallel_loop3A_900, %parallel_loop3A_901, %parallel_loop3A_902, %parallel_loop3A_903], %parallel_loop3A_856 {strides = array<i32>} : memref<10x8x4x128xf32, #tpu.memory_space<vmem>>, vector<16xf32>,
        %parallel_loop3A_905 = arith.constant 1001 : i32
        %parallel_loop3A_906 = vector.broadcast %parallel_loop3A_905 : i32 to vector<16xi32>
        %parallel_loop3A_907 = arith.addi %parallel_loop3A_852, %parallel_loop3A_906 : vector<16xi32>
        %parallel_loop3A_908 = tpu.vector_load_idx %arg7[%parallel_loop3A_907] : memref<8016xf32, #tpu.memory_space<vmem>>[vector<16xi32>], vector<16xf32>,
        %parallel_loop3A_909 = arith.constant 8 : i32
        %parallel_loop3A_910 = arith.divsi %parallel_loop3A_845, %parallel_loop3A_909 : i32
        %parallel_loop3A_911 = arith.constant 0 : i32
        %parallel_loop3A_912 = arith.cmpi sgt, %parallel_loop3A_845, %parallel_loop3A_911 : i32
        %parallel_loop3A_913 = arith.extui %parallel_loop3A_912 : i1 to i32
        %parallel_loop3A_914 = arith.constant 0 : i32
        %parallel_loop3A_915 = arith.cmpi slt, %parallel_loop3A_845, %parallel_loop3A_914 : i32
        %parallel_loop3A_916 = arith.extui %parallel_loop3A_915 : i1 to i32
        %parallel_loop3A_917 = arith.subi %parallel_loop3A_913, %parallel_loop3A_916 : i32
        %parallel_loop3A_918 = arith.constant 0 : i32
        %parallel_loop3A_919 = arith.cmpi sgt, %parallel_loop3A_909, %parallel_loop3A_918 : i32
        %parallel_loop3A_920 = arith.extui %parallel_loop3A_919 : i1 to i32
        %parallel_loop3A_921 = arith.constant 0 : i32
        %parallel_loop3A_922 = arith.cmpi slt, %parallel_loop3A_909, %parallel_loop3A_921 : i32
        %parallel_loop3A_923 = arith.extui %parallel_loop3A_922 : i1 to i32
        %parallel_loop3A_924 = arith.subi %parallel_loop3A_920, %parallel_loop3A_923 : i32
        %parallel_loop3A_925 = arith.cmpi ne, %parallel_loop3A_917, %parallel_loop3A_924 : i32
        %parallel_loop3A_926 = arith.remsi %parallel_loop3A_845, %parallel_loop3A_909 : i32
        %parallel_loop3A_927 = arith.constant 0 : i32
        %parallel_loop3A_928 = arith.cmpi ne, %parallel_loop3A_926, %parallel_loop3A_927 : i32
        %parallel_loop3A_929 = arith.andi %parallel_loop3A_925, %parallel_loop3A_928 : i1
        %parallel_loop3A_930 = arith.constant 1 : i32
        %parallel_loop3A_931 = arith.subi %parallel_loop3A_910, %parallel_loop3A_930 : i32
        %parallel_loop3A_932 = arith.select %parallel_loop3A_929, %parallel_loop3A_931, %parallel_loop3A_910 : i32
        %parallel_loop3A_933 = arith.constant 8 : i32
        %parallel_loop3A_934 = arith.constant 0 : i32
        %parallel_loop3A_935 = arith.cmpi eq, %parallel_loop3A_933, %parallel_loop3A_934 : i32
        %parallel_loop3A_936 = arith.constant 1 : i32
        %parallel_loop3A_937 = arith.select %parallel_loop3A_935, %parallel_loop3A_936, %parallel_loop3A_933 : i32
        %parallel_loop3A_938 = arith.remsi %parallel_loop3A_845, %parallel_loop3A_937 : i32
        %parallel_loop3A_939 = arith.constant 0 : i32
        %parallel_loop3A_940 = arith.cmpi ne, %parallel_loop3A_938, %parallel_loop3A_939 : i32
        %parallel_loop3A_941 = arith.constant 0 : i32
        %parallel_loop3A_942 = arith.cmpi slt, %parallel_loop3A_938, %parallel_loop3A_941 : i32
        %parallel_loop3A_943 = arith.constant 0 : i32
        %parallel_loop3A_944 = arith.cmpi slt, %parallel_loop3A_937, %parallel_loop3A_943 : i32
        %parallel_loop3A_945 = arith.xori %parallel_loop3A_942, %parallel_loop3A_944 : i1
        %parallel_loop3A_946 = arith.andi %parallel_loop3A_945, %parallel_loop3A_940 : i1
        %parallel_loop3A_947 = arith.addi %parallel_loop3A_938, %parallel_loop3A_937 : i32
        %parallel_loop3A_948 = arith.select %parallel_loop3A_946, %parallel_loop3A_947, %parallel_loop3A_938 : i32
        %parallel_loop3A_949 = arith.constant 16 : i32
        %parallel_loop3A_950 = arith.muli %parallel_loop3A_948, %parallel_loop3A_949 : i32
        %parallel_loop3A_951 = arith.constant 1 : i32
        %parallel_loop3A_952 = arith.index_cast %scan3A_842 : i32 to index
        %parallel_loop3A_953 = arith.index_cast %parallel_loop3A_932 : i32 to index
        %parallel_loop3A_954 = arith.index_cast %parallel_loop3A_951 : i32 to index
        %parallel_loop3A_955 = arith.index_cast %parallel_loop3A_950 : i32 to index
        %parallel_loop3A_956 = tpu.vector_load %arg10[%parallel_loop3A_952, %parallel_loop3A_953, %parallel_loop3A_954, %parallel_loop3A_955] {strides = array<i32>} : memref<10x8x4x128xf32, #tpu.memory_space<vmem>>, vector<16xf32>,
        tpu.vector_store %arg10[%parallel_loop3A_952, %parallel_loop3A_953, %parallel_loop3A_954, %parallel_loop3A_955], %parallel_loop3A_908 {strides = array<i32>} : memref<10x8x4x128xf32, #tpu.memory_space<vmem>>, vector<16xf32>,
        %parallel_loop3A_957 = arith.constant 2002 : i32
        %parallel_loop3A_958 = vector.broadcast %parallel_loop3A_957 : i32 to vector<16xi32>
        %parallel_loop3A_959 = arith.addi %parallel_loop3A_852, %parallel_loop3A_958 : vector<16xi32>
        %parallel_loop3A_960 = tpu.vector_load_idx %arg7[%parallel_loop3A_959] : memref<8016xf32, #tpu.memory_space<vmem>>[vector<16xi32>], vector<16xf32>,
        %parallel_loop3A_961 = arith.constant 8 : i32
        %parallel_loop3A_962 = arith.divsi %parallel_loop3A_845, %parallel_loop3A_961 : i32
        %parallel_loop3A_963 = arith.constant 0 : i32
        %parallel_loop3A_964 = arith.cmpi sgt, %parallel_loop3A_845, %parallel_loop3A_963 : i32
        %parallel_loop3A_965 = arith.extui %parallel_loop3A_964 : i1 to i32
        %parallel_loop3A_966 = arith.constant 0 : i32
        %parallel_loop3A_967 = arith.cmpi slt, %parallel_loop3A_845, %parallel_loop3A_966 : i32
        %parallel_loop3A_968 = arith.extui %parallel_loop3A_967 : i1 to i32
        %parallel_loop3A_969 = arith.subi %parallel_loop3A_965, %parallel_loop3A_968 : i32
        %parallel_loop3A_970 = arith.constant 0 : i32
        %parallel_loop3A_971 = arith.cmpi sgt, %parallel_loop3A_961, %parallel_loop3A_970 : i32
        %parallel_loop3A_972 = arith.extui %parallel_loop3A_971 : i1 to i32
        %parallel_loop3A_973 = arith.constant 0 : i32
        %parallel_loop3A_974 = arith.cmpi slt, %parallel_loop3A_961, %parallel_loop3A_973 : i32
        %parallel_loop3A_975 = arith.extui %parallel_loop3A_974 : i1 to i32
        %parallel_loop3A_976 = arith.subi %parallel_loop3A_972, %parallel_loop3A_975 : i32
        %parallel_loop3A_977 = arith.cmpi ne, %parallel_loop3A_969, %parallel_loop3A_976 : i32
        %parallel_loop3A_978 = arith.remsi %parallel_loop3A_845, %parallel_loop3A_961 : i32
        %parallel_loop3A_979 = arith.constant 0 : i32
        %parallel_loop3A_980 = arith.cmpi ne, %parallel_loop3A_978, %parallel_loop3A_979 : i32
        %parallel_loop3A_981 = arith.andi %parallel_loop3A_977, %parallel_loop3A_980 : i1
        %parallel_loop3A_982 = arith.constant 1 : i32
        %parallel_loop3A_983 = arith.subi %parallel_loop3A_962, %parallel_loop3A_982 : i32
        %parallel_loop3A_984 = arith.select %parallel_loop3A_981, %parallel_loop3A_983, %parallel_loop3A_962 : i32
        %parallel_loop3A_985 = arith.constant 8 : i32
        %parallel_loop3A_986 = arith.constant 0 : i32
        %parallel_loop3A_987 = arith.cmpi eq, %parallel_loop3A_985, %parallel_loop3A_986 : i32
        %parallel_loop3A_988 = arith.constant 1 : i32
        %parallel_loop3A_989 = arith.select %parallel_loop3A_987, %parallel_loop3A_988, %parallel_loop3A_985 : i32
        %parallel_loop3A_990 = arith.remsi %parallel_loop3A_845, %parallel_loop3A_989 : i32
        %parallel_loop3A_991 = arith.constant 0 : i32
        %parallel_loop3A_992 = arith.cmpi ne, %parallel_loop3A_990, %parallel_loop3A_991 : i32
        %parallel_loop3A_993 = arith.constant 0 : i32
        %parallel_loop3A_994 = arith.cmpi slt, %parallel_loop3A_990, %parallel_loop3A_993 : i32
        %parallel_loop3A_995 = arith.constant 0 : i32
        %parallel_loop3A_996 = arith.cmpi slt, %parallel_loop3A_989, %parallel_loop3A_995 : i32
        %parallel_loop3A_997 = arith.xori %parallel_loop3A_994, %parallel_loop3A_996 : i1
        %parallel_loop3A_998 = arith.andi %parallel_loop3A_997, %parallel_loop3A_992 : i1
        %parallel_loop3A_999 = arith.addi %parallel_loop3A_990, %parallel_loop3A_989 : i32
        %parallel_loop3A_1000 = arith.select %parallel_loop3A_998, %parallel_loop3A_999, %parallel_loop3A_990 : i32
        %parallel_loop3A_1001 = arith.constant 16 : i32
        %parallel_loop3A_1002 = arith.muli %parallel_loop3A_1000, %parallel_loop3A_1001 : i32
        %parallel_loop3A_1003 = arith.constant 2 : i32
        %parallel_loop3A_1004 = arith.index_cast %scan3A_842 : i32 to index
        %parallel_loop3A_1005 = arith.index_cast %parallel_loop3A_984 : i32 to index
        %parallel_loop3A_1006 = arith.index_cast %parallel_loop3A_1003 : i32 to index
        %parallel_loop3A_1007 = arith.index_cast %parallel_loop3A_1002 : i32 to index
        %parallel_loop3A_1008 = tpu.vector_load %arg10[%parallel_loop3A_1004, %parallel_loop3A_1005, %parallel_loop3A_1006, %parallel_loop3A_1007] {strides = array<i32>} : memref<10x8x4x128xf32, #tpu.memory_space<vmem>>, vector<16xf32>,
        tpu.vector_store %arg10[%parallel_loop3A_1004, %parallel_loop3A_1005, %parallel_loop3A_1006, %parallel_loop3A_1007], %parallel_loop3A_960 {strides = array<i32>} : memref<10x8x4x128xf32, #tpu.memory_space<vmem>>, vector<16xf32>,
        %parallel_loop3A_1009 = arith.constant 3003 : i32
        %parallel_loop3A_1010 = vector.broadcast %parallel_loop3A_1009 : i32 to vector<16xi32>
        %parallel_loop3A_1011 = arith.addi %parallel_loop3A_852, %parallel_loop3A_1010 : vector<16xi32>
        %parallel_loop3A_1012 = tpu.vector_load_idx %arg7[%parallel_loop3A_1011] : memref<8016xf32, #tpu.memory_space<vmem>>[vector<16xi32>], vector<16xf32>,
        %parallel_loop3A_1013 = arith.constant 8 : i32
        %parallel_loop3A_1014 = arith.divsi %parallel_loop3A_845, %parallel_loop3A_1013 : i32
        %parallel_loop3A_1015 = arith.constant 0 : i32
        %parallel_loop3A_1016 = arith.cmpi sgt, %parallel_loop3A_845, %parallel_loop3A_1015 : i32
        %parallel_loop3A_1017 = arith.extui %parallel_loop3A_1016 : i1 to i32
        %parallel_loop3A_1018 = arith.constant 0 : i32
        %parallel_loop3A_1019 = arith.cmpi slt, %parallel_loop3A_845, %parallel_loop3A_1018 : i32
        %parallel_loop3A_1020 = arith.extui %parallel_loop3A_1019 : i1 to i32
        %parallel_loop3A_1021 = arith.subi %parallel_loop3A_1017, %parallel_loop3A_1020 : i32
        %parallel_loop3A_1022 = arith.constant 0 : i32
        %parallel_loop3A_1023 = arith.cmpi sgt, %parallel_loop3A_1013, %parallel_loop3A_1022 : i32
        %parallel_loop3A_1024 = arith.extui %parallel_loop3A_1023 : i1 to i32
        %parallel_loop3A_1025 = arith.constant 0 : i32
        %parallel_loop3A_1026 = arith.cmpi slt, %parallel_loop3A_1013, %parallel_loop3A_1025 : i32
        %parallel_loop3A_1027 = arith.extui %parallel_loop3A_1026 : i1 to i32
        %parallel_loop3A_1028 = arith.subi %parallel_loop3A_1024, %parallel_loop3A_1027 : i32
        %parallel_loop3A_1029 = arith.cmpi ne, %parallel_loop3A_1021, %parallel_loop3A_1028 : i32
        %parallel_loop3A_1030 = arith.remsi %parallel_loop3A_845, %parallel_loop3A_1013 : i32
        %parallel_loop3A_1031 = arith.constant 0 : i32
        %parallel_loop3A_1032 = arith.cmpi ne, %parallel_loop3A_1030, %parallel_loop3A_1031 : i32
        %parallel_loop3A_1033 = arith.andi %parallel_loop3A_1029, %parallel_loop3A_1032 : i1
        %parallel_loop3A_1034 = arith.constant 1 : i32
        %parallel_loop3A_1035 = arith.subi %parallel_loop3A_1014, %parallel_loop3A_1034 : i32
        %parallel_loop3A_1036 = arith.select %parallel_loop3A_1033, %parallel_loop3A_1035, %parallel_loop3A_1014 : i32
        %parallel_loop3A_1037 = arith.constant 8 : i32
        %parallel_loop3A_1038 = arith.constant 0 : i32
        %parallel_loop3A_1039 = arith.cmpi eq, %parallel_loop3A_1037, %parallel_loop3A_1038 : i32
        %parallel_loop3A_1040 = arith.constant 1 : i32
        %parallel_loop3A_1041 = arith.select %parallel_loop3A_1039, %parallel_loop3A_1040, %parallel_loop3A_1037 : i32
        %parallel_loop3A_1042 = arith.remsi %parallel_loop3A_845, %parallel_loop3A_1041 : i32
        %parallel_loop3A_1043 = arith.constant 0 : i32
        %parallel_loop3A_1044 = arith.cmpi ne, %parallel_loop3A_1042, %parallel_loop3A_1043 : i32
        %parallel_loop3A_1045 = arith.constant 0 : i32
        %parallel_loop3A_1046 = arith.cmpi slt, %parallel_loop3A_1042, %parallel_loop3A_1045 : i32
        %parallel_loop3A_1047 = arith.constant 0 : i32
        %parallel_loop3A_1048 = arith.cmpi slt, %parallel_loop3A_1041, %parallel_loop3A_1047 : i32
        %parallel_loop3A_1049 = arith.xori %parallel_loop3A_1046, %parallel_loop3A_1048 : i1
        %parallel_loop3A_1050 = arith.andi %parallel_loop3A_1049, %parallel_loop3A_1044 : i1
        %parallel_loop3A_1051 = arith.addi %parallel_loop3A_1042, %parallel_loop3A_1041 : i32
        %parallel_loop3A_1052 = arith.select %parallel_loop3A_1050, %parallel_loop3A_1051, %parallel_loop3A_1042 : i32
        %parallel_loop3A_1053 = arith.constant 16 : i32
        %parallel_loop3A_1054 = arith.muli %parallel_loop3A_1052, %parallel_loop3A_1053 : i32
        %parallel_loop3A_1055 = arith.constant 3 : i32
        %parallel_loop3A_1056 = arith.index_cast %scan3A_842 : i32 to index
        %parallel_loop3A_1057 = arith.index_cast %parallel_loop3A_1036 : i32 to index
        %parallel_loop3A_1058 = arith.index_cast %parallel_loop3A_1055 : i32 to index
        %parallel_loop3A_1059 = arith.index_cast %parallel_loop3A_1054 : i32 to index
        %parallel_loop3A_1060 = tpu.vector_load %arg10[%parallel_loop3A_1056, %parallel_loop3A_1057, %parallel_loop3A_1058, %parallel_loop3A_1059] {strides = array<i32>} : memref<10x8x4x128xf32, #tpu.memory_space<vmem>>, vector<16xf32>,
        tpu.vector_store %arg10[%parallel_loop3A_1056, %parallel_loop3A_1057, %parallel_loop3A_1058, %parallel_loop3A_1059], %parallel_loop3A_1012 {strides = array<i32>} : memref<10x8x4x128xf32, #tpu.memory_space<vmem>>, vector<16xf32>,
      } {sc.loop_unroll_factor = 8 : i64, sc.parallel_access}
    }
    %scan3A_631 = arith.constant 10 : i32
    %add3A_632 = arith.constant 0 : i32
    %add3A_633 = arith.addi %add3A, %add3A_632 : i32
    %jit3A_634 = arith.constant 16 : i32
    %div3A_635 = arith.divsi %add3A_633, %jit3A_634 : i32
    %sign3A_636 = arith.constant 0 : i32
    %sign3A_637 = arith.cmpi sgt, %add3A_633, %sign3A_636 : i32
    %sign3A_638 = arith.extui %sign3A_637 : i1 to i32
    %sign3A_639 = arith.constant 0 : i32
    %sign3A_640 = arith.cmpi slt, %add3A_633, %sign3A_639 : i32
    %sign3A_641 = arith.extui %sign3A_640 : i1 to i32
    %sign3A_642 = arith.subi %sign3A_638, %sign3A_641 : i32
    %sign3A_643 = arith.constant 0 : i32
    %sign3A_644 = arith.cmpi sgt, %jit3A_634, %sign3A_643 : i32
    %sign3A_645 = arith.extui %sign3A_644 : i1 to i32
    %sign3A_646 = arith.constant 0 : i32
    %sign3A_647 = arith.cmpi slt, %jit3A_634, %sign3A_646 : i32
    %sign3A_648 = arith.extui %sign3A_647 : i1 to i32
    %sign3A_649 = arith.subi %sign3A_645, %sign3A_648 : i32
    %ne3A_650 = arith.cmpi ne, %sign3A_642, %sign3A_649 : i32
    %rem3A_651 = arith.remsi %add3A_633, %jit3A_634 : i32
    %ne3A_652 = arith.constant 0 : i32
    %ne3A_653 = arith.cmpi ne, %rem3A_651, %ne3A_652 : i32
    %and3A_654 = arith.andi %ne3A_650, %ne3A_653 : i1
    %sub3A_655 = arith.constant 1 : i32
    %sub3A_656 = arith.subi %div3A_635, %sub3A_655 : i32
    %select_n3A_657 = arith.select %and3A_654, %sub3A_656, %div3A_635 : i32
    %mul3A_658 = arith.constant 16 : i32
    %mul3A_659 = arith.muli %select_n3A_657, %mul3A_658 : i32
    %sub3A_660 = arith.subi %add3A_633, %mul3A_659 : i32
    %jit3A_661 = arith.constant 2 : i32
    %div3A_662 = arith.divsi %sub3A_660, %jit3A_661 : i32
    %sign3A_663 = arith.constant 0 : i32
    %sign3A_664 = arith.cmpi sgt, %sub3A_660, %sign3A_663 : i32
    %sign3A_665 = arith.extui %sign3A_664 : i1 to i32
    %sign3A_666 = arith.constant 0 : i32
    %sign3A_667 = arith.cmpi slt, %sub3A_660, %sign3A_666 : i32
    %sign3A_668 = arith.extui %sign3A_667 : i1 to i32
    %sign3A_669 = arith.subi %sign3A_665, %sign3A_668 : i32
    %sign3A_670 = arith.constant 0 : i32
    %sign3A_671 = arith.cmpi sgt, %jit3A_661, %sign3A_670 : i32
    %sign3A_672 = arith.extui %sign3A_671 : i1 to i32
    %sign3A_673 = arith.constant 0 : i32
    %sign3A_674 = arith.cmpi slt, %jit3A_661, %sign3A_673 : i32
    %sign3A_675 = arith.extui %sign3A_674 : i1 to i32
    %sign3A_676 = arith.subi %sign3A_672, %sign3A_675 : i32
    %ne3A_677 = arith.cmpi ne, %sign3A_669, %sign3A_676 : i32
    %rem3A_678 = arith.remsi %sub3A_660, %jit3A_661 : i32
    %ne3A_679 = arith.constant 0 : i32
    %ne3A_680 = arith.cmpi ne, %rem3A_678, %ne3A_679 : i32
    %and3A_681 = arith.andi %ne3A_677, %ne3A_680 : i1
    %sub3A_682 = arith.constant 1 : i32
    %sub3A_683 = arith.subi %div3A_662, %sub3A_682 : i32
    %select_n3A_684 = arith.select %and3A_681, %sub3A_683, %div3A_662 : i32
    %mul3A_685 = arith.constant 2 : i32
    %mul3A_686 = arith.muli %select_n3A_684, %mul3A_685 : i32
    %sub3A_687 = arith.subi %sub3A_660, %mul3A_686 : i32
    %mul3A_688 = arith.constant 10 : i32
    %mul3A_689 = arith.muli %sub3A_687, %mul3A_688 : i32
    %dma_start3A_690 = arith.constant 0 : i32
    %dma_start3A_691 = arith.constant 4 : i32
    %dma_start3A_692 = arith.constant 0 : i32
    %dma_start3A_693 = tpu.memref_slice %arg4[%mul3A_689, %select_n3A_657, %select_n3A_684, %dma_start3A_690, %dma_start3A_691, %dma_start3A_692] : memref<20x26x8x8x8x128xf32, #tpu.memory_space<hbm>> -> memref<10x1x1x8x4x128xf32, #tpu.memory_space<hbm>>
    %dma_start3A_694 = tpu.memref_squeeze %dma_start3A_693 : memref<10x1x1x8x4x128xf32, #tpu.memory_space<hbm>> -> memref<10x8x4x128xf32, #tpu.memory_space<hbm>>
    %dma_start3A_695 = arith.constant 0 : i32
    %dma_start3A_696 = arith.constant 4 : i32
    %dma_start3A_697 = arith.constant 0 : i32
    %dma_start3A_698 = tpu.memref_slice %arg4[%mul3A_689, %select_n3A_657, %select_n3A_684, %dma_start3A_695, %dma_start3A_696, %dma_start3A_697] : memref<20x26x8x8x8x128xf32, #tpu.memory_space<hbm>> -> memref<10x1x1x8x4x128xf32, #tpu.memory_space<hbm>>
    %dma_start3A_699 = tpu.memref_squeeze %dma_start3A_698 : memref<10x1x1x8x4x128xf32, #tpu.memory_space<hbm>> -> memref<10x8x4x128xf32, #tpu.memory_space<hbm>>
    tpu.enqueue_dma source(%arg10 : memref<10x8x4x128xf32, #tpu.memory_space<vmem>>) target(%dma_start3A_699 : memref<10x8x4x128xf32, #tpu.memory_space<hbm>>) target_semaphore(%arg14 : memref<!tpu.dma_semaphore, #tpu.memory_space<semaphore_mem>>)
    %scan3A_700 = arith.constant 0 : i32
    %scan3A_701 = arith.constant 0 : i32
    %scan3A_702 = arith.constant 6 : i32
    %scan3A_703 = arith.addi %scan3A_701, %scan3A_702 : i32
    %scan3A_704 = arith.constant 1 : i32
    scf.for %scan3A_842 = %scan3A_701 to %scan3A_703 step %scan3A_704  : i32 {
      %mul3A_843 = arith.constant 2 : i32
      %mul3A_844 = arith.muli %mul3A_843, %scan3A_842 : i32
      %add3A_845 = arith.constant 1 : i32
      %add3A_846 = arith.addi %mul3A_844, %add3A_845 : i32
      %mul3A_847 = arith.constant 32 : i32
      %mul3A_848 = arith.muli %add3A_846, %mul3A_847 : i32
      %add3A_849 = arith.addi %add3A, %mul3A_848 : i32
      %jit3A_850 = arith.constant 16 : i32
      %div3A_851 = arith.divsi %add3A_849, %jit3A_850 : i32
      %sign3A_852 = arith.constant 0 : i32
      %sign3A_853 = arith.cmpi sgt, %add3A_849, %sign3A_852 : i32
      %sign3A_854 = arith.extui %sign3A_853 : i1 to i32
      %sign3A_855 = arith.constant 0 : i32
      %sign3A_856 = arith.cmpi slt, %add3A_849, %sign3A_855 : i32
      %sign3A_857 = arith.extui %sign3A_856 : i1 to i32
      %sign3A_858 = arith.subi %sign3A_854, %sign3A_857 : i32
      %sign3A_859 = arith.constant 0 : i32
      %sign3A_860 = arith.cmpi sgt, %jit3A_850, %sign3A_859 : i32
      %sign3A_861 = arith.extui %sign3A_860 : i1 to i32
      %sign3A_862 = arith.constant 0 : i32
      %sign3A_863 = arith.cmpi slt, %jit3A_850, %sign3A_862 : i32
      %sign3A_864 = arith.extui %sign3A_863 : i1 to i32
      %sign3A_865 = arith.subi %sign3A_861, %sign3A_864 : i32
      %ne3A_866 = arith.cmpi ne, %sign3A_858, %sign3A_865 : i32
      %rem3A_867 = arith.remsi %add3A_849, %jit3A_850 : i32
      %ne3A_868 = arith.constant 0 : i32
      %ne3A_869 = arith.cmpi ne, %rem3A_867, %ne3A_868 : i32
      %and3A_870 = arith.andi %ne3A_866, %ne3A_869 : i1
      %sub3A_871 = arith.constant 1 : i32
      %sub3A_872 = arith.subi %div3A_851, %sub3A_871 : i32
      %select_n3A_873 = arith.select %and3A_870, %sub3A_872, %div3A_851 : i32
      %mul3A_874 = arith.constant 16 : i32
      %mul3A_875 = arith.muli %select_n3A_873, %mul3A_874 : i32
      %sub3A_876 = arith.subi %add3A_849, %mul3A_875 : i32
      %jit3A_877 = arith.constant 2 : i32
      %div3A_878 = arith.divsi %sub3A_876, %jit3A_877 : i32
      %sign3A_879 = arith.constant 0 : i32
      %sign3A_880 = arith.cmpi sgt, %sub3A_876, %sign3A_879 : i32
      %sign3A_881 = arith.extui %sign3A_880 : i1 to i32
      %sign3A_882 = arith.constant 0 : i32
      %sign3A_883 = arith.cmpi slt, %sub3A_876, %sign3A_882 : i32
      %sign3A_884 = arith.extui %sign3A_883 : i1 to i32
      %sign3A_885 = arith.subi %sign3A_881, %sign3A_884 : i32
      %sign3A_886 = arith.constant 0 : i32
      %sign3A_887 = arith.cmpi sgt, %jit3A_877, %sign3A_886 : i32
      %sign3A_888 = arith.extui %sign3A_887 : i1 to i32
      %sign3A_889 = arith.constant 0 : i32
      %sign3A_890 = arith.cmpi slt, %jit3A_877, %sign3A_889 : i32
      %sign3A_891 = arith.extui %sign3A_890 : i1 to i32
      %sign3A_892 = arith.subi %sign3A_888, %sign3A_891 : i32
      %ne3A_893 = arith.cmpi ne, %sign3A_885, %sign3A_892 : i32
      %rem3A_894 = arith.remsi %sub3A_876, %jit3A_877 : i32
      %ne3A_895 = arith.constant 0 : i32
      %ne3A_896 = arith.cmpi ne, %rem3A_894, %ne3A_895 : i32
      %and3A_897 = arith.andi %ne3A_893, %ne3A_896 : i1
      %sub3A_898 = arith.constant 1 : i32
      %sub3A_899 = arith.subi %div3A_878, %sub3A_898 : i32
      %select_n3A_900 = arith.select %and3A_897, %sub3A_899, %div3A_878 : i32
      %mul3A_901 = arith.constant 2 : i32
      %mul3A_902 = arith.muli %select_n3A_900, %mul3A_901 : i32
      %sub3A_903 = arith.subi %sub3A_876, %mul3A_902 : i32
      %mul3A_904 = arith.constant 10 : i32
      %mul3A_905 = arith.muli %sub3A_903, %mul3A_904 : i32
      %dma_wait3A_906 = arith.constant 0 : i32
      %dma_wait3A_907 = tpu.memref_slice %arg2[%select_n3A_873, %mul3A_905, %dma_wait3A_906] : memref<26x20x1024xi32, #tpu.memory_space<hbm>> -> memref<1x10x1024xi32, #tpu.memory_space<hbm>>
      %dma_wait3A_908 = tpu.memref_squeeze %dma_wait3A_907 : memref<1x10x1024xi32, #tpu.memory_space<hbm>> -> memref<10x1024xi32, #tpu.memory_space<hbm>>
      %dma_wait3A_909 = arith.constant 0 : i32
      %dma_wait3A_910 = tpu.memref_slice %arg2[%select_n3A_873, %mul3A_905, %dma_wait3A_909] : memref<26x20x1024xi32, #tpu.memory_space<hbm>> -> memref<1x10x1024xi32, #tpu.memory_space<hbm>>
      %dma_wait3A_911 = tpu.memref_squeeze %dma_wait3A_910 : memref<1x10x1024xi32, #tpu.memory_space<hbm>> -> memref<10x1024xi32, #tpu.memory_space<hbm>>
      tpu.wait_dma2 semaphore(%arg11 : memref<!tpu.dma_semaphore, #tpu.memory_space<semaphore_mem>>) src(%dma_wait3A_911 : memref<10x1024xi32, #tpu.memory_space<hbm>>) dst(%arg6 : memref<10x1024xi32, #tpu.memory_space<vmem>>)
      %mul3A_912 = arith.constant 32 : i32
      %mul3A_913 = arith.muli %add3A_846, %mul3A_912 : i32
      %add3A_914 = arith.addi %add3A, %mul3A_913 : i32
      %jit3A_915 = arith.constant 16 : i32
      %div3A_916 = arith.divsi %add3A_914, %jit3A_915 : i32
      %sign3A_917 = arith.constant 0 : i32
      %sign3A_918 = arith.cmpi sgt, %add3A_914, %sign3A_917 : i32
      %sign3A_919 = arith.extui %sign3A_918 : i1 to i32
      %sign3A_920 = arith.constant 0 : i32
      %sign3A_921 = arith.cmpi slt, %add3A_914, %sign3A_920 : i32
      %sign3A_922 = arith.extui %sign3A_921 : i1 to i32
      %sign3A_923 = arith.subi %sign3A_919, %sign3A_922 : i32
      %sign3A_924 = arith.constant 0 : i32
      %sign3A_925 = arith.cmpi sgt, %jit3A_915, %sign3A_924 : i32
      %sign3A_926 = arith.extui %sign3A_925 : i1 to i32
      %sign3A_927 = arith.constant 0 : i32
      %sign3A_928 = arith.cmpi slt, %jit3A_915, %sign3A_927 : i32
      %sign3A_929 = arith.extui %sign3A_928 : i1 to i32
      %sign3A_930 = arith.subi %sign3A_926, %sign3A_929 : i32
      %ne3A_931 = arith.cmpi ne, %sign3A_923, %sign3A_930 : i32
      %rem3A_932 = arith.remsi %add3A_914, %jit3A_915 : i32
      %ne3A_933 = arith.constant 0 : i32
      %ne3A_934 = arith.cmpi ne, %rem3A_932, %ne3A_933 : i32
      %and3A_935 = arith.andi %ne3A_931, %ne3A_934 : i1
      %sub3A_936 = arith.constant 1 : i32
      %sub3A_937 = arith.subi %div3A_916, %sub3A_936 : i32
      %select_n3A_938 = arith.select %and3A_935, %sub3A_937, %div3A_916 : i32
      %mul3A_939 = arith.constant 16 : i32
      %mul3A_940 = arith.muli %select_n3A_938, %mul3A_939 : i32
      %sub3A_941 = arith.subi %add3A_914, %mul3A_940 : i32
      %jit3A_942 = arith.constant 2 : i32
      %div3A_943 = arith.divsi %sub3A_941, %jit3A_942 : i32
      %sign3A_944 = arith.constant 0 : i32
      %sign3A_945 = arith.cmpi sgt, %sub3A_941, %sign3A_944 : i32
      %sign3A_946 = arith.extui %sign3A_945 : i1 to i32
      %sign3A_947 = arith.constant 0 : i32
      %sign3A_948 = arith.cmpi slt, %sub3A_941, %sign3A_947 : i32
      %sign3A_949 = arith.extui %sign3A_948 : i1 to i32
      %sign3A_950 = arith.subi %sign3A_946, %sign3A_949 : i32
      %sign3A_951 = arith.constant 0 : i32
      %sign3A_952 = arith.cmpi sgt, %jit3A_942, %sign3A_951 : i32
      %sign3A_953 = arith.extui %sign3A_952 : i1 to i32
      %sign3A_954 = arith.constant 0 : i32
      %sign3A_955 = arith.cmpi slt, %jit3A_942, %sign3A_954 : i32
      %sign3A_956 = arith.extui %sign3A_955 : i1 to i32
      %sign3A_957 = arith.subi %sign3A_953, %sign3A_956 : i32
      %ne3A_958 = arith.cmpi ne, %sign3A_950, %sign3A_957 : i32
      %rem3A_959 = arith.remsi %sub3A_941, %jit3A_942 : i32
      %ne3A_960 = arith.constant 0 : i32
      %ne3A_961 = arith.cmpi ne, %rem3A_959, %ne3A_960 : i32
      %and3A_962 = arith.andi %ne3A_958, %ne3A_961 : i1
      %sub3A_963 = arith.constant 1 : i32
      %sub3A_964 = arith.subi %div3A_943, %sub3A_963 : i32
      %select_n3A_965 = arith.select %and3A_962, %sub3A_964, %div3A_943 : i32
      %mul3A_966 = arith.constant 2 : i32
      %mul3A_967 = arith.muli %select_n3A_965, %mul3A_966 : i32
      %sub3A_968 = arith.subi %sub3A_941, %mul3A_967 : i32
      %mul3A_969 = arith.constant 10 : i32
      %mul3A_970 = arith.muli %sub3A_968, %mul3A_969 : i32
      %mul3A_971 = arith.constant 64 : i32
      %mul3A_972 = arith.muli %select_n3A_938, %mul3A_971 : i32
      %mul3A_973 = arith.constant 8 : i32
      %mul3A_974 = arith.muli %select_n3A_965, %mul3A_973 : i32
      %add3A_975 = arith.addi %mul3A_972, %mul3A_974 : i32
      %mul3A_976 = arith.constant 1001 : i32
      %mul3A_977 = arith.muli %add3A_975, %mul3A_976 : i32
      %jit3A_978 = arith.constant 8 : i32
      %eq3A_979 = arith.constant 0 : i32
      %eq3A_980 = arith.cmpi eq, %jit3A_978, %eq3A_979 : i32
      %jit3A_981 = arith.constant 1 : i32
      %select_n3A_982 = arith.select %eq3A_980, %jit3A_981, %jit3A_978 : i32
      %rem3A_983 = arith.remsi %mul3A_977, %select_n3A_982 : i32
      %ne3A_984 = arith.constant 0 : i32
      %ne3A_985 = arith.cmpi ne, %rem3A_983, %ne3A_984 : i32
      %lt3A_986 = arith.constant 0 : i32
      %lt3A_987 = arith.cmpi slt, %rem3A_983, %lt3A_986 : i32
      %lt3A_988 = arith.constant 0 : i32
      %lt3A_989 = arith.cmpi slt, %select_n3A_982, %lt3A_988 : i32
      %ne3A_990 = arith.xori %lt3A_987, %lt3A_989 : i1
      %and3A_991 = arith.andi %ne3A_990, %ne3A_985 : i1
      %add3A_992 = arith.addi %rem3A_983, %select_n3A_982 : i32
      %select_n3A_993 = arith.select %and3A_991, %add3A_992, %rem3A_983 : i32
      %sub3A_994 = arith.subi %mul3A_977, %select_n3A_993 : i32
      %add3A_995 = arith.constant 8016 : i32
      %add3A_996 = arith.addi %sub3A_994, %add3A_995 : i32
      %gt3A_997 = arith.constant 1665664 : i32
      %gt3A_998 = arith.cmpi sgt, %add3A_996, %gt3A_997 : i32
      %sub3A_999 = arith.constant 8 : i32
      %sub3A_1000 = arith.subi %sub3A_994, %sub3A_999 : i32
      %select_n3A_1001 = arith.select %gt3A_998, %sub3A_1000, %sub3A_994 : i32
      %multiple_of3A_1002 = tpu.assume_multiple %select_n3A_1001, 8 : i32
      %sub3A_1003 = arith.subi %mul3A_977, %select_n3A_1001 : i32
      %dma_wait3A_1004 = tpu.memref_slice %arg3[%multiple_of3A_1002] : memref<1665664xf32, #tpu.memory_space<hbm>> -> memref<8016xf32, #tpu.memory_space<hbm>>
      %dma_wait3A_1005 = tpu.memref_slice %arg3[%multiple_of3A_1002] : memref<1665664xf32, #tpu.memory_space<hbm>> -> memref<8016xf32, #tpu.memory_space<hbm>>
      tpu.wait_dma2 semaphore(%arg12 : memref<!tpu.dma_semaphore, #tpu.memory_space<semaphore_mem>>) src(%dma_wait3A_1005 : memref<8016xf32, #tpu.memory_space<hbm>>) dst(%arg8 : memref<8016xf32, #tpu.memory_space<vmem>>)
      %add3A_1006 = arith.constant 1 : i32
      %add3A_1007 = arith.addi %add3A_846, %add3A_1006 : i32
      %lt3A_1008 = arith.constant 13 : i32
      %lt3A_1009 = arith.cmpi slt, %add3A_1007, %lt3A_1008 : i32
      %convert_element_type3A = arith.extui %lt3A_1009 : i1 to i32
      %cond3A = arith.constant 0 : i32
      %cond3A_1010 = arith.cmpi ne, %convert_element_type3A, %cond3A : i32
      scf.if %cond3A_1010 {
        %add3A_1949 = arith.constant 1 : i32
        %add3A_1950 = arith.addi %add3A_846, %add3A_1949 : i32
        %mul3A_1951 = arith.constant 32 : i32
        %mul3A_1952 = arith.muli %add3A_1950, %mul3A_1951 : i32
        %add3A_1953 = arith.addi %add3A, %mul3A_1952 : i32
        %jit3A_1954 = arith.constant 16 : i32
        %div3A_1955 = arith.divsi %add3A_1953, %jit3A_1954 : i32
        %sign3A_1956 = arith.constant 0 : i32
        %sign3A_1957 = arith.cmpi sgt, %add3A_1953, %sign3A_1956 : i32
        %sign3A_1958 = arith.extui %sign3A_1957 : i1 to i32
        %sign3A_1959 = arith.constant 0 : i32
        %sign3A_1960 = arith.cmpi slt, %add3A_1953, %sign3A_1959 : i32
        %sign3A_1961 = arith.extui %sign3A_1960 : i1 to i32
        %sign3A_1962 = arith.subi %sign3A_1958, %sign3A_1961 : i32
        %sign3A_1963 = arith.constant 0 : i32
        %sign3A_1964 = arith.cmpi sgt, %jit3A_1954, %sign3A_1963 : i32
        %sign3A_1965 = arith.extui %sign3A_1964 : i1 to i32
        %sign3A_1966 = arith.constant 0 : i32
        %sign3A_1967 = arith.cmpi slt, %jit3A_1954, %sign3A_1966 : i32
        %sign3A_1968 = arith.extui %sign3A_1967 : i1 to i32
        %sign3A_1969 = arith.subi %sign3A_1965, %sign3A_1968 : i32
        %ne3A_1970 = arith.cmpi ne, %sign3A_1962, %sign3A_1969 : i32
        %rem3A_1971 = arith.remsi %add3A_1953, %jit3A_1954 : i32
        %ne3A_1972 = arith.constant 0 : i32
        %ne3A_1973 = arith.cmpi ne, %rem3A_1971, %ne3A_1972 : i32
        %and3A_1974 = arith.andi %ne3A_1970, %ne3A_1973 : i1
        %sub3A_1975 = arith.constant 1 : i32
        %sub3A_1976 = arith.subi %div3A_1955, %sub3A_1975 : i32
        %select_n3A_1977 = arith.select %and3A_1974, %sub3A_1976, %div3A_1955 : i32
        %mul3A_1978 = arith.constant 16 : i32
        %mul3A_1979 = arith.muli %select_n3A_1977, %mul3A_1978 : i32
        %sub3A_1980 = arith.subi %add3A_1953, %mul3A_1979 : i32
        %jit3A_1981 = arith.constant 2 : i32
        %div3A_1982 = arith.divsi %sub3A_1980, %jit3A_1981 : i32
        %sign3A_1983 = arith.constant 0 : i32
        %sign3A_1984 = arith.cmpi sgt, %sub3A_1980, %sign3A_1983 : i32
        %sign3A_1985 = arith.extui %sign3A_1984 : i1 to i32
        %sign3A_1986 = arith.constant 0 : i32
        %sign3A_1987 = arith.cmpi slt, %sub3A_1980, %sign3A_1986 : i32
        %sign3A_1988 = arith.extui %sign3A_1987 : i1 to i32
        %sign3A_1989 = arith.subi %sign3A_1985, %sign3A_1988 : i32
        %sign3A_1990 = arith.constant 0 : i32
        %sign3A_1991 = arith.cmpi sgt, %jit3A_1981, %sign3A_1990 : i32
        %sign3A_1992 = arith.extui %sign3A_1991 : i1 to i32
        %sign3A_1993 = arith.constant 0 : i32
        %sign3A_1994 = arith.cmpi slt, %jit3A_1981, %sign3A_1993 : i32
        %sign3A_1995 = arith.extui %sign3A_1994 : i1 to i32
        %sign3A_1996 = arith.subi %sign3A_1992, %sign3A_1995 : i32
        %ne3A_1997 = arith.cmpi ne, %sign3A_1989, %sign3A_1996 : i32
        %rem3A_1998 = arith.remsi %sub3A_1980, %jit3A_1981 : i32
        %ne3A_1999 = arith.constant 0 : i32
        %ne3A_2000 = arith.cmpi ne, %rem3A_1998, %ne3A_1999 : i32
        %and3A_2001 = arith.andi %ne3A_1997, %ne3A_2000 : i1
        %sub3A_2002 = arith.constant 1 : i32
        %sub3A_2003 = arith.subi %div3A_1982, %sub3A_2002 : i32
        %select_n3A_2004 = arith.select %and3A_2001, %sub3A_2003, %div3A_1982 : i32
        %mul3A_2005 = arith.constant 2 : i32
        %mul3A_2006 = arith.muli %select_n3A_2004, %mul3A_2005 : i32
        %sub3A_2007 = arith.subi %sub3A_1980, %mul3A_2006 : i32
        %mul3A_2008 = arith.constant 10 : i32
        %mul3A_2009 = arith.muli %sub3A_2007, %mul3A_2008 : i32
        %dma_start3A_2010 = arith.constant 0 : i32
        %dma_start3A_2011 = tpu.memref_slice %arg2[%select_n3A_1977, %mul3A_2009, %dma_start3A_2010] : memref<26x20x1024xi32, #tpu.memory_space<hbm>> -> memref<1x10x1024xi32, #tpu.memory_space<hbm>>
        %dma_start3A_2012 = tpu.memref_squeeze %dma_start3A_2011 : memref<1x10x1024xi32, #tpu.memory_space<hbm>> -> memref<10x1024xi32, #tpu.memory_space<hbm>>
        %dma_start3A_2013 = arith.constant 0 : i32
        %dma_start3A_2014 = tpu.memref_slice %arg2[%select_n3A_1977, %mul3A_2009, %dma_start3A_2013] : memref<26x20x1024xi32, #tpu.memory_space<hbm>> -> memref<1x10x1024xi32, #tpu.memory_space<hbm>>
        %dma_start3A_2015 = tpu.memref_squeeze %dma_start3A_2014 : memref<1x10x1024xi32, #tpu.memory_space<hbm>> -> memref<10x1024xi32, #tpu.memory_space<hbm>>
        tpu.enqueue_dma source(%dma_start3A_2015 : memref<10x1024xi32, #tpu.memory_space<hbm>>) target(%arg5 : memref<10x1024xi32, #tpu.memory_space<vmem>>) target_semaphore(%arg11 : memref<!tpu.dma_semaphore, #tpu.memory_space<semaphore_mem>>)
        %add3A_2016 = arith.constant 1 : i32
        %add3A_2017 = arith.addi %add3A_846, %add3A_2016 : i32
        %mul3A_2018 = arith.constant 32 : i32
        %mul3A_2019 = arith.muli %add3A_2017, %mul3A_2018 : i32
        %add3A_2020 = arith.addi %add3A, %mul3A_2019 : i32
        %jit3A_2021 = arith.constant 16 : i32
        %div3A_2022 = arith.divsi %add3A_2020, %jit3A_2021 : i32
        %sign3A_2023 = arith.constant 0 : i32
        %sign3A_2024 = arith.cmpi sgt, %add3A_2020, %sign3A_2023 : i32
        %sign3A_2025 = arith.extui %sign3A_2024 : i1 to i32
        %sign3A_2026 = arith.constant 0 : i32
        %sign3A_2027 = arith.cmpi slt, %add3A_2020, %sign3A_2026 : i32
        %sign3A_2028 = arith.extui %sign3A_2027 : i1 to i32
        %sign3A_2029 = arith.subi %sign3A_2025, %sign3A_2028 : i32
        %sign3A_2030 = arith.constant 0 : i32
        %sign3A_2031 = arith.cmpi sgt, %jit3A_2021, %sign3A_2030 : i32
        %sign3A_2032 = arith.extui %sign3A_2031 : i1 to i32
        %sign3A_2033 = arith.constant 0 : i32
        %sign3A_2034 = arith.cmpi slt, %jit3A_2021, %sign3A_2033 : i32
        %sign3A_2035 = arith.extui %sign3A_2034 : i1 to i32
        %sign3A_2036 = arith.subi %sign3A_2032, %sign3A_2035 : i32
        %ne3A_2037 = arith.cmpi ne, %sign3A_2029, %sign3A_2036 : i32
        %rem3A_2038 = arith.remsi %add3A_2020, %jit3A_2021 : i32
        %ne3A_2039 = arith.constant 0 : i32
        %ne3A_2040 = arith.cmpi ne, %rem3A_2038, %ne3A_2039 : i32
        %and3A_2041 = arith.andi %ne3A_2037, %ne3A_2040 : i1
        %sub3A_2042 = arith.constant 1 : i32
        %sub3A_2043 = arith.subi %div3A_2022, %sub3A_2042 : i32
        %select_n3A_2044 = arith.select %and3A_2041, %sub3A_2043, %div3A_2022 : i32
        %mul3A_2045 = arith.constant 16 : i32
        %mul3A_2046 = arith.muli %select_n3A_2044, %mul3A_2045 : i32
        %sub3A_2047 = arith.subi %add3A_2020, %mul3A_2046 : i32
        %jit3A_2048 = arith.constant 2 : i32
        %div3A_2049 = arith.divsi %sub3A_2047, %jit3A_2048 : i32
        %sign3A_2050 = arith.constant 0 : i32
        %sign3A_2051 = arith.cmpi sgt, %sub3A_2047, %sign3A_2050 : i32
        %sign3A_2052 = arith.extui %sign3A_2051 : i1 to i32
        %sign3A_2053 = arith.constant 0 : i32
        %sign3A_2054 = arith.cmpi slt, %sub3A_2047, %sign3A_2053 : i32
        %sign3A_2055 = arith.extui %sign3A_2054 : i1 to i32
        %sign3A_2056 = arith.subi %sign3A_2052, %sign3A_2055 : i32
        %sign3A_2057 = arith.constant 0 : i32
        %sign3A_2058 = arith.cmpi sgt, %jit3A_2048, %sign3A_2057 : i32
        %sign3A_2059 = arith.extui %sign3A_2058 : i1 to i32
        %sign3A_2060 = arith.constant 0 : i32
        %sign3A_2061 = arith.cmpi slt, %jit3A_2048, %sign3A_2060 : i32
        %sign3A_2062 = arith.extui %sign3A_2061 : i1 to i32
        %sign3A_2063 = arith.subi %sign3A_2059, %sign3A_2062 : i32
        %ne3A_2064 = arith.cmpi ne, %sign3A_2056, %sign3A_2063 : i32
        %rem3A_2065 = arith.remsi %sub3A_2047, %jit3A_2048 : i32
        %ne3A_2066 = arith.constant 0 : i32
        %ne3A_2067 = arith.cmpi ne, %rem3A_2065, %ne3A_2066 : i32
        %and3A_2068 = arith.andi %ne3A_2064, %ne3A_2067 : i1
        %sub3A_2069 = arith.constant 1 : i32
        %sub3A_2070 = arith.subi %div3A_2049, %sub3A_2069 : i32
        %select_n3A_2071 = arith.select %and3A_2068, %sub3A_2070, %div3A_2049 : i32
        %mul3A_2072 = arith.constant 2 : i32
        %mul3A_2073 = arith.muli %select_n3A_2071, %mul3A_2072 : i32
        %sub3A_2074 = arith.subi %sub3A_2047, %mul3A_2073 : i32
        %mul3A_2075 = arith.constant 10 : i32
        %mul3A_2076 = arith.muli %sub3A_2074, %mul3A_2075 : i32
        %mul3A_2077 = arith.constant 64 : i32
        %mul3A_2078 = arith.muli %select_n3A_2044, %mul3A_2077 : i32
        %mul3A_2079 = arith.constant 8 : i32
        %mul3A_2080 = arith.muli %select_n3A_2071, %mul3A_2079 : i32
        %add3A_2081 = arith.addi %mul3A_2078, %mul3A_2080 : i32
        %mul3A_2082 = arith.constant 1001 : i32
        %mul3A_2083 = arith.muli %add3A_2081, %mul3A_2082 : i32
        %jit3A_2084 = arith.constant 8 : i32
        %eq3A_2085 = arith.constant 0 : i32
        %eq3A_2086 = arith.cmpi eq, %jit3A_2084, %eq3A_2085 : i32
        %jit3A_2087 = arith.constant 1 : i32
        %select_n3A_2088 = arith.select %eq3A_2086, %jit3A_2087, %jit3A_2084 : i32
        %rem3A_2089 = arith.remsi %mul3A_2083, %select_n3A_2088 : i32
        %ne3A_2090 = arith.constant 0 : i32
        %ne3A_2091 = arith.cmpi ne, %rem3A_2089, %ne3A_2090 : i32
        %lt3A_2092 = arith.constant 0 : i32
        %lt3A_2093 = arith.cmpi slt, %rem3A_2089, %lt3A_2092 : i32
        %lt3A_2094 = arith.constant 0 : i32
        %lt3A_2095 = arith.cmpi slt, %select_n3A_2088, %lt3A_2094 : i32
        %ne3A_2096 = arith.xori %lt3A_2093, %lt3A_2095 : i1
        %and3A_2097 = arith.andi %ne3A_2096, %ne3A_2091 : i1
        %add3A_2098 = arith.addi %rem3A_2089, %select_n3A_2088 : i32
        %select_n3A_2099 = arith.select %and3A_2097, %add3A_2098, %rem3A_2089 : i32
        %sub3A_2100 = arith.subi %mul3A_2083, %select_n3A_2099 : i32
        %add3A_2101 = arith.constant 8016 : i32
        %add3A_2102 = arith.addi %sub3A_2100, %add3A_2101 : i32
        %gt3A_2103 = arith.constant 1665664 : i32
        %gt3A_2104 = arith.cmpi sgt, %add3A_2102, %gt3A_2103 : i32
        %sub3A_2105 = arith.constant 8 : i32
        %sub3A_2106 = arith.subi %sub3A_2100, %sub3A_2105 : i32
        %select_n3A_2107 = arith.select %gt3A_2104, %sub3A_2106, %sub3A_2100 : i32
        %multiple_of3A_2108 = tpu.assume_multiple %select_n3A_2107, 8 : i32
        %sub3A_2109 = arith.subi %mul3A_2083, %select_n3A_2107 : i32
        %dma_start3A_2110 = tpu.memref_slice %arg3[%multiple_of3A_2108] : memref<1665664xf32, #tpu.memory_space<hbm>> -> memref<8016xf32, #tpu.memory_space<hbm>>
        %dma_start3A_2111 = tpu.memref_slice %arg3[%multiple_of3A_2108] : memref<1665664xf32, #tpu.memory_space<hbm>> -> memref<8016xf32, #tpu.memory_space<hbm>>
        tpu.enqueue_dma source(%dma_start3A_2111 : memref<8016xf32, #tpu.memory_space<hbm>>) target(%arg7 : memref<8016xf32, #tpu.memory_space<vmem>>) target_semaphore(%arg12 : memref<!tpu.dma_semaphore, #tpu.memory_space<semaphore_mem>>)
      } else {
      }
      %mul3A_1011 = arith.constant 32 : i32
      %mul3A_1012 = arith.muli %add3A_846, %mul3A_1011 : i32
      %add3A_1013 = arith.addi %add3A, %mul3A_1012 : i32
      %jit3A_1014 = arith.constant 16 : i32
      %div3A_1015 = arith.divsi %add3A_1013, %jit3A_1014 : i32
      %sign3A_1016 = arith.constant 0 : i32
      %sign3A_1017 = arith.cmpi sgt, %add3A_1013, %sign3A_1016 : i32
      %sign3A_1018 = arith.extui %sign3A_1017 : i1 to i32
      %sign3A_1019 = arith.constant 0 : i32
      %sign3A_1020 = arith.cmpi slt, %add3A_1013, %sign3A_1019 : i32
      %sign3A_1021 = arith.extui %sign3A_1020 : i1 to i32
      %sign3A_1022 = arith.subi %sign3A_1018, %sign3A_1021 : i32
      %sign3A_1023 = arith.constant 0 : i32
      %sign3A_1024 = arith.cmpi sgt, %jit3A_1014, %sign3A_1023 : i32
      %sign3A_1025 = arith.extui %sign3A_1024 : i1 to i32
      %sign3A_1026 = arith.constant 0 : i32
      %sign3A_1027 = arith.cmpi slt, %jit3A_1014, %sign3A_1026 : i32
      %sign3A_1028 = arith.extui %sign3A_1027 : i1 to i32
      %sign3A_1029 = arith.subi %sign3A_1025, %sign3A_1028 : i32
      %ne3A_1030 = arith.cmpi ne, %sign3A_1022, %sign3A_1029 : i32
      %rem3A_1031 = arith.remsi %add3A_1013, %jit3A_1014 : i32
      %ne3A_1032 = arith.constant 0 : i32
      %ne3A_1033 = arith.cmpi ne, %rem3A_1031, %ne3A_1032 : i32
      %and3A_1034 = arith.andi %ne3A_1030, %ne3A_1033 : i1
      %sub3A_1035 = arith.constant 1 : i32
      %sub3A_1036 = arith.subi %div3A_1015, %sub3A_1035 : i32
      %select_n3A_1037 = arith.select %and3A_1034, %sub3A_1036, %div3A_1015 : i32
      %mul3A_1038 = arith.constant 16 : i32
      %mul3A_1039 = arith.muli %select_n3A_1037, %mul3A_1038 : i32
      %sub3A_1040 = arith.subi %add3A_1013, %mul3A_1039 : i32
      %jit3A_1041 = arith.constant 2 : i32
      %div3A_1042 = arith.divsi %sub3A_1040, %jit3A_1041 : i32
      %sign3A_1043 = arith.constant 0 : i32
      %sign3A_1044 = arith.cmpi sgt, %sub3A_1040, %sign3A_1043 : i32
      %sign3A_1045 = arith.extui %sign3A_1044 : i1 to i32
      %sign3A_1046 = arith.constant 0 : i32
      %sign3A_1047 = arith.cmpi slt, %sub3A_1040, %sign3A_1046 : i32
      %sign3A_1048 = arith.extui %sign3A_1047 : i1 to i32
      %sign3A_1049 = arith.subi %sign3A_1045, %sign3A_1048 : i32
      %sign3A_1050 = arith.constant 0 : i32
      %sign3A_1051 = arith.cmpi sgt, %jit3A_1041, %sign3A_1050 : i32
      %sign3A_1052 = arith.extui %sign3A_1051 : i1 to i32
      %sign3A_1053 = arith.constant 0 : i32
      %sign3A_1054 = arith.cmpi slt, %jit3A_1041, %sign3A_1053 : i32
      %sign3A_1055 = arith.extui %sign3A_1054 : i1 to i32
      %sign3A_1056 = arith.subi %sign3A_1052, %sign3A_1055 : i32
      %ne3A_1057 = arith.cmpi ne, %sign3A_1049, %sign3A_1056 : i32
      %rem3A_1058 = arith.remsi %sub3A_1040, %jit3A_1041 : i32
      %ne3A_1059 = arith.constant 0 : i32
      %ne3A_1060 = arith.cmpi ne, %rem3A_1058, %ne3A_1059 : i32
      %and3A_1061 = arith.andi %ne3A_1057, %ne3A_1060 : i1
      %sub3A_1062 = arith.constant 1 : i32
      %sub3A_1063 = arith.subi %div3A_1042, %sub3A_1062 : i32
      %select_n3A_1064 = arith.select %and3A_1061, %sub3A_1063, %div3A_1042 : i32
      %mul3A_1065 = arith.constant 2 : i32
      %mul3A_1066 = arith.muli %select_n3A_1064, %mul3A_1065 : i32
      %sub3A_1067 = arith.subi %sub3A_1040, %mul3A_1066 : i32
      %mul3A_1068 = arith.constant 10 : i32
      %mul3A_1069 = arith.muli %sub3A_1067, %mul3A_1068 : i32
      %mul3A_1070 = arith.constant 64 : i32
      %mul3A_1071 = arith.muli %select_n3A_1037, %mul3A_1070 : i32
      %mul3A_1072 = arith.constant 8 : i32
      %mul3A_1073 = arith.muli %select_n3A_1064, %mul3A_1072 : i32
      %add3A_1074 = arith.addi %mul3A_1071, %mul3A_1073 : i32
      %mul3A_1075 = arith.constant 1001 : i32
      %mul3A_1076 = arith.muli %add3A_1074, %mul3A_1075 : i32
      %jit3A_1077 = arith.constant 8 : i32
      %eq3A_1078 = arith.constant 0 : i32
      %eq3A_1079 = arith.cmpi eq, %jit3A_1077, %eq3A_1078 : i32
      %jit3A_1080 = arith.constant 1 : i32
      %select_n3A_1081 = arith.select %eq3A_1079, %jit3A_1080, %jit3A_1077 : i32
      %rem3A_1082 = arith.remsi %mul3A_1076, %select_n3A_1081 : i32
      %ne3A_1083 = arith.constant 0 : i32
      %ne3A_1084 = arith.cmpi ne, %rem3A_1082, %ne3A_1083 : i32
      %lt3A_1085 = arith.constant 0 : i32
      %lt3A_1086 = arith.cmpi slt, %rem3A_1082, %lt3A_1085 : i32
      %lt3A_1087 = arith.constant 0 : i32
      %lt3A_1088 = arith.cmpi slt, %select_n3A_1081, %lt3A_1087 : i32
      %ne3A_1089 = arith.xori %lt3A_1086, %lt3A_1088 : i1
      %and3A_1090 = arith.andi %ne3A_1089, %ne3A_1084 : i1
      %add3A_1091 = arith.addi %rem3A_1082, %select_n3A_1081 : i32
      %select_n3A_1092 = arith.select %and3A_1090, %add3A_1091, %rem3A_1082 : i32
      %sub3A_1093 = arith.subi %mul3A_1076, %select_n3A_1092 : i32
      %add3A_1094 = arith.constant 8016 : i32
      %add3A_1095 = arith.addi %sub3A_1093, %add3A_1094 : i32
      %gt3A_1096 = arith.constant 1665664 : i32
      %gt3A_1097 = arith.cmpi sgt, %add3A_1095, %gt3A_1096 : i32
      %sub3A_1098 = arith.constant 8 : i32
      %sub3A_1099 = arith.subi %sub3A_1093, %sub3A_1098 : i32
      %select_n3A_1100 = arith.select %gt3A_1097, %sub3A_1099, %sub3A_1093 : i32
      %multiple_of3A_1101 = tpu.assume_multiple %select_n3A_1100, 8 : i32
      %sub3A_1102 = arith.subi %mul3A_1076, %select_n3A_1100 : i32
      %mul3A_1103 = arith.constant 32 : i32
      %mul3A_1104 = arith.muli %add3A_846, %mul3A_1103 : i32
      %add3A_1105 = arith.addi %add3A, %mul3A_1104 : i32
      %jit3A_1106 = arith.constant 16 : i32
      %div3A_1107 = arith.divsi %add3A_1105, %jit3A_1106 : i32
      %sign3A_1108 = arith.constant 0 : i32
      %sign3A_1109 = arith.cmpi sgt, %add3A_1105, %sign3A_1108 : i32
      %sign3A_1110 = arith.extui %sign3A_1109 : i1 to i32
      %sign3A_1111 = arith.constant 0 : i32
      %sign3A_1112 = arith.cmpi slt, %add3A_1105, %sign3A_1111 : i32
      %sign3A_1113 = arith.extui %sign3A_1112 : i1 to i32
      %sign3A_1114 = arith.subi %sign3A_1110, %sign3A_1113 : i32
      %sign3A_1115 = arith.constant 0 : i32
      %sign3A_1116 = arith.cmpi sgt, %jit3A_1106, %sign3A_1115 : i32
      %sign3A_1117 = arith.extui %sign3A_1116 : i1 to i32
      %sign3A_1118 = arith.constant 0 : i32
      %sign3A_1119 = arith.cmpi slt, %jit3A_1106, %sign3A_1118 : i32
      %sign3A_1120 = arith.extui %sign3A_1119 : i1 to i32
      %sign3A_1121 = arith.subi %sign3A_1117, %sign3A_1120 : i32
      %ne3A_1122 = arith.cmpi ne, %sign3A_1114, %sign3A_1121 : i32
      %rem3A_1123 = arith.remsi %add3A_1105, %jit3A_1106 : i32
      %ne3A_1124 = arith.constant 0 : i32
      %ne3A_1125 = arith.cmpi ne, %rem3A_1123, %ne3A_1124 : i32
      %and3A_1126 = arith.andi %ne3A_1122, %ne3A_1125 : i1
      %sub3A_1127 = arith.constant 1 : i32
      %sub3A_1128 = arith.subi %div3A_1107, %sub3A_1127 : i32
      %select_n3A_1129 = arith.select %and3A_1126, %sub3A_1128, %div3A_1107 : i32
      %mul3A_1130 = arith.constant 16 : i32
      %mul3A_1131 = arith.muli %select_n3A_1129, %mul3A_1130 : i32
      %sub3A_1132 = arith.subi %add3A_1105, %mul3A_1131 : i32
      %jit3A_1133 = arith.constant 2 : i32
      %div3A_1134 = arith.divsi %sub3A_1132, %jit3A_1133 : i32
      %sign3A_1135 = arith.constant 0 : i32
      %sign3A_1136 = arith.cmpi sgt, %sub3A_1132, %sign3A_1135 : i32
      %sign3A_1137 = arith.extui %sign3A_1136 : i1 to i32
      %sign3A_1138 = arith.constant 0 : i32
      %sign3A_1139 = arith.cmpi slt, %sub3A_1132, %sign3A_1138 : i32
      %sign3A_1140 = arith.extui %sign3A_1139 : i1 to i32
      %sign3A_1141 = arith.subi %sign3A_1137, %sign3A_1140 : i32
      %sign3A_1142 = arith.constant 0 : i32
      %sign3A_1143 = arith.cmpi sgt, %jit3A_1133, %sign3A_1142 : i32
      %sign3A_1144 = arith.extui %sign3A_1143 : i1 to i32
      %sign3A_1145 = arith.constant 0 : i32
      %sign3A_1146 = arith.cmpi slt, %jit3A_1133, %sign3A_1145 : i32
      %sign3A_1147 = arith.extui %sign3A_1146 : i1 to i32
      %sign3A_1148 = arith.subi %sign3A_1144, %sign3A_1147 : i32
      %ne3A_1149 = arith.cmpi ne, %sign3A_1141, %sign3A_1148 : i32
      %rem3A_1150 = arith.remsi %sub3A_1132, %jit3A_1133 : i32
      %ne3A_1151 = arith.constant 0 : i32
      %ne3A_1152 = arith.cmpi ne, %rem3A_1150, %ne3A_1151 : i32
      %and3A_1153 = arith.andi %ne3A_1149, %ne3A_1152 : i1
      %sub3A_1154 = arith.constant 1 : i32
      %sub3A_1155 = arith.subi %div3A_1134, %sub3A_1154 : i32
      %select_n3A_1156 = arith.select %and3A_1153, %sub3A_1155, %div3A_1134 : i32
      %mul3A_1157 = arith.constant 2 : i32
      %mul3A_1158 = arith.muli %select_n3A_1156, %mul3A_1157 : i32
      %sub3A_1159 = arith.subi %sub3A_1132, %mul3A_1158 : i32
      %mul3A_1160 = arith.constant 10 : i32
      %mul3A_1161 = arith.muli %sub3A_1159, %mul3A_1160 : i32
      %dma_wait3A_1162 = arith.constant 0 : i32
      %dma_wait3A_1163 = arith.constant 0 : i32
      %dma_wait3A_1164 = arith.constant 0 : i32
      %dma_wait3A_1165 = tpu.memref_slice %arg4[%mul3A_1161, %select_n3A_1129, %select_n3A_1156, %dma_wait3A_1162, %dma_wait3A_1163, %dma_wait3A_1164] : memref<20x26x8x8x8x128xf32, #tpu.memory_space<hbm>> -> memref<10x1x1x8x4x128xf32, #tpu.memory_space<hbm>>
      %dma_wait3A_1166 = tpu.memref_squeeze %dma_wait3A_1165 : memref<10x1x1x8x4x128xf32, #tpu.memory_space<hbm>> -> memref<10x8x4x128xf32, #tpu.memory_space<hbm>>
      %dma_wait3A_1167 = arith.constant 0 : i32
      %dma_wait3A_1168 = arith.constant 0 : i32
      %dma_wait3A_1169 = arith.constant 0 : i32
      %dma_wait3A_1170 = tpu.memref_slice %arg4[%mul3A_1161, %select_n3A_1129, %select_n3A_1156, %dma_wait3A_1167, %dma_wait3A_1168, %dma_wait3A_1169] : memref<20x26x8x8x8x128xf32, #tpu.memory_space<hbm>> -> memref<10x1x1x8x4x128xf32, #tpu.memory_space<hbm>>
      %dma_wait3A_1171 = tpu.memref_squeeze %dma_wait3A_1170 : memref<10x1x1x8x4x128xf32, #tpu.memory_space<hbm>> -> memref<10x8x4x128xf32, #tpu.memory_space<hbm>>
      tpu.wait_dma2 semaphore(%arg13 : memref<!tpu.dma_semaphore, #tpu.memory_space<semaphore_mem>>) src(%arg9 : memref<10x8x4x128xf32, #tpu.memory_space<vmem>>) dst(%dma_wait3A_1171 : memref<10x8x4x128xf32, #tpu.memory_space<hbm>>)
      %add3A_1172 = arith.constant 0 : i32
      %add3A_1173 = arith.addi %sub3A_1102, %add3A_1172 : i32
      %scan3A_1174 = arith.constant 0 : i32
      %scan3A_1175 = arith.constant 0 : i32
      %scan3A_1176 = arith.constant 10 : i32
      %scan3A_1177 = arith.addi %scan3A_1175, %scan3A_1176 : i32
      %scan3A_1178 = arith.constant 1 : i32
      scf.for %scan3A_1949 = %scan3A_1175 to %scan3A_1177 step %scan3A_1178  : i32 {
        %parallel_loop3A = arith.constant 0 : i32
        %parallel_loop3A_1950 = arith.constant 64 : i32
        %parallel_loop3A_1951 = arith.constant 1 : i32
        scf.for %parallel_loop3A_1952 = %parallel_loop3A to %parallel_loop3A_1950 step %parallel_loop3A_1951  : i32 {
          %parallel_loop3A_1953 = arith.constant 16 : i32
          %parallel_loop3A_1954 = arith.muli %parallel_loop3A_1952, %parallel_loop3A_1953 : i32
          %parallel_loop3A_1955 = arith.index_cast %scan3A_1949 : i32 to index
          %parallel_loop3A_1956 = arith.index_cast %parallel_loop3A_1954 : i32 to index
          %parallel_loop3A_1957 = tpu.vector_load %arg6[%parallel_loop3A_1955, %parallel_loop3A_1956] {strides = array<i32>} : memref<10x1024xi32, #tpu.memory_space<vmem>>, vector<16xi32>,
          %parallel_loop3A_1958 = vector.broadcast %add3A_1173 : i32 to vector<16xi32>
          %parallel_loop3A_1959 = arith.addi %parallel_loop3A_1957, %parallel_loop3A_1958 : vector<16xi32>
          %parallel_loop3A_1960 = arith.constant 0 : i32
          %parallel_loop3A_1961 = vector.broadcast %parallel_loop3A_1960 : i32 to vector<16xi32>
          %parallel_loop3A_1962 = arith.addi %parallel_loop3A_1959, %parallel_loop3A_1961 : vector<16xi32>
          %parallel_loop3A_1963 = tpu.vector_load_idx %arg8[%parallel_loop3A_1962] : memref<8016xf32, #tpu.memory_space<vmem>>[vector<16xi32>], vector<16xf32>,
          %parallel_loop3A_1964 = arith.constant 8 : i32
          %parallel_loop3A_1965 = arith.divsi %parallel_loop3A_1952, %parallel_loop3A_1964 : i32
          %parallel_loop3A_1966 = arith.constant 0 : i32
          %parallel_loop3A_1967 = arith.cmpi sgt, %parallel_loop3A_1952, %parallel_loop3A_1966 : i32
          %parallel_loop3A_1968 = arith.extui %parallel_loop3A_1967 : i1 to i32
          %parallel_loop3A_1969 = arith.constant 0 : i32
          %parallel_loop3A_1970 = arith.cmpi slt, %parallel_loop3A_1952, %parallel_loop3A_1969 : i32
          %parallel_loop3A_1971 = arith.extui %parallel_loop3A_1970 : i1 to i32
          %parallel_loop3A_1972 = arith.subi %parallel_loop3A_1968, %parallel_loop3A_1971 : i32
          %parallel_loop3A_1973 = arith.constant 0 : i32
          %parallel_loop3A_1974 = arith.cmpi sgt, %parallel_loop3A_1964, %parallel_loop3A_1973 : i32
          %parallel_loop3A_1975 = arith.extui %parallel_loop3A_1974 : i1 to i32
          %parallel_loop3A_1976 = arith.constant 0 : i32
          %parallel_loop3A_1977 = arith.cmpi slt, %parallel_loop3A_1964, %parallel_loop3A_1976 : i32
          %parallel_loop3A_1978 = arith.extui %parallel_loop3A_1977 : i1 to i32
          %parallel_loop3A_1979 = arith.subi %parallel_loop3A_1975, %parallel_loop3A_1978 : i32
          %parallel_loop3A_1980 = arith.cmpi ne, %parallel_loop3A_1972, %parallel_loop3A_1979 : i32
          %parallel_loop3A_1981 = arith.remsi %parallel_loop3A_1952, %parallel_loop3A_1964 : i32
          %parallel_loop3A_1982 = arith.constant 0 : i32
          %parallel_loop3A_1983 = arith.cmpi ne, %parallel_loop3A_1981, %parallel_loop3A_1982 : i32
          %parallel_loop3A_1984 = arith.andi %parallel_loop3A_1980, %parallel_loop3A_1983 : i1
          %parallel_loop3A_1985 = arith.constant 1 : i32
          %parallel_loop3A_1986 = arith.subi %parallel_loop3A_1965, %parallel_loop3A_1985 : i32
          %parallel_loop3A_1987 = arith.select %parallel_loop3A_1984, %parallel_loop3A_1986, %parallel_loop3A_1965 : i32
          %parallel_loop3A_1988 = arith.constant 8 : i32
          %parallel_loop3A_1989 = arith.constant 0 : i32
          %parallel_loop3A_1990 = arith.cmpi eq, %parallel_loop3A_1988, %parallel_loop3A_1989 : i32
          %parallel_loop3A_1991 = arith.constant 1 : i32
          %parallel_loop3A_1992 = arith.select %parallel_loop3A_1990, %parallel_loop3A_1991, %parallel_loop3A_1988 : i32
          %parallel_loop3A_1993 = arith.remsi %parallel_loop3A_1952, %parallel_loop3A_1992 : i32
          %parallel_loop3A_1994 = arith.constant 0 : i32
          %parallel_loop3A_1995 = arith.cmpi ne, %parallel_loop3A_1993, %parallel_loop3A_1994 : i32
          %parallel_loop3A_1996 = arith.constant 0 : i32
          %parallel_loop3A_1997 = arith.cmpi slt, %parallel_loop3A_1993, %parallel_loop3A_1996 : i32
          %parallel_loop3A_1998 = arith.constant 0 : i32
          %parallel_loop3A_1999 = arith.cmpi slt, %parallel_loop3A_1992, %parallel_loop3A_1998 : i32
          %parallel_loop3A_2000 = arith.xori %parallel_loop3A_1997, %parallel_loop3A_1999 : i1
          %parallel_loop3A_2001 = arith.andi %parallel_loop3A_2000, %parallel_loop3A_1995 : i1
          %parallel_loop3A_2002 = arith.addi %parallel_loop3A_1993, %parallel_loop3A_1992 : i32
          %parallel_loop3A_2003 = arith.select %parallel_loop3A_2001, %parallel_loop3A_2002, %parallel_loop3A_1993 : i32
          %parallel_loop3A_2004 = arith.constant 16 : i32
          %parallel_loop3A_2005 = arith.muli %parallel_loop3A_2003, %parallel_loop3A_2004 : i32
          %parallel_loop3A_2006 = arith.constant 0 : i32
          %parallel_loop3A_2007 = arith.index_cast %scan3A_1949 : i32 to index
          %parallel_loop3A_2008 = arith.index_cast %parallel_loop3A_1987 : i32 to index
          %parallel_loop3A_2009 = arith.index_cast %parallel_loop3A_2006 : i32 to index
          %parallel_loop3A_2010 = arith.index_cast %parallel_loop3A_2005 : i32 to index
          %parallel_loop3A_2011 = tpu.vector_load %arg9[%parallel_loop3A_2007, %parallel_loop3A_2008, %parallel_loop3A_2009, %parallel_loop3A_2010] {strides = array<i32>} : memref<10x8x4x128xf32, #tpu.memory_space<vmem>>, vector<16xf32>,
          tpu.vector_store %arg9[%parallel_loop3A_2007, %parallel_loop3A_2008, %parallel_loop3A_2009, %parallel_loop3A_2010], %parallel_loop3A_1963 {strides = array<i32>} : memref<10x8x4x128xf32, #tpu.memory_space<vmem>>, vector<16xf32>,
          %parallel_loop3A_2012 = arith.constant 1001 : i32
          %parallel_loop3A_2013 = vector.broadcast %parallel_loop3A_2012 : i32 to vector<16xi32>
          %parallel_loop3A_2014 = arith.addi %parallel_loop3A_1959, %parallel_loop3A_2013 : vector<16xi32>
          %parallel_loop3A_2015 = tpu.vector_load_idx %arg8[%parallel_loop3A_2014] : memref<8016xf32, #tpu.memory_space<vmem>>[vector<16xi32>], vector<16xf32>,
          %parallel_loop3A_2016 = arith.constant 8 : i32
          %parallel_loop3A_2017 = arith.divsi %parallel_loop3A_1952, %parallel_loop3A_2016 : i32
          %parallel_loop3A_2018 = arith.constant 0 : i32
          %parallel_loop3A_2019 = arith.cmpi sgt, %parallel_loop3A_1952, %parallel_loop3A_2018 : i32
          %parallel_loop3A_2020 = arith.extui %parallel_loop3A_2019 : i1 to i32
          %parallel_loop3A_2021 = arith.constant 0 : i32
          %parallel_loop3A_2022 = arith.cmpi slt, %parallel_loop3A_1952, %parallel_loop3A_2021 : i32
          %parallel_loop3A_2023 = arith.extui %parallel_loop3A_2022 : i1 to i32
          %parallel_loop3A_2024 = arith.subi %parallel_loop3A_2020, %parallel_loop3A_2023 : i32
          %parallel_loop3A_2025 = arith.constant 0 : i32
          %parallel_loop3A_2026 = arith.cmpi sgt, %parallel_loop3A_2016, %parallel_loop3A_2025 : i32
          %parallel_loop3A_2027 = arith.extui %parallel_loop3A_2026 : i1 to i32
          %parallel_loop3A_2028 = arith.constant 0 : i32
          %parallel_loop3A_2029 = arith.cmpi slt, %parallel_loop3A_2016, %parallel_loop3A_2028 : i32
          %parallel_loop3A_2030 = arith.extui %parallel_loop3A_2029 : i1 to i32
          %parallel_loop3A_2031 = arith.subi %parallel_loop3A_2027, %parallel_loop3A_2030 : i32
          %parallel_loop3A_2032 = arith.cmpi ne, %parallel_loop3A_2024, %parallel_loop3A_2031 : i32
          %parallel_loop3A_2033 = arith.remsi %parallel_loop3A_1952, %parallel_loop3A_2016 : i32
          %parallel_loop3A_2034 = arith.constant 0 : i32
          %parallel_loop3A_2035 = arith.cmpi ne, %parallel_loop3A_2033, %parallel_loop3A_2034 : i32
          %parallel_loop3A_2036 = arith.andi %parallel_loop3A_2032, %parallel_loop3A_2035 : i1
          %parallel_loop3A_2037 = arith.constant 1 : i32
          %parallel_loop3A_2038 = arith.subi %parallel_loop3A_2017, %parallel_loop3A_2037 : i32
          %parallel_loop3A_2039 = arith.select %parallel_loop3A_2036, %parallel_loop3A_2038, %parallel_loop3A_2017 : i32
          %parallel_loop3A_2040 = arith.constant 8 : i32
          %parallel_loop3A_2041 = arith.constant 0 : i32
          %parallel_loop3A_2042 = arith.cmpi eq, %parallel_loop3A_2040, %parallel_loop3A_2041 : i32
          %parallel_loop3A_2043 = arith.constant 1 : i32
          %parallel_loop3A_2044 = arith.select %parallel_loop3A_2042, %parallel_loop3A_2043, %parallel_loop3A_2040 : i32
          %parallel_loop3A_2045 = arith.remsi %parallel_loop3A_1952, %parallel_loop3A_2044 : i32
          %parallel_loop3A_2046 = arith.constant 0 : i32
          %parallel_loop3A_2047 = arith.cmpi ne, %parallel_loop3A_2045, %parallel_loop3A_2046 : i32
          %parallel_loop3A_2048 = arith.constant 0 : i32
          %parallel_loop3A_2049 = arith.cmpi slt, %parallel_loop3A_2045, %parallel_loop3A_2048 : i32
          %parallel_loop3A_2050 = arith.constant 0 : i32
          %parallel_loop3A_2051 = arith.cmpi slt, %parallel_loop3A_2044, %parallel_loop3A_2050 : i32
          %parallel_loop3A_2052 = arith.xori %parallel_loop3A_2049, %parallel_loop3A_2051 : i1
          %parallel_loop3A_2053 = arith.andi %parallel_loop3A_2052, %parallel_loop3A_2047 : i1
          %parallel_loop3A_2054 = arith.addi %parallel_loop3A_2045, %parallel_loop3A_2044 : i32
          %parallel_loop3A_2055 = arith.select %parallel_loop3A_2053, %parallel_loop3A_2054, %parallel_loop3A_2045 : i32
          %parallel_loop3A_2056 = arith.constant 16 : i32
          %parallel_loop3A_2057 = arith.muli %parallel_loop3A_2055, %parallel_loop3A_2056 : i32
          %parallel_loop3A_2058 = arith.constant 1 : i32
          %parallel_loop3A_2059 = arith.index_cast %scan3A_1949 : i32 to index
          %parallel_loop3A_2060 = arith.index_cast %parallel_loop3A_2039 : i32 to index
          %parallel_loop3A_2061 = arith.index_cast %parallel_loop3A_2058 : i32 to index
          %parallel_loop3A_2062 = arith.index_cast %parallel_loop3A_2057 : i32 to index
          %parallel_loop3A_2063 = tpu.vector_load %arg9[%parallel_loop3A_2059, %parallel_loop3A_2060, %parallel_loop3A_2061, %parallel_loop3A_2062] {strides = array<i32>} : memref<10x8x4x128xf32, #tpu.memory_space<vmem>>, vector<16xf32>,
          tpu.vector_store %arg9[%parallel_loop3A_2059, %parallel_loop3A_2060, %parallel_loop3A_2061, %parallel_loop3A_2062], %parallel_loop3A_2015 {strides = array<i32>} : memref<10x8x4x128xf32, #tpu.memory_space<vmem>>, vector<16xf32>,
          %parallel_loop3A_2064 = arith.constant 2002 : i32
          %parallel_loop3A_2065 = vector.broadcast %parallel_loop3A_2064 : i32 to vector<16xi32>
          %parallel_loop3A_2066 = arith.addi %parallel_loop3A_1959, %parallel_loop3A_2065 : vector<16xi32>
          %parallel_loop3A_2067 = tpu.vector_load_idx %arg8[%parallel_loop3A_2066] : memref<8016xf32, #tpu.memory_space<vmem>>[vector<16xi32>], vector<16xf32>,
          %parallel_loop3A_2068 = arith.constant 8 : i32
          %parallel_loop3A_2069 = arith.divsi %parallel_loop3A_1952, %parallel_loop3A_2068 : i32
          %parallel_loop3A_2070 = arith.constant 0 : i32
          %parallel_loop3A_2071 = arith.cmpi sgt, %parallel_loop3A_1952, %parallel_loop3A_2070 : i32
          %parallel_loop3A_2072 = arith.extui %parallel_loop3A_2071 : i1 to i32
          %parallel_loop3A_2073 = arith.constant 0 : i32
          %parallel_loop3A_2074 = arith.cmpi slt, %parallel_loop3A_1952, %parallel_loop3A_2073 : i32
          %parallel_loop3A_2075 = arith.extui %parallel_loop3A_2074 : i1 to i32
          %parallel_loop3A_2076 = arith.subi %parallel_loop3A_2072, %parallel_loop3A_2075 : i32
          %parallel_loop3A_2077 = arith.constant 0 : i32
          %parallel_loop3A_2078 = arith.cmpi sgt, %parallel_loop3A_2068, %parallel_loop3A_2077 : i32
          %parallel_loop3A_2079 = arith.extui %parallel_loop3A_2078 : i1 to i32
          %parallel_loop3A_2080 = arith.constant 0 : i32
          %parallel_loop3A_2081 = arith.cmpi slt, %parallel_loop3A_2068, %parallel_loop3A_2080 : i32
          %parallel_loop3A_2082 = arith.extui %parallel_loop3A_2081 : i1 to i32
          %parallel_loop3A_2083 = arith.subi %parallel_loop3A_2079, %parallel_loop3A_2082 : i32
          %parallel_loop3A_2084 = arith.cmpi ne, %parallel_loop3A_2076, %parallel_loop3A_2083 : i32
          %parallel_loop3A_2085 = arith.remsi %parallel_loop3A_1952, %parallel_loop3A_2068 : i32
          %parallel_loop3A_2086 = arith.constant 0 : i32
          %parallel_loop3A_2087 = arith.cmpi ne, %parallel_loop3A_2085, %parallel_loop3A_2086 : i32
          %parallel_loop3A_2088 = arith.andi %parallel_loop3A_2084, %parallel_loop3A_2087 : i1
          %parallel_loop3A_2089 = arith.constant 1 : i32
          %parallel_loop3A_2090 = arith.subi %parallel_loop3A_2069, %parallel_loop3A_2089 : i32
          %parallel_loop3A_2091 = arith.select %parallel_loop3A_2088, %parallel_loop3A_2090, %parallel_loop3A_2069 : i32
          %parallel_loop3A_2092 = arith.constant 8 : i32
          %parallel_loop3A_2093 = arith.constant 0 : i32
          %parallel_loop3A_2094 = arith.cmpi eq, %parallel_loop3A_2092, %parallel_loop3A_2093 : i32
          %parallel_loop3A_2095 = arith.constant 1 : i32
          %parallel_loop3A_2096 = arith.select %parallel_loop3A_2094, %parallel_loop3A_2095, %parallel_loop3A_2092 : i32
          %parallel_loop3A_2097 = arith.remsi %parallel_loop3A_1952, %parallel_loop3A_2096 : i32
          %parallel_loop3A_2098 = arith.constant 0 : i32
          %parallel_loop3A_2099 = arith.cmpi ne, %parallel_loop3A_2097, %parallel_loop3A_2098 : i32
          %parallel_loop3A_2100 = arith.constant 0 : i32
          %parallel_loop3A_2101 = arith.cmpi slt, %parallel_loop3A_2097, %parallel_loop3A_2100 : i32
          %parallel_loop3A_2102 = arith.constant 0 : i32
          %parallel_loop3A_2103 = arith.cmpi slt, %parallel_loop3A_2096, %parallel_loop3A_2102 : i32
          %parallel_loop3A_2104 = arith.xori %parallel_loop3A_2101, %parallel_loop3A_2103 : i1
          %parallel_loop3A_2105 = arith.andi %parallel_loop3A_2104, %parallel_loop3A_2099 : i1
          %parallel_loop3A_2106 = arith.addi %parallel_loop3A_2097, %parallel_loop3A_2096 : i32
          %parallel_loop3A_2107 = arith.select %parallel_loop3A_2105, %parallel_loop3A_2106, %parallel_loop3A_2097 : i32
          %parallel_loop3A_2108 = arith.constant 16 : i32
          %parallel_loop3A_2109 = arith.muli %parallel_loop3A_2107, %parallel_loop3A_2108 : i32
          %parallel_loop3A_2110 = arith.constant 2 : i32
          %parallel_loop3A_2111 = arith.index_cast %scan3A_1949 : i32 to index
          %parallel_loop3A_2112 = arith.index_cast %parallel_loop3A_2091 : i32 to index
          %parallel_loop3A_2113 = arith.index_cast %parallel_loop3A_2110 : i32 to index
          %parallel_loop3A_2114 = arith.index_cast %parallel_loop3A_2109 : i32 to index
          %parallel_loop3A_2115 = tpu.vector_load %arg9[%parallel_loop3A_2111, %parallel_loop3A_2112, %parallel_loop3A_2113, %parallel_loop3A_2114] {strides = array<i32>} : memref<10x8x4x128xf32, #tpu.memory_space<vmem>>, vector<16xf32>,
          tpu.vector_store %arg9[%parallel_loop3A_2111, %parallel_loop3A_2112, %parallel_loop3A_2113, %parallel_loop3A_2114], %parallel_loop3A_2067 {strides = array<i32>} : memref<10x8x4x128xf32, #tpu.memory_space<vmem>>, vector<16xf32>,
          %parallel_loop3A_2116 = arith.constant 3003 : i32
          %parallel_loop3A_2117 = vector.broadcast %parallel_loop3A_2116 : i32 to vector<16xi32>
          %parallel_loop3A_2118 = arith.addi %parallel_loop3A_1959, %parallel_loop3A_2117 : vector<16xi32>
          %parallel_loop3A_2119 = tpu.vector_load_idx %arg8[%parallel_loop3A_2118] : memref<8016xf32, #tpu.memory_space<vmem>>[vector<16xi32>], vector<16xf32>,
          %parallel_loop3A_2120 = arith.constant 8 : i32
          %parallel_loop3A_2121 = arith.divsi %parallel_loop3A_1952, %parallel_loop3A_2120 : i32
          %parallel_loop3A_2122 = arith.constant 0 : i32
          %parallel_loop3A_2123 = arith.cmpi sgt, %parallel_loop3A_1952, %parallel_loop3A_2122 : i32
          %parallel_loop3A_2124 = arith.extui %parallel_loop3A_2123 : i1 to i32
          %parallel_loop3A_2125 = arith.constant 0 : i32
          %parallel_loop3A_2126 = arith.cmpi slt, %parallel_loop3A_1952, %parallel_loop3A_2125 : i32
          %parallel_loop3A_2127 = arith.extui %parallel_loop3A_2126 : i1 to i32
          %parallel_loop3A_2128 = arith.subi %parallel_loop3A_2124, %parallel_loop3A_2127 : i32
          %parallel_loop3A_2129 = arith.constant 0 : i32
          %parallel_loop3A_2130 = arith.cmpi sgt, %parallel_loop3A_2120, %parallel_loop3A_2129 : i32
          %parallel_loop3A_2131 = arith.extui %parallel_loop3A_2130 : i1 to i32
          %parallel_loop3A_2132 = arith.constant 0 : i32
          %parallel_loop3A_2133 = arith.cmpi slt, %parallel_loop3A_2120, %parallel_loop3A_2132 : i32
          %parallel_loop3A_2134 = arith.extui %parallel_loop3A_2133 : i1 to i32
          %parallel_loop3A_2135 = arith.subi %parallel_loop3A_2131, %parallel_loop3A_2134 : i32
          %parallel_loop3A_2136 = arith.cmpi ne, %parallel_loop3A_2128, %parallel_loop3A_2135 : i32
          %parallel_loop3A_2137 = arith.remsi %parallel_loop3A_1952, %parallel_loop3A_2120 : i32
          %parallel_loop3A_2138 = arith.constant 0 : i32
          %parallel_loop3A_2139 = arith.cmpi ne, %parallel_loop3A_2137, %parallel_loop3A_2138 : i32
          %parallel_loop3A_2140 = arith.andi %parallel_loop3A_2136, %parallel_loop3A_2139 : i1
          %parallel_loop3A_2141 = arith.constant 1 : i32
          %parallel_loop3A_2142 = arith.subi %parallel_loop3A_2121, %parallel_loop3A_2141 : i32
          %parallel_loop3A_2143 = arith.select %parallel_loop3A_2140, %parallel_loop3A_2142, %parallel_loop3A_2121 : i32
          %parallel_loop3A_2144 = arith.constant 8 : i32
          %parallel_loop3A_2145 = arith.constant 0 : i32
          %parallel_loop3A_2146 = arith.cmpi eq, %parallel_loop3A_2144, %parallel_loop3A_2145 : i32
          %parallel_loop3A_2147 = arith.constant 1 : i32
          %parallel_loop3A_2148 = arith.select %parallel_loop3A_2146, %parallel_loop3A_2147, %parallel_loop3A_2144 : i32
          %parallel_loop3A_2149 = arith.remsi %parallel_loop3A_1952, %parallel_loop3A_2148 : i32
          %parallel_loop3A_2150 = arith.constant 0 : i32
          %parallel_loop3A_2151 = arith.cmpi ne, %parallel_loop3A_2149, %parallel_loop3A_2150 : i32
          %parallel_loop3A_2152 = arith.constant 0 : i32
          %parallel_loop3A_2153 = arith.cmpi slt, %parallel_loop3A_2149, %parallel_loop3A_2152 : i32
          %parallel_loop3A_2154 = arith.constant 0 : i32
          %parallel_loop3A_2155 = arith.cmpi slt, %parallel_loop3A_2148, %parallel_loop3A_2154 : i32
          %parallel_loop3A_2156 = arith.xori %parallel_loop3A_2153, %parallel_loop3A_2155 : i1
          %parallel_loop3A_2157 = arith.andi %parallel_loop3A_2156, %parallel_loop3A_2151 : i1
          %parallel_loop3A_2158 = arith.addi %parallel_loop3A_2149, %parallel_loop3A_2148 : i32
          %parallel_loop3A_2159 = arith.select %parallel_loop3A_2157, %parallel_loop3A_2158, %parallel_loop3A_2149 : i32
          %parallel_loop3A_2160 = arith.constant 16 : i32
          %parallel_loop3A_2161 = arith.muli %parallel_loop3A_2159, %parallel_loop3A_2160 : i32
          %parallel_loop3A_2162 = arith.constant 3 : i32
          %parallel_loop3A_2163 = arith.index_cast %scan3A_1949 : i32 to index
          %parallel_loop3A_2164 = arith.index_cast %parallel_loop3A_2143 : i32 to index
          %parallel_loop3A_2165 = arith.index_cast %parallel_loop3A_2162 : i32 to index
          %parallel_loop3A_2166 = arith.index_cast %parallel_loop3A_2161 : i32 to index
          %parallel_loop3A_2167 = tpu.vector_load %arg9[%parallel_loop3A_2163, %parallel_loop3A_2164, %parallel_loop3A_2165, %parallel_loop3A_2166] {strides = array<i32>} : memref<10x8x4x128xf32, #tpu.memory_space<vmem>>, vector<16xf32>,
          tpu.vector_store %arg9[%parallel_loop3A_2163, %parallel_loop3A_2164, %parallel_loop3A_2165, %parallel_loop3A_2166], %parallel_loop3A_2119 {strides = array<i32>} : memref<10x8x4x128xf32, #tpu.memory_space<vmem>>, vector<16xf32>,
        } {sc.loop_unroll_factor = 8 : i64, sc.parallel_access}
      }
      %scan3A_1179 = arith.constant 10 : i32
      %mul3A_1180 = arith.constant 32 : i32
      %mul3A_1181 = arith.muli %add3A_846, %mul3A_1180 : i32
      %add3A_1182 = arith.addi %add3A, %mul3A_1181 : i32
      %jit3A_1183 = arith.constant 16 : i32
      %div3A_1184 = arith.divsi %add3A_1182, %jit3A_1183 : i32
      %sign3A_1185 = arith.constant 0 : i32
      %sign3A_1186 = arith.cmpi sgt, %add3A_1182, %sign3A_1185 : i32
      %sign3A_1187 = arith.extui %sign3A_1186 : i1 to i32
      %sign3A_1188 = arith.constant 0 : i32
      %sign3A_1189 = arith.cmpi slt, %add3A_1182, %sign3A_1188 : i32
      %sign3A_1190 = arith.extui %sign3A_1189 : i1 to i32
      %sign3A_1191 = arith.subi %sign3A_1187, %sign3A_1190 : i32
      %sign3A_1192 = arith.constant 0 : i32
      %sign3A_1193 = arith.cmpi sgt, %jit3A_1183, %sign3A_1192 : i32
      %sign3A_1194 = arith.extui %sign3A_1193 : i1 to i32
      %sign3A_1195 = arith.constant 0 : i32
      %sign3A_1196 = arith.cmpi slt, %jit3A_1183, %sign3A_1195 : i32
      %sign3A_1197 = arith.extui %sign3A_1196 : i1 to i32
      %sign3A_1198 = arith.subi %sign3A_1194, %sign3A_1197 : i32
      %ne3A_1199 = arith.cmpi ne, %sign3A_1191, %sign3A_1198 : i32
      %rem3A_1200 = arith.remsi %add3A_1182, %jit3A_1183 : i32
      %ne3A_1201 = arith.constant 0 : i32
      %ne3A_1202 = arith.cmpi ne, %rem3A_1200, %ne3A_1201 : i32
      %and3A_1203 = arith.andi %ne3A_1199, %ne3A_1202 : i1
      %sub3A_1204 = arith.constant 1 : i32
      %sub3A_1205 = arith.subi %div3A_1184, %sub3A_1204 : i32
      %select_n3A_1206 = arith.select %and3A_1203, %sub3A_1205, %div3A_1184 : i32
      %mul3A_1207 = arith.constant 16 : i32
      %mul3A_1208 = arith.muli %select_n3A_1206, %mul3A_1207 : i32
      %sub3A_1209 = arith.subi %add3A_1182, %mul3A_1208 : i32
      %jit3A_1210 = arith.constant 2 : i32
      %div3A_1211 = arith.divsi %sub3A_1209, %jit3A_1210 : i32
      %sign3A_1212 = arith.constant 0 : i32
      %sign3A_1213 = arith.cmpi sgt, %sub3A_1209, %sign3A_1212 : i32
      %sign3A_1214 = arith.extui %sign3A_1213 : i1 to i32
      %sign3A_1215 = arith.constant 0 : i32
      %sign3A_1216 = arith.cmpi slt, %sub3A_1209, %sign3A_1215 : i32
      %sign3A_1217 = arith.extui %sign3A_1216 : i1 to i32
      %sign3A_1218 = arith.subi %sign3A_1214, %sign3A_1217 : i32
      %sign3A_1219 = arith.constant 0 : i32
      %sign3A_1220 = arith.cmpi sgt, %jit3A_1210, %sign3A_1219 : i32
      %sign3A_1221 = arith.extui %sign3A_1220 : i1 to i32
      %sign3A_1222 = arith.constant 0 : i32
      %sign3A_1223 = arith.cmpi slt, %jit3A_1210, %sign3A_1222 : i32
      %sign3A_1224 = arith.extui %sign3A_1223 : i1 to i32
      %sign3A_1225 = arith.subi %sign3A_1221, %sign3A_1224 : i32
      %ne3A_1226 = arith.cmpi ne, %sign3A_1218, %sign3A_1225 : i32
      %rem3A_1227 = arith.remsi %sub3A_1209, %jit3A_1210 : i32
      %ne3A_1228 = arith.constant 0 : i32
      %ne3A_1229 = arith.cmpi ne, %rem3A_1227, %ne3A_1228 : i32
      %and3A_1230 = arith.andi %ne3A_1226, %ne3A_1229 : i1
      %sub3A_1231 = arith.constant 1 : i32
      %sub3A_1232 = arith.subi %div3A_1211, %sub3A_1231 : i32
      %select_n3A_1233 = arith.select %and3A_1230, %sub3A_1232, %div3A_1211 : i32
      %mul3A_1234 = arith.constant 2 : i32
      %mul3A_1235 = arith.muli %select_n3A_1233, %mul3A_1234 : i32
      %sub3A_1236 = arith.subi %sub3A_1209, %mul3A_1235 : i32
      %mul3A_1237 = arith.constant 10 : i32
      %mul3A_1238 = arith.muli %sub3A_1236, %mul3A_1237 : i32
      %dma_start3A_1239 = arith.constant 0 : i32
      %dma_start3A_1240 = arith.constant 0 : i32
      %dma_start3A_1241 = arith.constant 0 : i32
      %dma_start3A_1242 = tpu.memref_slice %arg4[%mul3A_1238, %select_n3A_1206, %select_n3A_1233, %dma_start3A_1239, %dma_start3A_1240, %dma_start3A_1241] : memref<20x26x8x8x8x128xf32, #tpu.memory_space<hbm>> -> memref<10x1x1x8x4x128xf32, #tpu.memory_space<hbm>>
      %dma_start3A_1243 = tpu.memref_squeeze %dma_start3A_1242 : memref<10x1x1x8x4x128xf32, #tpu.memory_space<hbm>> -> memref<10x8x4x128xf32, #tpu.memory_space<hbm>>
      %dma_start3A_1244 = arith.constant 0 : i32
      %dma_start3A_1245 = arith.constant 0 : i32
      %dma_start3A_1246 = arith.constant 0 : i32
      %dma_start3A_1247 = tpu.memref_slice %arg4[%mul3A_1238, %select_n3A_1206, %select_n3A_1233, %dma_start3A_1244, %dma_start3A_1245, %dma_start3A_1246] : memref<20x26x8x8x8x128xf32, #tpu.memory_space<hbm>> -> memref<10x1x1x8x4x128xf32, #tpu.memory_space<hbm>>
      %dma_start3A_1248 = tpu.memref_squeeze %dma_start3A_1247 : memref<10x1x1x8x4x128xf32, #tpu.memory_space<hbm>> -> memref<10x8x4x128xf32, #tpu.memory_space<hbm>>
      tpu.enqueue_dma source(%arg9 : memref<10x8x4x128xf32, #tpu.memory_space<vmem>>) target(%dma_start3A_1248 : memref<10x8x4x128xf32, #tpu.memory_space<hbm>>) target_semaphore(%arg13 : memref<!tpu.dma_semaphore, #tpu.memory_space<semaphore_mem>>)
      %mul3A_1249 = arith.constant 32 : i32
      %mul3A_1250 = arith.muli %add3A_846, %mul3A_1249 : i32
      %add3A_1251 = arith.addi %add3A, %mul3A_1250 : i32
      %jit3A_1252 = arith.constant 16 : i32
      %div3A_1253 = arith.divsi %add3A_1251, %jit3A_1252 : i32
      %sign3A_1254 = arith.constant 0 : i32
      %sign3A_1255 = arith.cmpi sgt, %add3A_1251, %sign3A_1254 : i32
      %sign3A_1256 = arith.extui %sign3A_1255 : i1 to i32
      %sign3A_1257 = arith.constant 0 : i32
      %sign3A_1258 = arith.cmpi slt, %add3A_1251, %sign3A_1257 : i32
      %sign3A_1259 = arith.extui %sign3A_1258 : i1 to i32
      %sign3A_1260 = arith.subi %sign3A_1256, %sign3A_1259 : i32
      %sign3A_1261 = arith.constant 0 : i32
      %sign3A_1262 = arith.cmpi sgt, %jit3A_1252, %sign3A_1261 : i32
      %sign3A_1263 = arith.extui %sign3A_1262 : i1 to i32
      %sign3A_1264 = arith.constant 0 : i32
      %sign3A_1265 = arith.cmpi slt, %jit3A_1252, %sign3A_1264 : i32
      %sign3A_1266 = arith.extui %sign3A_1265 : i1 to i32
      %sign3A_1267 = arith.subi %sign3A_1263, %sign3A_1266 : i32
      %ne3A_1268 = arith.cmpi ne, %sign3A_1260, %sign3A_1267 : i32
      %rem3A_1269 = arith.remsi %add3A_1251, %jit3A_1252 : i32
      %ne3A_1270 = arith.constant 0 : i32
      %ne3A_1271 = arith.cmpi ne, %rem3A_1269, %ne3A_1270 : i32
      %and3A_1272 = arith.andi %ne3A_1268, %ne3A_1271 : i1
      %sub3A_1273 = arith.constant 1 : i32
      %sub3A_1274 = arith.subi %div3A_1253, %sub3A_1273 : i32
      %select_n3A_1275 = arith.select %and3A_1272, %sub3A_1274, %div3A_1253 : i32
      %mul3A_1276 = arith.constant 16 : i32
      %mul3A_1277 = arith.muli %select_n3A_1275, %mul3A_1276 : i32
      %sub3A_1278 = arith.subi %add3A_1251, %mul3A_1277 : i32
      %jit3A_1279 = arith.constant 2 : i32
      %div3A_1280 = arith.divsi %sub3A_1278, %jit3A_1279 : i32
      %sign3A_1281 = arith.constant 0 : i32
      %sign3A_1282 = arith.cmpi sgt, %sub3A_1278, %sign3A_1281 : i32
      %sign3A_1283 = arith.extui %sign3A_1282 : i1 to i32
      %sign3A_1284 = arith.constant 0 : i32
      %sign3A_1285 = arith.cmpi slt, %sub3A_1278, %sign3A_1284 : i32
      %sign3A_1286 = arith.extui %sign3A_1285 : i1 to i32
      %sign3A_1287 = arith.subi %sign3A_1283, %sign3A_1286 : i32
      %sign3A_1288 = arith.constant 0 : i32
      %sign3A_1289 = arith.cmpi sgt, %jit3A_1279, %sign3A_1288 : i32
      %sign3A_1290 = arith.extui %sign3A_1289 : i1 to i32
      %sign3A_1291 = arith.constant 0 : i32
      %sign3A_1292 = arith.cmpi slt, %jit3A_1279, %sign3A_1291 : i32
      %sign3A_1293 = arith.extui %sign3A_1292 : i1 to i32
      %sign3A_1294 = arith.subi %sign3A_1290, %sign3A_1293 : i32
      %ne3A_1295 = arith.cmpi ne, %sign3A_1287, %sign3A_1294 : i32
      %rem3A_1296 = arith.remsi %sub3A_1278, %jit3A_1279 : i32
      %ne3A_1297 = arith.constant 0 : i32
      %ne3A_1298 = arith.cmpi ne, %rem3A_1296, %ne3A_1297 : i32
      %and3A_1299 = arith.andi %ne3A_1295, %ne3A_1298 : i1
      %sub3A_1300 = arith.constant 1 : i32
      %sub3A_1301 = arith.subi %div3A_1280, %sub3A_1300 : i32
      %select_n3A_1302 = arith.select %and3A_1299, %sub3A_1301, %div3A_1280 : i32
      %mul3A_1303 = arith.constant 2 : i32
      %mul3A_1304 = arith.muli %select_n3A_1302, %mul3A_1303 : i32
      %sub3A_1305 = arith.subi %sub3A_1278, %mul3A_1304 : i32
      %mul3A_1306 = arith.constant 10 : i32
      %mul3A_1307 = arith.muli %sub3A_1305, %mul3A_1306 : i32
      %dma_wait3A_1308 = arith.constant 0 : i32
      %dma_wait3A_1309 = arith.constant 4 : i32
      %dma_wait3A_1310 = arith.constant 0 : i32
      %dma_wait3A_1311 = tpu.memref_slice %arg4[%mul3A_1307, %select_n3A_1275, %select_n3A_1302, %dma_wait3A_1308, %dma_wait3A_1309, %dma_wait3A_1310] : memref<20x26x8x8x8x128xf32, #tpu.memory_space<hbm>> -> memref<10x1x1x8x4x128xf32, #tpu.memory_space<hbm>>
      %dma_wait3A_1312 = tpu.memref_squeeze %dma_wait3A_1311 : memref<10x1x1x8x4x128xf32, #tpu.memory_space<hbm>> -> memref<10x8x4x128xf32, #tpu.memory_space<hbm>>
      %dma_wait3A_1313 = arith.constant 0 : i32
      %dma_wait3A_1314 = arith.constant 4 : i32
      %dma_wait3A_1315 = arith.constant 0 : i32
      %dma_wait3A_1316 = tpu.memref_slice %arg4[%mul3A_1307, %select_n3A_1275, %select_n3A_1302, %dma_wait3A_1313, %dma_wait3A_1314, %dma_wait3A_1315] : memref<20x26x8x8x8x128xf32, #tpu.memory_space<hbm>> -> memref<10x1x1x8x4x128xf32, #tpu.memory_space<hbm>>
      %dma_wait3A_1317 = tpu.memref_squeeze %dma_wait3A_1316 : memref<10x1x1x8x4x128xf32, #tpu.memory_space<hbm>> -> memref<10x8x4x128xf32, #tpu.memory_space<hbm>>
      tpu.wait_dma2 semaphore(%arg14 : memref<!tpu.dma_semaphore, #tpu.memory_space<semaphore_mem>>) src(%arg10 : memref<10x8x4x128xf32, #tpu.memory_space<vmem>>) dst(%dma_wait3A_1317 : memref<10x8x4x128xf32, #tpu.memory_space<hbm>>)
      %add3A_1318 = arith.constant 4004 : i32
      %add3A_1319 = arith.addi %sub3A_1102, %add3A_1318 : i32
      %scan3A_1320 = arith.constant 0 : i32
      %scan3A_1321 = arith.constant 0 : i32
      %scan3A_1322 = arith.constant 10 : i32
      %scan3A_1323 = arith.addi %scan3A_1321, %scan3A_1322 : i32
      %scan3A_1324 = arith.constant 1 : i32
      scf.for %scan3A_1949 = %scan3A_1321 to %scan3A_1323 step %scan3A_1324  : i32 {
        %parallel_loop3A = arith.constant 0 : i32
        %parallel_loop3A_1950 = arith.constant 64 : i32
        %parallel_loop3A_1951 = arith.constant 1 : i32
        scf.for %parallel_loop3A_1952 = %parallel_loop3A to %parallel_loop3A_1950 step %parallel_loop3A_1951  : i32 {
          %parallel_loop3A_1953 = arith.constant 16 : i32
          %parallel_loop3A_1954 = arith.muli %parallel_loop3A_1952, %parallel_loop3A_1953 : i32
          %parallel_loop3A_1955 = arith.index_cast %scan3A_1949 : i32 to index
          %parallel_loop3A_1956 = arith.index_cast %parallel_loop3A_1954 : i32 to index
          %parallel_loop3A_1957 = tpu.vector_load %arg6[%parallel_loop3A_1955, %parallel_loop3A_1956] {strides = array<i32>} : memref<10x1024xi32, #tpu.memory_space<vmem>>, vector<16xi32>,
          %parallel_loop3A_1958 = vector.broadcast %add3A_1319 : i32 to vector<16xi32>
          %parallel_loop3A_1959 = arith.addi %parallel_loop3A_1957, %parallel_loop3A_1958 : vector<16xi32>
          %parallel_loop3A_1960 = arith.constant 0 : i32
          %parallel_loop3A_1961 = vector.broadcast %parallel_loop3A_1960 : i32 to vector<16xi32>
          %parallel_loop3A_1962 = arith.addi %parallel_loop3A_1959, %parallel_loop3A_1961 : vector<16xi32>
          %parallel_loop3A_1963 = tpu.vector_load_idx %arg8[%parallel_loop3A_1962] : memref<8016xf32, #tpu.memory_space<vmem>>[vector<16xi32>], vector<16xf32>,
          %parallel_loop3A_1964 = arith.constant 8 : i32
          %parallel_loop3A_1965 = arith.divsi %parallel_loop3A_1952, %parallel_loop3A_1964 : i32
          %parallel_loop3A_1966 = arith.constant 0 : i32
          %parallel_loop3A_1967 = arith.cmpi sgt, %parallel_loop3A_1952, %parallel_loop3A_1966 : i32
          %parallel_loop3A_1968 = arith.extui %parallel_loop3A_1967 : i1 to i32
          %parallel_loop3A_1969 = arith.constant 0 : i32
          %parallel_loop3A_1970 = arith.cmpi slt, %parallel_loop3A_1952, %parallel_loop3A_1969 : i32
          %parallel_loop3A_1971 = arith.extui %parallel_loop3A_1970 : i1 to i32
          %parallel_loop3A_1972 = arith.subi %parallel_loop3A_1968, %parallel_loop3A_1971 : i32
          %parallel_loop3A_1973 = arith.constant 0 : i32
          %parallel_loop3A_1974 = arith.cmpi sgt, %parallel_loop3A_1964, %parallel_loop3A_1973 : i32
          %parallel_loop3A_1975 = arith.extui %parallel_loop3A_1974 : i1 to i32
          %parallel_loop3A_1976 = arith.constant 0 : i32
          %parallel_loop3A_1977 = arith.cmpi slt, %parallel_loop3A_1964, %parallel_loop3A_1976 : i32
          %parallel_loop3A_1978 = arith.extui %parallel_loop3A_1977 : i1 to i32
          %parallel_loop3A_1979 = arith.subi %parallel_loop3A_1975, %parallel_loop3A_1978 : i32
          %parallel_loop3A_1980 = arith.cmpi ne, %parallel_loop3A_1972, %parallel_loop3A_1979 : i32
          %parallel_loop3A_1981 = arith.remsi %parallel_loop3A_1952, %parallel_loop3A_1964 : i32
          %parallel_loop3A_1982 = arith.constant 0 : i32
          %parallel_loop3A_1983 = arith.cmpi ne, %parallel_loop3A_1981, %parallel_loop3A_1982 : i32
          %parallel_loop3A_1984 = arith.andi %parallel_loop3A_1980, %parallel_loop3A_1983 : i1
          %parallel_loop3A_1985 = arith.constant 1 : i32
          %parallel_loop3A_1986 = arith.subi %parallel_loop3A_1965, %parallel_loop3A_1985 : i32
          %parallel_loop3A_1987 = arith.select %parallel_loop3A_1984, %parallel_loop3A_1986, %parallel_loop3A_1965 : i32
          %parallel_loop3A_1988 = arith.constant 8 : i32
          %parallel_loop3A_1989 = arith.constant 0 : i32
          %parallel_loop3A_1990 = arith.cmpi eq, %parallel_loop3A_1988, %parallel_loop3A_1989 : i32
          %parallel_loop3A_1991 = arith.constant 1 : i32
          %parallel_loop3A_1992 = arith.select %parallel_loop3A_1990, %parallel_loop3A_1991, %parallel_loop3A_1988 : i32
          %parallel_loop3A_1993 = arith.remsi %parallel_loop3A_1952, %parallel_loop3A_1992 : i32
          %parallel_loop3A_1994 = arith.constant 0 : i32
          %parallel_loop3A_1995 = arith.cmpi ne, %parallel_loop3A_1993, %parallel_loop3A_1994 : i32
          %parallel_loop3A_1996 = arith.constant 0 : i32
          %parallel_loop3A_1997 = arith.cmpi slt, %parallel_loop3A_1993, %parallel_loop3A_1996 : i32
          %parallel_loop3A_1998 = arith.constant 0 : i32
          %parallel_loop3A_1999 = arith.cmpi slt, %parallel_loop3A_1992, %parallel_loop3A_1998 : i32
          %parallel_loop3A_2000 = arith.xori %parallel_loop3A_1997, %parallel_loop3A_1999 : i1
          %parallel_loop3A_2001 = arith.andi %parallel_loop3A_2000, %parallel_loop3A_1995 : i1
          %parallel_loop3A_2002 = arith.addi %parallel_loop3A_1993, %parallel_loop3A_1992 : i32
          %parallel_loop3A_2003 = arith.select %parallel_loop3A_2001, %parallel_loop3A_2002, %parallel_loop3A_1993 : i32
          %parallel_loop3A_2004 = arith.constant 16 : i32
          %parallel_loop3A_2005 = arith.muli %parallel_loop3A_2003, %parallel_loop3A_2004 : i32
          %parallel_loop3A_2006 = arith.constant 0 : i32
          %parallel_loop3A_2007 = arith.index_cast %scan3A_1949 : i32 to index
          %parallel_loop3A_2008 = arith.index_cast %parallel_loop3A_1987 : i32 to index
          %parallel_loop3A_2009 = arith.index_cast %parallel_loop3A_2006 : i32 to index
          %parallel_loop3A_2010 = arith.index_cast %parallel_loop3A_2005 : i32 to index
          %parallel_loop3A_2011 = tpu.vector_load %arg10[%parallel_loop3A_2007, %parallel_loop3A_2008, %parallel_loop3A_2009, %parallel_loop3A_2010] {strides = array<i32>} : memref<10x8x4x128xf32, #tpu.memory_space<vmem>>, vector<16xf32>,
          tpu.vector_store %arg10[%parallel_loop3A_2007, %parallel_loop3A_2008, %parallel_loop3A_2009, %parallel_loop3A_2010], %parallel_loop3A_1963 {strides = array<i32>} : memref<10x8x4x128xf32, #tpu.memory_space<vmem>>, vector<16xf32>,
          %parallel_loop3A_2012 = arith.constant 1001 : i32
          %parallel_loop3A_2013 = vector.broadcast %parallel_loop3A_2012 : i32 to vector<16xi32>
          %parallel_loop3A_2014 = arith.addi %parallel_loop3A_1959, %parallel_loop3A_2013 : vector<16xi32>
          %parallel_loop3A_2015 = tpu.vector_load_idx %arg8[%parallel_loop3A_2014] : memref<8016xf32, #tpu.memory_space<vmem>>[vector<16xi32>], vector<16xf32>,
          %parallel_loop3A_2016 = arith.constant 8 : i32
          %parallel_loop3A_2017 = arith.divsi %parallel_loop3A_1952, %parallel_loop3A_2016 : i32
          %parallel_loop3A_2018 = arith.constant 0 : i32
          %parallel_loop3A_2019 = arith.cmpi sgt, %parallel_loop3A_1952, %parallel_loop3A_2018 : i32
          %parallel_loop3A_2020 = arith.extui %parallel_loop3A_2019 : i1 to i32
          %parallel_loop3A_2021 = arith.constant 0 : i32
          %parallel_loop3A_2022 = arith.cmpi slt, %parallel_loop3A_1952, %parallel_loop3A_2021 : i32
          %parallel_loop3A_2023 = arith.extui %parallel_loop3A_2022 : i1 to i32
          %parallel_loop3A_2024 = arith.subi %parallel_loop3A_2020, %parallel_loop3A_2023 : i32
          %parallel_loop3A_2025 = arith.constant 0 : i32
          %parallel_loop3A_2026 = arith.cmpi sgt, %parallel_loop3A_2016, %parallel_loop3A_2025 : i32
          %parallel_loop3A_2027 = arith.extui %parallel_loop3A_2026 : i1 to i32
          %parallel_loop3A_2028 = arith.constant 0 : i32
          %parallel_loop3A_2029 = arith.cmpi slt, %parallel_loop3A_2016, %parallel_loop3A_2028 : i32
          %parallel_loop3A_2030 = arith.extui %parallel_loop3A_2029 : i1 to i32
          %parallel_loop3A_2031 = arith.subi %parallel_loop3A_2027, %parallel_loop3A_2030 : i32
          %parallel_loop3A_2032 = arith.cmpi ne, %parallel_loop3A_2024, %parallel_loop3A_2031 : i32
          %parallel_loop3A_2033 = arith.remsi %parallel_loop3A_1952, %parallel_loop3A_2016 : i32
          %parallel_loop3A_2034 = arith.constant 0 : i32
          %parallel_loop3A_2035 = arith.cmpi ne, %parallel_loop3A_2033, %parallel_loop3A_2034 : i32
          %parallel_loop3A_2036 = arith.andi %parallel_loop3A_2032, %parallel_loop3A_2035 : i1
          %parallel_loop3A_2037 = arith.constant 1 : i32
          %parallel_loop3A_2038 = arith.subi %parallel_loop3A_2017, %parallel_loop3A_2037 : i32
          %parallel_loop3A_2039 = arith.select %parallel_loop3A_2036, %parallel_loop3A_2038, %parallel_loop3A_2017 : i32
          %parallel_loop3A_2040 = arith.constant 8 : i32
          %parallel_loop3A_2041 = arith.constant 0 : i32
          %parallel_loop3A_2042 = arith.cmpi eq, %parallel_loop3A_2040, %parallel_loop3A_2041 : i32
          %parallel_loop3A_2043 = arith.constant 1 : i32
          %parallel_loop3A_2044 = arith.select %parallel_loop3A_2042, %parallel_loop3A_2043, %parallel_loop3A_2040 : i32
          %parallel_loop3A_2045 = arith.remsi %parallel_loop3A_1952, %parallel_loop3A_2044 : i32
          %parallel_loop3A_2046 = arith.constant 0 : i32
          %parallel_loop3A_2047 = arith.cmpi ne, %parallel_loop3A_2045, %parallel_loop3A_2046 : i32
          %parallel_loop3A_2048 = arith.constant 0 : i32
          %parallel_loop3A_2049 = arith.cmpi slt, %parallel_loop3A_2045, %parallel_loop3A_2048 : i32
          %parallel_loop3A_2050 = arith.constant 0 : i32
          %parallel_loop3A_2051 = arith.cmpi slt, %parallel_loop3A_2044, %parallel_loop3A_2050 : i32
          %parallel_loop3A_2052 = arith.xori %parallel_loop3A_2049, %parallel_loop3A_2051 : i1
          %parallel_loop3A_2053 = arith.andi %parallel_loop3A_2052, %parallel_loop3A_2047 : i1
          %parallel_loop3A_2054 = arith.addi %parallel_loop3A_2045, %parallel_loop3A_2044 : i32
          %parallel_loop3A_2055 = arith.select %parallel_loop3A_2053, %parallel_loop3A_2054, %parallel_loop3A_2045 : i32
          %parallel_loop3A_2056 = arith.constant 16 : i32
          %parallel_loop3A_2057 = arith.muli %parallel_loop3A_2055, %parallel_loop3A_2056 : i32
          %parallel_loop3A_2058 = arith.constant 1 : i32
          %parallel_loop3A_2059 = arith.index_cast %scan3A_1949 : i32 to index
          %parallel_loop3A_2060 = arith.index_cast %parallel_loop3A_2039 : i32 to index
          %parallel_loop3A_2061 = arith.index_cast %parallel_loop3A_2058 : i32 to index
          %parallel_loop3A_2062 = arith.index_cast %parallel_loop3A_2057 : i32 to index
          %parallel_loop3A_2063 = tpu.vector_load %arg10[%parallel_loop3A_2059, %parallel_loop3A_2060, %parallel_loop3A_2061, %parallel_loop3A_2062] {strides = array<i32>} : memref<10x8x4x128xf32, #tpu.memory_space<vmem>>, vector<16xf32>,
          tpu.vector_store %arg10[%parallel_loop3A_2059, %parallel_loop3A_2060, %parallel_loop3A_2061, %parallel_loop3A_2062], %parallel_loop3A_2015 {strides = array<i32>} : memref<10x8x4x128xf32, #tpu.memory_space<vmem>>, vector<16xf32>,
          %parallel_loop3A_2064 = arith.constant 2002 : i32
          %parallel_loop3A_2065 = vector.broadcast %parallel_loop3A_2064 : i32 to vector<16xi32>
          %parallel_loop3A_2066 = arith.addi %parallel_loop3A_1959, %parallel_loop3A_2065 : vector<16xi32>
          %parallel_loop3A_2067 = tpu.vector_load_idx %arg8[%parallel_loop3A_2066] : memref<8016xf32, #tpu.memory_space<vmem>>[vector<16xi32>], vector<16xf32>,
          %parallel_loop3A_2068 = arith.constant 8 : i32
          %parallel_loop3A_2069 = arith.divsi %parallel_loop3A_1952, %parallel_loop3A_2068 : i32
          %parallel_loop3A_2070 = arith.constant 0 : i32
          %parallel_loop3A_2071 = arith.cmpi sgt, %parallel_loop3A_1952, %parallel_loop3A_2070 : i32
          %parallel_loop3A_2072 = arith.extui %parallel_loop3A_2071 : i1 to i32
          %parallel_loop3A_2073 = arith.constant 0 : i32
          %parallel_loop3A_2074 = arith.cmpi slt, %parallel_loop3A_1952, %parallel_loop3A_2073 : i32
          %parallel_loop3A_2075 = arith.extui %parallel_loop3A_2074 : i1 to i32
          %parallel_loop3A_2076 = arith.subi %parallel_loop3A_2072, %parallel_loop3A_2075 : i32
          %parallel_loop3A_2077 = arith.constant 0 : i32
          %parallel_loop3A_2078 = arith.cmpi sgt, %parallel_loop3A_2068, %parallel_loop3A_2077 : i32
          %parallel_loop3A_2079 = arith.extui %parallel_loop3A_2078 : i1 to i32
          %parallel_loop3A_2080 = arith.constant 0 : i32
          %parallel_loop3A_2081 = arith.cmpi slt, %parallel_loop3A_2068, %parallel_loop3A_2080 : i32
          %parallel_loop3A_2082 = arith.extui %parallel_loop3A_2081 : i1 to i32
          %parallel_loop3A_2083 = arith.subi %parallel_loop3A_2079, %parallel_loop3A_2082 : i32
          %parallel_loop3A_2084 = arith.cmpi ne, %parallel_loop3A_2076, %parallel_loop3A_2083 : i32
          %parallel_loop3A_2085 = arith.remsi %parallel_loop3A_1952, %parallel_loop3A_2068 : i32
          %parallel_loop3A_2086 = arith.constant 0 : i32
          %parallel_loop3A_2087 = arith.cmpi ne, %parallel_loop3A_2085, %parallel_loop3A_2086 : i32
          %parallel_loop3A_2088 = arith.andi %parallel_loop3A_2084, %parallel_loop3A_2087 : i1
          %parallel_loop3A_2089 = arith.constant 1 : i32
          %parallel_loop3A_2090 = arith.subi %parallel_loop3A_2069, %parallel_loop3A_2089 : i32
          %parallel_loop3A_2091 = arith.select %parallel_loop3A_2088, %parallel_loop3A_2090, %parallel_loop3A_2069 : i32
          %parallel_loop3A_2092 = arith.constant 8 : i32
          %parallel_loop3A_2093 = arith.constant 0 : i32
          %parallel_loop3A_2094 = arith.cmpi eq, %parallel_loop3A_2092, %parallel_loop3A_2093 : i32
          %parallel_loop3A_2095 = arith.constant 1 : i32
          %parallel_loop3A_2096 = arith.select %parallel_loop3A_2094, %parallel_loop3A_2095, %parallel_loop3A_2092 : i32
          %parallel_loop3A_2097 = arith.remsi %parallel_loop3A_1952, %parallel_loop3A_2096 : i32
          %parallel_loop3A_2098 = arith.constant 0 : i32
          %parallel_loop3A_2099 = arith.cmpi ne, %parallel_loop3A_2097, %parallel_loop3A_2098 : i32
          %parallel_loop3A_2100 = arith.constant 0 : i32
          %parallel_loop3A_2101 = arith.cmpi slt, %parallel_loop3A_2097, %parallel_loop3A_2100 : i32
          %parallel_loop3A_2102 = arith.constant 0 : i32
          %parallel_loop3A_2103 = arith.cmpi slt, %parallel_loop3A_2096, %parallel_loop3A_2102 : i32
          %parallel_loop3A_2104 = arith.xori %parallel_loop3A_2101, %parallel_loop3A_2103 : i1
          %parallel_loop3A_2105 = arith.andi %parallel_loop3A_2104, %parallel_loop3A_2099 : i1
          %parallel_loop3A_2106 = arith.addi %parallel_loop3A_2097, %parallel_loop3A_2096 : i32
          %parallel_loop3A_2107 = arith.select %parallel_loop3A_2105, %parallel_loop3A_2106, %parallel_loop3A_2097 : i32
          %parallel_loop3A_2108 = arith.constant 16 : i32
          %parallel_loop3A_2109 = arith.muli %parallel_loop3A_2107, %parallel_loop3A_2108 : i32
          %parallel_loop3A_2110 = arith.constant 2 : i32
          %parallel_loop3A_2111 = arith.index_cast %scan3A_1949 : i32 to index
          %parallel_loop3A_2112 = arith.index_cast %parallel_loop3A_2091 : i32 to index
          %parallel_loop3A_2113 = arith.index_cast %parallel_loop3A_2110 : i32 to index
          %parallel_loop3A_2114 = arith.index_cast %parallel_loop3A_2109 : i32 to index
          %parallel_loop3A_2115 = tpu.vector_load %arg10[%parallel_loop3A_2111, %parallel_loop3A_2112, %parallel_loop3A_2113, %parallel_loop3A_2114] {strides = array<i32>} : memref<10x8x4x128xf32, #tpu.memory_space<vmem>>, vector<16xf32>,
          tpu.vector_store %arg10[%parallel_loop3A_2111, %parallel_loop3A_2112, %parallel_loop3A_2113, %parallel_loop3A_2114], %parallel_loop3A_2067 {strides = array<i32>} : memref<10x8x4x128xf32, #tpu.memory_space<vmem>>, vector<16xf32>,
          %parallel_loop3A_2116 = arith.constant 3003 : i32
          %parallel_loop3A_2117 = vector.broadcast %parallel_loop3A_2116 : i32 to vector<16xi32>
          %parallel_loop3A_2118 = arith.addi %parallel_loop3A_1959, %parallel_loop3A_2117 : vector<16xi32>
          %parallel_loop3A_2119 = tpu.vector_load_idx %arg8[%parallel_loop3A_2118] : memref<8016xf32, #tpu.memory_space<vmem>>[vector<16xi32>], vector<16xf32>,
          %parallel_loop3A_2120 = arith.constant 8 : i32
          %parallel_loop3A_2121 = arith.divsi %parallel_loop3A_1952, %parallel_loop3A_2120 : i32
          %parallel_loop3A_2122 = arith.constant 0 : i32
          %parallel_loop3A_2123 = arith.cmpi sgt, %parallel_loop3A_1952, %parallel_loop3A_2122 : i32
          %parallel_loop3A_2124 = arith.extui %parallel_loop3A_2123 : i1 to i32
          %parallel_loop3A_2125 = arith.constant 0 : i32
          %parallel_loop3A_2126 = arith.cmpi slt, %parallel_loop3A_1952, %parallel_loop3A_2125 : i32
          %parallel_loop3A_2127 = arith.extui %parallel_loop3A_2126 : i1 to i32
          %parallel_loop3A_2128 = arith.subi %parallel_loop3A_2124, %parallel_loop3A_2127 : i32
          %parallel_loop3A_2129 = arith.constant 0 : i32
          %parallel_loop3A_2130 = arith.cmpi sgt, %parallel_loop3A_2120, %parallel_loop3A_2129 : i32
          %parallel_loop3A_2131 = arith.extui %parallel_loop3A_2130 : i1 to i32
          %parallel_loop3A_2132 = arith.constant 0 : i32
          %parallel_loop3A_2133 = arith.cmpi slt, %parallel_loop3A_2120, %parallel_loop3A_2132 : i32
          %parallel_loop3A_2134 = arith.extui %parallel_loop3A_2133 : i1 to i32
          %parallel_loop3A_2135 = arith.subi %parallel_loop3A_2131, %parallel_loop3A_2134 : i32
          %parallel_loop3A_2136 = arith.cmpi ne, %parallel_loop3A_2128, %parallel_loop3A_2135 : i32
          %parallel_loop3A_2137 = arith.remsi %parallel_loop3A_1952, %parallel_loop3A_2120 : i32
          %parallel_loop3A_2138 = arith.constant 0 : i32
          %parallel_loop3A_2139 = arith.cmpi ne, %parallel_loop3A_2137, %parallel_loop3A_2138 : i32
          %parallel_loop3A_2140 = arith.andi %parallel_loop3A_2136, %parallel_loop3A_2139 : i1
          %parallel_loop3A_2141 = arith.constant 1 : i32
          %parallel_loop3A_2142 = arith.subi %parallel_loop3A_2121, %parallel_loop3A_2141 : i32
          %parallel_loop3A_2143 = arith.select %parallel_loop3A_2140, %parallel_loop3A_2142, %parallel_loop3A_2121 : i32
          %parallel_loop3A_2144 = arith.constant 8 : i32
          %parallel_loop3A_2145 = arith.constant 0 : i32
          %parallel_loop3A_2146 = arith.cmpi eq, %parallel_loop3A_2144, %parallel_loop3A_2145 : i32
          %parallel_loop3A_2147 = arith.constant 1 : i32
          %parallel_loop3A_2148 = arith.select %parallel_loop3A_2146, %parallel_loop3A_2147, %parallel_loop3A_2144 : i32
          %parallel_loop3A_2149 = arith.remsi %parallel_loop3A_1952, %parallel_loop3A_2148 : i32
          %parallel_loop3A_2150 = arith.constant 0 : i32
          %parallel_loop3A_2151 = arith.cmpi ne, %parallel_loop3A_2149, %parallel_loop3A_2150 : i32
          %parallel_loop3A_2152 = arith.constant 0 : i32
          %parallel_loop3A_2153 = arith.cmpi slt, %parallel_loop3A_2149, %parallel_loop3A_2152 : i32
          %parallel_loop3A_2154 = arith.constant 0 : i32
          %parallel_loop3A_2155 = arith.cmpi slt, %parallel_loop3A_2148, %parallel_loop3A_2154 : i32
          %parallel_loop3A_2156 = arith.xori %parallel_loop3A_2153, %parallel_loop3A_2155 : i1
          %parallel_loop3A_2157 = arith.andi %parallel_loop3A_2156, %parallel_loop3A_2151 : i1
          %parallel_loop3A_2158 = arith.addi %parallel_loop3A_2149, %parallel_loop3A_2148 : i32
          %parallel_loop3A_2159 = arith.select %parallel_loop3A_2157, %parallel_loop3A_2158, %parallel_loop3A_2149 : i32
          %parallel_loop3A_2160 = arith.constant 16 : i32
          %parallel_loop3A_2161 = arith.muli %parallel_loop3A_2159, %parallel_loop3A_2160 : i32
          %parallel_loop3A_2162 = arith.constant 3 : i32
          %parallel_loop3A_2163 = arith.index_cast %scan3A_1949 : i32 to index
          %parallel_loop3A_2164 = arith.index_cast %parallel_loop3A_2143 : i32 to index
          %parallel_loop3A_2165 = arith.index_cast %parallel_loop3A_2162 : i32 to index
          %parallel_loop3A_2166 = arith.index_cast %parallel_loop3A_2161 : i32 to index
          %parallel_loop3A_2167 = tpu.vector_load %arg10[%parallel_loop3A_2163, %parallel_loop3A_2164, %parallel_loop3A_2165, %parallel_loop3A_2166] {strides = array<i32>} : memref<10x8x4x128xf32, #tpu.memory_space<vmem>>, vector<16xf32>,
          tpu.vector_store %arg10[%parallel_loop3A_2163, %parallel_loop3A_2164, %parallel_loop3A_2165, %parallel_loop3A_2166], %parallel_loop3A_2119 {strides = array<i32>} : memref<10x8x4x128xf32, #tpu.memory_space<vmem>>, vector<16xf32>,
        } {sc.loop_unroll_factor = 8 : i64, sc.parallel_access}
      }
      %scan3A_1325 = arith.constant 10 : i32
      %mul3A_1326 = arith.constant 32 : i32
      %mul3A_1327 = arith.muli %add3A_846, %mul3A_1326 : i32
      %add3A_1328 = arith.addi %add3A, %mul3A_1327 : i32
      %jit3A_1329 = arith.constant 16 : i32
      %div3A_1330 = arith.divsi %add3A_1328, %jit3A_1329 : i32
      %sign3A_1331 = arith.constant 0 : i32
      %sign3A_1332 = arith.cmpi sgt, %add3A_1328, %sign3A_1331 : i32
      %sign3A_1333 = arith.extui %sign3A_1332 : i1 to i32
      %sign3A_1334 = arith.constant 0 : i32
      %sign3A_1335 = arith.cmpi slt, %add3A_1328, %sign3A_1334 : i32
      %sign3A_1336 = arith.extui %sign3A_1335 : i1 to i32
      %sign3A_1337 = arith.subi %sign3A_1333, %sign3A_1336 : i32
      %sign3A_1338 = arith.constant 0 : i32
      %sign3A_1339 = arith.cmpi sgt, %jit3A_1329, %sign3A_1338 : i32
      %sign3A_1340 = arith.extui %sign3A_1339 : i1 to i32
      %sign3A_1341 = arith.constant 0 : i32
      %sign3A_1342 = arith.cmpi slt, %jit3A_1329, %sign3A_1341 : i32
      %sign3A_1343 = arith.extui %sign3A_1342 : i1 to i32
      %sign3A_1344 = arith.subi %sign3A_1340, %sign3A_1343 : i32
      %ne3A_1345 = arith.cmpi ne, %sign3A_1337, %sign3A_1344 : i32
      %rem3A_1346 = arith.remsi %add3A_1328, %jit3A_1329 : i32
      %ne3A_1347 = arith.constant 0 : i32
      %ne3A_1348 = arith.cmpi ne, %rem3A_1346, %ne3A_1347 : i32
      %and3A_1349 = arith.andi %ne3A_1345, %ne3A_1348 : i1
      %sub3A_1350 = arith.constant 1 : i32
      %sub3A_1351 = arith.subi %div3A_1330, %sub3A_1350 : i32
      %select_n3A_1352 = arith.select %and3A_1349, %sub3A_1351, %div3A_1330 : i32
      %mul3A_1353 = arith.constant 16 : i32
      %mul3A_1354 = arith.muli %select_n3A_1352, %mul3A_1353 : i32
      %sub3A_1355 = arith.subi %add3A_1328, %mul3A_1354 : i32
      %jit3A_1356 = arith.constant 2 : i32
      %div3A_1357 = arith.divsi %sub3A_1355, %jit3A_1356 : i32
      %sign3A_1358 = arith.constant 0 : i32
      %sign3A_1359 = arith.cmpi sgt, %sub3A_1355, %sign3A_1358 : i32
      %sign3A_1360 = arith.extui %sign3A_1359 : i1 to i32
      %sign3A_1361 = arith.constant 0 : i32
      %sign3A_1362 = arith.cmpi slt, %sub3A_1355, %sign3A_1361 : i32
      %sign3A_1363 = arith.extui %sign3A_1362 : i1 to i32
      %sign3A_1364 = arith.subi %sign3A_1360, %sign3A_1363 : i32
      %sign3A_1365 = arith.constant 0 : i32
      %sign3A_1366 = arith.cmpi sgt, %jit3A_1356, %sign3A_1365 : i32
      %sign3A_1367 = arith.extui %sign3A_1366 : i1 to i32
      %sign3A_1368 = arith.constant 0 : i32
      %sign3A_1369 = arith.cmpi slt, %jit3A_1356, %sign3A_1368 : i32
      %sign3A_1370 = arith.extui %sign3A_1369 : i1 to i32
      %sign3A_1371 = arith.subi %sign3A_1367, %sign3A_1370 : i32
      %ne3A_1372 = arith.cmpi ne, %sign3A_1364, %sign3A_1371 : i32
      %rem3A_1373 = arith.remsi %sub3A_1355, %jit3A_1356 : i32
      %ne3A_1374 = arith.constant 0 : i32
      %ne3A_1375 = arith.cmpi ne, %rem3A_1373, %ne3A_1374 : i32
      %and3A_1376 = arith.andi %ne3A_1372, %ne3A_1375 : i1
      %sub3A_1377 = arith.constant 1 : i32
      %sub3A_1378 = arith.subi %div3A_1357, %sub3A_1377 : i32
      %select_n3A_1379 = arith.select %and3A_1376, %sub3A_1378, %div3A_1357 : i32
      %mul3A_1380 = arith.constant 2 : i32
      %mul3A_1381 = arith.muli %select_n3A_1379, %mul3A_1380 : i32
      %sub3A_1382 = arith.subi %sub3A_1355, %mul3A_1381 : i32
      %mul3A_1383 = arith.constant 10 : i32
      %mul3A_1384 = arith.muli %sub3A_1382, %mul3A_1383 : i32
      %dma_start3A_1385 = arith.constant 0 : i32
      %dma_start3A_1386 = arith.constant 4 : i32
      %dma_start3A_1387 = arith.constant 0 : i32
      %dma_start3A_1388 = tpu.memref_slice %arg4[%mul3A_1384, %select_n3A_1352, %select_n3A_1379, %dma_start3A_1385, %dma_start3A_1386, %dma_start3A_1387] : memref<20x26x8x8x8x128xf32, #tpu.memory_space<hbm>> -> memref<10x1x1x8x4x128xf32, #tpu.memory_space<hbm>>
      %dma_start3A_1389 = tpu.memref_squeeze %dma_start3A_1388 : memref<10x1x1x8x4x128xf32, #tpu.memory_space<hbm>> -> memref<10x8x4x128xf32, #tpu.memory_space<hbm>>
      %dma_start3A_1390 = arith.constant 0 : i32
      %dma_start3A_1391 = arith.constant 4 : i32
      %dma_start3A_1392 = arith.constant 0 : i32
      %dma_start3A_1393 = tpu.memref_slice %arg4[%mul3A_1384, %select_n3A_1352, %select_n3A_1379, %dma_start3A_1390, %dma_start3A_1391, %dma_start3A_1392] : memref<20x26x8x8x8x128xf32, #tpu.memory_space<hbm>> -> memref<10x1x1x8x4x128xf32, #tpu.memory_space<hbm>>
      %dma_start3A_1394 = tpu.memref_squeeze %dma_start3A_1393 : memref<10x1x1x8x4x128xf32, #tpu.memory_space<hbm>> -> memref<10x8x4x128xf32, #tpu.memory_space<hbm>>
      tpu.enqueue_dma source(%arg10 : memref<10x8x4x128xf32, #tpu.memory_space<vmem>>) target(%dma_start3A_1394 : memref<10x8x4x128xf32, #tpu.memory_space<hbm>>) target_semaphore(%arg14 : memref<!tpu.dma_semaphore, #tpu.memory_space<semaphore_mem>>)
      %mul3A_1395 = arith.constant 2 : i32
      %mul3A_1396 = arith.muli %mul3A_1395, %scan3A_842 : i32
      %add3A_1397 = arith.constant 2 : i32
      %add3A_1398 = arith.addi %mul3A_1396, %add3A_1397 : i32
      %mul3A_1399 = arith.constant 32 : i32
      %mul3A_1400 = arith.muli %add3A_1398, %mul3A_1399 : i32
      %add3A_1401 = arith.addi %add3A, %mul3A_1400 : i32
      %jit3A_1402 = arith.constant 16 : i32
      %div3A_1403 = arith.divsi %add3A_1401, %jit3A_1402 : i32
      %sign3A_1404 = arith.constant 0 : i32
      %sign3A_1405 = arith.cmpi sgt, %add3A_1401, %sign3A_1404 : i32
      %sign3A_1406 = arith.extui %sign3A_1405 : i1 to i32
      %sign3A_1407 = arith.constant 0 : i32
      %sign3A_1408 = arith.cmpi slt, %add3A_1401, %sign3A_1407 : i32
      %sign3A_1409 = arith.extui %sign3A_1408 : i1 to i32
      %sign3A_1410 = arith.subi %sign3A_1406, %sign3A_1409 : i32
      %sign3A_1411 = arith.constant 0 : i32
      %sign3A_1412 = arith.cmpi sgt, %jit3A_1402, %sign3A_1411 : i32
      %sign3A_1413 = arith.extui %sign3A_1412 : i1 to i32
      %sign3A_1414 = arith.constant 0 : i32
      %sign3A_1415 = arith.cmpi slt, %jit3A_1402, %sign3A_1414 : i32
      %sign3A_1416 = arith.extui %sign3A_1415 : i1 to i32
      %sign3A_1417 = arith.subi %sign3A_1413, %sign3A_1416 : i32
      %ne3A_1418 = arith.cmpi ne, %sign3A_1410, %sign3A_1417 : i32
      %rem3A_1419 = arith.remsi %add3A_1401, %jit3A_1402 : i32
      %ne3A_1420 = arith.constant 0 : i32
      %ne3A_1421 = arith.cmpi ne, %rem3A_1419, %ne3A_1420 : i32
      %and3A_1422 = arith.andi %ne3A_1418, %ne3A_1421 : i1
      %sub3A_1423 = arith.constant 1 : i32
      %sub3A_1424 = arith.subi %div3A_1403, %sub3A_1423 : i32
      %select_n3A_1425 = arith.select %and3A_1422, %sub3A_1424, %div3A_1403 : i32
      %mul3A_1426 = arith.constant 16 : i32
      %mul3A_1427 = arith.muli %select_n3A_1425, %mul3A_1426 : i32
      %sub3A_1428 = arith.subi %add3A_1401, %mul3A_1427 : i32
      %jit3A_1429 = arith.constant 2 : i32
      %div3A_1430 = arith.divsi %sub3A_1428, %jit3A_1429 : i32
      %sign3A_1431 = arith.constant 0 : i32
      %sign3A_1432 = arith.cmpi sgt, %sub3A_1428, %sign3A_1431 : i32
      %sign3A_1433 = arith.extui %sign3A_1432 : i1 to i32
      %sign3A_1434 = arith.constant 0 : i32
      %sign3A_1435 = arith.cmpi slt, %sub3A_1428, %sign3A_1434 : i32
      %sign3A_1436 = arith.extui %sign3A_1435 : i1 to i32
      %sign3A_1437 = arith.subi %sign3A_1433, %sign3A_1436 : i32
      %sign3A_1438 = arith.constant 0 : i32
      %sign3A_1439 = arith.cmpi sgt, %jit3A_1429, %sign3A_1438 : i32
      %sign3A_1440 = arith.extui %sign3A_1439 : i1 to i32
      %sign3A_1441 = arith.constant 0 : i32
      %sign3A_1442 = arith.cmpi slt, %jit3A_1429, %sign3A_1441 : i32
      %sign3A_1443 = arith.extui %sign3A_1442 : i1 to i32
      %sign3A_1444 = arith.subi %sign3A_1440, %sign3A_1443 : i32
      %ne3A_1445 = arith.cmpi ne, %sign3A_1437, %sign3A_1444 : i32
      %rem3A_1446 = arith.remsi %sub3A_1428, %jit3A_1429 : i32
      %ne3A_1447 = arith.constant 0 : i32
      %ne3A_1448 = arith.cmpi ne, %rem3A_1446, %ne3A_1447 : i32
      %and3A_1449 = arith.andi %ne3A_1445, %ne3A_1448 : i1
      %sub3A_1450 = arith.constant 1 : i32
      %sub3A_1451 = arith.subi %div3A_1430, %sub3A_1450 : i32
      %select_n3A_1452 = arith.select %and3A_1449, %sub3A_1451, %div3A_1430 : i32
      %mul3A_1453 = arith.constant 2 : i32
      %mul3A_1454 = arith.muli %select_n3A_1452, %mul3A_1453 : i32
      %sub3A_1455 = arith.subi %sub3A_1428, %mul3A_1454 : i32
      %mul3A_1456 = arith.constant 10 : i32
      %mul3A_1457 = arith.muli %sub3A_1455, %mul3A_1456 : i32
      %dma_wait3A_1458 = arith.constant 0 : i32
      %dma_wait3A_1459 = tpu.memref_slice %arg2[%select_n3A_1425, %mul3A_1457, %dma_wait3A_1458] : memref<26x20x1024xi32, #tpu.memory_space<hbm>> -> memref<1x10x1024xi32, #tpu.memory_space<hbm>>
      %dma_wait3A_1460 = tpu.memref_squeeze %dma_wait3A_1459 : memref<1x10x1024xi32, #tpu.memory_space<hbm>> -> memref<10x1024xi32, #tpu.memory_space<hbm>>
      %dma_wait3A_1461 = arith.constant 0 : i32
      %dma_wait3A_1462 = tpu.memref_slice %arg2[%select_n3A_1425, %mul3A_1457, %dma_wait3A_1461] : memref<26x20x1024xi32, #tpu.memory_space<hbm>> -> memref<1x10x1024xi32, #tpu.memory_space<hbm>>
      %dma_wait3A_1463 = tpu.memref_squeeze %dma_wait3A_1462 : memref<1x10x1024xi32, #tpu.memory_space<hbm>> -> memref<10x1024xi32, #tpu.memory_space<hbm>>
      tpu.wait_dma2 semaphore(%arg11 : memref<!tpu.dma_semaphore, #tpu.memory_space<semaphore_mem>>) src(%dma_wait3A_1463 : memref<10x1024xi32, #tpu.memory_space<hbm>>) dst(%arg5 : memref<10x1024xi32, #tpu.memory_space<vmem>>)
      %mul3A_1464 = arith.constant 32 : i32
      %mul3A_1465 = arith.muli %add3A_1398, %mul3A_1464 : i32
      %add3A_1466 = arith.addi %add3A, %mul3A_1465 : i32
      %jit3A_1467 = arith.constant 16 : i32
      %div3A_1468 = arith.divsi %add3A_1466, %jit3A_1467 : i32
      %sign3A_1469 = arith.constant 0 : i32
      %sign3A_1470 = arith.cmpi sgt, %add3A_1466, %sign3A_1469 : i32
      %sign3A_1471 = arith.extui %sign3A_1470 : i1 to i32
      %sign3A_1472 = arith.constant 0 : i32
      %sign3A_1473 = arith.cmpi slt, %add3A_1466, %sign3A_1472 : i32
      %sign3A_1474 = arith.extui %sign3A_1473 : i1 to i32
      %sign3A_1475 = arith.subi %sign3A_1471, %sign3A_1474 : i32
      %sign3A_1476 = arith.constant 0 : i32
      %sign3A_1477 = arith.cmpi sgt, %jit3A_1467, %sign3A_1476 : i32
      %sign3A_1478 = arith.extui %sign3A_1477 : i1 to i32
      %sign3A_1479 = arith.constant 0 : i32
      %sign3A_1480 = arith.cmpi slt, %jit3A_1467, %sign3A_1479 : i32
      %sign3A_1481 = arith.extui %sign3A_1480 : i1 to i32
      %sign3A_1482 = arith.subi %sign3A_1478, %sign3A_1481 : i32
      %ne3A_1483 = arith.cmpi ne, %sign3A_1475, %sign3A_1482 : i32
      %rem3A_1484 = arith.remsi %add3A_1466, %jit3A_1467 : i32
      %ne3A_1485 = arith.constant 0 : i32
      %ne3A_1486 = arith.cmpi ne, %rem3A_1484, %ne3A_1485 : i32
      %and3A_1487 = arith.andi %ne3A_1483, %ne3A_1486 : i1
      %sub3A_1488 = arith.constant 1 : i32
      %sub3A_1489 = arith.subi %div3A_1468, %sub3A_1488 : i32
      %select_n3A_1490 = arith.select %and3A_1487, %sub3A_1489, %div3A_1468 : i32
      %mul3A_1491 = arith.constant 16 : i32
      %mul3A_1492 = arith.muli %select_n3A_1490, %mul3A_1491 : i32
      %sub3A_1493 = arith.subi %add3A_1466, %mul3A_1492 : i32
      %jit3A_1494 = arith.constant 2 : i32
      %div3A_1495 = arith.divsi %sub3A_1493, %jit3A_1494 : i32
      %sign3A_1496 = arith.constant 0 : i32
      %sign3A_1497 = arith.cmpi sgt, %sub3A_1493, %sign3A_1496 : i32
      %sign3A_1498 = arith.extui %sign3A_1497 : i1 to i32
      %sign3A_1499 = arith.constant 0 : i32
      %sign3A_1500 = arith.cmpi slt, %sub3A_1493, %sign3A_1499 : i32
      %sign3A_1501 = arith.extui %sign3A_1500 : i1 to i32
      %sign3A_1502 = arith.subi %sign3A_1498, %sign3A_1501 : i32
      %sign3A_1503 = arith.constant 0 : i32
      %sign3A_1504 = arith.cmpi sgt, %jit3A_1494, %sign3A_1503 : i32
      %sign3A_1505 = arith.extui %sign3A_1504 : i1 to i32
      %sign3A_1506 = arith.constant 0 : i32
      %sign3A_1507 = arith.cmpi slt, %jit3A_1494, %sign3A_1506 : i32
      %sign3A_1508 = arith.extui %sign3A_1507 : i1 to i32
      %sign3A_1509 = arith.subi %sign3A_1505, %sign3A_1508 : i32
      %ne3A_1510 = arith.cmpi ne, %sign3A_1502, %sign3A_1509 : i32
      %rem3A_1511 = arith.remsi %sub3A_1493, %jit3A_1494 : i32
      %ne3A_1512 = arith.constant 0 : i32
      %ne3A_1513 = arith.cmpi ne, %rem3A_1511, %ne3A_1512 : i32
      %and3A_1514 = arith.andi %ne3A_1510, %ne3A_1513 : i1
      %sub3A_1515 = arith.constant 1 : i32
      %sub3A_1516 = arith.subi %div3A_1495, %sub3A_1515 : i32
      %select_n3A_1517 = arith.select %and3A_1514, %sub3A_1516, %div3A_1495 : i32
      %mul3A_1518 = arith.constant 2 : i32
      %mul3A_1519 = arith.muli %select_n3A_1517, %mul3A_1518 : i32
      %sub3A_1520 = arith.subi %sub3A_1493, %mul3A_1519 : i32
      %mul3A_1521 = arith.constant 10 : i32
      %mul3A_1522 = arith.muli %sub3A_1520, %mul3A_1521 : i32
      %mul3A_1523 = arith.constant 64 : i32
      %mul3A_1524 = arith.muli %select_n3A_1490, %mul3A_1523 : i32
      %mul3A_1525 = arith.constant 8 : i32
      %mul3A_1526 = arith.muli %select_n3A_1517, %mul3A_1525 : i32
      %add3A_1527 = arith.addi %mul3A_1524, %mul3A_1526 : i32
      %mul3A_1528 = arith.constant 1001 : i32
      %mul3A_1529 = arith.muli %add3A_1527, %mul3A_1528 : i32
      %jit3A_1530 = arith.constant 8 : i32
      %eq3A_1531 = arith.constant 0 : i32
      %eq3A_1532 = arith.cmpi eq, %jit3A_1530, %eq3A_1531 : i32
      %jit3A_1533 = arith.constant 1 : i32
      %select_n3A_1534 = arith.select %eq3A_1532, %jit3A_1533, %jit3A_1530 : i32
      %rem3A_1535 = arith.remsi %mul3A_1529, %select_n3A_1534 : i32
      %ne3A_1536 = arith.constant 0 : i32
      %ne3A_1537 = arith.cmpi ne, %rem3A_1535, %ne3A_1536 : i32
      %lt3A_1538 = arith.constant 0 : i32
      %lt3A_1539 = arith.cmpi slt, %rem3A_1535, %lt3A_1538 : i32
      %lt3A_1540 = arith.constant 0 : i32
      %lt3A_1541 = arith.cmpi slt, %select_n3A_1534, %lt3A_1540 : i32
      %ne3A_1542 = arith.xori %lt3A_1539, %lt3A_1541 : i1
      %and3A_1543 = arith.andi %ne3A_1542, %ne3A_1537 : i1
      %add3A_1544 = arith.addi %rem3A_1535, %select_n3A_1534 : i32
      %select_n3A_1545 = arith.select %and3A_1543, %add3A_1544, %rem3A_1535 : i32
      %sub3A_1546 = arith.subi %mul3A_1529, %select_n3A_1545 : i32
      %add3A_1547 = arith.constant 8016 : i32
      %add3A_1548 = arith.addi %sub3A_1546, %add3A_1547 : i32
      %gt3A_1549 = arith.constant 1665664 : i32
      %gt3A_1550 = arith.cmpi sgt, %add3A_1548, %gt3A_1549 : i32
      %sub3A_1551 = arith.constant 8 : i32
      %sub3A_1552 = arith.subi %sub3A_1546, %sub3A_1551 : i32
      %select_n3A_1553 = arith.select %gt3A_1550, %sub3A_1552, %sub3A_1546 : i32
      %multiple_of3A_1554 = tpu.assume_multiple %select_n3A_1553, 8 : i32
      %sub3A_1555 = arith.subi %mul3A_1529, %select_n3A_1553 : i32
      %dma_wait3A_1556 = tpu.memref_slice %arg3[%multiple_of3A_1554] : memref<1665664xf32, #tpu.memory_space<hbm>> -> memref<8016xf32, #tpu.memory_space<hbm>>
      %dma_wait3A_1557 = tpu.memref_slice %arg3[%multiple_of3A_1554] : memref<1665664xf32, #tpu.memory_space<hbm>> -> memref<8016xf32, #tpu.memory_space<hbm>>
      tpu.wait_dma2 semaphore(%arg12 : memref<!tpu.dma_semaphore, #tpu.memory_space<semaphore_mem>>) src(%dma_wait3A_1557 : memref<8016xf32, #tpu.memory_space<hbm>>) dst(%arg7 : memref<8016xf32, #tpu.memory_space<vmem>>)
      %add3A_1558 = arith.constant 1 : i32
      %add3A_1559 = arith.addi %add3A_1398, %add3A_1558 : i32
      %lt3A_1560 = arith.constant 13 : i32
      %lt3A_1561 = arith.cmpi slt, %add3A_1559, %lt3A_1560 : i32
      %convert_element_type3A_1562 = arith.extui %lt3A_1561 : i1 to i32
      %cond3A_1563 = arith.constant 0 : i32
      %cond3A_1564 = arith.cmpi ne, %convert_element_type3A_1562, %cond3A_1563 : i32
      scf.if %cond3A_1564 {
        %add3A_1949 = arith.constant 1 : i32
        %add3A_1950 = arith.addi %add3A_1398, %add3A_1949 : i32
        %mul3A_1951 = arith.constant 32 : i32
        %mul3A_1952 = arith.muli %add3A_1950, %mul3A_1951 : i32
        %add3A_1953 = arith.addi %add3A, %mul3A_1952 : i32
        %jit3A_1954 = arith.constant 16 : i32
        %div3A_1955 = arith.divsi %add3A_1953, %jit3A_1954 : i32
        %sign3A_1956 = arith.constant 0 : i32
        %sign3A_1957 = arith.cmpi sgt, %add3A_1953, %sign3A_1956 : i32
        %sign3A_1958 = arith.extui %sign3A_1957 : i1 to i32
        %sign3A_1959 = arith.constant 0 : i32
        %sign3A_1960 = arith.cmpi slt, %add3A_1953, %sign3A_1959 : i32
        %sign3A_1961 = arith.extui %sign3A_1960 : i1 to i32
        %sign3A_1962 = arith.subi %sign3A_1958, %sign3A_1961 : i32
        %sign3A_1963 = arith.constant 0 : i32
        %sign3A_1964 = arith.cmpi sgt, %jit3A_1954, %sign3A_1963 : i32
        %sign3A_1965 = arith.extui %sign3A_1964 : i1 to i32
        %sign3A_1966 = arith.constant 0 : i32
        %sign3A_1967 = arith.cmpi slt, %jit3A_1954, %sign3A_1966 : i32
        %sign3A_1968 = arith.extui %sign3A_1967 : i1 to i32
        %sign3A_1969 = arith.subi %sign3A_1965, %sign3A_1968 : i32
        %ne3A_1970 = arith.cmpi ne, %sign3A_1962, %sign3A_1969 : i32
        %rem3A_1971 = arith.remsi %add3A_1953, %jit3A_1954 : i32
        %ne3A_1972 = arith.constant 0 : i32
        %ne3A_1973 = arith.cmpi ne, %rem3A_1971, %ne3A_1972 : i32
        %and3A_1974 = arith.andi %ne3A_1970, %ne3A_1973 : i1
        %sub3A_1975 = arith.constant 1 : i32
        %sub3A_1976 = arith.subi %div3A_1955, %sub3A_1975 : i32
        %select_n3A_1977 = arith.select %and3A_1974, %sub3A_1976, %div3A_1955 : i32
        %mul3A_1978 = arith.constant 16 : i32
        %mul3A_1979 = arith.muli %select_n3A_1977, %mul3A_1978 : i32
        %sub3A_1980 = arith.subi %add3A_1953, %mul3A_1979 : i32
        %jit3A_1981 = arith.constant 2 : i32
        %div3A_1982 = arith.divsi %sub3A_1980, %jit3A_1981 : i32
        %sign3A_1983 = arith.constant 0 : i32
        %sign3A_1984 = arith.cmpi sgt, %sub3A_1980, %sign3A_1983 : i32
        %sign3A_1985 = arith.extui %sign3A_1984 : i1 to i32
        %sign3A_1986 = arith.constant 0 : i32
        %sign3A_1987 = arith.cmpi slt, %sub3A_1980, %sign3A_1986 : i32
        %sign3A_1988 = arith.extui %sign3A_1987 : i1 to i32
        %sign3A_1989 = arith.subi %sign3A_1985, %sign3A_1988 : i32
        %sign3A_1990 = arith.constant 0 : i32
        %sign3A_1991 = arith.cmpi sgt, %jit3A_1981, %sign3A_1990 : i32
        %sign3A_1992 = arith.extui %sign3A_1991 : i1 to i32
        %sign3A_1993 = arith.constant 0 : i32
        %sign3A_1994 = arith.cmpi slt, %jit3A_1981, %sign3A_1993 : i32
        %sign3A_1995 = arith.extui %sign3A_1994 : i1 to i32
        %sign3A_1996 = arith.subi %sign3A_1992, %sign3A_1995 : i32
        %ne3A_1997 = arith.cmpi ne, %sign3A_1989, %sign3A_1996 : i32
        %rem3A_1998 = arith.remsi %sub3A_1980, %jit3A_1981 : i32
        %ne3A_1999 = arith.constant 0 : i32
        %ne3A_2000 = arith.cmpi ne, %rem3A_1998, %ne3A_1999 : i32
        %and3A_2001 = arith.andi %ne3A_1997, %ne3A_2000 : i1
        %sub3A_2002 = arith.constant 1 : i32
        %sub3A_2003 = arith.subi %div3A_1982, %sub3A_2002 : i32
        %select_n3A_2004 = arith.select %and3A_2001, %sub3A_2003, %div3A_1982 : i32
        %mul3A_2005 = arith.constant 2 : i32
        %mul3A_2006 = arith.muli %select_n3A_2004, %mul3A_2005 : i32
        %sub3A_2007 = arith.subi %sub3A_1980, %mul3A_2006 : i32
        %mul3A_2008 = arith.constant 10 : i32
        %mul3A_2009 = arith.muli %sub3A_2007, %mul3A_2008 : i32
        %dma_start3A_2010 = arith.constant 0 : i32
        %dma_start3A_2011 = tpu.memref_slice %arg2[%select_n3A_1977, %mul3A_2009, %dma_start3A_2010] : memref<26x20x1024xi32, #tpu.memory_space<hbm>> -> memref<1x10x1024xi32, #tpu.memory_space<hbm>>
        %dma_start3A_2012 = tpu.memref_squeeze %dma_start3A_2011 : memref<1x10x1024xi32, #tpu.memory_space<hbm>> -> memref<10x1024xi32, #tpu.memory_space<hbm>>
        %dma_start3A_2013 = arith.constant 0 : i32
        %dma_start3A_2014 = tpu.memref_slice %arg2[%select_n3A_1977, %mul3A_2009, %dma_start3A_2013] : memref<26x20x1024xi32, #tpu.memory_space<hbm>> -> memref<1x10x1024xi32, #tpu.memory_space<hbm>>
        %dma_start3A_2015 = tpu.memref_squeeze %dma_start3A_2014 : memref<1x10x1024xi32, #tpu.memory_space<hbm>> -> memref<10x1024xi32, #tpu.memory_space<hbm>>
        tpu.enqueue_dma source(%dma_start3A_2015 : memref<10x1024xi32, #tpu.memory_space<hbm>>) target(%arg6 : memref<10x1024xi32, #tpu.memory_space<vmem>>) target_semaphore(%arg11 : memref<!tpu.dma_semaphore, #tpu.memory_space<semaphore_mem>>)
        %add3A_2016 = arith.constant 1 : i32
        %add3A_2017 = arith.addi %add3A_1398, %add3A_2016 : i32
        %mul3A_2018 = arith.constant 32 : i32
        %mul3A_2019 = arith.muli %add3A_2017, %mul3A_2018 : i32
        %add3A_2020 = arith.addi %add3A, %mul3A_2019 : i32
        %jit3A_2021 = arith.constant 16 : i32
        %div3A_2022 = arith.divsi %add3A_2020, %jit3A_2021 : i32
        %sign3A_2023 = arith.constant 0 : i32
        %sign3A_2024 = arith.cmpi sgt, %add3A_2020, %sign3A_2023 : i32
        %sign3A_2025 = arith.extui %sign3A_2024 : i1 to i32
        %sign3A_2026 = arith.constant 0 : i32
        %sign3A_2027 = arith.cmpi slt, %add3A_2020, %sign3A_2026 : i32
        %sign3A_2028 = arith.extui %sign3A_2027 : i1 to i32
        %sign3A_2029 = arith.subi %sign3A_2025, %sign3A_2028 : i32
        %sign3A_2030 = arith.constant 0 : i32
        %sign3A_2031 = arith.cmpi sgt, %jit3A_2021, %sign3A_2030 : i32
        %sign3A_2032 = arith.extui %sign3A_2031 : i1 to i32
        %sign3A_2033 = arith.constant 0 : i32
        %sign3A_2034 = arith.cmpi slt, %jit3A_2021, %sign3A_2033 : i32
        %sign3A_2035 = arith.extui %sign3A_2034 : i1 to i32
        %sign3A_2036 = arith.subi %sign3A_2032, %sign3A_2035 : i32
        %ne3A_2037 = arith.cmpi ne, %sign3A_2029, %sign3A_2036 : i32
        %rem3A_2038 = arith.remsi %add3A_2020, %jit3A_2021 : i32
        %ne3A_2039 = arith.constant 0 : i32
        %ne3A_2040 = arith.cmpi ne, %rem3A_2038, %ne3A_2039 : i32
        %and3A_2041 = arith.andi %ne3A_2037, %ne3A_2040 : i1
        %sub3A_2042 = arith.constant 1 : i32
        %sub3A_2043 = arith.subi %div3A_2022, %sub3A_2042 : i32
        %select_n3A_2044 = arith.select %and3A_2041, %sub3A_2043, %div3A_2022 : i32
        %mul3A_2045 = arith.constant 16 : i32
        %mul3A_2046 = arith.muli %select_n3A_2044, %mul3A_2045 : i32
        %sub3A_2047 = arith.subi %add3A_2020, %mul3A_2046 : i32
        %jit3A_2048 = arith.constant 2 : i32
        %div3A_2049 = arith.divsi %sub3A_2047, %jit3A_2048 : i32
        %sign3A_2050 = arith.constant 0 : i32
        %sign3A_2051 = arith.cmpi sgt, %sub3A_2047, %sign3A_2050 : i32
        %sign3A_2052 = arith.extui %sign3A_2051 : i1 to i32
        %sign3A_2053 = arith.constant 0 : i32
        %sign3A_2054 = arith.cmpi slt, %sub3A_2047, %sign3A_2053 : i32
        %sign3A_2055 = arith.extui %sign3A_2054 : i1 to i32
        %sign3A_2056 = arith.subi %sign3A_2052, %sign3A_2055 : i32
        %sign3A_2057 = arith.constant 0 : i32
        %sign3A_2058 = arith.cmpi sgt, %jit3A_2048, %sign3A_2057 : i32
        %sign3A_2059 = arith.extui %sign3A_2058 : i1 to i32
        %sign3A_2060 = arith.constant 0 : i32
        %sign3A_2061 = arith.cmpi slt, %jit3A_2048, %sign3A_2060 : i32
        %sign3A_2062 = arith.extui %sign3A_2061 : i1 to i32
        %sign3A_2063 = arith.subi %sign3A_2059, %sign3A_2062 : i32
        %ne3A_2064 = arith.cmpi ne, %sign3A_2056, %sign3A_2063 : i32
        %rem3A_2065 = arith.remsi %sub3A_2047, %jit3A_2048 : i32
        %ne3A_2066 = arith.constant 0 : i32
        %ne3A_2067 = arith.cmpi ne, %rem3A_2065, %ne3A_2066 : i32
        %and3A_2068 = arith.andi %ne3A_2064, %ne3A_2067 : i1
        %sub3A_2069 = arith.constant 1 : i32
        %sub3A_2070 = arith.subi %div3A_2049, %sub3A_2069 : i32
        %select_n3A_2071 = arith.select %and3A_2068, %sub3A_2070, %div3A_2049 : i32
        %mul3A_2072 = arith.constant 2 : i32
        %mul3A_2073 = arith.muli %select_n3A_2071, %mul3A_2072 : i32
        %sub3A_2074 = arith.subi %sub3A_2047, %mul3A_2073 : i32
        %mul3A_2075 = arith.constant 10 : i32
        %mul3A_2076 = arith.muli %sub3A_2074, %mul3A_2075 : i32
        %mul3A_2077 = arith.constant 64 : i32
        %mul3A_2078 = arith.muli %select_n3A_2044, %mul3A_2077 : i32
        %mul3A_2079 = arith.constant 8 : i32
        %mul3A_2080 = arith.muli %select_n3A_2071, %mul3A_2079 : i32
        %add3A_2081 = arith.addi %mul3A_2078, %mul3A_2080 : i32
        %mul3A_2082 = arith.constant 1001 : i32
        %mul3A_2083 = arith.muli %add3A_2081, %mul3A_2082 : i32
        %jit3A_2084 = arith.constant 8 : i32
        %eq3A_2085 = arith.constant 0 : i32
        %eq3A_2086 = arith.cmpi eq, %jit3A_2084, %eq3A_2085 : i32
        %jit3A_2087 = arith.constant 1 : i32
        %select_n3A_2088 = arith.select %eq3A_2086, %jit3A_2087, %jit3A_2084 : i32
        %rem3A_2089 = arith.remsi %mul3A_2083, %select_n3A_2088 : i32
        %ne3A_2090 = arith.constant 0 : i32
        %ne3A_2091 = arith.cmpi ne, %rem3A_2089, %ne3A_2090 : i32
        %lt3A_2092 = arith.constant 0 : i32
        %lt3A_2093 = arith.cmpi slt, %rem3A_2089, %lt3A_2092 : i32
        %lt3A_2094 = arith.constant 0 : i32
        %lt3A_2095 = arith.cmpi slt, %select_n3A_2088, %lt3A_2094 : i32
        %ne3A_2096 = arith.xori %lt3A_2093, %lt3A_2095 : i1
        %and3A_2097 = arith.andi %ne3A_2096, %ne3A_2091 : i1
        %add3A_2098 = arith.addi %rem3A_2089, %select_n3A_2088 : i32
        %select_n3A_2099 = arith.select %and3A_2097, %add3A_2098, %rem3A_2089 : i32
        %sub3A_2100 = arith.subi %mul3A_2083, %select_n3A_2099 : i32
        %add3A_2101 = arith.constant 8016 : i32
        %add3A_2102 = arith.addi %sub3A_2100, %add3A_2101 : i32
        %gt3A_2103 = arith.constant 1665664 : i32
        %gt3A_2104 = arith.cmpi sgt, %add3A_2102, %gt3A_2103 : i32
        %sub3A_2105 = arith.constant 8 : i32
        %sub3A_2106 = arith.subi %sub3A_2100, %sub3A_2105 : i32
        %select_n3A_2107 = arith.select %gt3A_2104, %sub3A_2106, %sub3A_2100 : i32
        %multiple_of3A_2108 = tpu.assume_multiple %select_n3A_2107, 8 : i32
        %sub3A_2109 = arith.subi %mul3A_2083, %select_n3A_2107 : i32
        %dma_start3A_2110 = tpu.memref_slice %arg3[%multiple_of3A_2108] : memref<1665664xf32, #tpu.memory_space<hbm>> -> memref<8016xf32, #tpu.memory_space<hbm>>
        %dma_start3A_2111 = tpu.memref_slice %arg3[%multiple_of3A_2108] : memref<1665664xf32, #tpu.memory_space<hbm>> -> memref<8016xf32, #tpu.memory_space<hbm>>
        tpu.enqueue_dma source(%dma_start3A_2111 : memref<8016xf32, #tpu.memory_space<hbm>>) target(%arg8 : memref<8016xf32, #tpu.memory_space<vmem>>) target_semaphore(%arg12 : memref<!tpu.dma_semaphore, #tpu.memory_space<semaphore_mem>>)
      } else {
      }
      %mul3A_1565 = arith.constant 32 : i32
      %mul3A_1566 = arith.muli %add3A_1398, %mul3A_1565 : i32
      %add3A_1567 = arith.addi %add3A, %mul3A_1566 : i32
      %jit3A_1568 = arith.constant 16 : i32
      %div3A_1569 = arith.divsi %add3A_1567, %jit3A_1568 : i32
      %sign3A_1570 = arith.constant 0 : i32
      %sign3A_1571 = arith.cmpi sgt, %add3A_1567, %sign3A_1570 : i32
      %sign3A_1572 = arith.extui %sign3A_1571 : i1 to i32
      %sign3A_1573 = arith.constant 0 : i32
      %sign3A_1574 = arith.cmpi slt, %add3A_1567, %sign3A_1573 : i32
      %sign3A_1575 = arith.extui %sign3A_1574 : i1 to i32
      %sign3A_1576 = arith.subi %sign3A_1572, %sign3A_1575 : i32
      %sign3A_1577 = arith.constant 0 : i32
      %sign3A_1578 = arith.cmpi sgt, %jit3A_1568, %sign3A_1577 : i32
      %sign3A_1579 = arith.extui %sign3A_1578 : i1 to i32
      %sign3A_1580 = arith.constant 0 : i32
      %sign3A_1581 = arith.cmpi slt, %jit3A_1568, %sign3A_1580 : i32
      %sign3A_1582 = arith.extui %sign3A_1581 : i1 to i32
      %sign3A_1583 = arith.subi %sign3A_1579, %sign3A_1582 : i32
      %ne3A_1584 = arith.cmpi ne, %sign3A_1576, %sign3A_1583 : i32
      %rem3A_1585 = arith.remsi %add3A_1567, %jit3A_1568 : i32
      %ne3A_1586 = arith.constant 0 : i32
      %ne3A_1587 = arith.cmpi ne, %rem3A_1585, %ne3A_1586 : i32
      %and3A_1588 = arith.andi %ne3A_1584, %ne3A_1587 : i1
      %sub3A_1589 = arith.constant 1 : i32
      %sub3A_1590 = arith.subi %div3A_1569, %sub3A_1589 : i32
      %select_n3A_1591 = arith.select %and3A_1588, %sub3A_1590, %div3A_1569 : i32
      %mul3A_1592 = arith.constant 16 : i32
      %mul3A_1593 = arith.muli %select_n3A_1591, %mul3A_1592 : i32
      %sub3A_1594 = arith.subi %add3A_1567, %mul3A_1593 : i32
      %jit3A_1595 = arith.constant 2 : i32
      %div3A_1596 = arith.divsi %sub3A_1594, %jit3A_1595 : i32
      %sign3A_1597 = arith.constant 0 : i32
      %sign3A_1598 = arith.cmpi sgt, %sub3A_1594, %sign3A_1597 : i32
      %sign3A_1599 = arith.extui %sign3A_1598 : i1 to i32
      %sign3A_1600 = arith.constant 0 : i32
      %sign3A_1601 = arith.cmpi slt, %sub3A_1594, %sign3A_1600 : i32
      %sign3A_1602 = arith.extui %sign3A_1601 : i1 to i32
      %sign3A_1603 = arith.subi %sign3A_1599, %sign3A_1602 : i32
      %sign3A_1604 = arith.constant 0 : i32
      %sign3A_1605 = arith.cmpi sgt, %jit3A_1595, %sign3A_1604 : i32
      %sign3A_1606 = arith.extui %sign3A_1605 : i1 to i32
      %sign3A_1607 = arith.constant 0 : i32
      %sign3A_1608 = arith.cmpi slt, %jit3A_1595, %sign3A_1607 : i32
      %sign3A_1609 = arith.extui %sign3A_1608 : i1 to i32
      %sign3A_1610 = arith.subi %sign3A_1606, %sign3A_1609 : i32
      %ne3A_1611 = arith.cmpi ne, %sign3A_1603, %sign3A_1610 : i32
      %rem3A_1612 = arith.remsi %sub3A_1594, %jit3A_1595 : i32
      %ne3A_1613 = arith.constant 0 : i32
      %ne3A_1614 = arith.cmpi ne, %rem3A_1612, %ne3A_1613 : i32
      %and3A_1615 = arith.andi %ne3A_1611, %ne3A_1614 : i1
      %sub3A_1616 = arith.constant 1 : i32
      %sub3A_1617 = arith.subi %div3A_1596, %sub3A_1616 : i32
      %select_n3A_1618 = arith.select %and3A_1615, %sub3A_1617, %div3A_1596 : i32
      %mul3A_1619 = arith.constant 2 : i32
      %mul3A_1620 = arith.muli %select_n3A_1618, %mul3A_1619 : i32
      %sub3A_1621 = arith.subi %sub3A_1594, %mul3A_1620 : i32
      %mul3A_1622 = arith.constant 10 : i32
      %mul3A_1623 = arith.muli %sub3A_1621, %mul3A_1622 : i32
      %mul3A_1624 = arith.constant 64 : i32
      %mul3A_1625 = arith.muli %select_n3A_1591, %mul3A_1624 : i32
      %mul3A_1626 = arith.constant 8 : i32
      %mul3A_1627 = arith.muli %select_n3A_1618, %mul3A_1626 : i32
      %add3A_1628 = arith.addi %mul3A_1625, %mul3A_1627 : i32
      %mul3A_1629 = arith.constant 1001 : i32
      %mul3A_1630 = arith.muli %add3A_1628, %mul3A_1629 : i32
      %jit3A_1631 = arith.constant 8 : i32
      %eq3A_1632 = arith.constant 0 : i32
      %eq3A_1633 = arith.cmpi eq, %jit3A_1631, %eq3A_1632 : i32
      %jit3A_1634 = arith.constant 1 : i32
      %select_n3A_1635 = arith.select %eq3A_1633, %jit3A_1634, %jit3A_1631 : i32
      %rem3A_1636 = arith.remsi %mul3A_1630, %select_n3A_1635 : i32
      %ne3A_1637 = arith.constant 0 : i32
      %ne3A_1638 = arith.cmpi ne, %rem3A_1636, %ne3A_1637 : i32
      %lt3A_1639 = arith.constant 0 : i32
      %lt3A_1640 = arith.cmpi slt, %rem3A_1636, %lt3A_1639 : i32
      %lt3A_1641 = arith.constant 0 : i32
      %lt3A_1642 = arith.cmpi slt, %select_n3A_1635, %lt3A_1641 : i32
      %ne3A_1643 = arith.xori %lt3A_1640, %lt3A_1642 : i1
      %and3A_1644 = arith.andi %ne3A_1643, %ne3A_1638 : i1
      %add3A_1645 = arith.addi %rem3A_1636, %select_n3A_1635 : i32
      %select_n3A_1646 = arith.select %and3A_1644, %add3A_1645, %rem3A_1636 : i32
      %sub3A_1647 = arith.subi %mul3A_1630, %select_n3A_1646 : i32
      %add3A_1648 = arith.constant 8016 : i32
      %add3A_1649 = arith.addi %sub3A_1647, %add3A_1648 : i32
      %gt3A_1650 = arith.constant 1665664 : i32
      %gt3A_1651 = arith.cmpi sgt, %add3A_1649, %gt3A_1650 : i32
      %sub3A_1652 = arith.constant 8 : i32
      %sub3A_1653 = arith.subi %sub3A_1647, %sub3A_1652 : i32
      %select_n3A_1654 = arith.select %gt3A_1651, %sub3A_1653, %sub3A_1647 : i32
      %multiple_of3A_1655 = tpu.assume_multiple %select_n3A_1654, 8 : i32
      %sub3A_1656 = arith.subi %mul3A_1630, %select_n3A_1654 : i32
      %mul3A_1657 = arith.constant 32 : i32
      %mul3A_1658 = arith.muli %add3A_1398, %mul3A_1657 : i32
      %add3A_1659 = arith.addi %add3A, %mul3A_1658 : i32
      %jit3A_1660 = arith.constant 16 : i32
      %div3A_1661 = arith.divsi %add3A_1659, %jit3A_1660 : i32
      %sign3A_1662 = arith.constant 0 : i32
      %sign3A_1663 = arith.cmpi sgt, %add3A_1659, %sign3A_1662 : i32
      %sign3A_1664 = arith.extui %sign3A_1663 : i1 to i32
      %sign3A_1665 = arith.constant 0 : i32
      %sign3A_1666 = arith.cmpi slt, %add3A_1659, %sign3A_1665 : i32
      %sign3A_1667 = arith.extui %sign3A_1666 : i1 to i32
      %sign3A_1668 = arith.subi %sign3A_1664, %sign3A_1667 : i32
      %sign3A_1669 = arith.constant 0 : i32
      %sign3A_1670 = arith.cmpi sgt, %jit3A_1660, %sign3A_1669 : i32
      %sign3A_1671 = arith.extui %sign3A_1670 : i1 to i32
      %sign3A_1672 = arith.constant 0 : i32
      %sign3A_1673 = arith.cmpi slt, %jit3A_1660, %sign3A_1672 : i32
      %sign3A_1674 = arith.extui %sign3A_1673 : i1 to i32
      %sign3A_1675 = arith.subi %sign3A_1671, %sign3A_1674 : i32
      %ne3A_1676 = arith.cmpi ne, %sign3A_1668, %sign3A_1675 : i32
      %rem3A_1677 = arith.remsi %add3A_1659, %jit3A_1660 : i32
      %ne3A_1678 = arith.constant 0 : i32
      %ne3A_1679 = arith.cmpi ne, %rem3A_1677, %ne3A_1678 : i32
      %and3A_1680 = arith.andi %ne3A_1676, %ne3A_1679 : i1
      %sub3A_1681 = arith.constant 1 : i32
      %sub3A_1682 = arith.subi %div3A_1661, %sub3A_1681 : i32
      %select_n3A_1683 = arith.select %and3A_1680, %sub3A_1682, %div3A_1661 : i32
      %mul3A_1684 = arith.constant 16 : i32
      %mul3A_1685 = arith.muli %select_n3A_1683, %mul3A_1684 : i32
      %sub3A_1686 = arith.subi %add3A_1659, %mul3A_1685 : i32
      %jit3A_1687 = arith.constant 2 : i32
      %div3A_1688 = arith.divsi %sub3A_1686, %jit3A_1687 : i32
      %sign3A_1689 = arith.constant 0 : i32
      %sign3A_1690 = arith.cmpi sgt, %sub3A_1686, %sign3A_1689 : i32
      %sign3A_1691 = arith.extui %sign3A_1690 : i1 to i32
      %sign3A_1692 = arith.constant 0 : i32
      %sign3A_1693 = arith.cmpi slt, %sub3A_1686, %sign3A_1692 : i32
      %sign3A_1694 = arith.extui %sign3A_1693 : i1 to i32
      %sign3A_1695 = arith.subi %sign3A_1691, %sign3A_1694 : i32
      %sign3A_1696 = arith.constant 0 : i32
      %sign3A_1697 = arith.cmpi sgt, %jit3A_1687, %sign3A_1696 : i32
      %sign3A_1698 = arith.extui %sign3A_1697 : i1 to i32
      %sign3A_1699 = arith.constant 0 : i32
      %sign3A_1700 = arith.cmpi slt, %jit3A_1687, %sign3A_1699 : i32
      %sign3A_1701 = arith.extui %sign3A_1700 : i1 to i32
      %sign3A_1702 = arith.subi %sign3A_1698, %sign3A_1701 : i32
      %ne3A_1703 = arith.cmpi ne, %sign3A_1695, %sign3A_1702 : i32
      %rem3A_1704 = arith.remsi %sub3A_1686, %jit3A_1687 : i32
      %ne3A_1705 = arith.constant 0 : i32
      %ne3A_1706 = arith.cmpi ne, %rem3A_1704, %ne3A_1705 : i32
      %and3A_1707 = arith.andi %ne3A_1703, %ne3A_1706 : i1
      %sub3A_1708 = arith.constant 1 : i32
      %sub3A_1709 = arith.subi %div3A_1688, %sub3A_1708 : i32
      %select_n3A_1710 = arith.select %and3A_1707, %sub3A_1709, %div3A_1688 : i32
      %mul3A_1711 = arith.constant 2 : i32
      %mul3A_1712 = arith.muli %select_n3A_1710, %mul3A_1711 : i32
      %sub3A_1713 = arith.subi %sub3A_1686, %mul3A_1712 : i32
      %mul3A_1714 = arith.constant 10 : i32
      %mul3A_1715 = arith.muli %sub3A_1713, %mul3A_1714 : i32
      %dma_wait3A_1716 = arith.constant 0 : i32
      %dma_wait3A_1717 = arith.constant 0 : i32
      %dma_wait3A_1718 = arith.constant 0 : i32
      %dma_wait3A_1719 = tpu.memref_slice %arg4[%mul3A_1715, %select_n3A_1683, %select_n3A_1710, %dma_wait3A_1716, %dma_wait3A_1717, %dma_wait3A_1718] : memref<20x26x8x8x8x128xf32, #tpu.memory_space<hbm>> -> memref<10x1x1x8x4x128xf32, #tpu.memory_space<hbm>>
      %dma_wait3A_1720 = tpu.memref_squeeze %dma_wait3A_1719 : memref<10x1x1x8x4x128xf32, #tpu.memory_space<hbm>> -> memref<10x8x4x128xf32, #tpu.memory_space<hbm>>
      %dma_wait3A_1721 = arith.constant 0 : i32
      %dma_wait3A_1722 = arith.constant 0 : i32
      %dma_wait3A_1723 = arith.constant 0 : i32
      %dma_wait3A_1724 = tpu.memref_slice %arg4[%mul3A_1715, %select_n3A_1683, %select_n3A_1710, %dma_wait3A_1721, %dma_wait3A_1722, %dma_wait3A_1723] : memref<20x26x8x8x8x128xf32, #tpu.memory_space<hbm>> -> memref<10x1x1x8x4x128xf32, #tpu.memory_space<hbm>>
      %dma_wait3A_1725 = tpu.memref_squeeze %dma_wait3A_1724 : memref<10x1x1x8x4x128xf32, #tpu.memory_space<hbm>> -> memref<10x8x4x128xf32, #tpu.memory_space<hbm>>
      tpu.wait_dma2 semaphore(%arg13 : memref<!tpu.dma_semaphore, #tpu.memory_space<semaphore_mem>>) src(%arg9 : memref<10x8x4x128xf32, #tpu.memory_space<vmem>>) dst(%dma_wait3A_1725 : memref<10x8x4x128xf32, #tpu.memory_space<hbm>>)
      %add3A_1726 = arith.constant 0 : i32
      %add3A_1727 = arith.addi %sub3A_1656, %add3A_1726 : i32
      %scan3A_1728 = arith.constant 0 : i32
      %scan3A_1729 = arith.constant 0 : i32
      %scan3A_1730 = arith.constant 10 : i32
      %scan3A_1731 = arith.addi %scan3A_1729, %scan3A_1730 : i32
      %scan3A_1732 = arith.constant 1 : i32
      scf.for %scan3A_1949 = %scan3A_1729 to %scan3A_1731 step %scan3A_1732  : i32 {
        %parallel_loop3A = arith.constant 0 : i32
        %parallel_loop3A_1950 = arith.constant 64 : i32
        %parallel_loop3A_1951 = arith.constant 1 : i32
        scf.for %parallel_loop3A_1952 = %parallel_loop3A to %parallel_loop3A_1950 step %parallel_loop3A_1951  : i32 {
          %parallel_loop3A_1953 = arith.constant 16 : i32
          %parallel_loop3A_1954 = arith.muli %parallel_loop3A_1952, %parallel_loop3A_1953 : i32
          %parallel_loop3A_1955 = arith.index_cast %scan3A_1949 : i32 to index
          %parallel_loop3A_1956 = arith.index_cast %parallel_loop3A_1954 : i32 to index
          %parallel_loop3A_1957 = tpu.vector_load %arg5[%parallel_loop3A_1955, %parallel_loop3A_1956] {strides = array<i32>} : memref<10x1024xi32, #tpu.memory_space<vmem>>, vector<16xi32>,
          %parallel_loop3A_1958 = vector.broadcast %add3A_1727 : i32 to vector<16xi32>
          %parallel_loop3A_1959 = arith.addi %parallel_loop3A_1957, %parallel_loop3A_1958 : vector<16xi32>
          %parallel_loop3A_1960 = arith.constant 0 : i32
          %parallel_loop3A_1961 = vector.broadcast %parallel_loop3A_1960 : i32 to vector<16xi32>
          %parallel_loop3A_1962 = arith.addi %parallel_loop3A_1959, %parallel_loop3A_1961 : vector<16xi32>
          %parallel_loop3A_1963 = tpu.vector_load_idx %arg7[%parallel_loop3A_1962] : memref<8016xf32, #tpu.memory_space<vmem>>[vector<16xi32>], vector<16xf32>,
          %parallel_loop3A_1964 = arith.constant 8 : i32
          %parallel_loop3A_1965 = arith.divsi %parallel_loop3A_1952, %parallel_loop3A_1964 : i32
          %parallel_loop3A_1966 = arith.constant 0 : i32
          %parallel_loop3A_1967 = arith.cmpi sgt, %parallel_loop3A_1952, %parallel_loop3A_1966 : i32
          %parallel_loop3A_1968 = arith.extui %parallel_loop3A_1967 : i1 to i32
          %parallel_loop3A_1969 = arith.constant 0 : i32
          %parallel_loop3A_1970 = arith.cmpi slt, %parallel_loop3A_1952, %parallel_loop3A_1969 : i32
          %parallel_loop3A_1971 = arith.extui %parallel_loop3A_1970 : i1 to i32
          %parallel_loop3A_1972 = arith.subi %parallel_loop3A_1968, %parallel_loop3A_1971 : i32
          %parallel_loop3A_1973 = arith.constant 0 : i32
          %parallel_loop3A_1974 = arith.cmpi sgt, %parallel_loop3A_1964, %parallel_loop3A_1973 : i32
          %parallel_loop3A_1975 = arith.extui %parallel_loop3A_1974 : i1 to i32
          %parallel_loop3A_1976 = arith.constant 0 : i32
          %parallel_loop3A_1977 = arith.cmpi slt, %parallel_loop3A_1964, %parallel_loop3A_1976 : i32
          %parallel_loop3A_1978 = arith.extui %parallel_loop3A_1977 : i1 to i32
          %parallel_loop3A_1979 = arith.subi %parallel_loop3A_1975, %parallel_loop3A_1978 : i32
          %parallel_loop3A_1980 = arith.cmpi ne, %parallel_loop3A_1972, %parallel_loop3A_1979 : i32
          %parallel_loop3A_1981 = arith.remsi %parallel_loop3A_1952, %parallel_loop3A_1964 : i32
          %parallel_loop3A_1982 = arith.constant 0 : i32
          %parallel_loop3A_1983 = arith.cmpi ne, %parallel_loop3A_1981, %parallel_loop3A_1982 : i32
          %parallel_loop3A_1984 = arith.andi %parallel_loop3A_1980, %parallel_loop3A_1983 : i1
          %parallel_loop3A_1985 = arith.constant 1 : i32
          %parallel_loop3A_1986 = arith.subi %parallel_loop3A_1965, %parallel_loop3A_1985 : i32
          %parallel_loop3A_1987 = arith.select %parallel_loop3A_1984, %parallel_loop3A_1986, %parallel_loop3A_1965 : i32
          %parallel_loop3A_1988 = arith.constant 8 : i32
          %parallel_loop3A_1989 = arith.constant 0 : i32
          %parallel_loop3A_1990 = arith.cmpi eq, %parallel_loop3A_1988, %parallel_loop3A_1989 : i32
          %parallel_loop3A_1991 = arith.constant 1 : i32
          %parallel_loop3A_1992 = arith.select %parallel_loop3A_1990, %parallel_loop3A_1991, %parallel_loop3A_1988 : i32
          %parallel_loop3A_1993 = arith.remsi %parallel_loop3A_1952, %parallel_loop3A_1992 : i32
          %parallel_loop3A_1994 = arith.constant 0 : i32
          %parallel_loop3A_1995 = arith.cmpi ne, %parallel_loop3A_1993, %parallel_loop3A_1994 : i32
          %parallel_loop3A_1996 = arith.constant 0 : i32
          %parallel_loop3A_1997 = arith.cmpi slt, %parallel_loop3A_1993, %parallel_loop3A_1996 : i32
          %parallel_loop3A_1998 = arith.constant 0 : i32
          %parallel_loop3A_1999 = arith.cmpi slt, %parallel_loop3A_1992, %parallel_loop3A_1998 : i32
          %parallel_loop3A_2000 = arith.xori %parallel_loop3A_1997, %parallel_loop3A_1999 : i1
          %parallel_loop3A_2001 = arith.andi %parallel_loop3A_2000, %parallel_loop3A_1995 : i1
          %parallel_loop3A_2002 = arith.addi %parallel_loop3A_1993, %parallel_loop3A_1992 : i32
          %parallel_loop3A_2003 = arith.select %parallel_loop3A_2001, %parallel_loop3A_2002, %parallel_loop3A_1993 : i32
          %parallel_loop3A_2004 = arith.constant 16 : i32
          %parallel_loop3A_2005 = arith.muli %parallel_loop3A_2003, %parallel_loop3A_2004 : i32
          %parallel_loop3A_2006 = arith.constant 0 : i32
          %parallel_loop3A_2007 = arith.index_cast %scan3A_1949 : i32 to index
          %parallel_loop3A_2008 = arith.index_cast %parallel_loop3A_1987 : i32 to index
          %parallel_loop3A_2009 = arith.index_cast %parallel_loop3A_2006 : i32 to index
          %parallel_loop3A_2010 = arith.index_cast %parallel_loop3A_2005 : i32 to index
          %parallel_loop3A_2011 = tpu.vector_load %arg9[%parallel_loop3A_2007, %parallel_loop3A_2008, %parallel_loop3A_2009, %parallel_loop3A_2010] {strides = array<i32>} : memref<10x8x4x128xf32, #tpu.memory_space<vmem>>, vector<16xf32>,
          tpu.vector_store %arg9[%parallel_loop3A_2007, %parallel_loop3A_2008, %parallel_loop3A_2009, %parallel_loop3A_2010], %parallel_loop3A_1963 {strides = array<i32>} : memref<10x8x4x128xf32, #tpu.memory_space<vmem>>, vector<16xf32>,
          %parallel_loop3A_2012 = arith.constant 1001 : i32
          %parallel_loop3A_2013 = vector.broadcast %parallel_loop3A_2012 : i32 to vector<16xi32>
          %parallel_loop3A_2014 = arith.addi %parallel_loop3A_1959, %parallel_loop3A_2013 : vector<16xi32>
          %parallel_loop3A_2015 = tpu.vector_load_idx %arg7[%parallel_loop3A_2014] : memref<8016xf32, #tpu.memory_space<vmem>>[vector<16xi32>], vector<16xf32>,
          %parallel_loop3A_2016 = arith.constant 8 : i32
          %parallel_loop3A_2017 = arith.divsi %parallel_loop3A_1952, %parallel_loop3A_2016 : i32
          %parallel_loop3A_2018 = arith.constant 0 : i32
          %parallel_loop3A_2019 = arith.cmpi sgt, %parallel_loop3A_1952, %parallel_loop3A_2018 : i32
          %parallel_loop3A_2020 = arith.extui %parallel_loop3A_2019 : i1 to i32
          %parallel_loop3A_2021 = arith.constant 0 : i32
          %parallel_loop3A_2022 = arith.cmpi slt, %parallel_loop3A_1952, %parallel_loop3A_2021 : i32
          %parallel_loop3A_2023 = arith.extui %parallel_loop3A_2022 : i1 to i32
          %parallel_loop3A_2024 = arith.subi %parallel_loop3A_2020, %parallel_loop3A_2023 : i32
          %parallel_loop3A_2025 = arith.constant 0 : i32
          %parallel_loop3A_2026 = arith.cmpi sgt, %parallel_loop3A_2016, %parallel_loop3A_2025 : i32
          %parallel_loop3A_2027 = arith.extui %parallel_loop3A_2026 : i1 to i32
          %parallel_loop3A_2028 = arith.constant 0 : i32
          %parallel_loop3A_2029 = arith.cmpi slt, %parallel_loop3A_2016, %parallel_loop3A_2028 : i32
          %parallel_loop3A_2030 = arith.extui %parallel_loop3A_2029 : i1 to i32
          %parallel_loop3A_2031 = arith.subi %parallel_loop3A_2027, %parallel_loop3A_2030 : i32
          %parallel_loop3A_2032 = arith.cmpi ne, %parallel_loop3A_2024, %parallel_loop3A_2031 : i32
          %parallel_loop3A_2033 = arith.remsi %parallel_loop3A_1952, %parallel_loop3A_2016 : i32
          %parallel_loop3A_2034 = arith.constant 0 : i32
          %parallel_loop3A_2035 = arith.cmpi ne, %parallel_loop3A_2033, %parallel_loop3A_2034 : i32
          %parallel_loop3A_2036 = arith.andi %parallel_loop3A_2032, %parallel_loop3A_2035 : i1
          %parallel_loop3A_2037 = arith.constant 1 : i32
          %parallel_loop3A_2038 = arith.subi %parallel_loop3A_2017, %parallel_loop3A_2037 : i32
          %parallel_loop3A_2039 = arith.select %parallel_loop3A_2036, %parallel_loop3A_2038, %parallel_loop3A_2017 : i32
          %parallel_loop3A_2040 = arith.constant 8 : i32
          %parallel_loop3A_2041 = arith.constant 0 : i32
          %parallel_loop3A_2042 = arith.cmpi eq, %parallel_loop3A_2040, %parallel_loop3A_2041 : i32
          %parallel_loop3A_2043 = arith.constant 1 : i32
          %parallel_loop3A_2044 = arith.select %parallel_loop3A_2042, %parallel_loop3A_2043, %parallel_loop3A_2040 : i32
          %parallel_loop3A_2045 = arith.remsi %parallel_loop3A_1952, %parallel_loop3A_2044 : i32
          %parallel_loop3A_2046 = arith.constant 0 : i32
          %parallel_loop3A_2047 = arith.cmpi ne, %parallel_loop3A_2045, %parallel_loop3A_2046 : i32
          %parallel_loop3A_2048 = arith.constant 0 : i32
          %parallel_loop3A_2049 = arith.cmpi slt, %parallel_loop3A_2045, %parallel_loop3A_2048 : i32
          %parallel_loop3A_2050 = arith.constant 0 : i32
          %parallel_loop3A_2051 = arith.cmpi slt, %parallel_loop3A_2044, %parallel_loop3A_2050 : i32
          %parallel_loop3A_2052 = arith.xori %parallel_loop3A_2049, %parallel_loop3A_2051 : i1
          %parallel_loop3A_2053 = arith.andi %parallel_loop3A_2052, %parallel_loop3A_2047 : i1
          %parallel_loop3A_2054 = arith.addi %parallel_loop3A_2045, %parallel_loop3A_2044 : i32
          %parallel_loop3A_2055 = arith.select %parallel_loop3A_2053, %parallel_loop3A_2054, %parallel_loop3A_2045 : i32
          %parallel_loop3A_2056 = arith.constant 16 : i32
          %parallel_loop3A_2057 = arith.muli %parallel_loop3A_2055, %parallel_loop3A_2056 : i32
          %parallel_loop3A_2058 = arith.constant 1 : i32
          %parallel_loop3A_2059 = arith.index_cast %scan3A_1949 : i32 to index
          %parallel_loop3A_2060 = arith.index_cast %parallel_loop3A_2039 : i32 to index
          %parallel_loop3A_2061 = arith.index_cast %parallel_loop3A_2058 : i32 to index
          %parallel_loop3A_2062 = arith.index_cast %parallel_loop3A_2057 : i32 to index
          %parallel_loop3A_2063 = tpu.vector_load %arg9[%parallel_loop3A_2059, %parallel_loop3A_2060, %parallel_loop3A_2061, %parallel_loop3A_2062] {strides = array<i32>} : memref<10x8x4x128xf32, #tpu.memory_space<vmem>>, vector<16xf32>,
          tpu.vector_store %arg9[%parallel_loop3A_2059, %parallel_loop3A_2060, %parallel_loop3A_2061, %parallel_loop3A_2062], %parallel_loop3A_2015 {strides = array<i32>} : memref<10x8x4x128xf32, #tpu.memory_space<vmem>>, vector<16xf32>,
          %parallel_loop3A_2064 = arith.constant 2002 : i32
          %parallel_loop3A_2065 = vector.broadcast %parallel_loop3A_2064 : i32 to vector<16xi32>
          %parallel_loop3A_2066 = arith.addi %parallel_loop3A_1959, %parallel_loop3A_2065 : vector<16xi32>
          %parallel_loop3A_2067 = tpu.vector_load_idx %arg7[%parallel_loop3A_2066] : memref<8016xf32, #tpu.memory_space<vmem>>[vector<16xi32>], vector<16xf32>,
          %parallel_loop3A_2068 = arith.constant 8 : i32
          %parallel_loop3A_2069 = arith.divsi %parallel_loop3A_1952, %parallel_loop3A_2068 : i32
          %parallel_loop3A_2070 = arith.constant 0 : i32
          %parallel_loop3A_2071 = arith.cmpi sgt, %parallel_loop3A_1952, %parallel_loop3A_2070 : i32
          %parallel_loop3A_2072 = arith.extui %parallel_loop3A_2071 : i1 to i32
          %parallel_loop3A_2073 = arith.constant 0 : i32
          %parallel_loop3A_2074 = arith.cmpi slt, %parallel_loop3A_1952, %parallel_loop3A_2073 : i32
          %parallel_loop3A_2075 = arith.extui %parallel_loop3A_2074 : i1 to i32
          %parallel_loop3A_2076 = arith.subi %parallel_loop3A_2072, %parallel_loop3A_2075 : i32
          %parallel_loop3A_2077 = arith.constant 0 : i32
          %parallel_loop3A_2078 = arith.cmpi sgt, %parallel_loop3A_2068, %parallel_loop3A_2077 : i32
          %parallel_loop3A_2079 = arith.extui %parallel_loop3A_2078 : i1 to i32
          %parallel_loop3A_2080 = arith.constant 0 : i32
          %parallel_loop3A_2081 = arith.cmpi slt, %parallel_loop3A_2068, %parallel_loop3A_2080 : i32
          %parallel_loop3A_2082 = arith.extui %parallel_loop3A_2081 : i1 to i32
          %parallel_loop3A_2083 = arith.subi %parallel_loop3A_2079, %parallel_loop3A_2082 : i32
          %parallel_loop3A_2084 = arith.cmpi ne, %parallel_loop3A_2076, %parallel_loop3A_2083 : i32
          %parallel_loop3A_2085 = arith.remsi %parallel_loop3A_1952, %parallel_loop3A_2068 : i32
          %parallel_loop3A_2086 = arith.constant 0 : i32
          %parallel_loop3A_2087 = arith.cmpi ne, %parallel_loop3A_2085, %parallel_loop3A_2086 : i32
          %parallel_loop3A_2088 = arith.andi %parallel_loop3A_2084, %parallel_loop3A_2087 : i1
          %parallel_loop3A_2089 = arith.constant 1 : i32
          %parallel_loop3A_2090 = arith.subi %parallel_loop3A_2069, %parallel_loop3A_2089 : i32
          %parallel_loop3A_2091 = arith.select %parallel_loop3A_2088, %parallel_loop3A_2090, %parallel_loop3A_2069 : i32
          %parallel_loop3A_2092 = arith.constant 8 : i32
          %parallel_loop3A_2093 = arith.constant 0 : i32
          %parallel_loop3A_2094 = arith.cmpi eq, %parallel_loop3A_2092, %parallel_loop3A_2093 : i32
          %parallel_loop3A_2095 = arith.constant 1 : i32
          %parallel_loop3A_2096 = arith.select %parallel_loop3A_2094, %parallel_loop3A_2095, %parallel_loop3A_2092 : i32
          %parallel_loop3A_2097 = arith.remsi %parallel_loop3A_1952, %parallel_loop3A_2096 : i32
          %parallel_loop3A_2098 = arith.constant 0 : i32
          %parallel_loop3A_2099 = arith.cmpi ne, %parallel_loop3A_2097, %parallel_loop3A_2098 : i32
          %parallel_loop3A_2100 = arith.constant 0 : i32
          %parallel_loop3A_2101 = arith.cmpi slt, %parallel_loop3A_2097, %parallel_loop3A_2100 : i32
          %parallel_loop3A_2102 = arith.constant 0 : i32
          %parallel_loop3A_2103 = arith.cmpi slt, %parallel_loop3A_2096, %parallel_loop3A_2102 : i32
          %parallel_loop3A_2104 = arith.xori %parallel_loop3A_2101, %parallel_loop3A_2103 : i1
          %parallel_loop3A_2105 = arith.andi %parallel_loop3A_2104, %parallel_loop3A_2099 : i1
          %parallel_loop3A_2106 = arith.addi %parallel_loop3A_2097, %parallel_loop3A_2096 : i32
          %parallel_loop3A_2107 = arith.select %parallel_loop3A_2105, %parallel_loop3A_2106, %parallel_loop3A_2097 : i32
          %parallel_loop3A_2108 = arith.constant 16 : i32
          %parallel_loop3A_2109 = arith.muli %parallel_loop3A_2107, %parallel_loop3A_2108 : i32
          %parallel_loop3A_2110 = arith.constant 2 : i32
          %parallel_loop3A_2111 = arith.index_cast %scan3A_1949 : i32 to index
          %parallel_loop3A_2112 = arith.index_cast %parallel_loop3A_2091 : i32 to index
          %parallel_loop3A_2113 = arith.index_cast %parallel_loop3A_2110 : i32 to index
          %parallel_loop3A_2114 = arith.index_cast %parallel_loop3A_2109 : i32 to index
          %parallel_loop3A_2115 = tpu.vector_load %arg9[%parallel_loop3A_2111, %parallel_loop3A_2112, %parallel_loop3A_2113, %parallel_loop3A_2114] {strides = array<i32>} : memref<10x8x4x128xf32, #tpu.memory_space<vmem>>, vector<16xf32>,
          tpu.vector_store %arg9[%parallel_loop3A_2111, %parallel_loop3A_2112, %parallel_loop3A_2113, %parallel_loop3A_2114], %parallel_loop3A_2067 {strides = array<i32>} : memref<10x8x4x128xf32, #tpu.memory_space<vmem>>, vector<16xf32>,
          %parallel_loop3A_2116 = arith.constant 3003 : i32
          %parallel_loop3A_2117 = vector.broadcast %parallel_loop3A_2116 : i32 to vector<16xi32>
          %parallel_loop3A_2118 = arith.addi %parallel_loop3A_1959, %parallel_loop3A_2117 : vector<16xi32>
          %parallel_loop3A_2119 = tpu.vector_load_idx %arg7[%parallel_loop3A_2118] : memref<8016xf32, #tpu.memory_space<vmem>>[vector<16xi32>], vector<16xf32>,
          %parallel_loop3A_2120 = arith.constant 8 : i32
          %parallel_loop3A_2121 = arith.divsi %parallel_loop3A_1952, %parallel_loop3A_2120 : i32
          %parallel_loop3A_2122 = arith.constant 0 : i32
          %parallel_loop3A_2123 = arith.cmpi sgt, %parallel_loop3A_1952, %parallel_loop3A_2122 : i32
          %parallel_loop3A_2124 = arith.extui %parallel_loop3A_2123 : i1 to i32
          %parallel_loop3A_2125 = arith.constant 0 : i32
          %parallel_loop3A_2126 = arith.cmpi slt, %parallel_loop3A_1952, %parallel_loop3A_2125 : i32
          %parallel_loop3A_2127 = arith.extui %parallel_loop3A_2126 : i1 to i32
          %parallel_loop3A_2128 = arith.subi %parallel_loop3A_2124, %parallel_loop3A_2127 : i32
          %parallel_loop3A_2129 = arith.constant 0 : i32
          %parallel_loop3A_2130 = arith.cmpi sgt, %parallel_loop3A_2120, %parallel_loop3A_2129 : i32
          %parallel_loop3A_2131 = arith.extui %parallel_loop3A_2130 : i1 to i32
          %parallel_loop3A_2132 = arith.constant 0 : i32
          %parallel_loop3A_2133 = arith.cmpi slt, %parallel_loop3A_2120, %parallel_loop3A_2132 : i32
          %parallel_loop3A_2134 = arith.extui %parallel_loop3A_2133 : i1 to i32
          %parallel_loop3A_2135 = arith.subi %parallel_loop3A_2131, %parallel_loop3A_2134 : i32
          %parallel_loop3A_2136 = arith.cmpi ne, %parallel_loop3A_2128, %parallel_loop3A_2135 : i32
          %parallel_loop3A_2137 = arith.remsi %parallel_loop3A_1952, %parallel_loop3A_2120 : i32
          %parallel_loop3A_2138 = arith.constant 0 : i32
          %parallel_loop3A_2139 = arith.cmpi ne, %parallel_loop3A_2137, %parallel_loop3A_2138 : i32
          %parallel_loop3A_2140 = arith.andi %parallel_loop3A_2136, %parallel_loop3A_2139 : i1
          %parallel_loop3A_2141 = arith.constant 1 : i32
          %parallel_loop3A_2142 = arith.subi %parallel_loop3A_2121, %parallel_loop3A_2141 : i32
          %parallel_loop3A_2143 = arith.select %parallel_loop3A_2140, %parallel_loop3A_2142, %parallel_loop3A_2121 : i32
          %parallel_loop3A_2144 = arith.constant 8 : i32
          %parallel_loop3A_2145 = arith.constant 0 : i32
          %parallel_loop3A_2146 = arith.cmpi eq, %parallel_loop3A_2144, %parallel_loop3A_2145 : i32
          %parallel_loop3A_2147 = arith.constant 1 : i32
          %parallel_loop3A_2148 = arith.select %parallel_loop3A_2146, %parallel_loop3A_2147, %parallel_loop3A_2144 : i32
          %parallel_loop3A_2149 = arith.remsi %parallel_loop3A_1952, %parallel_loop3A_2148 : i32
          %parallel_loop3A_2150 = arith.constant 0 : i32
          %parallel_loop3A_2151 = arith.cmpi ne, %parallel_loop3A_2149, %parallel_loop3A_2150 : i32
          %parallel_loop3A_2152 = arith.constant 0 : i32
          %parallel_loop3A_2153 = arith.cmpi slt, %parallel_loop3A_2149, %parallel_loop3A_2152 : i32
          %parallel_loop3A_2154 = arith.constant 0 : i32
          %parallel_loop3A_2155 = arith.cmpi slt, %parallel_loop3A_2148, %parallel_loop3A_2154 : i32
          %parallel_loop3A_2156 = arith.xori %parallel_loop3A_2153, %parallel_loop3A_2155 : i1
          %parallel_loop3A_2157 = arith.andi %parallel_loop3A_2156, %parallel_loop3A_2151 : i1
          %parallel_loop3A_2158 = arith.addi %parallel_loop3A_2149, %parallel_loop3A_2148 : i32
          %parallel_loop3A_2159 = arith.select %parallel_loop3A_2157, %parallel_loop3A_2158, %parallel_loop3A_2149 : i32
          %parallel_loop3A_2160 = arith.constant 16 : i32
          %parallel_loop3A_2161 = arith.muli %parallel_loop3A_2159, %parallel_loop3A_2160 : i32
          %parallel_loop3A_2162 = arith.constant 3 : i32
          %parallel_loop3A_2163 = arith.index_cast %scan3A_1949 : i32 to index
          %parallel_loop3A_2164 = arith.index_cast %parallel_loop3A_2143 : i32 to index
          %parallel_loop3A_2165 = arith.index_cast %parallel_loop3A_2162 : i32 to index
          %parallel_loop3A_2166 = arith.index_cast %parallel_loop3A_2161 : i32 to index
          %parallel_loop3A_2167 = tpu.vector_load %arg9[%parallel_loop3A_2163, %parallel_loop3A_2164, %parallel_loop3A_2165, %parallel_loop3A_2166] {strides = array<i32>} : memref<10x8x4x128xf32, #tpu.memory_space<vmem>>, vector<16xf32>,
          tpu.vector_store %arg9[%parallel_loop3A_2163, %parallel_loop3A_2164, %parallel_loop3A_2165, %parallel_loop3A_2166], %parallel_loop3A_2119 {strides = array<i32>} : memref<10x8x4x128xf32, #tpu.memory_space<vmem>>, vector<16xf32>,
        } {sc.loop_unroll_factor = 8 : i64, sc.parallel_access}
      }
      %scan3A_1733 = arith.constant 10 : i32
      %mul3A_1734 = arith.constant 32 : i32
      %mul3A_1735 = arith.muli %add3A_1398, %mul3A_1734 : i32
      %add3A_1736 = arith.addi %add3A, %mul3A_1735 : i32
      %jit3A_1737 = arith.constant 16 : i32
      %div3A_1738 = arith.divsi %add3A_1736, %jit3A_1737 : i32
      %sign3A_1739 = arith.constant 0 : i32
      %sign3A_1740 = arith.cmpi sgt, %add3A_1736, %sign3A_1739 : i32
      %sign3A_1741 = arith.extui %sign3A_1740 : i1 to i32
      %sign3A_1742 = arith.constant 0 : i32
      %sign3A_1743 = arith.cmpi slt, %add3A_1736, %sign3A_1742 : i32
      %sign3A_1744 = arith.extui %sign3A_1743 : i1 to i32
      %sign3A_1745 = arith.subi %sign3A_1741, %sign3A_1744 : i32
      %sign3A_1746 = arith.constant 0 : i32
      %sign3A_1747 = arith.cmpi sgt, %jit3A_1737, %sign3A_1746 : i32
      %sign3A_1748 = arith.extui %sign3A_1747 : i1 to i32
      %sign3A_1749 = arith.constant 0 : i32
      %sign3A_1750 = arith.cmpi slt, %jit3A_1737, %sign3A_1749 : i32
      %sign3A_1751 = arith.extui %sign3A_1750 : i1 to i32
      %sign3A_1752 = arith.subi %sign3A_1748, %sign3A_1751 : i32
      %ne3A_1753 = arith.cmpi ne, %sign3A_1745, %sign3A_1752 : i32
      %rem3A_1754 = arith.remsi %add3A_1736, %jit3A_1737 : i32
      %ne3A_1755 = arith.constant 0 : i32
      %ne3A_1756 = arith.cmpi ne, %rem3A_1754, %ne3A_1755 : i32
      %and3A_1757 = arith.andi %ne3A_1753, %ne3A_1756 : i1
      %sub3A_1758 = arith.constant 1 : i32
      %sub3A_1759 = arith.subi %div3A_1738, %sub3A_1758 : i32
      %select_n3A_1760 = arith.select %and3A_1757, %sub3A_1759, %div3A_1738 : i32
      %mul3A_1761 = arith.constant 16 : i32
      %mul3A_1762 = arith.muli %select_n3A_1760, %mul3A_1761 : i32
      %sub3A_1763 = arith.subi %add3A_1736, %mul3A_1762 : i32
      %jit3A_1764 = arith.constant 2 : i32
      %div3A_1765 = arith.divsi %sub3A_1763, %jit3A_1764 : i32
      %sign3A_1766 = arith.constant 0 : i32
      %sign3A_1767 = arith.cmpi sgt, %sub3A_1763, %sign3A_1766 : i32
      %sign3A_1768 = arith.extui %sign3A_1767 : i1 to i32
      %sign3A_1769 = arith.constant 0 : i32
      %sign3A_1770 = arith.cmpi slt, %sub3A_1763, %sign3A_1769 : i32
      %sign3A_1771 = arith.extui %sign3A_1770 : i1 to i32
      %sign3A_1772 = arith.subi %sign3A_1768, %sign3A_1771 : i32
      %sign3A_1773 = arith.constant 0 : i32
      %sign3A_1774 = arith.cmpi sgt, %jit3A_1764, %sign3A_1773 : i32
      %sign3A_1775 = arith.extui %sign3A_1774 : i1 to i32
      %sign3A_1776 = arith.constant 0 : i32
      %sign3A_1777 = arith.cmpi slt, %jit3A_1764, %sign3A_1776 : i32
      %sign3A_1778 = arith.extui %sign3A_1777 : i1 to i32
      %sign3A_1779 = arith.subi %sign3A_1775, %sign3A_1778 : i32
      %ne3A_1780 = arith.cmpi ne, %sign3A_1772, %sign3A_1779 : i32
      %rem3A_1781 = arith.remsi %sub3A_1763, %jit3A_1764 : i32
      %ne3A_1782 = arith.constant 0 : i32
      %ne3A_1783 = arith.cmpi ne, %rem3A_1781, %ne3A_1782 : i32
      %and3A_1784 = arith.andi %ne3A_1780, %ne3A_1783 : i1
      %sub3A_1785 = arith.constant 1 : i32
      %sub3A_1786 = arith.subi %div3A_1765, %sub3A_1785 : i32
      %select_n3A_1787 = arith.select %and3A_1784, %sub3A_1786, %div3A_1765 : i32
      %mul3A_1788 = arith.constant 2 : i32
      %mul3A_1789 = arith.muli %select_n3A_1787, %mul3A_1788 : i32
      %sub3A_1790 = arith.subi %sub3A_1763, %mul3A_1789 : i32
      %mul3A_1791 = arith.constant 10 : i32
      %mul3A_1792 = arith.muli %sub3A_1790, %mul3A_1791 : i32
      %dma_start3A_1793 = arith.constant 0 : i32
      %dma_start3A_1794 = arith.constant 0 : i32
      %dma_start3A_1795 = arith.constant 0 : i32
      %dma_start3A_1796 = tpu.memref_slice %arg4[%mul3A_1792, %select_n3A_1760, %select_n3A_1787, %dma_start3A_1793, %dma_start3A_1794, %dma_start3A_1795] : memref<20x26x8x8x8x128xf32, #tpu.memory_space<hbm>> -> memref<10x1x1x8x4x128xf32, #tpu.memory_space<hbm>>
      %dma_start3A_1797 = tpu.memref_squeeze %dma_start3A_1796 : memref<10x1x1x8x4x128xf32, #tpu.memory_space<hbm>> -> memref<10x8x4x128xf32, #tpu.memory_space<hbm>>
      %dma_start3A_1798 = arith.constant 0 : i32
      %dma_start3A_1799 = arith.constant 0 : i32
      %dma_start3A_1800 = arith.constant 0 : i32
      %dma_start3A_1801 = tpu.memref_slice %arg4[%mul3A_1792, %select_n3A_1760, %select_n3A_1787, %dma_start3A_1798, %dma_start3A_1799, %dma_start3A_1800] : memref<20x26x8x8x8x128xf32, #tpu.memory_space<hbm>> -> memref<10x1x1x8x4x128xf32, #tpu.memory_space<hbm>>
      %dma_start3A_1802 = tpu.memref_squeeze %dma_start3A_1801 : memref<10x1x1x8x4x128xf32, #tpu.memory_space<hbm>> -> memref<10x8x4x128xf32, #tpu.memory_space<hbm>>
      tpu.enqueue_dma source(%arg9 : memref<10x8x4x128xf32, #tpu.memory_space<vmem>>) target(%dma_start3A_1802 : memref<10x8x4x128xf32, #tpu.memory_space<hbm>>) target_semaphore(%arg13 : memref<!tpu.dma_semaphore, #tpu.memory_space<semaphore_mem>>)
      %mul3A_1803 = arith.constant 32 : i32
      %mul3A_1804 = arith.muli %add3A_1398, %mul3A_1803 : i32
      %add3A_1805 = arith.addi %add3A, %mul3A_1804 : i32
      %jit3A_1806 = arith.constant 16 : i32
      %div3A_1807 = arith.divsi %add3A_1805, %jit3A_1806 : i32
      %sign3A_1808 = arith.constant 0 : i32
      %sign3A_1809 = arith.cmpi sgt, %add3A_1805, %sign3A_1808 : i32
      %sign3A_1810 = arith.extui %sign3A_1809 : i1 to i32
      %sign3A_1811 = arith.constant 0 : i32
      %sign3A_1812 = arith.cmpi slt, %add3A_1805, %sign3A_1811 : i32
      %sign3A_1813 = arith.extui %sign3A_1812 : i1 to i32
      %sign3A_1814 = arith.subi %sign3A_1810, %sign3A_1813 : i32
      %sign3A_1815 = arith.constant 0 : i32
      %sign3A_1816 = arith.cmpi sgt, %jit3A_1806, %sign3A_1815 : i32
      %sign3A_1817 = arith.extui %sign3A_1816 : i1 to i32
      %sign3A_1818 = arith.constant 0 : i32
      %sign3A_1819 = arith.cmpi slt, %jit3A_1806, %sign3A_1818 : i32
      %sign3A_1820 = arith.extui %sign3A_1819 : i1 to i32
      %sign3A_1821 = arith.subi %sign3A_1817, %sign3A_1820 : i32
      %ne3A_1822 = arith.cmpi ne, %sign3A_1814, %sign3A_1821 : i32
      %rem3A_1823 = arith.remsi %add3A_1805, %jit3A_1806 : i32
      %ne3A_1824 = arith.constant 0 : i32
      %ne3A_1825 = arith.cmpi ne, %rem3A_1823, %ne3A_1824 : i32
      %and3A_1826 = arith.andi %ne3A_1822, %ne3A_1825 : i1
      %sub3A_1827 = arith.constant 1 : i32
      %sub3A_1828 = arith.subi %div3A_1807, %sub3A_1827 : i32
      %select_n3A_1829 = arith.select %and3A_1826, %sub3A_1828, %div3A_1807 : i32
      %mul3A_1830 = arith.constant 16 : i32
      %mul3A_1831 = arith.muli %select_n3A_1829, %mul3A_1830 : i32
      %sub3A_1832 = arith.subi %add3A_1805, %mul3A_1831 : i32
      %jit3A_1833 = arith.constant 2 : i32
      %div3A_1834 = arith.divsi %sub3A_1832, %jit3A_1833 : i32
      %sign3A_1835 = arith.constant 0 : i32
      %sign3A_1836 = arith.cmpi sgt, %sub3A_1832, %sign3A_1835 : i32
      %sign3A_1837 = arith.extui %sign3A_1836 : i1 to i32
      %sign3A_1838 = arith.constant 0 : i32
      %sign3A_1839 = arith.cmpi slt, %sub3A_1832, %sign3A_1838 : i32
      %sign3A_1840 = arith.extui %sign3A_1839 : i1 to i32
      %sign3A_1841 = arith.subi %sign3A_1837, %sign3A_1840 : i32
      %sign3A_1842 = arith.constant 0 : i32
      %sign3A_1843 = arith.cmpi sgt, %jit3A_1833, %sign3A_1842 : i32
      %sign3A_1844 = arith.extui %sign3A_1843 : i1 to i32
      %sign3A_1845 = arith.constant 0 : i32
      %sign3A_1846 = arith.cmpi slt, %jit3A_1833, %sign3A_1845 : i32
      %sign3A_1847 = arith.extui %sign3A_1846 : i1 to i32
      %sign3A_1848 = arith.subi %sign3A_1844, %sign3A_1847 : i32
      %ne3A_1849 = arith.cmpi ne, %sign3A_1841, %sign3A_1848 : i32
      %rem3A_1850 = arith.remsi %sub3A_1832, %jit3A_1833 : i32
      %ne3A_1851 = arith.constant 0 : i32
      %ne3A_1852 = arith.cmpi ne, %rem3A_1850, %ne3A_1851 : i32
      %and3A_1853 = arith.andi %ne3A_1849, %ne3A_1852 : i1
      %sub3A_1854 = arith.constant 1 : i32
      %sub3A_1855 = arith.subi %div3A_1834, %sub3A_1854 : i32
      %select_n3A_1856 = arith.select %and3A_1853, %sub3A_1855, %div3A_1834 : i32
      %mul3A_1857 = arith.constant 2 : i32
      %mul3A_1858 = arith.muli %select_n3A_1856, %mul3A_1857 : i32
      %sub3A_1859 = arith.subi %sub3A_1832, %mul3A_1858 : i32
      %mul3A_1860 = arith.constant 10 : i32
      %mul3A_1861 = arith.muli %sub3A_1859, %mul3A_1860 : i32
      %dma_wait3A_1862 = arith.constant 0 : i32
      %dma_wait3A_1863 = arith.constant 4 : i32
      %dma_wait3A_1864 = arith.constant 0 : i32
      %dma_wait3A_1865 = tpu.memref_slice %arg4[%mul3A_1861, %select_n3A_1829, %select_n3A_1856, %dma_wait3A_1862, %dma_wait3A_1863, %dma_wait3A_1864] : memref<20x26x8x8x8x128xf32, #tpu.memory_space<hbm>> -> memref<10x1x1x8x4x128xf32, #tpu.memory_space<hbm>>
      %dma_wait3A_1866 = tpu.memref_squeeze %dma_wait3A_1865 : memref<10x1x1x8x4x128xf32, #tpu.memory_space<hbm>> -> memref<10x8x4x128xf32, #tpu.memory_space<hbm>>
      %dma_wait3A_1867 = arith.constant 0 : i32
      %dma_wait3A_1868 = arith.constant 4 : i32
      %dma_wait3A_1869 = arith.constant 0 : i32
      %dma_wait3A_1870 = tpu.memref_slice %arg4[%mul3A_1861, %select_n3A_1829, %select_n3A_1856, %dma_wait3A_1867, %dma_wait3A_1868, %dma_wait3A_1869] : memref<20x26x8x8x8x128xf32, #tpu.memory_space<hbm>> -> memref<10x1x1x8x4x128xf32, #tpu.memory_space<hbm>>
      %dma_wait3A_1871 = tpu.memref_squeeze %dma_wait3A_1870 : memref<10x1x1x8x4x128xf32, #tpu.memory_space<hbm>> -> memref<10x8x4x128xf32, #tpu.memory_space<hbm>>
      tpu.wait_dma2 semaphore(%arg14 : memref<!tpu.dma_semaphore, #tpu.memory_space<semaphore_mem>>) src(%arg10 : memref<10x8x4x128xf32, #tpu.memory_space<vmem>>) dst(%dma_wait3A_1871 : memref<10x8x4x128xf32, #tpu.memory_space<hbm>>)
      %add3A_1872 = arith.constant 4004 : i32
      %add3A_1873 = arith.addi %sub3A_1656, %add3A_1872 : i32
      %scan3A_1874 = arith.constant 0 : i32
      %scan3A_1875 = arith.constant 0 : i32
      %scan3A_1876 = arith.constant 10 : i32
      %scan3A_1877 = arith.addi %scan3A_1875, %scan3A_1876 : i32
      %scan3A_1878 = arith.constant 1 : i32
      scf.for %scan3A_1949 = %scan3A_1875 to %scan3A_1877 step %scan3A_1878  : i32 {
        %parallel_loop3A = arith.constant 0 : i32
        %parallel_loop3A_1950 = arith.constant 64 : i32
        %parallel_loop3A_1951 = arith.constant 1 : i32
        scf.for %parallel_loop3A_1952 = %parallel_loop3A to %parallel_loop3A_1950 step %parallel_loop3A_1951  : i32 {
          %parallel_loop3A_1953 = arith.constant 16 : i32
          %parallel_loop3A_1954 = arith.muli %parallel_loop3A_1952, %parallel_loop3A_1953 : i32
          %parallel_loop3A_1955 = arith.index_cast %scan3A_1949 : i32 to index
          %parallel_loop3A_1956 = arith.index_cast %parallel_loop3A_1954 : i32 to index
          %parallel_loop3A_1957 = tpu.vector_load %arg5[%parallel_loop3A_1955, %parallel_loop3A_1956] {strides = array<i32>} : memref<10x1024xi32, #tpu.memory_space<vmem>>, vector<16xi32>,
          %parallel_loop3A_1958 = vector.broadcast %add3A_1873 : i32 to vector<16xi32>
          %parallel_loop3A_1959 = arith.addi %parallel_loop3A_1957, %parallel_loop3A_1958 : vector<16xi32>
          %parallel_loop3A_1960 = arith.constant 0 : i32
          %parallel_loop3A_1961 = vector.broadcast %parallel_loop3A_1960 : i32 to vector<16xi32>
          %parallel_loop3A_1962 = arith.addi %parallel_loop3A_1959, %parallel_loop3A_1961 : vector<16xi32>
          %parallel_loop3A_1963 = tpu.vector_load_idx %arg7[%parallel_loop3A_1962] : memref<8016xf32, #tpu.memory_space<vmem>>[vector<16xi32>], vector<16xf32>,
          %parallel_loop3A_1964 = arith.constant 8 : i32
          %parallel_loop3A_1965 = arith.divsi %parallel_loop3A_1952, %parallel_loop3A_1964 : i32
          %parallel_loop3A_1966 = arith.constant 0 : i32
          %parallel_loop3A_1967 = arith.cmpi sgt, %parallel_loop3A_1952, %parallel_loop3A_1966 : i32
          %parallel_loop3A_1968 = arith.extui %parallel_loop3A_1967 : i1 to i32
          %parallel_loop3A_1969 = arith.constant 0 : i32
          %parallel_loop3A_1970 = arith.cmpi slt, %parallel_loop3A_1952, %parallel_loop3A_1969 : i32
          %parallel_loop3A_1971 = arith.extui %parallel_loop3A_1970 : i1 to i32
          %parallel_loop3A_1972 = arith.subi %parallel_loop3A_1968, %parallel_loop3A_1971 : i32
          %parallel_loop3A_1973 = arith.constant 0 : i32
          %parallel_loop3A_1974 = arith.cmpi sgt, %parallel_loop3A_1964, %parallel_loop3A_1973 : i32
          %parallel_loop3A_1975 = arith.extui %parallel_loop3A_1974 : i1 to i32
          %parallel_loop3A_1976 = arith.constant 0 : i32
          %parallel_loop3A_1977 = arith.cmpi slt, %parallel_loop3A_1964, %parallel_loop3A_1976 : i32
          %parallel_loop3A_1978 = arith.extui %parallel_loop3A_1977 : i1 to i32
          %parallel_loop3A_1979 = arith.subi %parallel_loop3A_1975, %parallel_loop3A_1978 : i32
          %parallel_loop3A_1980 = arith.cmpi ne, %parallel_loop3A_1972, %parallel_loop3A_1979 : i32
          %parallel_loop3A_1981 = arith.remsi %parallel_loop3A_1952, %parallel_loop3A_1964 : i32
          %parallel_loop3A_1982 = arith.constant 0 : i32
          %parallel_loop3A_1983 = arith.cmpi ne, %parallel_loop3A_1981, %parallel_loop3A_1982 : i32
          %parallel_loop3A_1984 = arith.andi %parallel_loop3A_1980, %parallel_loop3A_1983 : i1
          %parallel_loop3A_1985 = arith.constant 1 : i32
          %parallel_loop3A_1986 = arith.subi %parallel_loop3A_1965, %parallel_loop3A_1985 : i32
          %parallel_loop3A_1987 = arith.select %parallel_loop3A_1984, %parallel_loop3A_1986, %parallel_loop3A_1965 : i32
          %parallel_loop3A_1988 = arith.constant 8 : i32
          %parallel_loop3A_1989 = arith.constant 0 : i32
          %parallel_loop3A_1990 = arith.cmpi eq, %parallel_loop3A_1988, %parallel_loop3A_1989 : i32
          %parallel_loop3A_1991 = arith.constant 1 : i32
          %parallel_loop3A_1992 = arith.select %parallel_loop3A_1990, %parallel_loop3A_1991, %parallel_loop3A_1988 : i32
          %parallel_loop3A_1993 = arith.remsi %parallel_loop3A_1952, %parallel_loop3A_1992 : i32
          %parallel_loop3A_1994 = arith.constant 0 : i32
          %parallel_loop3A_1995 = arith.cmpi ne, %parallel_loop3A_1993, %parallel_loop3A_1994 : i32
          %parallel_loop3A_1996 = arith.constant 0 : i32
          %parallel_loop3A_1997 = arith.cmpi slt, %parallel_loop3A_1993, %parallel_loop3A_1996 : i32
          %parallel_loop3A_1998 = arith.constant 0 : i32
          %parallel_loop3A_1999 = arith.cmpi slt, %parallel_loop3A_1992, %parallel_loop3A_1998 : i32
          %parallel_loop3A_2000 = arith.xori %parallel_loop3A_1997, %parallel_loop3A_1999 : i1
          %parallel_loop3A_2001 = arith.andi %parallel_loop3A_2000, %parallel_loop3A_1995 : i1
          %parallel_loop3A_2002 = arith.addi %parallel_loop3A_1993, %parallel_loop3A_1992 : i32
          %parallel_loop3A_2003 = arith.select %parallel_loop3A_2001, %parallel_loop3A_2002, %parallel_loop3A_1993 : i32
          %parallel_loop3A_2004 = arith.constant 16 : i32
          %parallel_loop3A_2005 = arith.muli %parallel_loop3A_2003, %parallel_loop3A_2004 : i32
          %parallel_loop3A_2006 = arith.constant 0 : i32
          %parallel_loop3A_2007 = arith.index_cast %scan3A_1949 : i32 to index
          %parallel_loop3A_2008 = arith.index_cast %parallel_loop3A_1987 : i32 to index
          %parallel_loop3A_2009 = arith.index_cast %parallel_loop3A_2006 : i32 to index
          %parallel_loop3A_2010 = arith.index_cast %parallel_loop3A_2005 : i32 to index
          %parallel_loop3A_2011 = tpu.vector_load %arg10[%parallel_loop3A_2007, %parallel_loop3A_2008, %parallel_loop3A_2009, %parallel_loop3A_2010] {strides = array<i32>} : memref<10x8x4x128xf32, #tpu.memory_space<vmem>>, vector<16xf32>,
          tpu.vector_store %arg10[%parallel_loop3A_2007, %parallel_loop3A_2008, %parallel_loop3A_2009, %parallel_loop3A_2010], %parallel_loop3A_1963 {strides = array<i32>} : memref<10x8x4x128xf32, #tpu.memory_space<vmem>>, vector<16xf32>,
          %parallel_loop3A_2012 = arith.constant 1001 : i32
          %parallel_loop3A_2013 = vector.broadcast %parallel_loop3A_2012 : i32 to vector<16xi32>
          %parallel_loop3A_2014 = arith.addi %parallel_loop3A_1959, %parallel_loop3A_2013 : vector<16xi32>
          %parallel_loop3A_2015 = tpu.vector_load_idx %arg7[%parallel_loop3A_2014] : memref<8016xf32, #tpu.memory_space<vmem>>[vector<16xi32>], vector<16xf32>,
          %parallel_loop3A_2016 = arith.constant 8 : i32
          %parallel_loop3A_2017 = arith.divsi %parallel_loop3A_1952, %parallel_loop3A_2016 : i32
          %parallel_loop3A_2018 = arith.constant 0 : i32
          %parallel_loop3A_2019 = arith.cmpi sgt, %parallel_loop3A_1952, %parallel_loop3A_2018 : i32
          %parallel_loop3A_2020 = arith.extui %parallel_loop3A_2019 : i1 to i32
          %parallel_loop3A_2021 = arith.constant 0 : i32
          %parallel_loop3A_2022 = arith.cmpi slt, %parallel_loop3A_1952, %parallel_loop3A_2021 : i32
          %parallel_loop3A_2023 = arith.extui %parallel_loop3A_2022 : i1 to i32
          %parallel_loop3A_2024 = arith.subi %parallel_loop3A_2020, %parallel_loop3A_2023 : i32
          %parallel_loop3A_2025 = arith.constant 0 : i32
          %parallel_loop3A_2026 = arith.cmpi sgt, %parallel_loop3A_2016, %parallel_loop3A_2025 : i32
          %parallel_loop3A_2027 = arith.extui %parallel_loop3A_2026 : i1 to i32
          %parallel_loop3A_2028 = arith.constant 0 : i32
          %parallel_loop3A_2029 = arith.cmpi slt, %parallel_loop3A_2016, %parallel_loop3A_2028 : i32
          %parallel_loop3A_2030 = arith.extui %parallel_loop3A_2029 : i1 to i32
          %parallel_loop3A_2031 = arith.subi %parallel_loop3A_2027, %parallel_loop3A_2030 : i32
          %parallel_loop3A_2032 = arith.cmpi ne, %parallel_loop3A_2024, %parallel_loop3A_2031 : i32
          %parallel_loop3A_2033 = arith.remsi %parallel_loop3A_1952, %parallel_loop3A_2016 : i32
          %parallel_loop3A_2034 = arith.constant 0 : i32
          %parallel_loop3A_2035 = arith.cmpi ne, %parallel_loop3A_2033, %parallel_loop3A_2034 : i32
          %parallel_loop3A_2036 = arith.andi %parallel_loop3A_2032, %parallel_loop3A_2035 : i1
          %parallel_loop3A_2037 = arith.constant 1 : i32
          %parallel_loop3A_2038 = arith.subi %parallel_loop3A_2017, %parallel_loop3A_2037 : i32
          %parallel_loop3A_2039 = arith.select %parallel_loop3A_2036, %parallel_loop3A_2038, %parallel_loop3A_2017 : i32
          %parallel_loop3A_2040 = arith.constant 8 : i32
          %parallel_loop3A_2041 = arith.constant 0 : i32
          %parallel_loop3A_2042 = arith.cmpi eq, %parallel_loop3A_2040, %parallel_loop3A_2041 : i32
          %parallel_loop3A_2043 = arith.constant 1 : i32
          %parallel_loop3A_2044 = arith.select %parallel_loop3A_2042, %parallel_loop3A_2043, %parallel_loop3A_2040 : i32
          %parallel_loop3A_2045 = arith.remsi %parallel_loop3A_1952, %parallel_loop3A_2044 : i32
          %parallel_loop3A_2046 = arith.constant 0 : i32
          %parallel_loop3A_2047 = arith.cmpi ne, %parallel_loop3A_2045, %parallel_loop3A_2046 : i32
          %parallel_loop3A_2048 = arith.constant 0 : i32
          %parallel_loop3A_2049 = arith.cmpi slt, %parallel_loop3A_2045, %parallel_loop3A_2048 : i32
          %parallel_loop3A_2050 = arith.constant 0 : i32
          %parallel_loop3A_2051 = arith.cmpi slt, %parallel_loop3A_2044, %parallel_loop3A_2050 : i32
          %parallel_loop3A_2052 = arith.xori %parallel_loop3A_2049, %parallel_loop3A_2051 : i1
          %parallel_loop3A_2053 = arith.andi %parallel_loop3A_2052, %parallel_loop3A_2047 : i1
          %parallel_loop3A_2054 = arith.addi %parallel_loop3A_2045, %parallel_loop3A_2044 : i32
          %parallel_loop3A_2055 = arith.select %parallel_loop3A_2053, %parallel_loop3A_2054, %parallel_loop3A_2045 : i32
          %parallel_loop3A_2056 = arith.constant 16 : i32
          %parallel_loop3A_2057 = arith.muli %parallel_loop3A_2055, %parallel_loop3A_2056 : i32
          %parallel_loop3A_2058 = arith.constant 1 : i32
          %parallel_loop3A_2059 = arith.index_cast %scan3A_1949 : i32 to index
          %parallel_loop3A_2060 = arith.index_cast %parallel_loop3A_2039 : i32 to index
          %parallel_loop3A_2061 = arith.index_cast %parallel_loop3A_2058 : i32 to index
          %parallel_loop3A_2062 = arith.index_cast %parallel_loop3A_2057 : i32 to index
          %parallel_loop3A_2063 = tpu.vector_load %arg10[%parallel_loop3A_2059, %parallel_loop3A_2060, %parallel_loop3A_2061, %parallel_loop3A_2062] {strides = array<i32>} : memref<10x8x4x128xf32, #tpu.memory_space<vmem>>, vector<16xf32>,
          tpu.vector_store %arg10[%parallel_loop3A_2059, %parallel_loop3A_2060, %parallel_loop3A_2061, %parallel_loop3A_2062], %parallel_loop3A_2015 {strides = array<i32>} : memref<10x8x4x128xf32, #tpu.memory_space<vmem>>, vector<16xf32>,
          %parallel_loop3A_2064 = arith.constant 2002 : i32
          %parallel_loop3A_2065 = vector.broadcast %parallel_loop3A_2064 : i32 to vector<16xi32>
          %parallel_loop3A_2066 = arith.addi %parallel_loop3A_1959, %parallel_loop3A_2065 : vector<16xi32>
          %parallel_loop3A_2067 = tpu.vector_load_idx %arg7[%parallel_loop3A_2066] : memref<8016xf32, #tpu.memory_space<vmem>>[vector<16xi32>], vector<16xf32>,
          %parallel_loop3A_2068 = arith.constant 8 : i32
          %parallel_loop3A_2069 = arith.divsi %parallel_loop3A_1952, %parallel_loop3A_2068 : i32
          %parallel_loop3A_2070 = arith.constant 0 : i32
          %parallel_loop3A_2071 = arith.cmpi sgt, %parallel_loop3A_1952, %parallel_loop3A_2070 : i32
          %parallel_loop3A_2072 = arith.extui %parallel_loop3A_2071 : i1 to i32
          %parallel_loop3A_2073 = arith.constant 0 : i32
          %parallel_loop3A_2074 = arith.cmpi slt, %parallel_loop3A_1952, %parallel_loop3A_2073 : i32
          %parallel_loop3A_2075 = arith.extui %parallel_loop3A_2074 : i1 to i32
          %parallel_loop3A_2076 = arith.subi %parallel_loop3A_2072, %parallel_loop3A_2075 : i32
          %parallel_loop3A_2077 = arith.constant 0 : i32
          %parallel_loop3A_2078 = arith.cmpi sgt, %parallel_loop3A_2068, %parallel_loop3A_2077 : i32
          %parallel_loop3A_2079 = arith.extui %parallel_loop3A_2078 : i1 to i32
          %parallel_loop3A_2080 = arith.constant 0 : i32
          %parallel_loop3A_2081 = arith.cmpi slt, %parallel_loop3A_2068, %parallel_loop3A_2080 : i32
          %parallel_loop3A_2082 = arith.extui %parallel_loop3A_2081 : i1 to i32
          %parallel_loop3A_2083 = arith.subi %parallel_loop3A_2079, %parallel_loop3A_2082 : i32
          %parallel_loop3A_2084 = arith.cmpi ne, %parallel_loop3A_2076, %parallel_loop3A_2083 : i32
          %parallel_loop3A_2085 = arith.remsi %parallel_loop3A_1952, %parallel_loop3A_2068 : i32
          %parallel_loop3A_2086 = arith.constant 0 : i32
          %parallel_loop3A_2087 = arith.cmpi ne, %parallel_loop3A_2085, %parallel_loop3A_2086 : i32
          %parallel_loop3A_2088 = arith.andi %parallel_loop3A_2084, %parallel_loop3A_2087 : i1
          %parallel_loop3A_2089 = arith.constant 1 : i32
          %parallel_loop3A_2090 = arith.subi %parallel_loop3A_2069, %parallel_loop3A_2089 : i32
          %parallel_loop3A_2091 = arith.select %parallel_loop3A_2088, %parallel_loop3A_2090, %parallel_loop3A_2069 : i32
          %parallel_loop3A_2092 = arith.constant 8 : i32
          %parallel_loop3A_2093 = arith.constant 0 : i32
          %parallel_loop3A_2094 = arith.cmpi eq, %parallel_loop3A_2092, %parallel_loop3A_2093 : i32
          %parallel_loop3A_2095 = arith.constant 1 : i32
          %parallel_loop3A_2096 = arith.select %parallel_loop3A_2094, %parallel_loop3A_2095, %parallel_loop3A_2092 : i32
          %parallel_loop3A_2097 = arith.remsi %parallel_loop3A_1952, %parallel_loop3A_2096 : i32
          %parallel_loop3A_2098 = arith.constant 0 : i32
          %parallel_loop3A_2099 = arith.cmpi ne, %parallel_loop3A_2097, %parallel_loop3A_2098 : i32
          %parallel_loop3A_2100 = arith.constant 0 : i32
          %parallel_loop3A_2101 = arith.cmpi slt, %parallel_loop3A_2097, %parallel_loop3A_2100 : i32
          %parallel_loop3A_2102 = arith.constant 0 : i32
          %parallel_loop3A_2103 = arith.cmpi slt, %parallel_loop3A_2096, %parallel_loop3A_2102 : i32
          %parallel_loop3A_2104 = arith.xori %parallel_loop3A_2101, %parallel_loop3A_2103 : i1
          %parallel_loop3A_2105 = arith.andi %parallel_loop3A_2104, %parallel_loop3A_2099 : i1
          %parallel_loop3A_2106 = arith.addi %parallel_loop3A_2097, %parallel_loop3A_2096 : i32
          %parallel_loop3A_2107 = arith.select %parallel_loop3A_2105, %parallel_loop3A_2106, %parallel_loop3A_2097 : i32
          %parallel_loop3A_2108 = arith.constant 16 : i32
          %parallel_loop3A_2109 = arith.muli %parallel_loop3A_2107, %parallel_loop3A_2108 : i32
          %parallel_loop3A_2110 = arith.constant 2 : i32
          %parallel_loop3A_2111 = arith.index_cast %scan3A_1949 : i32 to index
          %parallel_loop3A_2112 = arith.index_cast %parallel_loop3A_2091 : i32 to index
          %parallel_loop3A_2113 = arith.index_cast %parallel_loop3A_2110 : i32 to index
          %parallel_loop3A_2114 = arith.index_cast %parallel_loop3A_2109 : i32 to index
          %parallel_loop3A_2115 = tpu.vector_load %arg10[%parallel_loop3A_2111, %parallel_loop3A_2112, %parallel_loop3A_2113, %parallel_loop3A_2114] {strides = array<i32>} : memref<10x8x4x128xf32, #tpu.memory_space<vmem>>, vector<16xf32>,
          tpu.vector_store %arg10[%parallel_loop3A_2111, %parallel_loop3A_2112, %parallel_loop3A_2113, %parallel_loop3A_2114], %parallel_loop3A_2067 {strides = array<i32>} : memref<10x8x4x128xf32, #tpu.memory_space<vmem>>, vector<16xf32>,
          %parallel_loop3A_2116 = arith.constant 3003 : i32
          %parallel_loop3A_2117 = vector.broadcast %parallel_loop3A_2116 : i32 to vector<16xi32>
          %parallel_loop3A_2118 = arith.addi %parallel_loop3A_1959, %parallel_loop3A_2117 : vector<16xi32>
          %parallel_loop3A_2119 = tpu.vector_load_idx %arg7[%parallel_loop3A_2118] : memref<8016xf32, #tpu.memory_space<vmem>>[vector<16xi32>], vector<16xf32>,
          %parallel_loop3A_2120 = arith.constant 8 : i32
          %parallel_loop3A_2121 = arith.divsi %parallel_loop3A_1952, %parallel_loop3A_2120 : i32
          %parallel_loop3A_2122 = arith.constant 0 : i32
          %parallel_loop3A_2123 = arith.cmpi sgt, %parallel_loop3A_1952, %parallel_loop3A_2122 : i32
          %parallel_loop3A_2124 = arith.extui %parallel_loop3A_2123 : i1 to i32
          %parallel_loop3A_2125 = arith.constant 0 : i32
          %parallel_loop3A_2126 = arith.cmpi slt, %parallel_loop3A_1952, %parallel_loop3A_2125 : i32
          %parallel_loop3A_2127 = arith.extui %parallel_loop3A_2126 : i1 to i32
          %parallel_loop3A_2128 = arith.subi %parallel_loop3A_2124, %parallel_loop3A_2127 : i32
          %parallel_loop3A_2129 = arith.constant 0 : i32
          %parallel_loop3A_2130 = arith.cmpi sgt, %parallel_loop3A_2120, %parallel_loop3A_2129 : i32
          %parallel_loop3A_2131 = arith.extui %parallel_loop3A_2130 : i1 to i32
          %parallel_loop3A_2132 = arith.constant 0 : i32
          %parallel_loop3A_2133 = arith.cmpi slt, %parallel_loop3A_2120, %parallel_loop3A_2132 : i32
          %parallel_loop3A_2134 = arith.extui %parallel_loop3A_2133 : i1 to i32
          %parallel_loop3A_2135 = arith.subi %parallel_loop3A_2131, %parallel_loop3A_2134 : i32
          %parallel_loop3A_2136 = arith.cmpi ne, %parallel_loop3A_2128, %parallel_loop3A_2135 : i32
          %parallel_loop3A_2137 = arith.remsi %parallel_loop3A_1952, %parallel_loop3A_2120 : i32
          %parallel_loop3A_2138 = arith.constant 0 : i32
          %parallel_loop3A_2139 = arith.cmpi ne, %parallel_loop3A_2137, %parallel_loop3A_2138 : i32
          %parallel_loop3A_2140 = arith.andi %parallel_loop3A_2136, %parallel_loop3A_2139 : i1
          %parallel_loop3A_2141 = arith.constant 1 : i32
          %parallel_loop3A_2142 = arith.subi %parallel_loop3A_2121, %parallel_loop3A_2141 : i32
          %parallel_loop3A_2143 = arith.select %parallel_loop3A_2140, %parallel_loop3A_2142, %parallel_loop3A_2121 : i32
          %parallel_loop3A_2144 = arith.constant 8 : i32
          %parallel_loop3A_2145 = arith.constant 0 : i32
          %parallel_loop3A_2146 = arith.cmpi eq, %parallel_loop3A_2144, %parallel_loop3A_2145 : i32
          %parallel_loop3A_2147 = arith.constant 1 : i32
          %parallel_loop3A_2148 = arith.select %parallel_loop3A_2146, %parallel_loop3A_2147, %parallel_loop3A_2144 : i32
          %parallel_loop3A_2149 = arith.remsi %parallel_loop3A_1952, %parallel_loop3A_2148 : i32
          %parallel_loop3A_2150 = arith.constant 0 : i32
          %parallel_loop3A_2151 = arith.cmpi ne, %parallel_loop3A_2149, %parallel_loop3A_2150 : i32
          %parallel_loop3A_2152 = arith.constant 0 : i32
          %parallel_loop3A_2153 = arith.cmpi slt, %parallel_loop3A_2149, %parallel_loop3A_2152 : i32
          %parallel_loop3A_2154 = arith.constant 0 : i32
          %parallel_loop3A_2155 = arith.cmpi slt, %parallel_loop3A_2148, %parallel_loop3A_2154 : i32
          %parallel_loop3A_2156 = arith.xori %parallel_loop3A_2153, %parallel_loop3A_2155 : i1
          %parallel_loop3A_2157 = arith.andi %parallel_loop3A_2156, %parallel_loop3A_2151 : i1
          %parallel_loop3A_2158 = arith.addi %parallel_loop3A_2149, %parallel_loop3A_2148 : i32
          %parallel_loop3A_2159 = arith.select %parallel_loop3A_2157, %parallel_loop3A_2158, %parallel_loop3A_2149 : i32
          %parallel_loop3A_2160 = arith.constant 16 : i32
          %parallel_loop3A_2161 = arith.muli %parallel_loop3A_2159, %parallel_loop3A_2160 : i32
          %parallel_loop3A_2162 = arith.constant 3 : i32
          %parallel_loop3A_2163 = arith.index_cast %scan3A_1949 : i32 to index
          %parallel_loop3A_2164 = arith.index_cast %parallel_loop3A_2143 : i32 to index
          %parallel_loop3A_2165 = arith.index_cast %parallel_loop3A_2162 : i32 to index
          %parallel_loop3A_2166 = arith.index_cast %parallel_loop3A_2161 : i32 to index
          %parallel_loop3A_2167 = tpu.vector_load %arg10[%parallel_loop3A_2163, %parallel_loop3A_2164, %parallel_loop3A_2165, %parallel_loop3A_2166] {strides = array<i32>} : memref<10x8x4x128xf32, #tpu.memory_space<vmem>>, vector<16xf32>,
          tpu.vector_store %arg10[%parallel_loop3A_2163, %parallel_loop3A_2164, %parallel_loop3A_2165, %parallel_loop3A_2166], %parallel_loop3A_2119 {strides = array<i32>} : memref<10x8x4x128xf32, #tpu.memory_space<vmem>>, vector<16xf32>,
        } {sc.loop_unroll_factor = 8 : i64, sc.parallel_access}
      }
      %scan3A_1879 = arith.constant 10 : i32
      %mul3A_1880 = arith.constant 32 : i32
      %mul3A_1881 = arith.muli %add3A_1398, %mul3A_1880 : i32
      %add3A_1882 = arith.addi %add3A, %mul3A_1881 : i32
      %jit3A_1883 = arith.constant 16 : i32
      %div3A_1884 = arith.divsi %add3A_1882, %jit3A_1883 : i32
      %sign3A_1885 = arith.constant 0 : i32
      %sign3A_1886 = arith.cmpi sgt, %add3A_1882, %sign3A_1885 : i32
      %sign3A_1887 = arith.extui %sign3A_1886 : i1 to i32
      %sign3A_1888 = arith.constant 0 : i32
      %sign3A_1889 = arith.cmpi slt, %add3A_1882, %sign3A_1888 : i32
      %sign3A_1890 = arith.extui %sign3A_1889 : i1 to i32
      %sign3A_1891 = arith.subi %sign3A_1887, %sign3A_1890 : i32
      %sign3A_1892 = arith.constant 0 : i32
      %sign3A_1893 = arith.cmpi sgt, %jit3A_1883, %sign3A_1892 : i32
      %sign3A_1894 = arith.extui %sign3A_1893 : i1 to i32
      %sign3A_1895 = arith.constant 0 : i32
      %sign3A_1896 = arith.cmpi slt, %jit3A_1883, %sign3A_1895 : i32
      %sign3A_1897 = arith.extui %sign3A_1896 : i1 to i32
      %sign3A_1898 = arith.subi %sign3A_1894, %sign3A_1897 : i32
      %ne3A_1899 = arith.cmpi ne, %sign3A_1891, %sign3A_1898 : i32
      %rem3A_1900 = arith.remsi %add3A_1882, %jit3A_1883 : i32
      %ne3A_1901 = arith.constant 0 : i32
      %ne3A_1902 = arith.cmpi ne, %rem3A_1900, %ne3A_1901 : i32
      %and3A_1903 = arith.andi %ne3A_1899, %ne3A_1902 : i1
      %sub3A_1904 = arith.constant 1 : i32
      %sub3A_1905 = arith.subi %div3A_1884, %sub3A_1904 : i32
      %select_n3A_1906 = arith.select %and3A_1903, %sub3A_1905, %div3A_1884 : i32
      %mul3A_1907 = arith.constant 16 : i32
      %mul3A_1908 = arith.muli %select_n3A_1906, %mul3A_1907 : i32
      %sub3A_1909 = arith.subi %add3A_1882, %mul3A_1908 : i32
      %jit3A_1910 = arith.constant 2 : i32
      %div3A_1911 = arith.divsi %sub3A_1909, %jit3A_1910 : i32
      %sign3A_1912 = arith.constant 0 : i32
      %sign3A_1913 = arith.cmpi sgt, %sub3A_1909, %sign3A_1912 : i32
      %sign3A_1914 = arith.extui %sign3A_1913 : i1 to i32
      %sign3A_1915 = arith.constant 0 : i32
      %sign3A_1916 = arith.cmpi slt, %sub3A_1909, %sign3A_1915 : i32
      %sign3A_1917 = arith.extui %sign3A_1916 : i1 to i32
      %sign3A_1918 = arith.subi %sign3A_1914, %sign3A_1917 : i32
      %sign3A_1919 = arith.constant 0 : i32
      %sign3A_1920 = arith.cmpi sgt, %jit3A_1910, %sign3A_1919 : i32
      %sign3A_1921 = arith.extui %sign3A_1920 : i1 to i32
      %sign3A_1922 = arith.constant 0 : i32
      %sign3A_1923 = arith.cmpi slt, %jit3A_1910, %sign3A_1922 : i32
      %sign3A_1924 = arith.extui %sign3A_1923 : i1 to i32
      %sign3A_1925 = arith.subi %sign3A_1921, %sign3A_1924 : i32
      %ne3A_1926 = arith.cmpi ne, %sign3A_1918, %sign3A_1925 : i32
      %rem3A_1927 = arith.remsi %sub3A_1909, %jit3A_1910 : i32
      %ne3A_1928 = arith.constant 0 : i32
      %ne3A_1929 = arith.cmpi ne, %rem3A_1927, %ne3A_1928 : i32
      %and3A_1930 = arith.andi %ne3A_1926, %ne3A_1929 : i1
      %sub3A_1931 = arith.constant 1 : i32
      %sub3A_1932 = arith.subi %div3A_1911, %sub3A_1931 : i32
      %select_n3A_1933 = arith.select %and3A_1930, %sub3A_1932, %div3A_1911 : i32
      %mul3A_1934 = arith.constant 2 : i32
      %mul3A_1935 = arith.muli %select_n3A_1933, %mul3A_1934 : i32
      %sub3A_1936 = arith.subi %sub3A_1909, %mul3A_1935 : i32
      %mul3A_1937 = arith.constant 10 : i32
      %mul3A_1938 = arith.muli %sub3A_1936, %mul3A_1937 : i32
      %dma_start3A_1939 = arith.constant 0 : i32
      %dma_start3A_1940 = arith.constant 4 : i32
      %dma_start3A_1941 = arith.constant 0 : i32
      %dma_start3A_1942 = tpu.memref_slice %arg4[%mul3A_1938, %select_n3A_1906, %select_n3A_1933, %dma_start3A_1939, %dma_start3A_1940, %dma_start3A_1941] : memref<20x26x8x8x8x128xf32, #tpu.memory_space<hbm>> -> memref<10x1x1x8x4x128xf32, #tpu.memory_space<hbm>>
      %dma_start3A_1943 = tpu.memref_squeeze %dma_start3A_1942 : memref<10x1x1x8x4x128xf32, #tpu.memory_space<hbm>> -> memref<10x8x4x128xf32, #tpu.memory_space<hbm>>
      %dma_start3A_1944 = arith.constant 0 : i32
      %dma_start3A_1945 = arith.constant 4 : i32
      %dma_start3A_1946 = arith.constant 0 : i32
      %dma_start3A_1947 = tpu.memref_slice %arg4[%mul3A_1938, %select_n3A_1906, %select_n3A_1933, %dma_start3A_1944, %dma_start3A_1945, %dma_start3A_1946] : memref<20x26x8x8x8x128xf32, #tpu.memory_space<hbm>> -> memref<10x1x1x8x4x128xf32, #tpu.memory_space<hbm>>
      %dma_start3A_1948 = tpu.memref_squeeze %dma_start3A_1947 : memref<10x1x1x8x4x128xf32, #tpu.memory_space<hbm>> -> memref<10x8x4x128xf32, #tpu.memory_space<hbm>>
      tpu.enqueue_dma source(%arg10 : memref<10x8x4x128xf32, #tpu.memory_space<vmem>>) target(%dma_start3A_1948 : memref<10x8x4x128xf32, #tpu.memory_space<hbm>>) target_semaphore(%arg14 : memref<!tpu.dma_semaphore, #tpu.memory_space<semaphore_mem>>)
    }
    %scan3A_705 = arith.constant 6 : i32
    %add3A_706 = arith.constant 0 : i32
    %add3A_707 = arith.addi %add3A, %add3A_706 : i32
    %jit3A_708 = arith.constant 16 : i32
    %div3A_709 = arith.divsi %add3A_707, %jit3A_708 : i32
    %sign3A_710 = arith.constant 0 : i32
    %sign3A_711 = arith.cmpi sgt, %add3A_707, %sign3A_710 : i32
    %sign3A_712 = arith.extui %sign3A_711 : i1 to i32
    %sign3A_713 = arith.constant 0 : i32
    %sign3A_714 = arith.cmpi slt, %add3A_707, %sign3A_713 : i32
    %sign3A_715 = arith.extui %sign3A_714 : i1 to i32
    %sign3A_716 = arith.subi %sign3A_712, %sign3A_715 : i32
    %sign3A_717 = arith.constant 0 : i32
    %sign3A_718 = arith.cmpi sgt, %jit3A_708, %sign3A_717 : i32
    %sign3A_719 = arith.extui %sign3A_718 : i1 to i32
    %sign3A_720 = arith.constant 0 : i32
    %sign3A_721 = arith.cmpi slt, %jit3A_708, %sign3A_720 : i32
    %sign3A_722 = arith.extui %sign3A_721 : i1 to i32
    %sign3A_723 = arith.subi %sign3A_719, %sign3A_722 : i32
    %ne3A_724 = arith.cmpi ne, %sign3A_716, %sign3A_723 : i32
    %rem3A_725 = arith.remsi %add3A_707, %jit3A_708 : i32
    %ne3A_726 = arith.constant 0 : i32
    %ne3A_727 = arith.cmpi ne, %rem3A_725, %ne3A_726 : i32
    %and3A_728 = arith.andi %ne3A_724, %ne3A_727 : i1
    %sub3A_729 = arith.constant 1 : i32
    %sub3A_730 = arith.subi %div3A_709, %sub3A_729 : i32
    %select_n3A_731 = arith.select %and3A_728, %sub3A_730, %div3A_709 : i32
    %mul3A_732 = arith.constant 16 : i32
    %mul3A_733 = arith.muli %select_n3A_731, %mul3A_732 : i32
    %sub3A_734 = arith.subi %add3A_707, %mul3A_733 : i32
    %jit3A_735 = arith.constant 2 : i32
    %div3A_736 = arith.divsi %sub3A_734, %jit3A_735 : i32
    %sign3A_737 = arith.constant 0 : i32
    %sign3A_738 = arith.cmpi sgt, %sub3A_734, %sign3A_737 : i32
    %sign3A_739 = arith.extui %sign3A_738 : i1 to i32
    %sign3A_740 = arith.constant 0 : i32
    %sign3A_741 = arith.cmpi slt, %sub3A_734, %sign3A_740 : i32
    %sign3A_742 = arith.extui %sign3A_741 : i1 to i32
    %sign3A_743 = arith.subi %sign3A_739, %sign3A_742 : i32
    %sign3A_744 = arith.constant 0 : i32
    %sign3A_745 = arith.cmpi sgt, %jit3A_735, %sign3A_744 : i32
    %sign3A_746 = arith.extui %sign3A_745 : i1 to i32
    %sign3A_747 = arith.constant 0 : i32
    %sign3A_748 = arith.cmpi slt, %jit3A_735, %sign3A_747 : i32
    %sign3A_749 = arith.extui %sign3A_748 : i1 to i32
    %sign3A_750 = arith.subi %sign3A_746, %sign3A_749 : i32
    %ne3A_751 = arith.cmpi ne, %sign3A_743, %sign3A_750 : i32
    %rem3A_752 = arith.remsi %sub3A_734, %jit3A_735 : i32
    %ne3A_753 = arith.constant 0 : i32
    %ne3A_754 = arith.cmpi ne, %rem3A_752, %ne3A_753 : i32
    %and3A_755 = arith.andi %ne3A_751, %ne3A_754 : i1
    %sub3A_756 = arith.constant 1 : i32
    %sub3A_757 = arith.subi %div3A_736, %sub3A_756 : i32
    %select_n3A_758 = arith.select %and3A_755, %sub3A_757, %div3A_736 : i32
    %mul3A_759 = arith.constant 2 : i32
    %mul3A_760 = arith.muli %select_n3A_758, %mul3A_759 : i32
    %sub3A_761 = arith.subi %sub3A_734, %mul3A_760 : i32
    %mul3A_762 = arith.constant 10 : i32
    %mul3A_763 = arith.muli %sub3A_761, %mul3A_762 : i32
    %dma_wait3A_764 = arith.constant 0 : i32
    %dma_wait3A_765 = arith.constant 0 : i32
    %dma_wait3A_766 = arith.constant 0 : i32
    %dma_wait3A_767 = tpu.memref_slice %arg4[%mul3A_763, %select_n3A_731, %select_n3A_758, %dma_wait3A_764, %dma_wait3A_765, %dma_wait3A_766] : memref<20x26x8x8x8x128xf32, #tpu.memory_space<hbm>> -> memref<10x1x1x8x4x128xf32, #tpu.memory_space<hbm>>
    %dma_wait3A_768 = tpu.memref_squeeze %dma_wait3A_767 : memref<10x1x1x8x4x128xf32, #tpu.memory_space<hbm>> -> memref<10x8x4x128xf32, #tpu.memory_space<hbm>>
    %dma_wait3A_769 = arith.constant 0 : i32
    %dma_wait3A_770 = arith.constant 0 : i32
    %dma_wait3A_771 = arith.constant 0 : i32
    %dma_wait3A_772 = tpu.memref_slice %arg4[%mul3A_763, %select_n3A_731, %select_n3A_758, %dma_wait3A_769, %dma_wait3A_770, %dma_wait3A_771] : memref<20x26x8x8x8x128xf32, #tpu.memory_space<hbm>> -> memref<10x1x1x8x4x128xf32, #tpu.memory_space<hbm>>
    %dma_wait3A_773 = tpu.memref_squeeze %dma_wait3A_772 : memref<10x1x1x8x4x128xf32, #tpu.memory_space<hbm>> -> memref<10x8x4x128xf32, #tpu.memory_space<hbm>>
    tpu.wait_dma2 semaphore(%arg13 : memref<!tpu.dma_semaphore, #tpu.memory_space<semaphore_mem>>) src(%arg9 : memref<10x8x4x128xf32, #tpu.memory_space<vmem>>) dst(%dma_wait3A_773 : memref<10x8x4x128xf32, #tpu.memory_space<hbm>>)
    %add3A_774 = arith.constant 0 : i32
    %add3A_775 = arith.addi %add3A, %add3A_774 : i32
    %jit3A_776 = arith.constant 16 : i32
    %div3A_777 = arith.divsi %add3A_775, %jit3A_776 : i32
    %sign3A_778 = arith.constant 0 : i32
    %sign3A_779 = arith.cmpi sgt, %add3A_775, %sign3A_778 : i32
    %sign3A_780 = arith.extui %sign3A_779 : i1 to i32
    %sign3A_781 = arith.constant 0 : i32
    %sign3A_782 = arith.cmpi slt, %add3A_775, %sign3A_781 : i32
    %sign3A_783 = arith.extui %sign3A_782 : i1 to i32
    %sign3A_784 = arith.subi %sign3A_780, %sign3A_783 : i32
    %sign3A_785 = arith.constant 0 : i32
    %sign3A_786 = arith.cmpi sgt, %jit3A_776, %sign3A_785 : i32
    %sign3A_787 = arith.extui %sign3A_786 : i1 to i32
    %sign3A_788 = arith.constant 0 : i32
    %sign3A_789 = arith.cmpi slt, %jit3A_776, %sign3A_788 : i32
    %sign3A_790 = arith.extui %sign3A_789 : i1 to i32
    %sign3A_791 = arith.subi %sign3A_787, %sign3A_790 : i32
    %ne3A_792 = arith.cmpi ne, %sign3A_784, %sign3A_791 : i32
    %rem3A_793 = arith.remsi %add3A_775, %jit3A_776 : i32
    %ne3A_794 = arith.constant 0 : i32
    %ne3A_795 = arith.cmpi ne, %rem3A_793, %ne3A_794 : i32
    %and3A_796 = arith.andi %ne3A_792, %ne3A_795 : i1
    %sub3A_797 = arith.constant 1 : i32
    %sub3A_798 = arith.subi %div3A_777, %sub3A_797 : i32
    %select_n3A_799 = arith.select %and3A_796, %sub3A_798, %div3A_777 : i32
    %mul3A_800 = arith.constant 16 : i32
    %mul3A_801 = arith.muli %select_n3A_799, %mul3A_800 : i32
    %sub3A_802 = arith.subi %add3A_775, %mul3A_801 : i32
    %jit3A_803 = arith.constant 2 : i32
    %div3A_804 = arith.divsi %sub3A_802, %jit3A_803 : i32
    %sign3A_805 = arith.constant 0 : i32
    %sign3A_806 = arith.cmpi sgt, %sub3A_802, %sign3A_805 : i32
    %sign3A_807 = arith.extui %sign3A_806 : i1 to i32
    %sign3A_808 = arith.constant 0 : i32
    %sign3A_809 = arith.cmpi slt, %sub3A_802, %sign3A_808 : i32
    %sign3A_810 = arith.extui %sign3A_809 : i1 to i32
    %sign3A_811 = arith.subi %sign3A_807, %sign3A_810 : i32
    %sign3A_812 = arith.constant 0 : i32
    %sign3A_813 = arith.cmpi sgt, %jit3A_803, %sign3A_812 : i32
    %sign3A_814 = arith.extui %sign3A_813 : i1 to i32
    %sign3A_815 = arith.constant 0 : i32
    %sign3A_816 = arith.cmpi slt, %jit3A_803, %sign3A_815 : i32
    %sign3A_817 = arith.extui %sign3A_816 : i1 to i32
    %sign3A_818 = arith.subi %sign3A_814, %sign3A_817 : i32
    %ne3A_819 = arith.cmpi ne, %sign3A_811, %sign3A_818 : i32
    %rem3A_820 = arith.remsi %sub3A_802, %jit3A_803 : i32
    %ne3A_821 = arith.constant 0 : i32
    %ne3A_822 = arith.cmpi ne, %rem3A_820, %ne3A_821 : i32
    %and3A_823 = arith.andi %ne3A_819, %ne3A_822 : i1
    %sub3A_824 = arith.constant 1 : i32
    %sub3A_825 = arith.subi %div3A_804, %sub3A_824 : i32
    %select_n3A_826 = arith.select %and3A_823, %sub3A_825, %div3A_804 : i32
    %mul3A_827 = arith.constant 2 : i32
    %mul3A_828 = arith.muli %select_n3A_826, %mul3A_827 : i32
    %sub3A_829 = arith.subi %sub3A_802, %mul3A_828 : i32
    %mul3A_830 = arith.constant 10 : i32
    %mul3A_831 = arith.muli %sub3A_829, %mul3A_830 : i32
    %dma_wait3A_832 = arith.constant 0 : i32
    %dma_wait3A_833 = arith.constant 4 : i32
    %dma_wait3A_834 = arith.constant 0 : i32
    %dma_wait3A_835 = tpu.memref_slice %arg4[%mul3A_831, %select_n3A_799, %select_n3A_826, %dma_wait3A_832, %dma_wait3A_833, %dma_wait3A_834] : memref<20x26x8x8x8x128xf32, #tpu.memory_space<hbm>> -> memref<10x1x1x8x4x128xf32, #tpu.memory_space<hbm>>
    %dma_wait3A_836 = tpu.memref_squeeze %dma_wait3A_835 : memref<10x1x1x8x4x128xf32, #tpu.memory_space<hbm>> -> memref<10x8x4x128xf32, #tpu.memory_space<hbm>>
    %dma_wait3A_837 = arith.constant 0 : i32
    %dma_wait3A_838 = arith.constant 4 : i32
    %dma_wait3A_839 = arith.constant 0 : i32
    %dma_wait3A_840 = tpu.memref_slice %arg4[%mul3A_831, %select_n3A_799, %select_n3A_826, %dma_wait3A_837, %dma_wait3A_838, %dma_wait3A_839] : memref<20x26x8x8x8x128xf32, #tpu.memory_space<hbm>> -> memref<10x1x1x8x4x128xf32, #tpu.memory_space<hbm>>
    %dma_wait3A_841 = tpu.memref_squeeze %dma_wait3A_840 : memref<10x1x1x8x4x128xf32, #tpu.memory_space<hbm>> -> memref<10x8x4x128xf32, #tpu.memory_space<hbm>>
    tpu.wait_dma2 semaphore(%arg14 : memref<!tpu.dma_semaphore, #tpu.memory_space<semaphore_mem>>) src(%arg10 : memref<10x8x4x128xf32, #tpu.memory_space<vmem>>) dst(%dma_wait3A_841 : memref<10x8x4x128xf32, #tpu.memory_space<hbm>>)
    return
  }
}

</mosaic_0001>

<sc_bundles>
// kernel: kernel.3.cloned.1.call-start
scs
__scs_entry_jumppad:
0x0: {  	(pc) =	sbr.rel $0x88, $3  }
0x1: {  	(tag) =	ssettag $0x0;
	lr =	simm.s32 $0x1  }
0x2: {  	[smem:$0x3F9F] =	sst lr;
	_ =	strace $0xD0000000  }
0x3: {  	_ = 	snop  }
0x4: {  	_ = 	snop  }
0x5: {  	_ = 	snop  }
0x6: {  	_ = 	snop  }
0x7: {  	_ = 	snop  }
__scs_overlays_trampoline_lowered:
0x8: {  	[smem:$0x3FAE] =	sst s0  }
0x9: {  	[smem:$0x3FAF] =	sst s1  }
0xa: {  	[smem:$0x3FB0] =	sst s2  }
0xb: {  	[smem:$0x3FB1] =	sst s3  }
0xc: {  	[smem:$0x3FB2] =	sst s4  }
0xd: {  	[smem:$0x3FB3] =	sst s5  }
0xe: {  	[smem:$0x3FB4] =	sst s6  }
0xf: {  	[smem:$0x3FB5] =	sst s7  }
0x10: {  	[smem:$0x3FB6] =	sst s8  }
0x11: {  	[smem:$0x3FB7] =	sst s9;
	s0 =	simm.s32 @!p0 $0x0  }
0x12: {  	s1 =	sld [smem:$0x3F9D];
	s0 =	simm.s32 @p0 $0x1  }
0x13: {  	[smem:$0x3FB8] =	sst s0;
	s0 =	simm.s32 @!p1 $0x0  }
0x14: {  	s2 =	sld [smem:$0x3F9C];
	s0 =	simm.s32 @p1 $0x1  }
0x15: {  	[smem:$0x3FB9] =	sst s0;
	s0 =	simm.s32 @!p2 $0x0  }
0x16: {  	s3 =	sld [smem:$0x3FDB];
	s0 =	simm.s32 @p2 $0x1  }
0x17: {  	s4 =	simm.s32 $0x1BF5;
	[smem:$0x3FBB] =	sst s0  }
0x18: {  	s0 =	sld [smem:$0x3F9E];
	_ =	swait.ge [sflag:s4], $0x0  }
0x19: {  	s7 =	sld [smem:$0x3F9F]  }
0x1a: {  	s8 =	sadd.s32 $0xFFFFE003, lr  }
0x1b: {  	s9 =	sadd.s32 $0xFFFFFEF7, lr;
	s5 =	simm.s32 $0xFFFFFFFF;
	p2 =	slt.u32 s8, $0xFFFFF086  }
0x1c: {  	p1 =	slt.u32 s9, $0xF7A;
	s5 =	simm.s32 @!p2 $0x0  }
0x1d: {  	s5 =	simm.s32 @p1 $0x1;
	p0 =	seq.s32 s7, s2  }
0x1e: {  	s7 =	smul.u32 @!p0 $0xF7A, s2;
	p2 =	seq.s32 @!p0 s5, $0x0  }
0x1f: {  	s9 =	smul.u32 $0xF7A, s1;
	s8 =	simm.s32 @!p0 $0x1BF5;
	p2 =	por !p2, p0  }
0x20: {  	[sflag:s8] =	ssyncset.s32 @!p0 $0xFFFFF086;
	s6 =	sadd.s32 @!p0 s3, s7;
	s7 =	simm.s32 @!p0 $0x108  }
0x21: {  	s3 =	sadd.s32 s3, s9;
	s6 =	sadd.s32 @!p0 $0x88, s6;
	s7 =	simm.s32 @p2 $0x1082  }
0x22: {  	[simem:s7], [sflag:s8] =	dma.local @!p0 [hbm:s6], $0xF7A  }
0x23: {  	s9 =	sor.u32 $0xD0000000, s2;
	s6 =	simm.s32 $0x108;
	_ =	swait.ge @!p0 [sflag:s8], $0x0  }
0x24: {  	s3 =	sadd.s32 $0x88, s3;
	s6 =	simm.s32 @!p1 $0x1082;
	[sflag:s4] =	ssyncset.s32 $0xFFFFF086  }
0x25: {  	[simem:s6], [sflag:s4] =	dma.local [hbm:s3], $0xF7A  }
0x26: {  	[smem:$0x3F9F] =	sst s1;
	(tag) =	ssettag s2;
	_ =	strace s9  }
0x27: {  	s1 =	sld [smem:$0x3FAF]  }
0x28: {  	s2 =	sld [smem:$0x3FB0]  }
0x29: {  	s4 =	sld [smem:$0x3FB2]  }
0x2a: {  	p0 =	seq.s32 s5, $0x0;
	s5 =	sld [smem:$0x3FB3]  }
0x2b: {  	s6 =	sld [smem:$0x3FB4]  }
0x2c: {  	s7 =	sld [smem:$0x3FB5]  }
0x2d: {  	s3 =	simm.s32 $0x108;
	s8 =	sld [smem:$0x3FB6]  }
0x2e: {  	s3 =	simm.s32 @!p0 $0x1082;
	s9 =	sld [smem:$0x3FB7]  }
0x2f: {  	lr =	sadd.s32 s0, s3;
	s0 =	sld [smem:$0x3FAE]  }
0x30: {  	s3 =	sld [smem:$0x3FB1]  }
0x31: {  	[smem:$0x3FBA] =	sst s10  }
0x32: {  	s10 =	sld [smem:$0x3FB8];
	_ =	sdelay $0x3  }
0x33: {  	p0 =	seq.s32 s10, $0x1;
	s10 =	sld [smem:$0x3FBA];
	_ =	sdelay $0x3  }
0x34: {  	[smem:$0x3FBA] =	sst s10  }
0x35: {  	s10 =	sld [smem:$0x3FB9];
	_ =	sdelay $0x3  }
0x36: {  	p1 =	seq.s32 s10, $0x1;
	s10 =	sld [smem:$0x3FBA];
	_ =	sdelay $0x3  }
0x37: {  	[smem:$0x3FBA] =	sst s10  }
0x38: {  	s10 =	sld [smem:$0x3FBB]  }
0x39: {  	_ = 	snop;
	(pc) =	sbr.ind lr, $3  }
0x3a: {  	_ = 	snop  }
0x3b: {  	_ = 	snop  }
0x3c: {  	p2 =	seq.s32 s10, $0x1;
	s10 =	sld [smem:$0x3FBA]  }
0x3d: {  	_ =	shalt  }
0x3e: {  	_ =	shalt  }
0x3f: {  	_ =	shalt  }
0x40: {  	_ =	shalt  }
0x41: {  	_ =	shalt  }
0x42: {  	_ =	shalt  }
0x43: {  	_ =	shalt  }
0x44: {  	_ =	shalt  }
0x45: {  	_ =	shalt  }
0x46: {  	_ =	shalt  }
0x47: {  	_ =	shalt  }
0x48: {  	_ =	shalt  }
0x49: {  	_ =	shalt  }
0x4a: {  	_ =	shalt  }
0x4b: {  	_ =	shalt  }
0x4c: {  	_ =	shalt  }
0x4d: {  	_ =	shalt  }
0x4e: {  	_ =	shalt  }
0x4f: {  	_ =	shalt  }
0x50: {  	_ =	shalt  }
0x51: {  	_ =	shalt  }
0x52: {  	_ =	shalt  }
0x53: {  	_ =	shalt  }
0x54: {  	_ =	shalt  }
0x55: {  	_ =	shalt  }
0x56: {  	_ =	shalt  }
0x57: {  	_ =	shalt  }
0x58: {  	_ =	shalt  }
0x59: {  	_ =	shalt  }
0x5a: {  	_ =	shalt  }
0x5b: {  	_ =	shalt  }
0x5c: {  	_ =	shalt  }
0x5d: {  	_ =	shalt  }
0x5e: {  	_ =	shalt  }
0x5f: {  	_ =	shalt  }
0x60: {  	_ =	shalt  }
0x61: {  	_ =	shalt  }
0x62: {  	_ =	shalt  }
0x63: {  	_ =	shalt  }
0x64: {  	_ =	shalt  }
0x65: {  	_ =	shalt  }
0x66: {  	_ =	shalt  }
0x67: {  	_ =	shalt  }
0x68: {  	_ =	shalt  }
0x69: {  	_ =	shalt  }
0x6a: {  	_ =	shalt  }
0x6b: {  	_ =	shalt  }
0x6c: {  	_ =	shalt  }
0x6d: {  	_ =	shalt  }
0x6e: {  	_ =	shalt  }
0x6f: {  	_ =	shalt  }
0x70: {  	_ =	shalt  }
0x71: {  	_ =	shalt  }
0x72: {  	_ =	shalt  }
0x73: {  	_ =	shalt  }
0x74: {  	_ =	shalt  }
0x75: {  	_ =	shalt  }
0x76: {  	_ =	shalt  }
0x77: {  	_ =	shalt  }
0x78: {  	_ =	shalt  }
0x79: {  	_ =	shalt  }
0x7a: {  	_ =	shalt  }
0x7b: {  	_ =	shalt  }
0x7c: {  	_ =	shalt  }
0x7d: {  	_ =	shalt  }
0x7e: {  	_ =	shalt  }
0x7f: {  	_ =	shalt  }
0x80: {  	_ =	shalt  }
0x81: {  	_ =	shalt  }
0x82: {  	_ =	shalt  }
0x83: {  	_ =	shalt  }
0x84: {  	_ =	shalt  }
0x85: {  	_ =	shalt  }
0x86: {  	_ =	shalt  }
0x87: {  	_ =	shalt  }
.Lfunc_end0:
.L_simem_size_0:
called_computation_lowered:
.L_overlay_start_0:
0x88: {  	s2 =	sld [smem:$0x3FD9]  }
0x89: {  	s3 =	sld [smem:$0x3FFE];
	_ =	sdelay $0x1  }
0x8a: {  	s1 =	srdreg.scid  }
0x8b: {  	s0 =	sand.u32 $0x1, s1  }
0x8c: {  	s17 =	sshll.u32 s0, $0xA;
	s2 =	sadd.s32 s3, s2  }
0x8d: {  	s2 =	sadd.s32 s2, s17  }
0x8e: {  	[smem:$0x3FC6] =	sst s2  }
0x8f: {  	_ = 	snop  }
0x90: {  	s2 =	sld [smem:$0x3FD0];
	(tm) =	ssettm $0x1  }
0x91: {  	s18 =	sld [smem:$0x3FFB];
	_ =	sdelay $0x3  }
0x92: {  	_ =	strace s18  }
0x93: {  	s3 =	sld [smem:$0x3FFC];
	_ =	sdelay $0x3  }
0x94: {  	_ =	strace s3  }
0x95: {  	s3 =	sld [smem:$0x3FFD];
	_ =	sdelay $0x3  }
0x96: {  	_ =	strace s3  }
0x97: {  	_ =	strace $0x8FFFFFFF  }
0x98: {  	s19 =	sld [smem:$0x3FDB];
	_ =	sdelay $0x1  }
0x99: {  	s4 =	simm.s32 $_scs_section_size  }
0x9a: {  	s5 =	simm.s32 $_size__tile_overlayer_lowered;
	s6 =	simm.s32 $_tile_overlayer_lowered  }
0x9b: {  	s22 =	simm.s32 $0x1BFF;
	s21 =	sshll.u32 s6, $0x1;
	s3 =	sadd.s32 s4, s19  }
0x9c: {  	s7 =	simm.s32 $0x0;
	s20 =	sshll.u32 s5, $0x1;
	s5 =	sadd.s32 s21, s3  }
0x9d: {  	[timem:s7], [sflag:s22] =	dma.local [hbm:s5], s20  }
0x9e: {  	_ =	swait.ge [sflag:s22], s20  }
0x9f: {  	s4 =	ssub.s32 $0x0, s20;
	[sflag:s22] =	ssyncset.done $0x0  }
0xa0: {  	[sflag:s22] =	ssyncadd.s32 s4;
	_ =	sdelay $0x1  }
0xa1: {  	s23 =	simm.s32 $0x1B8B  }
0xa2: {  	_ =	swait.ge [sflag:s23], $0x1  }
0xa3: {  	[sflag:s23] =	ssyncset.done $0x0  }
0xa4: {  	s25 =	simm.s32 $0x1B8E;
	s24 =	sld [smem:$0x3FFE];
	[sflag:s23] =	ssyncadd.s32 $0xFFFFFFFF  }
0xa5: {  	s26 =	simm.s32 $execute0_lowered;
	[smem:$0x3FD2] =	sst s25  }
0xa6: {  	s5 =	sshll.u32 s26, $0x1;
	_ =	strace $0x80000046;
	[dreg:$0x1] =	wrdreg $0xFFFFFFFF  }
0xa7: {  	s28 =	simm.s32 $_size_execute0_lowered;
	s3 =	sadd.s32 s3, s5;
	[dreg:$0x0] =	wrdreg $0x0  }
0xa8: {  	s5 =	sshll.u32 s28, $0x1;
	[dreg:$0x2] =	wrdreg s3  }
0xa9: {  	[dreg:$0x3] =	wrdreg s5  }
0xaa: {  	[dreg:$0x4] =	wrdreg $0xC0  }
0xab: {  	_ =	task [dreg:s7], $0x5FFFF  }
0xac: {  	[dreg:$0x1] =	wrdreg $0xFFFFFFFF  }
0xad: {  	[dreg:$0x0] =	wrdreg $0x60  }
0xae: {  	[dreg:$0x2] =	wrdreg s24  }
0xaf: {  	[dreg:$0x3] =	wrdreg s2  }
0xb0: {  	[dreg:$0x4] =	wrdreg $0x9  }
0xb1: {  	_ =	task.clear_ibuf [dreg:s7], $0x5FFFF;
	_ =	strace $0x90000046  }
0xb2: {  	s29 =	simm.s32 $0x9;
	_ =	strace $0x80000048  }
0xb3: {  	_ =	swait.ge [sflag:s29], $0x1  }
0xb4: {  	[sflag:s29] =	ssyncadd.s32 $0xFFFFFFFF  }
0xb5: {  	_ =	strace $0x90000048  }
0xb6: {  	_ =	sfence  }
0xb7: {  	s30 =	sld [smem:$0x0];
	_ =	sdelay $0x2  }
0xb8: {  	s31 =	sshll.u32 s1, $0xD;
	s1 =	sshrl.u32 s1, $0x2  }
0xb9: {  	s3 =	sand.u32 $0x4000, s31;
	s1 =	sadd.s32 s1, s30  }
0xba: {  	s0 =	sor.u32 s3, s0;
	s1 =	sshll.u32 s1, $0x11  }
0xbb: {  	s0 =	sor.u32 s1, s0  }
0xbc: {  	s0 =	sadd.s32 $0x8F2B, s0  }
0xbd: {  	[sflag:s0] =	ssyncadd.remote.s32 $0x1  }
0xbe: {  	_ =	sfence.sel $0xFFFF  }
0xbf: {  	[dreg:$0x0] =	wrdreg $0xFFFFFFFF;
	(pc) =	sbr.abs _section_cstart, $3  }
0xc0: {  	[dreg:$0x1] =	wrdreg $0xFFFFFFFF  }
0xc1: {  	_ =	task.clear_ibuf [dreg:s7], $0x2FFFF;
	_ =	strace $0x9FFFFFFF  }
0xc2: {  	(tm) =	ssettm $0x7FFFFFFF  }
0xc3: {  	_ =	shalt  }
tec
execute0_lowered:
.L_overlay_start_1:
0x0: {  	(tag) =	ssettag $0x1  }
0x1: {  	s0 =	rddreg [dreg:$0x0]  }
0x2: {  	s16 =	rddreg [dreg:$0x1]  }
0x3: {  	s3 =	simm.s32 $0x0;
	s1 =	srdreg.scid;
	s2 =	stileid.u32  }
0x4: {  	s10 =	simm.s32 $0x1;
	s28 =	simm.s32 $0x1BEA0;
	s29 =	simm.s32 $0x3  }
0x5: {  	s30 =	simm.s32 $0x4;
	s31 =	simm.s32 $0x0;
	s1 =	sand.u32 $0x1, s1  }
0x6: {  	s15 =	sshll.u32 s2, $0x1;
	s2 =	sshrl.u32 s2, $0x3;
	[smem:$0x7FF] =	sst s3  }
0x7: {  	s5 =	sadd.s32 $0x400, s0;
	s6 =	sadd.s32 $0x10800, s0;
	s18 =	sor.u32 s1, s15  }
0x8: {  	s4 =	sshll.u32 s2, $0x4;
	_ =	strace $0x80000047;
	s24 =	smul.u32 $0x5000, s2  }
0x9: {  	p5 =	seq.s32 s1, $0x1;
	s21 =	ssub.s32 $0x2, s1;
	s11 =	smul.u32 $0xFA40, s2  }
0xa: {  	s13 =	sor.u32 $0x2, s2;
	s2 =	sshll.u32 s2, $0x10;
	[dreg:$0x3] =	wrdreg s15  }
0xb: {  	s8 =	ssub.s32 s18, s4;
	p0 =	sne.s32 s18, s4;
	s4 =	simm.s32 $0x1  }
0xc: {  	s23 =	sshrl.u32 s21, $0x1;
	s3 =	sand.u32 $0xF, s18;
	s14 =	smul.u32 $0x5000, s13  }
0xd: {  	s13 =	sshll.u32 s13, $0x6;
	s7 =	sshra.s32 s8, $0x1F;
	s4 =	simm.s32 @!p0 $0x0  }
0xe: {  	s20 =	sand.u32 $0x80, s8;
	s0 =	ssub.s32 s21, s23;
	p6 =	seq.s32 s3, $0x0  }
0xf: {  	s12 =	sshrl.u32 s3, $0x1;
	s19 =	sor.u32 s4, s7;
	s22 =	sshrl.u32 s20, $0x7  }
0x10: {  	s4 =	simm.s32 $0x1;
	s7 =	simm.s32 $0x1;
	p0 =	por !p6, !p5  }
0x11: {  	s0 =	smax.u32 s0, $0x1;
	p1 =	sne.s32 s19, $0x1;
	p0 =	por !p0, !p0  }
0x12: {  	s1 =	sadd.s32 s22, s8;
	p1 =	por !p1, !p5;
	s10 =	simm.s32 @!p0 $0x0  }
0x13: {  	[dreg:$0xc] =	wrdreg s0;
	p1 =	por !p1, !p1;
	s10 =	ssub.s32 s12, s10  }
0x14: {  	s1 =	sshra.s32 s1, $0x1;
	s4 =	simm.s32 @!p1 $0x0;
	s17 =	sshll.u32 s10, $0x1  }
0x15: {  	s1 =	ssub.s32 s1, s4;
	s3 =	ssub.s32 s3, s17;
	s17 =	simm.s32 $0x19EA0  }
0x16: {  	s4 =	sshll.u32 s1, $0x1;
	s25 =	smul.u32 $0x1F48, s1;
	s1 =	sshll.u32 s1, $0xD  }
0x17: {  	s22 =	smul.u32 $0x1040000, s3;
	s4 =	ssub.s32 s8, s4;
	s1 =	sadd.s32 s2, s1  }
0x18: {  	s9 =	smul.u32 $0x2800, s4;
	s11 =	sadd.s32 s11, s25;
	s25 =	sor.u32 $0x40, s15  }
0x19: {  	s4 =	smul.u32 $0x1040000, s4;
	s11 =	sshrl.u32 s11, $0x3;
	[dreg:$0xa] =	wrdreg s25  }
0x1a: {  	s25 =	simm.s32 $0x200;
	s8 =	sadd.s32 s24, s9;
	s9 =	sshll.u32 s10, $0x3  }
0x1b: {  	s11 =	sadd.s32 s6, s11;
	s1 =	sadd.s32 s4, s1;
	s24 =	sshll.u32 s10, $0xD  }
0x1c: {  	s4 =	simm.s32 $0x18EA0;
	s26 =	sshrl.u32 s8, $0x3;
	s8 =	smul.u32 $0x2800, s3  }
0x1d: {  	[dreg:$0x5] =	wrdreg s11;
	s1 =	sshrl.u32 s1, $0x3;
	s12 =	sadd.s32 s5, s26  }
0x1e: {  	s18 =	sadd.s32 s13, s9;
	s23 =	sadd.s32 s16, s1;
	[dreg:$0x4] =	wrdreg s12  }
0x1f: {  	s26 =	sor.u32 $0x60, s15;
	s19 =	sadd.s32 s14, s8;
	[dreg:$0x8] =	wrdreg s23  }
0x20: {  	s12 =	smul.u32 $0x3E9, s18;
	s14 =	sadd.s32 $0x40, s16;
	[dreg:$0xb] =	wrdreg s26  }
0x21: {  	s26 =	simm.s32 $0x400;
	s18 =	simm.s32 $0x1AEA0;
	s11 =	sshrl.u32 s19, $0x3  }
0x22: {  	s1 =	sadd.s32 s1, s14;
	s19 =	sadd.s32 s24, s22;
	s22 =	simm.s32 $0x2  }
0x23: {  	s12 =	sshrl.u32 s12, $0x3;
	s20 =	sadd.s32 s5, s11;
	[dreg:$0x9] =	wrdreg s1  }
0x24: {  	s24 =	simm.s32 $0x6F50;
	[dreg:$0x6] =	wrdreg s20;
	s21 =	sadd.s32 s6, s12  }
0x25: {  	s1 =	simm.s32 $0x0;
	[dreg:$0x7] =	wrdreg s21;
	s21 =	simm.s32 $0x5000  }
.LBB2_1:
0x26: {  	[dreg:$0xd] =	wrdreg s1  }
0x27: {  	s0 =	simm.s32 $0x0;
	s13 =	rddreg [dreg:$0x4]  }
0x28: {  	[tilespmem:s0], [sflag:$0x1] =	stream.linear.gather [hbm4b:s13+s0], $0x2800, $0x38;
	[tilespmem:$0x1CEA0] =	vst v63  }
0x29: {  	s15 =	rddreg [dreg:$0x5]  }
0x2a: {  	[tilespmem:s21], [sflag:$0x2] =	stream.linear.gather [hbm4b:s15+s0], $0x1F50, $0x38;
	[tilespmem:$0x1CEA0] =	vst v63  }
0x2b: {  	_ =	swait.ge [sflag:s7], $0x2800  }
0x2c: {  	[sflag:s7] =	ssyncset.done $0x0  }
0x2d: {  	[sflag:s7] =	ssyncadd.s32 $0xFFFFD800  }
0x2e: {  	_ =	swait.ge [sflag:s22], $0x1F50  }
0x2f: {  	[sflag:s22] =	ssyncset.done $0x0  }
0x30: {  	s2 =	simm.s32 $0x2800;
	s20 =	rddreg [dreg:$0x6];
	[sflag:s22] =	ssyncadd.s32 $0xFFFFE0B0  }
0x31: {  	[tilespmem:s2], [sflag:$0x1] =	stream.linear.gather [hbm4b:s20+s0], $0x2800, $0x38;
	[tilespmem:$0x1CEA0] =	vst v63  }
0x32: {  	s23 =	rddreg [dreg:$0x7]  }
0x33: {  	[tilespmem:s24], [sflag:$0x2] =	stream.linear.gather [hbm4b:s23+s0], $0x1F50, $0x38;
	[tilespmem:$0x1CEA0] =	vst v63  }
0x34: {  	s1 =	simm.s32 $0x8FA0;
	s10 =	simm.s32 $0x0;
	s0 =	simm.s32 $0x40  }
.LBB2_2:
0x35: {  	v0 =	vld [tilespmem:s0+$0x30]  }
0x36: {  	v1 =	vld [tilespmem:s0+$0xFFFFFFD0]  }
0x37: {  	v2 =	vld [tilespmem:s0+$0xFFFFFFE0]  }
0x38: {  	v3 =	vld [tilespmem:s0+$0xFFFFFFF0]  }
0x39: {  	v4 =	vld [tilespmem:s0+$0x0]  }
0x3a: {  	v5 =	vld [tilespmem:s0+$0x10]  }
0x3b: {  	v6 =	vld [tilespmem:s0+$0x20]  }
0x3c: {  	v7 =	vld [tilespmem:s0+$0xFFFFFFC0]  }
0x3d: {  	v8 =	vld.idx.msk [tilespmem:v0+s21+$0x0], $0xffff  }
0x3e: {  	v9 =	vld.idx.msk [tilespmem:v1+s21+$0x0], $0xffff  }
0x3f: {  	v10 =	vld.idx.msk [tilespmem:v2+s21+$0x0], $0xffff  }
0x40: {  	v11 =	vadd.s32 $0x3E9, v0;
	v12 =	vld.idx.msk [tilespmem:v3+s21+$0x0], $0xffff  }
0x41: {  	v13 =	vadd.s32 $0x3E9, v1;
	v14 =	vld.idx.msk [tilespmem:v4+s21+$0x0], $0xffff  }
0x42: {  	v15 =	vadd.s32 $0x3E9, v2;
	v16 =	vld.idx.msk [tilespmem:v5+s21+$0x0], $0xffff  }
0x43: {  	v17 =	vadd.s32 $0x3E9, v3;
	v18 =	vld.idx.msk [tilespmem:v6+s21+$0x0], $0xffff;
	[tilespmem:s1+$0xFFFFFF70] =	vst v8  }
0x44: {  	v44 =	vadd.s32 $0x3E9, v4;
	v19 =	vld.idx.msk [tilespmem:v7+s21+$0x0], $0xffff;
	[tilespmem:s1+$0xFFFFFF10] =	vst v9  }
0x45: {  	v46 =	vadd.s32 $0x3E9, v5;
	[tilespmem:s1+$0xFFFFFF20] =	vst v10;
	v45 =	vld.idx.msk [tilespmem:v11+s21+$0x0], $0xffff  }
0x46: {  	v49 =	vadd.s32 $0x3E9, v7;
	[tilespmem:s1+$0xFFFFFF30] =	vst v12;
	v47 =	vld.idx.msk [tilespmem:v13+s21+$0x0], $0xffff  }
0x47: {  	v50 =	vadd.s32 $0x3E9, v6;
	[tilespmem:s1+$0xFFFFFF40] =	vst v14;
	v15 =	vld.idx.msk [tilespmem:v15+s21+$0x0], $0xffff  }
0x48: {  	v48 =	vadd.s32 $0x7D2, v0;
	[tilespmem:s1+$0xFFFFFF50] =	vst v16;
	v17 =	vld.idx.msk [tilespmem:v17+s21+$0x0], $0xffff  }
0x49: {  	v51 =	vadd.s32 $0x7D2, v1;
	[tilespmem:s1+$0xFFFFFF60] =	vst v18;
	v8 =	vld.idx.msk [tilespmem:v44+s21+$0x0], $0xffff  }
0x4a: {  	v52 =	vadd.s32 $0x7D2, v2;
	[tilespmem:s1+$0xFFFFFF00] =	vst v19;
	v11 =	vld.idx.msk [tilespmem:v46+s21+$0x0], $0xffff  }
0x4b: {  	v53 =	vadd.s32 $0x7D2, v3;
	v13 =	vld.idx.msk [tilespmem:v49+s21+$0x0], $0xffff;
	[tilespmem:s1+$0xFFFFFFF0] =	vst v45  }
0x4c: {  	v54 =	vadd.s32 $0x7D2, v4;
	v55 =	vld.idx.msk [tilespmem:v50+s21+$0x0], $0xffff;
	[tilespmem:s1+$0xFFFFFF90] =	vst v47  }
0x4d: {  	v56 =	vadd.s32 $0x7D2, v7;
	[tilespmem:s1+$0xFFFFFFA0] =	vst v15;
	v12 =	vld.idx.msk [tilespmem:v48+s21+$0x0], $0xffff  }
0x4e: {  	v58 =	vadd.s32 $0x7D2, v5;
	[tilespmem:s1+$0xFFFFFFB0] =	vst v17;
	v57 =	vld.idx.msk [tilespmem:v51+s21+$0x0], $0xffff  }
0x4f: {  	v60 =	vadd.s32 $0x7D2, v6;
	[tilespmem:s1+$0xFFFFFFC0] =	vst v8;
	v59 =	vld.idx.msk [tilespmem:v52+s21+$0x0], $0xffff  }
0x50: {  	v0 =	vadd.s32 $0xBBB, v0;
	[tilespmem:s1+$0xFFFFFFD0] =	vst v11;
	v9 =	vld.idx.msk [tilespmem:v53+s21+$0x0], $0xffff  }
0x51: {  	v1 =	vadd.s32 $0xBBB, v1;
	[tilespmem:s1+$0xFFFFFF80] =	vst v13;
	v61 =	vld.idx.msk [tilespmem:v54+s21+$0x0], $0xffff  }
0x52: {  	v2 =	vadd.s32 $0xBBB, v2;
	[tilespmem:s1+$0xFFFFFFE0] =	vst v55;
	v13 =	vld.idx.msk [tilespmem:v56+s21+$0x0], $0xffff  }
0x53: {  	v3 =	vadd.s32 $0xBBB, v3;
	v62 =	vld.idx.msk [tilespmem:v58+s21+$0x0], $0xffff;
	[tilespmem:s1+$0x70] =	vst v12  }
0x54: {  	v4 =	vadd.s32 $0xBBB, v4;
	v8 =	vld.idx.msk [tilespmem:v60+s21+$0x0], $0xffff;
	[tilespmem:s1+$0x10] =	vst v57  }
0x55: {  	v7 =	vadd.s32 $0xBBB, v7;
	[tilespmem:s1+$0x20] =	vst v59;
	v12 =	vld.idx.msk [tilespmem:v0+s21+$0x0], $0xffff  }
0x56: {  	v5 =	vadd.s32 $0xBBB, v5;
	[tilespmem:s1+$0x30] =	vst v9;
	v63 =	vld.idx.msk [tilespmem:v1+s21+$0x0], $0xffff  }
0x57: {  	v6 =	vadd.s32 $0xBBB, v6;
	[tilespmem:s1+$0x40] =	vst v61;
	v0 =	vld.idx.msk [tilespmem:v2+s21+$0x0], $0xffff  }
0x58: {  	[tilespmem:s1+$0x0] =	vst v13;
	v1 =	vld.idx.msk [tilespmem:v3+s21+$0x0], $0xffff  }
0x59: {  	[tilespmem:s1+$0x50] =	vst v62;
	v4 =	vld.idx.msk [tilespmem:v4+s21+$0x0], $0xffff  }
0x5a: {  	[tilespmem:s1+$0x60] =	vst v8;
	v2 =	vld.idx.msk [tilespmem:v7+s21+$0x0], $0xffff  }
0x5b: {  	v3 =	vld.idx.msk [tilespmem:v5+s21+$0x0], $0xffff;
	[tilespmem:s1+$0xF0] =	vst v12  }
0x5c: {  	s11 =	simm.s32 $0x0;
	s12 =	sadd.s32 $0x80, s0;
	s3 =	smov.u32 s1;
	v5 =	vld.idx.msk [tilespmem:v6+s21+$0x0], $0xffff;
	[tilespmem:s1+$0x90] =	vst v63  }
.LBB2_3:
0x5d: {  	v6 =	vld [tilespmem:s12+$0x30];
	s11 =	sadd.s32 $0x8, s11;
	[tilespmem:s3+$0xA0] =	vst v0  }
0x5e: {  	v0 =	vld [tilespmem:s12+$0xFFFFFFD0];
	p0 =	slt.u32 s11, $0x38;
	[tilespmem:s3+$0xB0] =	vst v1  }
0x5f: {  	v1 =	vld [tilespmem:s12+$0xFFFFFFE0];
	[tilespmem:s3+$0xC0] =	vst v4  }
0x60: {  	v4 =	vld [tilespmem:s12+$0xFFFFFFF0];
	[tilespmem:s3+$0x80] =	vst v2  }
0x61: {  	v2 =	vld [tilespmem:s12+$0x0];
	[tilespmem:s3+$0xD0] =	vst v3  }
0x62: {  	v3 =	vld [tilespmem:s12+$0x10];
	[tilespmem:s3+$0xE0] =	vst v5  }
0x63: {  	v5 =	vadd.s32 $0x3E9, v0;
	v7 =	vadd.s32 $0x7D2, v0;
	v8 =	vadd.s32 $0xBBB, v0;
	v9 =	vld [tilespmem:s12+$0x20]  }
0x64: {  	v10 =	vld [tilespmem:s12+$0xFFFFFFC0];
	v11 =	vadd.s32 $0x3E9, v1;
	v12 =	vadd.s32 $0x7D2, v1;
	v13 =	vadd.s32 $0xBBB, v1  }
0x65: {  	v14 =	vadd.s32 $0x3E9, v4;
	v15 =	vadd.s32 $0x7D2, v4;
	v16 =	vadd.s32 $0xBBB, v4;
	v17 =	vld.idx.msk [tilespmem:v6+s21+$0x0], $0xffff  }
0x66: {  	v0 =	vld.idx.msk [tilespmem:v0+s21+$0x0], $0xffff;
	v18 =	vadd.s32 $0x3E9, v2;
	v19 =	vadd.s32 $0x7D2, v2;
	v20 =	vadd.s32 $0xBBB, v2  }
0x67: {  	v23 =	vadd.s32 $0x3E9, v6;
	v1 =	vld.idx.msk [tilespmem:v1+s21+$0x0], $0xffff;
	v21 =	vadd.s32 $0x3E9, v3;
	v22 =	vadd.s32 $0x7D2, v3  }
0x68: {  	v24 =	vadd.s32 $0xBBB, v3;
	v4 =	vld.idx.msk [tilespmem:v4+s21+$0x0], $0xffff;
	v25 =	vadd.s32 $0x3E9, v9;
	v26 =	vadd.s32 $0x7D2, v9  }
0x69: {  	v27 =	vadd.s32 $0x3E9, v10;
	v28 =	vadd.s32 $0x7D2, v10;
	v29 =	vadd.s32 $0xBBB, v10;
	v2 =	vld.idx.msk [tilespmem:v2+s21+$0x0], $0xffff  }
0x6a: {  	s3 =	sadd.s32 $0x200, s3;
	v30 =	vadd.s32 $0xBBB, v9;
	v3 =	vld.idx.msk [tilespmem:v3+s21+$0x0], $0xffff  }
0x6b: {  	v9 =	vld.idx.msk [tilespmem:v9+s21+$0x0], $0xffff;
	[tilespmem:s3+$0xFFFFFF70] =	vst v17  }
0x6c: {  	[tilespmem:s3+$0xFFFFFF10] =	vst v0;
	v0 =	vld.idx.msk [tilespmem:v23+s21+$0x0], $0xffff  }
0x6d: {  	v10 =	vld.idx.msk [tilespmem:v10+s21+$0x0], $0xffff;
	[tilespmem:s3+$0xFFFFFF20] =	vst v1  }
0x6e: {  	v1 =	vld.idx.msk [tilespmem:v5+s21+$0x0], $0xffff;
	[tilespmem:s3+$0xFFFFFF30] =	vst v4;
	v4 =	vadd.s32 $0x7D2, v6  }
0x6f: {  	v5 =	vld.idx.msk [tilespmem:v11+s21+$0x0], $0xffff;
	[tilespmem:s3+$0xFFFFFF40] =	vst v2  }
0x70: {  	v2 =	vld.idx.msk [tilespmem:v14+s21+$0x0], $0xffff;
	[tilespmem:s3+$0xFFFFFF50] =	vst v3  }
0x71: {  	v3 =	vld.idx.msk [tilespmem:v18+s21+$0x0], $0xffff;
	[tilespmem:s3+$0xFFFFFF60] =	vst v9  }
0x72: {  	v9 =	vld.idx.msk [tilespmem:v21+s21+$0x0], $0xffff;
	[tilespmem:s3+$0xFFFFFFF0] =	vst v0  }
0x73: {  	[tilespmem:s3+$0xFFFFFF00] =	vst v10;
	v0 =	vld.idx.msk [tilespmem:v4+s21+$0x0], $0xffff  }
0x74: {  	v4 =	vld.idx.msk [tilespmem:v27+s21+$0x0], $0xffff;
	[tilespmem:s3+$0xFFFFFF90] =	vst v1  }
0x75: {  	[tilespmem:s3+$0xFFFFFFA0] =	vst v5;
	v1 =	vld.idx.msk [tilespmem:v25+s21+$0x0], $0xffff;
	v5 =	vadd.s32 $0xBBB, v6  }
0x76: {  	v6 =	vld.idx.msk [tilespmem:v7+s21+$0x0], $0xffff;
	[tilespmem:s3+$0xFFFFFFB0] =	vst v2  }
0x77: {  	v2 =	vld.idx.msk [tilespmem:v12+s21+$0x0], $0xffff;
	[tilespmem:s3+$0xFFFFFFC0] =	vst v3  }
0x78: {  	v3 =	vld.idx.msk [tilespmem:v15+s21+$0x0], $0xffff;
	[tilespmem:s3+$0xFFFFFFD0] =	vst v9  }
0x79: {  	v7 =	vld.idx.msk [tilespmem:v19+s21+$0x0], $0xffff;
	[tilespmem:s3+$0x70] =	vst v0  }
0x7a: {  	[tilespmem:s3+$0xFFFFFF80] =	vst v4;
	v4 =	vld.idx.msk [tilespmem:v5+s21+$0x0], $0xffff  }
0x7b: {  	v5 =	vld.idx.msk [tilespmem:v28+s21+$0x0], $0xffff;
	[tilespmem:s3+$0xFFFFFFE0] =	vst v1  }
0x7c: {  	[tilespmem:s3+$0x10] =	vst v6;
	v6 =	vld.idx.msk [tilespmem:v22+s21+$0x0], $0xffff  }
0x7d: {  	[tilespmem:s3+$0x20] =	vst v2;
	v9 =	vld.idx.msk [tilespmem:v26+s21+$0x0], $0xffff  }
0x7e: {  	v8 =	vld.idx.msk [tilespmem:v8+s21+$0x0], $0xffff;
	[tilespmem:s3+$0x30] =	vst v3  }
0x7f: {  	v0 =	vld.idx.msk [tilespmem:v13+s21+$0x0], $0xffff;
	[tilespmem:s3+$0x40] =	vst v7  }
.Ltmp0:
0x80: {  	v1 =	vld.idx.msk [tilespmem:v16+s21+$0x0], $0xffff;
	[tilespmem:s3+$0xF0] =	vst v4;
	(pc) =	sbr.rel @p0 .LBB2_3-.Ltmp0, $4  }
0x81: {  	[tilespmem:s3+$0x0] =	vst v5;
	v4 =	vld.idx.msk [tilespmem:v20+s21+$0x0], $0xffff  }
0x82: {  	v2 =	vld.idx.msk [tilespmem:v29+s21+$0x0], $0xffff;
	[tilespmem:s3+$0x50] =	vst v6  }
0x83: {  	v3 =	vld.idx.msk [tilespmem:v24+s21+$0x0], $0xffff;
	[tilespmem:s3+$0x60] =	vst v9  }
0x84: {  	s12 =	sadd.s32 $0x80, s12;
	[tilespmem:s3+$0x90] =	vst v8;
	v5 =	vld.idx.msk [tilespmem:v30+s21+$0x0], $0xffff  }
0x85: {  	s10 =	sadd.s32 $0x1, s10  }
0x86: {  	[tilespmem:s3+$0xA0] =	vst v0;
	p0 =	sne.s32 s10, $0xA  }
.Ltmp1:
0x87: {  	[tilespmem:s3+$0xB0] =	vst v1;
	(pc) =	sbr.rel @p0 .LBB2_2-.Ltmp1, $4  }
0x88: {  	[tilespmem:s3+$0xC0] =	vst v4  }
0x89: {  	[tilespmem:s3+$0x80] =	vst v2  }
0x8a: {  	[tilespmem:s3+$0xD0] =	vst v3  }
0x8b: {  	s0 =	sadd.s32 $0x400, s0;
	s1 =	sadd.s32 $0x1000, s1;
	[tilespmem:s3+$0xE0] =	vst v5  }
0x8c: {  	s1 =	rddreg [dreg:$0x8];
	s0 =	simm.s32 $0x8EA0  }
0x8d: {  	[hbm4b:s1+s25] =	stream.strided.scatter [tilespmem:s0], [sflag:$0x3], $0x1000, s26, s25, $0x38;
	[tilespmem:$0x1CEA0] =	vst v63  }
0x8e: {  	s2 =	simm.s32 $0x9EA0;
	s23 =	sadd.s32 $0x34000, s1  }
0x8f: {  	[hbm4b:s23+s25] =	stream.strided.scatter [tilespmem:s2], [sflag:$0x3], $0x1000, s26, s25, $0x38;
	[tilespmem:$0x1CEA0] =	vst v63  }
0x90: {  	s10 =	simm.s32 $0xAEA0;
	s3 =	sadd.s32 $0x68000, s1  }
0x91: {  	[hbm4b:s3+s25] =	stream.strided.scatter [tilespmem:s10], [sflag:$0x3], $0x1000, s26, s25, $0x38;
	[tilespmem:$0x1CEA0] =	vst v63  }
0x92: {  	s12 =	simm.s32 $0xBEA0;
	s11 =	sadd.s32 $0x9C000, s1  }
0x93: {  	[hbm4b:s11+s25] =	stream.strided.scatter [tilespmem:s12], [sflag:$0x3], $0x1000, s26, s25, $0x38;
	[tilespmem:$0x1CEA0] =	vst v63  }
0x94: {  	s15 =	simm.s32 $0xCEA0;
	s13 =	sadd.s32 $0xD0000, s1  }
0x95: {  	[hbm4b:s13+s25] =	stream.strided.scatter [tilespmem:s15], [sflag:$0x3], $0x1000, s26, s25, $0x38;
	[tilespmem:$0x1CEA0] =	vst v63  }
0x96: {  	s20 =	sadd.s32 $0x104000, s1;
	s23 =	simm.s32 $0xDEA0  }
0x97: {  	[hbm4b:s20+s25] =	stream.strided.scatter [tilespmem:s23], [sflag:$0x3], $0x1000, s26, s25, $0x38;
	[tilespmem:$0x1CEA0] =	vst v63  }
0x98: {  	s3 =	sadd.s32 $0x138000, s1;
	s10 =	simm.s32 $0xEEA0  }
0x99: {  	[hbm4b:s3+s25] =	stream.strided.scatter [tilespmem:s10], [sflag:$0x3], $0x1000, s26, s25, $0x38;
	[tilespmem:$0x1CEA0] =	vst v63  }
0x9a: {  	s0 =	simm.s32 $0x0;
	s11 =	sadd.s32 $0x16C000, s1;
	s12 =	simm.s32 $0xFEA0  }
0x9b: {  	[hbm4b:s11+s25] =	stream.strided.scatter [tilespmem:s12], [sflag:$0x3], $0x1000, s26, s25, $0x38;
	[tilespmem:$0x1CEA0] =	vst v63  }
0x9c: {  	s13 =	sadd.s32 $0x1A0000, s1;
	s15 =	simm.s32 $0x10EA0;
	s20 =	sadd.s32 $0x1D4000, s1  }
0x9d: {  	[hbm4b:s13+s25] =	stream.strided.scatter [tilespmem:s15], [sflag:$0x3], $0x1000, s26, s25, $0x38;
	[tilespmem:$0x1CEA0] =	vst v63  }
0x9e: {  	s23 =	simm.s32 $0x11EA0;
	s1 =	simm.s32 $0x40;
	s10 =	simm.s32 $0x12FA0  }
0x9f: {  	[hbm4b:s20+s25] =	stream.strided.scatter [tilespmem:s23], [sflag:$0x3], $0x1000, s26, s25, $0x38;
	[tilespmem:$0x1CEA0] =	vst v63  }
.LBB2_6:
0xa0: {  	v0 =	vld [tilespmem:s1+$0x30]  }
0xa1: {  	v1 =	vld [tilespmem:s1+$0xFFFFFFD0]  }
0xa2: {  	v2 =	vld [tilespmem:s1+$0xFFFFFFE0]  }
0xa3: {  	v3 =	vld [tilespmem:s1+$0xFFFFFFF0]  }
0xa4: {  	v4 =	vld [tilespmem:s1+$0x0]  }
0xa5: {  	v7 =	vld [tilespmem:s1+$0x10];
	v5 =	vadd.s32 $0xFA4, v0  }
0xa6: {  	v8 =	vld [tilespmem:s1+$0x20];
	v6 =	vadd.s32 $0xFA4, v1  }
0xa7: {  	v10 =	vld [tilespmem:s1+$0xFFFFFFC0];
	v9 =	vadd.s32 $0xFA4, v2  }
0xa8: {  	v11 =	vadd.s32 $0xFA4, v3  }
0xa9: {  	v12 =	vadd.s32 $0xFA4, v4  }
0xaa: {  	v13 =	vadd.s32 $0xFA4, v7;
	v5 =	vld.idx.msk [tilespmem:v5+s21+$0x0], $0xffff  }
0xab: {  	v14 =	vadd.s32 $0xFA4, v8;
	v6 =	vld.idx.msk [tilespmem:v6+s21+$0x0], $0xffff  }
0xac: {  	v16 =	vadd.s32 $0xFA4, v10;
	v9 =	vld.idx.msk [tilespmem:v9+s21+$0x0], $0xffff  }
0xad: {  	v15 =	vadd.s32 $0x138D, v0;
	v11 =	vld.idx.msk [tilespmem:v11+s21+$0x0], $0xffff  }
0xae: {  	v17 =	vadd.s32 $0x138D, v1;
	v12 =	vld.idx.msk [tilespmem:v12+s21+$0x0], $0xffff  }
0xaf: {  	v18 =	vadd.s32 $0x138D, v2;
	v13 =	vld.idx.msk [tilespmem:v13+s21+$0x0], $0xffff  }
0xb0: {  	v19 =	vadd.s32 $0x138D, v3;
	v14 =	vld.idx.msk [tilespmem:v14+s21+$0x0], $0xffff;
	[tilespmem:s10+$0xFFFFFF70] =	vst v5  }
0xb1: {  	v48 =	vadd.s32 $0x138D, v7;
	v16 =	vld.idx.msk [tilespmem:v16+s21+$0x0], $0xffff;
	[tilespmem:s10+$0xFFFFFF10] =	vst v6  }
0xb2: {  	v51 =	vadd.s32 $0x138D, v10;
	[tilespmem:s10+$0xFFFFFF20] =	vst v9;
	v6 =	vld.idx.msk [tilespmem:v15+s21+$0x0], $0xffff  }
0xb3: {  	v52 =	vadd.s32 $0x138D, v8;
	[tilespmem:s10+$0xFFFFFF30] =	vst v11;
	v49 =	vld.idx.msk [tilespmem:v17+s21+$0x0], $0xffff  }
0xb4: {  	v5 =	vadd.s32 $0x138D, v4;
	[tilespmem:s10+$0xFFFFFF40] =	vst v12;
	v18 =	vld.idx.msk [tilespmem:v18+s21+$0x0], $0xffff  }
0xb5: {  	v50 =	vadd.s32 $0x1776, v0;
	[tilespmem:s10+$0xFFFFFF50] =	vst v13;
	v19 =	vld.idx.msk [tilespmem:v19+s21+$0x0], $0xffff  }
0xb6: {  	v53 =	vadd.s32 $0x1776, v1;
	[tilespmem:s10+$0xFFFFFF00] =	vst v16;
	v15 =	vld.idx.msk [tilespmem:v48+s21+$0x0], $0xffff  }
0xb7: {  	v54 =	vadd.s32 $0x1776, v2;
	[tilespmem:s10+$0xFFFFFF60] =	vst v14;
	v17 =	vld.idx.msk [tilespmem:v51+s21+$0x0], $0xffff  }
0xb8: {  	v57 =	vadd.s32 $0x1776, v10;
	v56 =	vld.idx.msk [tilespmem:v52+s21+$0x0], $0xffff;
	[tilespmem:s10+$0xFFFFFFF0] =	vst v6  }
0xb9: {  	v58 =	vadd.s32 $0x1776, v7;
	v5 =	vld.idx.msk [tilespmem:v5+s21+$0x0], $0xffff;
	[tilespmem:s10+$0xFFFFFF90] =	vst v49  }
0xba: {  	v6 =	vadd.s32 $0x1776, v3;
	[tilespmem:s10+$0xFFFFFFA0] =	vst v18;
	v11 =	vld.idx.msk [tilespmem:v50+s21+$0x0], $0xffff  }
0xbb: {  	v55 =	vadd.s32 $0x1776, v4;
	[tilespmem:s10+$0xFFFFFFB0] =	vst v19;
	v13 =	vld.idx.msk [tilespmem:v53+s21+$0x0], $0xffff  }
0xbc: {  	v0 =	vadd.s32 $0x1B5F, v0;
	[tilespmem:s10+$0xFFFFFF80] =	vst v17;
	v14 =	vld.idx.msk [tilespmem:v54+s21+$0x0], $0xffff  }
0xbd: {  	v1 =	vadd.s32 $0x1B5F, v1;
	[tilespmem:s10+$0xFFFFFFD0] =	vst v15;
	v12 =	vld.idx.msk [tilespmem:v57+s21+$0x0], $0xffff  }
0xbe: {  	v63 =	vld.idx.msk [tilespmem:v58+s21+$0x0], $0xffff;
	[tilespmem:s10+$0xFFFFFFC0] =	vst v5;
	v5 =	vadd.s32 $0x1776, v8  }
0xbf: {  	v60 =	vadd.s32 $0x1B5F, v2;
	[tilespmem:s10+$0xFFFFFFE0] =	vst v56;
	v6 =	vld.idx.msk [tilespmem:v6+s21+$0x0], $0xffff  }
0xc0: {  	v10 =	vadd.s32 $0x1B5F, v10;
	v59 =	vld.idx.msk [tilespmem:v55+s21+$0x0], $0xffff;
	[tilespmem:s10+$0x70] =	vst v11  }
0xc1: {  	v61 =	vadd.s32 $0x1B5F, v3;
	[tilespmem:s10+$0x10] =	vst v13;
	v0 =	vld.idx.msk [tilespmem:v0+s21+$0x0], $0xffff  }
0xc2: {  	v62 =	vadd.s32 $0x1B5F, v4;
	[tilespmem:s10+$0x20] =	vst v14;
	v2 =	vld.idx.msk [tilespmem:v1+s21+$0x0], $0xffff  }
0xc3: {  	[tilespmem:s10+$0x0] =	vst v12;
	v5 =	vld.idx.msk [tilespmem:v5+s21+$0x0], $0xffff  }
0xc4: {  	[tilespmem:s10+$0x50] =	vst v63;
	v3 =	vld.idx.msk [tilespmem:v60+s21+$0x0], $0xffff  }
0xc5: {  	v1 =	vadd.s32 $0x1B5F, v7;
	v7 =	vld.idx.msk [tilespmem:v10+s21+$0x0], $0xffff;
	[tilespmem:s10+$0x30] =	vst v6  }
0xc6: {  	[tilespmem:s10+$0x40] =	vst v59;
	v4 =	vld.idx.msk [tilespmem:v61+s21+$0x0], $0xffff  }
0xc7: {  	s12 =	simm.s32 $0x0;
	s3 =	sadd.s32 $0x80, s1;
	s11 =	smov.u32 s10;
	v6 =	vld.idx.msk [tilespmem:v62+s21+$0x0], $0xffff;
	[tilespmem:s10+$0xF0] =	vst v0;
	v0 =	vadd.s32 $0x1B5F, v8  }
.LBB2_7:
0xc8: {  	v8 =	vld [tilespmem:s3+$0x30];
	s12 =	sadd.s32 $0x8, s12;
	[tilespmem:s11+$0x60] =	vst v5  }
0xc9: {  	v5 =	vld [tilespmem:s3+$0xFFFFFFD0];
	p0 =	slt.u32 s12, $0x38;
	[tilespmem:s11+$0x90] =	vst v2  }
0xca: {  	v2 =	vld [tilespmem:s3+$0xFFFFFFE0];
	[tilespmem:s11+$0xA0] =	vst v3  }
0xcb: {  	v3 =	vld [tilespmem:s3+$0xFFFFFFF0];
	[tilespmem:s11+$0xB0] =	vst v4  }
0xcc: {  	v4 =	vld [tilespmem:s3+$0x0];
	[tilespmem:s11+$0xC0] =	vst v6  }
0xcd: {  	v6 =	vld [tilespmem:s3+$0x10];
	v9 =	vadd.s32 $0xFA4, v8;
	[tilespmem:s11+$0x80] =	vst v7  }
0xce: {  	v7 =	vadd.s32 $0xFA4, v5;
	v10 =	vadd.s32 $0x138D, v5;
	v11 =	vadd.s32 $0x1776, v5;
	v12 =	vld [tilespmem:s3+$0x20]  }
0xcf: {  	v13 =	vld [tilespmem:s3+$0xFFFFFFC0];
	v14 =	vadd.s32 $0xFA4, v2;
	v15 =	vadd.s32 $0x138D, v2;
	v16 =	vadd.s32 $0x1776, v2  }
0xd0: {  	v17 =	vadd.s32 $0xFA4, v3;
	v18 =	vadd.s32 $0x138D, v3;
	v19 =	vadd.s32 $0x1776, v3;
	v1 =	vld.idx.msk [tilespmem:v1+s21+$0x0], $0xffff  }
0xd1: {  	v20 =	vadd.s32 $0xFA4, v4;
	v21 =	vadd.s32 $0x138D, v4;
	v22 =	vadd.s32 $0x1776, v4;
	v23 =	vld.idx.msk [tilespmem:v0+s21+$0x0], $0xffff  }
0xd2: {  	v0 =	vadd.s32 $0xFA4, v6;
	v24 =	vadd.s32 $0x138D, v6;
	v25 =	vadd.s32 $0x1776, v6;
	v9 =	vld.idx.msk [tilespmem:v9+s21+$0x0], $0xffff  }
0xd3: {  	v7 =	vld.idx.msk [tilespmem:v7+s21+$0x0], $0xffff;
	v26 =	vadd.s32 $0xFA4, v12;
	v27 =	vadd.s32 $0x138D, v12;
	v28 =	vadd.s32 $0x1776, v12  }
0xd4: {  	v31 =	vadd.s32 $0x138D, v8;
	v29 =	vadd.s32 $0xFA4, v13;
	v30 =	vadd.s32 $0x138D, v13;
	v14 =	vld.idx.msk [tilespmem:v14+s21+$0x0], $0xffff  }
0xd5: {  	v33 =	vadd.s32 $0x1B5F, v5;
	v32 =	vadd.s32 $0x1776, v13;
	v13 =	vadd.s32 $0x1B5F, v13;
	v5 =	vld.idx.msk [tilespmem:v17+s21+$0x0], $0xffff  }
0xd6: {  	v34 =	vadd.s32 $0x1B5F, v3;
	v17 =	vadd.s32 $0x1B5F, v2;
	v2 =	vld.idx.msk [tilespmem:v20+s21+$0x0], $0xffff;
	v20 =	vadd.s32 $0x1B5F, v4;
	[tilespmem:s11+$0xD0] =	vst v1  }
0xd7: {  	v1 =	vadd.s32 $0x1B5F, v6;
	v3 =	vld.idx.msk [tilespmem:v0+s21+$0x0], $0xffff;
	v0 =	vadd.s32 $0x1B5F, v12;
	[tilespmem:s11+$0xE0] =	vst v23;
	s11 =	sadd.s32 $0x200, s11  }
0xd8: {  	v4 =	vld.idx.msk [tilespmem:v26+s21+$0x0], $0xffff;
	[tilespmem:s11+$0xFFFFFF70] =	vst v9  }
0xd9: {  	[tilespmem:s11+$0xFFFFFF10] =	vst v7;
	v6 =	vld.idx.msk [tilespmem:v31+s21+$0x0], $0xffff  }
0xda: {  	v7 =	vld.idx.msk [tilespmem:v29+s21+$0x0], $0xffff;
	[tilespmem:s11+$0xFFFFFF20] =	vst v14  }
0xdb: {  	v9 =	vld.idx.msk [tilespmem:v10+s21+$0x0], $0xffff;
	[tilespmem:s11+$0xFFFFFF30] =	vst v5;
	v5 =	vadd.s32 $0x1776, v8  }
0xdc: {  	v10 =	vld.idx.msk [tilespmem:v15+s21+$0x0], $0xffff;
	[tilespmem:s11+$0xFFFFFF40] =	vst v2  }
0xdd: {  	v2 =	vld.idx.msk [tilespmem:v18+s21+$0x0], $0xffff;
	[tilespmem:s11+$0xFFFFFF50] =	vst v3  }
0xde: {  	v3 =	vld.idx.msk [tilespmem:v21+s21+$0x0], $0xffff;
	[tilespmem:s11+$0xFFFFFF60] =	vst v4  }
0xdf: {  	v4 =	vld.idx.msk [tilespmem:v24+s21+$0x0], $0xffff;
	[tilespmem:s11+$0xFFFFFFF0] =	vst v6  }
0xe0: {  	[tilespmem:s11+$0xFFFFFF00] =	vst v7;
	v5 =	vld.idx.msk [tilespmem:v5+s21+$0x0], $0xffff  }
0xe1: {  	v6 =	vld.idx.msk [tilespmem:v30+s21+$0x0], $0xffff;
	[tilespmem:s11+$0xFFFFFF90] =	vst v9  }
0xe2: {  	v8 =	vadd.s32 $0x1B5F, v8;
	[tilespmem:s11+$0xFFFFFFA0] =	vst v10;
	v7 =	vld.idx.msk [tilespmem:v27+s21+$0x0], $0xffff  }
0xe3: {  	v9 =	vld.idx.msk [tilespmem:v11+s21+$0x0], $0xffff;
	[tilespmem:s11+$0xFFFFFFB0] =	vst v2  }
0xe4: {  	v2 =	vld.idx.msk [tilespmem:v16+s21+$0x0], $0xffff;
	[tilespmem:s11+$0xFFFFFFC0] =	vst v3  }
0xe5: {  	v3 =	vld.idx.msk [tilespmem:v19+s21+$0x0], $0xffff;
	[tilespmem:s11+$0xFFFFFFD0] =	vst v4  }
0xe6: {  	v4 =	vld.idx.msk [tilespmem:v22+s21+$0x0], $0xffff;
	[tilespmem:s11+$0x70] =	vst v5  }
0xe7: {  	[tilespmem:s11+$0xFFFFFF80] =	vst v6;
	v6 =	vld.idx.msk [tilespmem:v8+s21+$0x0], $0xffff  }
0xe8: {  	v8 =	vld.idx.msk [tilespmem:v32+s21+$0x0], $0xffff;
	[tilespmem:s11+$0xFFFFFFE0] =	vst v7  }
0xe9: {  	[tilespmem:s11+$0x10] =	vst v9;
	v9 =	vld.idx.msk [tilespmem:v25+s21+$0x0], $0xffff  }
0xea: {  	[tilespmem:s11+$0x20] =	vst v2;
	v5 =	vld.idx.msk [tilespmem:v28+s21+$0x0], $0xffff  }
.Ltmp2:
0xeb: {  	v2 =	vld.idx.msk [tilespmem:v33+s21+$0x0], $0xffff;
	[tilespmem:s11+$0x30] =	vst v3;
	(pc) =	sbr.rel @p0 .LBB2_7-.Ltmp2, $4  }
0xec: {  	v3 =	vld.idx.msk [tilespmem:v17+s21+$0x0], $0xffff;
	[tilespmem:s11+$0x40] =	vst v4  }
0xed: {  	v4 =	vld.idx.msk [tilespmem:v34+s21+$0x0], $0xffff;
	[tilespmem:s11+$0xF0] =	vst v6  }
0xee: {  	[tilespmem:s11+$0x0] =	vst v8;
	v6 =	vld.idx.msk [tilespmem:v20+s21+$0x0], $0xffff  }
0xef: {  	s3 =	sadd.s32 $0x80, s3;
	v7 =	vld.idx.msk [tilespmem:v13+s21+$0x0], $0xffff;
	[tilespmem:s11+$0x50] =	vst v9  }
0xf0: {  	_ =	sdelay $0x2  }
0xf1: {  	[tilespmem:s11+$0x60] =	vst v5  }
0xf2: {  	[tilespmem:s11+$0x90] =	vst v2;
	v1 =	vld.idx.msk [tilespmem:v1+s21+$0x0], $0xffff;
	s0 =	sadd.s32 $0x1, s0  }
0xf3: {  	[tilespmem:s11+$0xA0] =	vst v3;
	v0 =	vld.idx.msk [tilespmem:v0+s21+$0x0], $0xffff;
	p0 =	sne.s32 s0, $0xA  }
.Ltmp3:
0xf4: {  	[tilespmem:s11+$0xB0] =	vst v4;
	(pc) =	sbr.rel @p0 .LBB2_6-.Ltmp3, $4  }
0xf5: {  	[tilespmem:s11+$0xC0] =	vst v6  }
0xf6: {  	[tilespmem:s11+$0x80] =	vst v7  }
0xf7: {  	[tilespmem:s11+$0xD0] =	vst v1  }
0xf8: {  	s1 =	sadd.s32 $0x400, s1;
	s10 =	sadd.s32 $0x1000, s10;
	[tilespmem:s11+$0xE0] =	vst v0  }
0xf9: {  	s1 =	rddreg [dreg:$0x9];
	s0 =	simm.s32 $0x12EA0  }
0xfa: {  	[hbm4b:s1+s25] =	stream.strided.scatter [tilespmem:s0], [sflag:$0x4], $0x1000, s26, s25, $0x38;
	[tilespmem:$0x1CEA0] =	vst v63  }
0xfb: {  	s2 =	simm.s32 $0x13EA0;
	s12 =	sadd.s32 $0x34000, s1  }
0xfc: {  	[hbm4b:s12+s25] =	stream.strided.scatter [tilespmem:s2], [sflag:$0x4], $0x1000, s26, s25, $0x38;
	[tilespmem:$0x1CEA0] =	vst v63  }
0xfd: {  	s15 =	simm.s32 $0x14EA0;
	s13 =	sadd.s32 $0x68000, s1  }
0xfe: {  	[hbm4b:s13+s25] =	stream.strided.scatter [tilespmem:s15], [sflag:$0x4], $0x1000, s26, s25, $0x38;
	[tilespmem:$0x1CEA0] =	vst v63  }
0xff: {  	s23 =	simm.s32 $0x15EA0;
	s20 =	sadd.s32 $0x9C000, s1  }
0x100: {  	[hbm4b:s20+s25] =	stream.strided.scatter [tilespmem:s23], [sflag:$0x4], $0x1000, s26, s25, $0x38;
	[tilespmem:$0x1CEA0] =	vst v63  }
0x101: {  	s10 =	simm.s32 $0x16EA0;
	s3 =	sadd.s32 $0xD0000, s1  }
0x102: {  	[hbm4b:s3+s25] =	stream.strided.scatter [tilespmem:s10], [sflag:$0x4], $0x1000, s26, s25, $0x38;
	[tilespmem:$0x1CEA0] =	vst v63  }
0x103: {  	s11 =	sadd.s32 $0x104000, s1;
	s12 =	simm.s32 $0x17EA0  }
0x104: {  	[hbm4b:s11+s25] =	stream.strided.scatter [tilespmem:s12], [sflag:$0x4], $0x1000, s26, s25, $0x38;
	[tilespmem:$0x1CEA0] =	vst v63  }
0x105: {  	s13 =	sadd.s32 $0x138000, s1  }
0x106: {  	[hbm4b:s13+s25] =	stream.strided.scatter [tilespmem:s4], [sflag:$0x4], $0x1000, s26, s25, $0x38;
	[tilespmem:$0x1CEA0] =	vst v63  }
0x107: {  	s15 =	sadd.s32 $0x16C000, s1  }
0x108: {  	[hbm4b:s15+s25] =	stream.strided.scatter [tilespmem:s17], [sflag:$0x4], $0x1000, s26, s25, $0x38;
	[tilespmem:$0x1CEA0] =	vst v63  }
0x109: {  	s20 =	sadd.s32 $0x1A0000, s1  }
0x10a: {  	[hbm4b:s20+s25] =	stream.strided.scatter [tilespmem:s18], [sflag:$0x4], $0x1000, s26, s25, $0x38;
	[tilespmem:$0x1CEA0] =	vst v63  }
0x10b: {  	s0 =	simm.s32 $0x0;
	s23 =	sadd.s32 $0x1D4000, s1  }
0x10c: {  	[hbm4b:s23+s25] =	stream.strided.scatter [tilespmem:s28], [sflag:$0x4], $0x1000, s26, s25, $0x38;
	[tilespmem:$0x1CEA0] =	vst v63  }
.LBB2_10:
0x10d: {  	s23 =	sshll.u32 s0, $0x6;
	s1 =	rddreg [dreg:$0xa]  }
0x10e: {  	s1 =	sadd.s32 s1, s23  }
0x10f: {  	_ =	swait.ge [sflag:s7], $0x2800;
	s1 =	sshrl.u32 s1, $0x4  }
0x110: {  	[sflag:s7] =	ssyncset.done $0x0;
	s3 =	smul.u32 $0x5000, s1  }
0x111: {  	[sflag:s7] =	ssyncadd.s32 $0xFFFFD800  }
0x112: {  	_ =	swait.ge [sflag:s22], $0x1F50;
	s10 =	sshll.u32 s1, $0x6;
	s3 =	sadd.s32 s8, s3  }
0x113: {  	[sflag:s22] =	ssyncset.done $0x0;
	s10 =	sadd.s32 s9, s10;
	s3 =	sshrl.u32 s3, $0x3  }
0x114: {  	[sflag:s22] =	ssyncadd.s32 $0xFFFFE0B0;
	s10 =	smul.u32 $0x3E9, s10;
	s3 =	sadd.s32 s5, s3  }
0x115: {  	[tilespmem:s31], [sflag:$0x1] =	stream.linear.gather [hbm4b:s3+s31], $0x2800, $0x38;
	[tilespmem:$0x1CEA0] =	vst v63  }
0x116: {  	p0 =	sgt.u32 s10, $0x194B30;
	s3 =	sadd.s32 $0xFFFFFFF8, s10  }
0x117: {  	s2 =	rddreg [dreg:$0x3];
	s10 =	smov.u32 @p0 s3  }
0x118: {  	s15 =	sor.u32 s23, s2;
	s3 =	sshrl.u32 s10, $0x3  }
0x119: {  	s20 =	sshll.u32 s15, $0xC;
	s3 =	sadd.s32 s6, s3  }
0x11a: {  	[tilespmem:s21], [sflag:$0x2] =	stream.linear.gather [hbm4b:s3+s31], $0x1F50, $0x38;
	[tilespmem:$0x1CEA0] =	vst v63  }
0x11b: {  	s3 =	sand.u32 $0xFFFD0000, s20  }
0x11c: {  	s12 =	simm.s32 $0x2840;
	s3 =	sadd.s32 s3, s19  }
0x11d: {  	s13 =	simm.s32 $0x8FA0;
	_ =	swait.ge [sflag:s29], $0xA000;
	s3 =	sadd.s32 $0x20000, s3  }
0x11e: {  	s2 =	smov.u32 s16;
	[sflag:s29] =	ssyncset.done $0x0;
	s10 =	sshrl.u32 s3, $0x3  }
0x11f: {  	s20 =	simm.s32 $0x0;
	[sflag:s29] =	ssyncadd.s32 $0xFFFF6000;
	s11 =	sadd.s32 s16, s10  }
.LBB2_11:
0x120: {  	v0 =	vld [tilespmem:s12+$0x30]  }
0x121: {  	v1 =	vld [tilespmem:s12+$0xFFFFFFD0]  }
0x122: {  	v2 =	vld [tilespmem:s12+$0xFFFFFFE0]  }
0x123: {  	v3 =	vld [tilespmem:s12+$0xFFFFFFF0]  }
0x124: {  	v4 =	vld [tilespmem:s12+$0x0]  }
0x125: {  	v5 =	vld [tilespmem:s12+$0x10]  }
0x126: {  	v6 =	vld [tilespmem:s12+$0x20]  }
0x127: {  	v7 =	vld [tilespmem:s12+$0xFFFFFFC0]  }
0x128: {  	v8 =	vld.idx.msk [tilespmem:v0+s24+$0x0], $0xffff  }
0x129: {  	v9 =	vld.idx.msk [tilespmem:v1+s24+$0x0], $0xffff  }
0x12a: {  	v10 =	vld.idx.msk [tilespmem:v2+s24+$0x0], $0xffff  }
0x12b: {  	v11 =	vadd.s32 $0x3E9, v0;
	v12 =	vld.idx.msk [tilespmem:v3+s24+$0x0], $0xffff  }
0x12c: {  	v13 =	vadd.s32 $0x3E9, v1;
	v14 =	vld.idx.msk [tilespmem:v4+s24+$0x0], $0xffff  }
0x12d: {  	v15 =	vadd.s32 $0x3E9, v2;
	v16 =	vld.idx.msk [tilespmem:v5+s24+$0x0], $0xffff  }
0x12e: {  	v17 =	vadd.s32 $0x3E9, v3;
	v18 =	vld.idx.msk [tilespmem:v6+s24+$0x0], $0xffff;
	[tilespmem:s13+$0xFFFFFF70] =	vst v8  }
0x12f: {  	v44 =	vadd.s32 $0x3E9, v4;
	v19 =	vld.idx.msk [tilespmem:v7+s24+$0x0], $0xffff;
	[tilespmem:s13+$0xFFFFFF10] =	vst v9  }
0x130: {  	v46 =	vadd.s32 $0x3E9, v5;
	[tilespmem:s13+$0xFFFFFF20] =	vst v10;
	v45 =	vld.idx.msk [tilespmem:v11+s24+$0x0], $0xffff  }
0x131: {  	v49 =	vadd.s32 $0x3E9, v7;
	[tilespmem:s13+$0xFFFFFF30] =	vst v12;
	v47 =	vld.idx.msk [tilespmem:v13+s24+$0x0], $0xffff  }
0x132: {  	v50 =	vadd.s32 $0x3E9, v6;
	[tilespmem:s13+$0xFFFFFF40] =	vst v14;
	v15 =	vld.idx.msk [tilespmem:v15+s24+$0x0], $0xffff  }
0x133: {  	v48 =	vadd.s32 $0x7D2, v0;
	[tilespmem:s13+$0xFFFFFF50] =	vst v16;
	v17 =	vld.idx.msk [tilespmem:v17+s24+$0x0], $0xffff  }
0x134: {  	v51 =	vadd.s32 $0x7D2, v1;
	[tilespmem:s13+$0xFFFFFF60] =	vst v18;
	v8 =	vld.idx.msk [tilespmem:v44+s24+$0x0], $0xffff  }
0x135: {  	v52 =	vadd.s32 $0x7D2, v2;
	[tilespmem:s13+$0xFFFFFF00] =	vst v19;
	v11 =	vld.idx.msk [tilespmem:v46+s24+$0x0], $0xffff  }
0x136: {  	v53 =	vadd.s32 $0x7D2, v3;
	v13 =	vld.idx.msk [tilespmem:v49+s24+$0x0], $0xffff;
	[tilespmem:s13+$0xFFFFFFF0] =	vst v45  }
0x137: {  	v54 =	vadd.s32 $0x7D2, v4;
	v55 =	vld.idx.msk [tilespmem:v50+s24+$0x0], $0xffff;
	[tilespmem:s13+$0xFFFFFF90] =	vst v47  }
0x138: {  	v56 =	vadd.s32 $0x7D2, v7;
	[tilespmem:s13+$0xFFFFFFA0] =	vst v15;
	v12 =	vld.idx.msk [tilespmem:v48+s24+$0x0], $0xffff  }
0x139: {  	v58 =	vadd.s32 $0x7D2, v5;
	[tilespmem:s13+$0xFFFFFFB0] =	vst v17;
	v57 =	vld.idx.msk [tilespmem:v51+s24+$0x0], $0xffff  }
0x13a: {  	v60 =	vadd.s32 $0x7D2, v6;
	[tilespmem:s13+$0xFFFFFFC0] =	vst v8;
	v59 =	vld.idx.msk [tilespmem:v52+s24+$0x0], $0xffff  }
0x13b: {  	v0 =	vadd.s32 $0xBBB, v0;
	[tilespmem:s13+$0xFFFFFFD0] =	vst v11;
	v9 =	vld.idx.msk [tilespmem:v53+s24+$0x0], $0xffff  }
0x13c: {  	v1 =	vadd.s32 $0xBBB, v1;
	[tilespmem:s13+$0xFFFFFF80] =	vst v13;
	v61 =	vld.idx.msk [tilespmem:v54+s24+$0x0], $0xffff  }
0x13d: {  	v2 =	vadd.s32 $0xBBB, v2;
	[tilespmem:s13+$0xFFFFFFE0] =	vst v55;
	v13 =	vld.idx.msk [tilespmem:v56+s24+$0x0], $0xffff  }
0x13e: {  	v3 =	vadd.s32 $0xBBB, v3;
	v62 =	vld.idx.msk [tilespmem:v58+s24+$0x0], $0xffff;
	[tilespmem:s13+$0x70] =	vst v12  }
0x13f: {  	v4 =	vadd.s32 $0xBBB, v4;
	v8 =	vld.idx.msk [tilespmem:v60+s24+$0x0], $0xffff;
	[tilespmem:s13+$0x10] =	vst v57  }
0x140: {  	v7 =	vadd.s32 $0xBBB, v7;
	[tilespmem:s13+$0x20] =	vst v59;
	v12 =	vld.idx.msk [tilespmem:v0+s24+$0x0], $0xffff  }
0x141: {  	v5 =	vadd.s32 $0xBBB, v5;
	[tilespmem:s13+$0x30] =	vst v9;
	v63 =	vld.idx.msk [tilespmem:v1+s24+$0x0], $0xffff  }
0x142: {  	v6 =	vadd.s32 $0xBBB, v6;
	[tilespmem:s13+$0x40] =	vst v61;
	v0 =	vld.idx.msk [tilespmem:v2+s24+$0x0], $0xffff  }
0x143: {  	[tilespmem:s13+$0x0] =	vst v13;
	v1 =	vld.idx.msk [tilespmem:v3+s24+$0x0], $0xffff  }
0x144: {  	[tilespmem:s13+$0x50] =	vst v62;
	v4 =	vld.idx.msk [tilespmem:v4+s24+$0x0], $0xffff  }
0x145: {  	[tilespmem:s13+$0x60] =	vst v8;
	v2 =	vld.idx.msk [tilespmem:v7+s24+$0x0], $0xffff  }
0x146: {  	v3 =	vld.idx.msk [tilespmem:v5+s24+$0x0], $0xffff;
	[tilespmem:s13+$0xF0] =	vst v12  }
0x147: {  	s15 =	simm.s32 $0x0;
	s16 =	sadd.s32 $0x80, s12;
	s3 =	smov.u32 s13;
	v5 =	vld.idx.msk [tilespmem:v6+s24+$0x0], $0xffff;
	[tilespmem:s13+$0x90] =	vst v63  }
.LBB2_12:
0x148: {  	v6 =	vld [tilespmem:s16+$0x30];
	s15 =	sadd.s32 $0x8, s15;
	[tilespmem:s3+$0xA0] =	vst v0  }
0x149: {  	v0 =	vld [tilespmem:s16+$0xFFFFFFD0];
	p1 =	slt.u32 s15, $0x38;
	[tilespmem:s3+$0xB0] =	vst v1  }
0x14a: {  	v1 =	vld [tilespmem:s16+$0xFFFFFFE0];
	[tilespmem:s3+$0xC0] =	vst v4  }
0x14b: {  	v4 =	vld [tilespmem:s16+$0xFFFFFFF0];
	[tilespmem:s3+$0x80] =	vst v2  }
0x14c: {  	v2 =	vld [tilespmem:s16+$0x0];
	[tilespmem:s3+$0xD0] =	vst v3  }
0x14d: {  	v3 =	vld [tilespmem:s16+$0x10];
	[tilespmem:s3+$0xE0] =	vst v5  }
0x14e: {  	v5 =	vadd.s32 $0x3E9, v0;
	v7 =	vadd.s32 $0x7D2, v0;
	v8 =	vadd.s32 $0xBBB, v0;
	v9 =	vld [tilespmem:s16+$0x20]  }
0x14f: {  	v10 =	vld [tilespmem:s16+$0xFFFFFFC0];
	v11 =	vadd.s32 $0x3E9, v1;
	v12 =	vadd.s32 $0x7D2, v1;
	v13 =	vadd.s32 $0xBBB, v1  }
0x150: {  	v14 =	vadd.s32 $0x3E9, v4;
	v15 =	vadd.s32 $0x7D2, v4;
	v16 =	vadd.s32 $0xBBB, v4;
	v17 =	vld.idx.msk [tilespmem:v6+s24+$0x0], $0xffff  }
0x151: {  	v0 =	vld.idx.msk [tilespmem:v0+s24+$0x0], $0xffff;
	v18 =	vadd.s32 $0x3E9, v2;
	v19 =	vadd.s32 $0x7D2, v2;
	v20 =	vadd.s32 $0xBBB, v2  }
0x152: {  	v23 =	vadd.s32 $0x3E9, v6;
	v1 =	vld.idx.msk [tilespmem:v1+s24+$0x0], $0xffff;
	v21 =	vadd.s32 $0x3E9, v3;
	v22 =	vadd.s32 $0x7D2, v3  }
0x153: {  	v24 =	vadd.s32 $0xBBB, v3;
	v4 =	vld.idx.msk [tilespmem:v4+s24+$0x0], $0xffff;
	v25 =	vadd.s32 $0x3E9, v9;
	v26 =	vadd.s32 $0x7D2, v9  }
0x154: {  	v27 =	vadd.s32 $0x3E9, v10;
	v28 =	vadd.s32 $0x7D2, v10;
	v29 =	vadd.s32 $0xBBB, v10;
	v2 =	vld.idx.msk [tilespmem:v2+s24+$0x0], $0xffff  }
0x155: {  	s3 =	sadd.s32 $0x200, s3;
	v30 =	vadd.s32 $0xBBB, v9;
	v3 =	vld.idx.msk [tilespmem:v3+s24+$0x0], $0xffff  }
0x156: {  	v9 =	vld.idx.msk [tilespmem:v9+s24+$0x0], $0xffff;
	[tilespmem:s3+$0xFFFFFF70] =	vst v17  }
0x157: {  	[tilespmem:s3+$0xFFFFFF10] =	vst v0;
	v0 =	vld.idx.msk [tilespmem:v23+s24+$0x0], $0xffff  }
0x158: {  	v10 =	vld.idx.msk [tilespmem:v10+s24+$0x0], $0xffff;
	[tilespmem:s3+$0xFFFFFF20] =	vst v1  }
0x159: {  	v1 =	vld.idx.msk [tilespmem:v5+s24+$0x0], $0xffff;
	[tilespmem:s3+$0xFFFFFF30] =	vst v4;
	v4 =	vadd.s32 $0x7D2, v6  }
0x15a: {  	v5 =	vld.idx.msk [tilespmem:v11+s24+$0x0], $0xffff;
	[tilespmem:s3+$0xFFFFFF40] =	vst v2  }
0x15b: {  	v2 =	vld.idx.msk [tilespmem:v14+s24+$0x0], $0xffff;
	[tilespmem:s3+$0xFFFFFF50] =	vst v3  }
0x15c: {  	v3 =	vld.idx.msk [tilespmem:v18+s24+$0x0], $0xffff;
	[tilespmem:s3+$0xFFFFFF60] =	vst v9  }
0x15d: {  	v9 =	vld.idx.msk [tilespmem:v21+s24+$0x0], $0xffff;
	[tilespmem:s3+$0xFFFFFFF0] =	vst v0  }
0x15e: {  	[tilespmem:s3+$0xFFFFFF00] =	vst v10;
	v0 =	vld.idx.msk [tilespmem:v4+s24+$0x0], $0xffff  }
0x15f: {  	v4 =	vld.idx.msk [tilespmem:v27+s24+$0x0], $0xffff;
	[tilespmem:s3+$0xFFFFFF90] =	vst v1  }
0x160: {  	[tilespmem:s3+$0xFFFFFFA0] =	vst v5;
	v1 =	vld.idx.msk [tilespmem:v25+s24+$0x0], $0xffff;
	v5 =	vadd.s32 $0xBBB, v6  }
0x161: {  	v6 =	vld.idx.msk [tilespmem:v7+s24+$0x0], $0xffff;
	[tilespmem:s3+$0xFFFFFFB0] =	vst v2  }
0x162: {  	v2 =	vld.idx.msk [tilespmem:v12+s24+$0x0], $0xffff;
	[tilespmem:s3+$0xFFFFFFC0] =	vst v3  }
0x163: {  	v3 =	vld.idx.msk [tilespmem:v15+s24+$0x0], $0xffff;
	[tilespmem:s3+$0xFFFFFFD0] =	vst v9  }
0x164: {  	v7 =	vld.idx.msk [tilespmem:v19+s24+$0x0], $0xffff;
	[tilespmem:s3+$0x70] =	vst v0  }
0x165: {  	[tilespmem:s3+$0xFFFFFF80] =	vst v4;
	v4 =	vld.idx.msk [tilespmem:v5+s24+$0x0], $0xffff  }
0x166: {  	v5 =	vld.idx.msk [tilespmem:v28+s24+$0x0], $0xffff;
	[tilespmem:s3+$0xFFFFFFE0] =	vst v1  }
0x167: {  	[tilespmem:s3+$0x10] =	vst v6;
	v6 =	vld.idx.msk [tilespmem:v22+s24+$0x0], $0xffff  }
0x168: {  	[tilespmem:s3+$0x20] =	vst v2;
	v9 =	vld.idx.msk [tilespmem:v26+s24+$0x0], $0xffff  }
0x169: {  	v8 =	vld.idx.msk [tilespmem:v8+s24+$0x0], $0xffff;
	[tilespmem:s3+$0x30] =	vst v3  }
0x16a: {  	v0 =	vld.idx.msk [tilespmem:v13+s24+$0x0], $0xffff;
	[tilespmem:s3+$0x40] =	vst v7  }
.Ltmp4:
0x16b: {  	v1 =	vld.idx.msk [tilespmem:v16+s24+$0x0], $0xffff;
	[tilespmem:s3+$0xF0] =	vst v4;
	(pc) =	sbr.rel @p1 .LBB2_12-.Ltmp4, $4  }
0x16c: {  	[tilespmem:s3+$0x0] =	vst v5;
	v4 =	vld.idx.msk [tilespmem:v20+s24+$0x0], $0xffff  }
0x16d: {  	v2 =	vld.idx.msk [tilespmem:v29+s24+$0x0], $0xffff;
	[tilespmem:s3+$0x50] =	vst v6  }
0x16e: {  	v3 =	vld.idx.msk [tilespmem:v24+s24+$0x0], $0xffff;
	[tilespmem:s3+$0x60] =	vst v9  }
0x16f: {  	s16 =	sadd.s32 $0x80, s16;
	[tilespmem:s3+$0x90] =	vst v8;
	v5 =	vld.idx.msk [tilespmem:v30+s24+$0x0], $0xffff  }
0x170: {  	s20 =	sadd.s32 $0x1, s20  }
0x171: {  	[tilespmem:s3+$0xA0] =	vst v0;
	p1 =	seq.s32 s20, $0xA  }
.Ltmp5:
0x172: {  	[tilespmem:s3+$0xB0] =	vst v1;
	(pc) =	sbr.rel @!p1 .LBB2_11-.Ltmp5, $4  }
0x173: {  	[tilespmem:s3+$0xC0] =	vst v4  }
0x174: {  	[tilespmem:s3+$0x80] =	vst v2  }
0x175: {  	[tilespmem:s3+$0xD0] =	vst v3  }
0x176: {  	s12 =	sadd.s32 $0x400, s12;
	s13 =	sadd.s32 $0x1000, s13;
	[tilespmem:s3+$0xE0] =	vst v5  }
0x177: {  	s3 =	simm.s32 $0x8EA0  }
0x178: {  	[hbm4b:s11+s25] =	stream.strided.scatter [tilespmem:s3], [sflag:$0x3], $0x1000, s26, s25, $0x38;
	[tilespmem:$0x1CEA0] =	vst v63  }
0x179: {  	s20 =	sadd.s32 $0x34000, s11;
	s12 =	simm.s32 $0x9EA0  }
0x17a: {  	[hbm4b:s20+s25] =	stream.strided.scatter [tilespmem:s12], [sflag:$0x3], $0x1000, s26, s25, $0x38;
	[tilespmem:$0x1CEA0] =	vst v63  }
0x17b: {  	s13 =	sadd.s32 $0x68000, s11;
	s15 =	simm.s32 $0xAEA0  }
0x17c: {  	[hbm4b:s13+s25] =	stream.strided.scatter [tilespmem:s15], [sflag:$0x3], $0x1000, s26, s25, $0x38;
	[tilespmem:$0x1CEA0] =	vst v63  }
0x17d: {  	s16 =	sadd.s32 $0x9C000, s11;
	s20 =	simm.s32 $0xBEA0  }
0x17e: {  	[hbm4b:s16+s25] =	stream.strided.scatter [tilespmem:s20], [sflag:$0x3], $0x1000, s26, s25, $0x38;
	[tilespmem:$0x1CEA0] =	vst v63  }
0x17f: {  	s13 =	sadd.s32 $0xD0000, s11;
	s15 =	simm.s32 $0xCEA0  }
0x180: {  	[hbm4b:s13+s25] =	stream.strided.scatter [tilespmem:s15], [sflag:$0x3], $0x1000, s26, s25, $0x38;
	[tilespmem:$0x1CEA0] =	vst v63  }
0x181: {  	s16 =	sadd.s32 $0x104000, s11;
	s20 =	simm.s32 $0xDEA0  }
0x182: {  	[hbm4b:s16+s25] =	stream.strided.scatter [tilespmem:s20], [sflag:$0x3], $0x1000, s26, s25, $0x38;
	[tilespmem:$0x1CEA0] =	vst v63  }
0x183: {  	s13 =	sadd.s32 $0x138000, s11;
	s15 =	simm.s32 $0xEEA0  }
0x184: {  	[hbm4b:s13+s25] =	stream.strided.scatter [tilespmem:s15], [sflag:$0x3], $0x1000, s26, s25, $0x38;
	[tilespmem:$0x1CEA0] =	vst v63  }
0x185: {  	s16 =	sadd.s32 $0x16C000, s11;
	s20 =	simm.s32 $0xFEA0  }
0x186: {  	[hbm4b:s16+s25] =	stream.strided.scatter [tilespmem:s20], [sflag:$0x3], $0x1000, s26, s25, $0x38;
	[tilespmem:$0x1CEA0] =	vst v63  }
0x187: {  	s13 =	sadd.s32 $0x1A0000, s11;
	s15 =	simm.s32 $0x10EA0  }
0x188: {  	[hbm4b:s13+s25] =	stream.strided.scatter [tilespmem:s15], [sflag:$0x3], $0x1000, s26, s25, $0x38;
	[tilespmem:$0x1CEA0] =	vst v63  }
0x189: {  	s16 =	sadd.s32 $0x1D4000, s11;
	s20 =	simm.s32 $0x11EA0  }
0x18a: {  	[hbm4b:s16+s25] =	stream.strided.scatter [tilespmem:s20], [sflag:$0x3], $0x1000, s26, s25, $0x38;
	[tilespmem:$0x1CEA0] =	vst v63  }
0x18b: {  	_ =	swait.ge [sflag:s30], $0xA000  }
0x18c: {  	s10 =	sadd.s32 s10, s14;
	s12 =	simm.s32 $0x2840;
	[sflag:s30] =	ssyncset.done $0x0  }
0x18d: {  	s11 =	simm.s32 $0x0;
	s13 =	simm.s32 $0x12FA0;
	[sflag:s30] =	ssyncadd.s32 $0xFFFF6000  }
.LBB2_15:
0x18e: {  	v0 =	vld [tilespmem:s12+$0x30]  }
0x18f: {  	v1 =	vld [tilespmem:s12+$0xFFFFFFD0]  }
0x190: {  	v2 =	vld [tilespmem:s12+$0xFFFFFFE0]  }
0x191: {  	v3 =	vld [tilespmem:s12+$0xFFFFFFF0]  }
0x192: {  	v4 =	vld [tilespmem:s12+$0x0]  }
0x193: {  	v7 =	vld [tilespmem:s12+$0x10];
	v5 =	vadd.s32 $0xFA4, v0  }
0x194: {  	v8 =	vld [tilespmem:s12+$0x20];
	v6 =	vadd.s32 $0xFA4, v1  }
0x195: {  	v10 =	vld [tilespmem:s12+$0xFFFFFFC0];
	v9 =	vadd.s32 $0xFA4, v2  }
0x196: {  	v11 =	vadd.s32 $0xFA4, v3  }
0x197: {  	v12 =	vadd.s32 $0xFA4, v4  }
0x198: {  	v13 =	vadd.s32 $0xFA4, v7;
	v5 =	vld.idx.msk [tilespmem:v5+s24+$0x0], $0xffff  }
0x199: {  	v14 =	vadd.s32 $0xFA4, v8;
	v6 =	vld.idx.msk [tilespmem:v6+s24+$0x0], $0xffff  }
0x19a: {  	v16 =	vadd.s32 $0xFA4, v10;
	v9 =	vld.idx.msk [tilespmem:v9+s24+$0x0], $0xffff  }
0x19b: {  	v15 =	vadd.s32 $0x138D, v0;
	v11 =	vld.idx.msk [tilespmem:v11+s24+$0x0], $0xffff  }
0x19c: {  	v17 =	vadd.s32 $0x138D, v1;
	v12 =	vld.idx.msk [tilespmem:v12+s24+$0x0], $0xffff  }
0x19d: {  	v18 =	vadd.s32 $0x138D, v2;
	v13 =	vld.idx.msk [tilespmem:v13+s24+$0x0], $0xffff  }
0x19e: {  	v19 =	vadd.s32 $0x138D, v3;
	v14 =	vld.idx.msk [tilespmem:v14+s24+$0x0], $0xffff;
	[tilespmem:s13+$0xFFFFFF70] =	vst v5  }
0x19f: {  	v48 =	vadd.s32 $0x138D, v7;
	v16 =	vld.idx.msk [tilespmem:v16+s24+$0x0], $0xffff;
	[tilespmem:s13+$0xFFFFFF10] =	vst v6  }
0x1a0: {  	v51 =	vadd.s32 $0x138D, v10;
	[tilespmem:s13+$0xFFFFFF20] =	vst v9;
	v6 =	vld.idx.msk [tilespmem:v15+s24+$0x0], $0xffff  }
0x1a1: {  	v52 =	vadd.s32 $0x138D, v8;
	[tilespmem:s13+$0xFFFFFF30] =	vst v11;
	v49 =	vld.idx.msk [tilespmem:v17+s24+$0x0], $0xffff  }
0x1a2: {  	v5 =	vadd.s32 $0x138D, v4;
	[tilespmem:s13+$0xFFFFFF40] =	vst v12;
	v18 =	vld.idx.msk [tilespmem:v18+s24+$0x0], $0xffff  }
0x1a3: {  	v50 =	vadd.s32 $0x1776, v0;
	[tilespmem:s13+$0xFFFFFF50] =	vst v13;
	v19 =	vld.idx.msk [tilespmem:v19+s24+$0x0], $0xffff  }
0x1a4: {  	v53 =	vadd.s32 $0x1776, v1;
	[tilespmem:s13+$0xFFFFFF00] =	vst v16;
	v15 =	vld.idx.msk [tilespmem:v48+s24+$0x0], $0xffff  }
0x1a5: {  	v54 =	vadd.s32 $0x1776, v2;
	[tilespmem:s13+$0xFFFFFF60] =	vst v14;
	v17 =	vld.idx.msk [tilespmem:v51+s24+$0x0], $0xffff  }
0x1a6: {  	v57 =	vadd.s32 $0x1776, v10;
	v56 =	vld.idx.msk [tilespmem:v52+s24+$0x0], $0xffff;
	[tilespmem:s13+$0xFFFFFFF0] =	vst v6  }
0x1a7: {  	v58 =	vadd.s32 $0x1776, v7;
	v5 =	vld.idx.msk [tilespmem:v5+s24+$0x0], $0xffff;
	[tilespmem:s13+$0xFFFFFF90] =	vst v49  }
0x1a8: {  	v6 =	vadd.s32 $0x1776, v3;
	[tilespmem:s13+$0xFFFFFFA0] =	vst v18;
	v11 =	vld.idx.msk [tilespmem:v50+s24+$0x0], $0xffff  }
0x1a9: {  	v55 =	vadd.s32 $0x1776, v4;
	[tilespmem:s13+$0xFFFFFFB0] =	vst v19;
	v13 =	vld.idx.msk [tilespmem:v53+s24+$0x0], $0xffff  }
0x1aa: {  	v0 =	vadd.s32 $0x1B5F, v0;
	[tilespmem:s13+$0xFFFFFF80] =	vst v17;
	v14 =	vld.idx.msk [tilespmem:v54+s24+$0x0], $0xffff  }
0x1ab: {  	v1 =	vadd.s32 $0x1B5F, v1;
	[tilespmem:s13+$0xFFFFFFD0] =	vst v15;
	v12 =	vld.idx.msk [tilespmem:v57+s24+$0x0], $0xffff  }
0x1ac: {  	v63 =	vld.idx.msk [tilespmem:v58+s24+$0x0], $0xffff;
	[tilespmem:s13+$0xFFFFFFC0] =	vst v5;
	v5 =	vadd.s32 $0x1776, v8  }
0x1ad: {  	v60 =	vadd.s32 $0x1B5F, v2;
	[tilespmem:s13+$0xFFFFFFE0] =	vst v56;
	v6 =	vld.idx.msk [tilespmem:v6+s24+$0x0], $0xffff  }
0x1ae: {  	v10 =	vadd.s32 $0x1B5F, v10;
	v59 =	vld.idx.msk [tilespmem:v55+s24+$0x0], $0xffff;
	[tilespmem:s13+$0x70] =	vst v11  }
0x1af: {  	v61 =	vadd.s32 $0x1B5F, v3;
	[tilespmem:s13+$0x10] =	vst v13;
	v0 =	vld.idx.msk [tilespmem:v0+s24+$0x0], $0xffff  }
0x1b0: {  	v62 =	vadd.s32 $0x1B5F, v4;
	[tilespmem:s13+$0x20] =	vst v14;
	v2 =	vld.idx.msk [tilespmem:v1+s24+$0x0], $0xffff  }
0x1b1: {  	[tilespmem:s13+$0x0] =	vst v12;
	v5 =	vld.idx.msk [tilespmem:v5+s24+$0x0], $0xffff  }
0x1b2: {  	[tilespmem:s13+$0x50] =	vst v63;
	v3 =	vld.idx.msk [tilespmem:v60+s24+$0x0], $0xffff  }
0x1b3: {  	v1 =	vadd.s32 $0x1B5F, v7;
	v7 =	vld.idx.msk [tilespmem:v10+s24+$0x0], $0xffff;
	[tilespmem:s13+$0x30] =	vst v6  }
0x1b4: {  	[tilespmem:s13+$0x40] =	vst v59;
	v4 =	vld.idx.msk [tilespmem:v61+s24+$0x0], $0xffff  }
0x1b5: {  	s3 =	simm.s32 $0x0;
	s15 =	sadd.s32 $0x80, s12;
	s20 =	smov.u32 s13;
	v6 =	vld.idx.msk [tilespmem:v62+s24+$0x0], $0xffff;
	[tilespmem:s13+$0xF0] =	vst v0;
	v0 =	vadd.s32 $0x1B5F, v8  }
.LBB2_16:
0x1b6: {  	v8 =	vld [tilespmem:s15+$0x30];
	s3 =	sadd.s32 $0x8, s3;
	[tilespmem:s20+$0x60] =	vst v5  }
0x1b7: {  	v5 =	vld [tilespmem:s15+$0xFFFFFFD0];
	p1 =	slt.u32 s3, $0x38;
	[tilespmem:s20+$0x90] =	vst v2  }
0x1b8: {  	v2 =	vld [tilespmem:s15+$0xFFFFFFE0];
	[tilespmem:s20+$0xA0] =	vst v3  }
0x1b9: {  	v3 =	vld [tilespmem:s15+$0xFFFFFFF0];
	[tilespmem:s20+$0xB0] =	vst v4  }
0x1ba: {  	v4 =	vld [tilespmem:s15+$0x0];
	[tilespmem:s20+$0xC0] =	vst v6  }
0x1bb: {  	v6 =	vld [tilespmem:s15+$0x10];
	v9 =	vadd.s32 $0xFA4, v8;
	[tilespmem:s20+$0x80] =	vst v7  }
0x1bc: {  	v7 =	vadd.s32 $0xFA4, v5;
	v10 =	vadd.s32 $0x138D, v5;
	v11 =	vadd.s32 $0x1776, v5;
	v12 =	vld [tilespmem:s15+$0x20]  }
0x1bd: {  	v13 =	vld [tilespmem:s15+$0xFFFFFFC0];
	v14 =	vadd.s32 $0xFA4, v2;
	v15 =	vadd.s32 $0x138D, v2;
	v16 =	vadd.s32 $0x1776, v2  }
0x1be: {  	v17 =	vadd.s32 $0xFA4, v3;
	v18 =	vadd.s32 $0x138D, v3;
	v19 =	vadd.s32 $0x1776, v3;
	v1 =	vld.idx.msk [tilespmem:v1+s24+$0x0], $0xffff  }
0x1bf: {  	v20 =	vadd.s32 $0xFA4, v4;
	v21 =	vadd.s32 $0x138D, v4;
	v22 =	vadd.s32 $0x1776, v4;
	v23 =	vld.idx.msk [tilespmem:v0+s24+$0x0], $0xffff  }
0x1c0: {  	v0 =	vadd.s32 $0xFA4, v6;
	v24 =	vadd.s32 $0x138D, v6;
	v25 =	vadd.s32 $0x1776, v6;
	v9 =	vld.idx.msk [tilespmem:v9+s24+$0x0], $0xffff  }
0x1c1: {  	v7 =	vld.idx.msk [tilespmem:v7+s24+$0x0], $0xffff;
	v26 =	vadd.s32 $0xFA4, v12;
	v27 =	vadd.s32 $0x138D, v12;
	v28 =	vadd.s32 $0x1776, v12  }
0x1c2: {  	v31 =	vadd.s32 $0x138D, v8;
	v29 =	vadd.s32 $0xFA4, v13;
	v30 =	vadd.s32 $0x138D, v13;
	v14 =	vld.idx.msk [tilespmem:v14+s24+$0x0], $0xffff  }
0x1c3: {  	v33 =	vadd.s32 $0x1B5F, v5;
	v32 =	vadd.s32 $0x1776, v13;
	v13 =	vadd.s32 $0x1B5F, v13;
	v5 =	vld.idx.msk [tilespmem:v17+s24+$0x0], $0xffff  }
0x1c4: {  	v34 =	vadd.s32 $0x1B5F, v3;
	v17 =	vadd.s32 $0x1B5F, v2;
	v2 =	vld.idx.msk [tilespmem:v20+s24+$0x0], $0xffff;
	v20 =	vadd.s32 $0x1B5F, v4;
	[tilespmem:s20+$0xD0] =	vst v1  }
0x1c5: {  	v1 =	vadd.s32 $0x1B5F, v6;
	v3 =	vld.idx.msk [tilespmem:v0+s24+$0x0], $0xffff;
	v0 =	vadd.s32 $0x1B5F, v12;
	[tilespmem:s20+$0xE0] =	vst v23;
	s20 =	sadd.s32 $0x200, s20  }
0x1c6: {  	v4 =	vld.idx.msk [tilespmem:v26+s24+$0x0], $0xffff;
	[tilespmem:s20+$0xFFFFFF70] =	vst v9  }
0x1c7: {  	[tilespmem:s20+$0xFFFFFF10] =	vst v7;
	v6 =	vld.idx.msk [tilespmem:v31+s24+$0x0], $0xffff  }
0x1c8: {  	v7 =	vld.idx.msk [tilespmem:v29+s24+$0x0], $0xffff;
	[tilespmem:s20+$0xFFFFFF20] =	vst v14  }
0x1c9: {  	v9 =	vld.idx.msk [tilespmem:v10+s24+$0x0], $0xffff;
	[tilespmem:s20+$0xFFFFFF30] =	vst v5;
	v5 =	vadd.s32 $0x1776, v8  }
0x1ca: {  	v10 =	vld.idx.msk [tilespmem:v15+s24+$0x0], $0xffff;
	[tilespmem:s20+$0xFFFFFF40] =	vst v2  }
0x1cb: {  	v2 =	vld.idx.msk [tilespmem:v18+s24+$0x0], $0xffff;
	[tilespmem:s20+$0xFFFFFF50] =	vst v3  }
0x1cc: {  	v3 =	vld.idx.msk [tilespmem:v21+s24+$0x0], $0xffff;
	[tilespmem:s20+$0xFFFFFF60] =	vst v4  }
0x1cd: {  	v4 =	vld.idx.msk [tilespmem:v24+s24+$0x0], $0xffff;
	[tilespmem:s20+$0xFFFFFFF0] =	vst v6  }
0x1ce: {  	[tilespmem:s20+$0xFFFFFF00] =	vst v7;
	v5 =	vld.idx.msk [tilespmem:v5+s24+$0x0], $0xffff  }
0x1cf: {  	v6 =	vld.idx.msk [tilespmem:v30+s24+$0x0], $0xffff;
	[tilespmem:s20+$0xFFFFFF90] =	vst v9  }
0x1d0: {  	v8 =	vadd.s32 $0x1B5F, v8;
	[tilespmem:s20+$0xFFFFFFA0] =	vst v10;
	v7 =	vld.idx.msk [tilespmem:v27+s24+$0x0], $0xffff  }
0x1d1: {  	v9 =	vld.idx.msk [tilespmem:v11+s24+$0x0], $0xffff;
	[tilespmem:s20+$0xFFFFFFB0] =	vst v2  }
0x1d2: {  	v2 =	vld.idx.msk [tilespmem:v16+s24+$0x0], $0xffff;
	[tilespmem:s20+$0xFFFFFFC0] =	vst v3  }
0x1d3: {  	v3 =	vld.idx.msk [tilespmem:v19+s24+$0x0], $0xffff;
	[tilespmem:s20+$0xFFFFFFD0] =	vst v4  }
0x1d4: {  	v4 =	vld.idx.msk [tilespmem:v22+s24+$0x0], $0xffff;
	[tilespmem:s20+$0x70] =	vst v5  }
0x1d5: {  	[tilespmem:s20+$0xFFFFFF80] =	vst v6;
	v6 =	vld.idx.msk [tilespmem:v8+s24+$0x0], $0xffff  }
0x1d6: {  	v8 =	vld.idx.msk [tilespmem:v32+s24+$0x0], $0xffff;
	[tilespmem:s20+$0xFFFFFFE0] =	vst v7  }
0x1d7: {  	[tilespmem:s20+$0x10] =	vst v9;
	v9 =	vld.idx.msk [tilespmem:v25+s24+$0x0], $0xffff  }
0x1d8: {  	[tilespmem:s20+$0x20] =	vst v2;
	v5 =	vld.idx.msk [tilespmem:v28+s24+$0x0], $0xffff  }
.Ltmp6:
0x1d9: {  	v2 =	vld.idx.msk [tilespmem:v33+s24+$0x0], $0xffff;
	[tilespmem:s20+$0x30] =	vst v3;
	(pc) =	sbr.rel @p1 .LBB2_16-.Ltmp6, $4  }
0x1da: {  	v3 =	vld.idx.msk [tilespmem:v17+s24+$0x0], $0xffff;
	[tilespmem:s20+$0x40] =	vst v4  }
0x1db: {  	v4 =	vld.idx.msk [tilespmem:v34+s24+$0x0], $0xffff;
	[tilespmem:s20+$0xF0] =	vst v6  }
0x1dc: {  	[tilespmem:s20+$0x0] =	vst v8;
	v6 =	vld.idx.msk [tilespmem:v20+s24+$0x0], $0xffff  }
0x1dd: {  	s15 =	sadd.s32 $0x80, s15;
	v7 =	vld.idx.msk [tilespmem:v13+s24+$0x0], $0xffff;
	[tilespmem:s20+$0x50] =	vst v9  }
0x1de: {  	_ =	sdelay $0x2  }
0x1df: {  	[tilespmem:s20+$0x60] =	vst v5  }
0x1e0: {  	[tilespmem:s20+$0x90] =	vst v2;
	v1 =	vld.idx.msk [tilespmem:v1+s24+$0x0], $0xffff;
	s11 =	sadd.s32 $0x1, s11  }
0x1e1: {  	[tilespmem:s20+$0xA0] =	vst v3;
	v0 =	vld.idx.msk [tilespmem:v0+s24+$0x0], $0xffff;
	p1 =	seq.s32 s11, $0xA  }
.Ltmp7:
0x1e2: {  	[tilespmem:s20+$0xB0] =	vst v4;
	(pc) =	sbr.rel @!p1 .LBB2_15-.Ltmp7, $4  }
0x1e3: {  	[tilespmem:s20+$0xC0] =	vst v6  }
0x1e4: {  	[tilespmem:s20+$0x80] =	vst v7  }
0x1e5: {  	[tilespmem:s20+$0xD0] =	vst v1  }
0x1e6: {  	s12 =	sadd.s32 $0x400, s12;
	s13 =	sadd.s32 $0x1000, s13;
	[tilespmem:s20+$0xE0] =	vst v0  }
0x1e7: {  	s3 =	simm.s32 $0x12EA0  }
0x1e8: {  	[hbm4b:s10+s25] =	stream.strided.scatter [tilespmem:s3], [sflag:$0x4], $0x1000, s26, s25, $0x38;
	[tilespmem:$0x1CEA0] =	vst v63  }
0x1e9: {  	s20 =	sadd.s32 $0x34000, s10;
	s11 =	simm.s32 $0x13EA0  }
0x1ea: {  	[hbm4b:s20+s25] =	stream.strided.scatter [tilespmem:s11], [sflag:$0x4], $0x1000, s26, s25, $0x38;
	[tilespmem:$0x1CEA0] =	vst v63  }
0x1eb: {  	s12 =	simm.s32 $0x14EA0;
	s11 =	sadd.s32 $0x68000, s10  }
0x1ec: {  	[hbm4b:s11+s25] =	stream.strided.scatter [tilespmem:s12], [sflag:$0x4], $0x1000, s26, s25, $0x38;
	[tilespmem:$0x1CEA0] =	vst v63  }
0x1ed: {  	s13 =	sadd.s32 $0x9C000, s10;
	s15 =	simm.s32 $0x15EA0  }
0x1ee: {  	[hbm4b:s13+s25] =	stream.strided.scatter [tilespmem:s15], [sflag:$0x4], $0x1000, s26, s25, $0x38;
	[tilespmem:$0x1CEA0] =	vst v63  }
0x1ef: {  	s16 =	sadd.s32 $0xD0000, s10;
	s20 =	simm.s32 $0x16EA0  }
0x1f0: {  	[hbm4b:s16+s25] =	stream.strided.scatter [tilespmem:s20], [sflag:$0x4], $0x1000, s26, s25, $0x38;
	[tilespmem:$0x1CEA0] =	vst v63  }
0x1f1: {  	s11 =	sadd.s32 $0x104000, s10;
	s12 =	simm.s32 $0x17EA0  }
0x1f2: {  	[hbm4b:s11+s25] =	stream.strided.scatter [tilespmem:s12], [sflag:$0x4], $0x1000, s26, s25, $0x38;
	[tilespmem:$0x1CEA0] =	vst v63  }
0x1f3: {  	s13 =	sadd.s32 $0x138000, s10  }
0x1f4: {  	[hbm4b:s13+s25] =	stream.strided.scatter [tilespmem:s4], [sflag:$0x4], $0x1000, s26, s25, $0x38;
	[tilespmem:$0x1CEA0] =	vst v63  }
0x1f5: {  	p1 =	seq.s32 s0, $0x5;
	s3 =	rddreg [dreg:$0xb];
	s15 =	sadd.s32 $0x16C000, s10  }
0x1f6: {  	[hbm4b:s15+s25] =	stream.strided.scatter [tilespmem:s17], [sflag:$0x4], $0x1000, s26, s25, $0x38;
	[tilespmem:$0x1CEA0] =	vst v63  }
0x1f7: {  	s3 =	sadd.s32 @!p1 s3, s23;
	s16 =	sadd.s32 $0x1A0000, s10  }
0x1f8: {  	[hbm4b:s16+s25] =	stream.strided.scatter [tilespmem:s18], [sflag:$0x4], $0x1000, s26, s25, $0x38;
	[tilespmem:$0x1CEA0] =	vst v63  }
0x1f9: {  	s3 =	sshrl.u32 @!p1 s3, $0x4;
	s20 =	sadd.s32 $0x1D4000, s10  }
0x1fa: {  	[hbm4b:s20+s25] =	stream.strided.scatter [tilespmem:s28], [sflag:$0x4], $0x1000, s26, s25, $0x38;
	[tilespmem:$0x1CEA0] =	vst v63  }
0x1fb: {  	s10 =	smul.u32 @!p1 $0x5000, s3;
	_ =	swait.ge [sflag:s7], $0x2800  }
0x1fc: {  	s3 =	sshll.u32 @!p1 s3, $0x6;
	[sflag:s7] =	ssyncset.done $0x0  }
0x1fd: {  	s3 =	sadd.s32 @!p1 s9, s3;
	s10 =	sadd.s32 @!p1 s8, s10;
	[sflag:s7] =	ssyncadd.s32 $0xFFFFD800  }
0x1fe: {  	s11 =	simm.s32 @!p1 $0x0;
	s3 =	smul.u32 @!p1 $0x3E9, s3;
	_ =	swait.ge [sflag:s22], $0x1F50  }
0x1ff: {  	s12 =	simm.s32 @!p1 $0x2800;
	s10 =	sshrl.u32 @!p1 s10, $0x3;
	[sflag:s22] =	ssyncset.done $0x0  }
0x200: {  	s10 =	sadd.s32 @!p1 s5, s10;
	p2 =	sgt.u32 @!p1 s3, $0x194B30;
	[sflag:s22] =	ssyncadd.s32 $0xFFFFE0B0  }
0x201: {  	[tilespmem:s12], [sflag:$0x1] =	stream.linear.gather @!p1 [hbm4b:s10+s11], $0x2800, $0x38;
	[tilespmem:$0x1CEA0] =	vst v63  }
0x202: {  	p2 =	por !p2, p1;
	s10 =	sadd.s32 @!p1 $0xFFFFFFF8, s3  }
0x203: {  	s1 =	sshll.u32 s1, $0x10;
	s10 =	smov.u32 @p2 s3  }
0x204: {  	s23 =	sadd.s32 s1, s19;
	s1 =	simm.s32 $0x8;
	s3 =	sshrl.u32 @!p1 s10, $0x3  }
0x205: {  	s23 =	sshrl.u32 s23, $0x3;
	s10 =	simm.s32 @!p1 $0x6F50;
	s3 =	sadd.s32 @!p1 s6, s3  }
0x206: {  	[tilespmem:s10], [sflag:$0x2] =	stream.linear.gather @!p1 [hbm4b:s3+s11], $0x1F50, $0x38;
	[tilespmem:$0x1CEA0] =	vst v63  }
0x207: {  	s1 =	simm.s32 @!p0 $0x0;
	s13 =	simm.s32 $0x8FA0;
	_ =	swait.ge [sflag:s29], $0xA000  }
0x208: {  	s16 =	smov.u32 s2;
	s12 =	simm.s32 $0x40;
	[sflag:s29] =	ssyncset.done $0x0  }
0x209: {  	v0 =	vmov s1;
	s10 =	sadd.s32 s2, s23;
	s11 =	simm.s32 $0x0;
	[sflag:s29] =	ssyncadd.s32 $0xFFFF6000  }
.LBB2_19:
0x20a: {  	v1 =	vld [tilespmem:s12+$0x30]  }
0x20b: {  	v2 =	vld [tilespmem:s12+$0xFFFFFFD0]  }
0x20c: {  	v3 =	vld [tilespmem:s12+$0xFFFFFFE0]  }
0x20d: {  	v4 =	vld [tilespmem:s12+$0xFFFFFFF0]  }
0x20e: {  	v5 =	vld [tilespmem:s12+$0x0]  }
0x20f: {  	v6 =	vld [tilespmem:s12+$0x10];
	v1 =	vadd.s32 v0, v1  }
0x210: {  	v7 =	vld [tilespmem:s12+$0x20];
	v2 =	vadd.s32 v0, v2  }
0x211: {  	v8 =	vld [tilespmem:s12+$0xFFFFFFC0];
	v3 =	vadd.s32 v0, v3  }
0x212: {  	v4 =	vadd.s32 v0, v4  }
0x213: {  	v5 =	vadd.s32 v0, v5  }
0x214: {  	v9 =	vadd.s32 v0, v6;
	v6 =	vld.idx.msk [tilespmem:v1+s21+$0x0], $0xffff  }
0x215: {  	v11 =	vadd.s32 v0, v7;
	v10 =	vld.idx.msk [tilespmem:v2+s21+$0x0], $0xffff  }
0x216: {  	v8 =	vadd.s32 v0, v8;
	v7 =	vld.idx.msk [tilespmem:v3+s21+$0x0], $0xffff  }
0x217: {  	v12 =	vadd.s32 $0x3E9, v1;
	v13 =	vld.idx.msk [tilespmem:v4+s21+$0x0], $0xffff  }
0x218: {  	v14 =	vadd.s32 $0x3E9, v2;
	v15 =	vld.idx.msk [tilespmem:v5+s21+$0x0], $0xffff  }
0x219: {  	v16 =	vadd.s32 $0x3E9, v3;
	v17 =	vld.idx.msk [tilespmem:v9+s21+$0x0], $0xffff  }
0x21a: {  	v18 =	vadd.s32 $0x3E9, v4;
	v19 =	vld.idx.msk [tilespmem:v11+s21+$0x0], $0xffff;
	[tilespmem:s13+$0xFFFFFF70] =	vst v6  }
0x21b: {  	v49 =	vadd.s32 $0x3E9, v9;
	v20 =	vld.idx.msk [tilespmem:v8+s21+$0x0], $0xffff;
	[tilespmem:s13+$0xFFFFFF10] =	vst v10  }
0x21c: {  	v51 =	vadd.s32 $0x3E9, v8;
	[tilespmem:s13+$0xFFFFFF20] =	vst v7;
	v10 =	vld.idx.msk [tilespmem:v12+s21+$0x0], $0xffff  }
0x21d: {  	v6 =	vadd.s32 $0x3E9, v5;
	[tilespmem:s13+$0xFFFFFF30] =	vst v13;
	v7 =	vld.idx.msk [tilespmem:v14+s21+$0x0], $0xffff  }
0x21e: {  	v52 =	vadd.s32 $0x3E9, v11;
	[tilespmem:s13+$0xFFFFFF40] =	vst v15;
	v16 =	vld.idx.msk [tilespmem:v16+s21+$0x0], $0xffff  }
0x21f: {  	v50 =	vadd.s32 $0x7D2, v1;
	[tilespmem:s13+$0xFFFFFF50] =	vst v17;
	v18 =	vld.idx.msk [tilespmem:v18+s21+$0x0], $0xffff  }
0x220: {  	v53 =	vadd.s32 $0x7D2, v2;
	[tilespmem:s13+$0xFFFFFF00] =	vst v20;
	v12 =	vld.idx.msk [tilespmem:v49+s21+$0x0], $0xffff  }
0x221: {  	v54 =	vadd.s32 $0x7D2, v3;
	[tilespmem:s13+$0xFFFFFF60] =	vst v19;
	v14 =	vld.idx.msk [tilespmem:v51+s21+$0x0], $0xffff  }
0x222: {  	v56 =	vadd.s32 $0x7D2, v8;
	v6 =	vld.idx.msk [tilespmem:v6+s21+$0x0], $0xffff;
	[tilespmem:s13+$0xFFFFFFF0] =	vst v10  }
0x223: {  	v58 =	vadd.s32 $0x7D2, v9;
	[tilespmem:s13+$0xFFFFFF90] =	vst v7;
	v7 =	vld.idx.msk [tilespmem:v52+s21+$0x0], $0xffff  }
0x224: {  	v10 =	vadd.s32 $0x7D2, v4;
	[tilespmem:s13+$0xFFFFFFA0] =	vst v16;
	v13 =	vld.idx.msk [tilespmem:v50+s21+$0x0], $0xffff  }
0x225: {  	v55 =	vadd.s32 $0x7D2, v5;
	[tilespmem:s13+$0xFFFFFFB0] =	vst v18;
	v57 =	vld.idx.msk [tilespmem:v53+s21+$0x0], $0xffff  }
0x226: {  	v1 =	vadd.s32 $0xBBB, v1;
	[tilespmem:s13+$0xFFFFFF80] =	vst v14;
	v59 =	vld.idx.msk [tilespmem:v54+s21+$0x0], $0xffff  }
0x227: {  	v2 =	vadd.s32 $0xBBB, v2;
	[tilespmem:s13+$0xFFFFFFD0] =	vst v12;
	v15 =	vld.idx.msk [tilespmem:v56+s21+$0x0], $0xffff  }
0x228: {  	v63 =	vld.idx.msk [tilespmem:v58+s21+$0x0], $0xffff;
	[tilespmem:s13+$0xFFFFFFC0] =	vst v6;
	v6 =	vadd.s32 $0x7D2, v11  }
0x229: {  	v61 =	vadd.s32 $0xBBB, v3;
	v10 =	vld.idx.msk [tilespmem:v10+s21+$0x0], $0xffff;
	[tilespmem:s13+$0xFFFFFFE0] =	vst v7  }
0x22a: {  	v8 =	vadd.s32 $0xBBB, v8;
	v60 =	vld.idx.msk [tilespmem:v55+s21+$0x0], $0xffff;
	[tilespmem:s13+$0x70] =	vst v13  }
0x22b: {  	v62 =	vadd.s32 $0xBBB, v4;
	[tilespmem:s13+$0x10] =	vst v57;
	v1 =	vld.idx.msk [tilespmem:v1+s21+$0x0], $0xffff  }
0x22c: {  	v7 =	vadd.s32 $0xBBB, v5;
	[tilespmem:s13+$0x20] =	vst v59;
	v3 =	vld.idx.msk [tilespmem:v2+s21+$0x0], $0xffff  }
0x22d: {  	[tilespmem:s13+$0x0] =	vst v15;
	v6 =	vld.idx.msk [tilespmem:v6+s21+$0x0], $0xffff  }
0x22e: {  	[tilespmem:s13+$0x50] =	vst v63;
	v4 =	vld.idx.msk [tilespmem:v61+s21+$0x0], $0xffff  }
0x22f: {  	v8 =	vld.idx.msk [tilespmem:v8+s21+$0x0], $0xffff;
	[tilespmem:s13+$0x30] =	vst v10  }
0x230: {  	[tilespmem:s13+$0x40] =	vst v60;
	v5 =	vld.idx.msk [tilespmem:v62+s21+$0x0], $0xffff  }
0x231: {  	s3 =	simm.s32 $0x0;
	s15 =	sadd.s32 $0x80, s12;
	s20 =	smov.u32 s13;
	v2 =	vadd.s32 $0xBBB, v9;
	v7 =	vld.idx.msk [tilespmem:v7+s21+$0x0], $0xffff;
	[tilespmem:s13+$0xF0] =	vst v1;
	v1 =	vadd.s32 $0xBBB, v11  }
.LBB2_20:
0x232: {  	v9 =	vld [tilespmem:s15+$0x30];
	s3 =	sadd.s32 $0x8, s3;
	[tilespmem:s20+$0x60] =	vst v6  }
0x233: {  	v6 =	vld [tilespmem:s15+$0xFFFFFFD0];
	p0 =	slt.u32 s3, $0x38;
	[tilespmem:s20+$0x90] =	vst v3  }
0x234: {  	v3 =	vld [tilespmem:s15+$0xFFFFFFE0];
	[tilespmem:s20+$0xA0] =	vst v4  }
0x235: {  	v4 =	vld [tilespmem:s15+$0xFFFFFFF0];
	[tilespmem:s20+$0xB0] =	vst v5  }
0x236: {  	v5 =	vld [tilespmem:s15+$0x0];
	[tilespmem:s20+$0xC0] =	vst v7  }
0x237: {  	v7 =	vld [tilespmem:s15+$0x10];
	v9 =	vadd.s32 v0, v9;
	[tilespmem:s20+$0x80] =	vst v8  }
0x238: {  	v6 =	vadd.s32 v0, v6;
	v8 =	vld [tilespmem:s15+$0x20]  }
0x239: {  	v10 =	vld [tilespmem:s15+$0xFFFFFFC0];
	v11 =	vadd.s32 $0x3E9, v6;
	v12 =	vadd.s32 $0x7D2, v6;
	v3 =	vadd.s32 v0, v3  }
0x23a: {  	v13 =	vadd.s32 $0x3E9, v3;
	v14 =	vadd.s32 $0x7D2, v3;
	v4 =	vadd.s32 v0, v4;
	v2 =	vld.idx.msk [tilespmem:v2+s21+$0x0], $0xffff  }
0x23b: {  	v15 =	vadd.s32 $0x3E9, v4;
	v16 =	vadd.s32 $0x7D2, v4;
	v5 =	vadd.s32 v0, v5;
	v1 =	vld.idx.msk [tilespmem:v1+s21+$0x0], $0xffff  }
0x23c: {  	v17 =	vadd.s32 $0x3E9, v5;
	v18 =	vadd.s32 $0x7D2, v5;
	v7 =	vadd.s32 v0, v7;
	v19 =	vld.idx.msk [tilespmem:v9+s21+$0x0], $0xffff  }
0x23d: {  	v20 =	vld.idx.msk [tilespmem:v6+s21+$0x0], $0xffff;
	v21 =	vadd.s32 $0x3E9, v7;
	v22 =	vadd.s32 $0x7D2, v7;
	v8 =	vadd.s32 v0, v8  }
0x23e: {  	v25 =	vadd.s32 $0x3E9, v9;
	v10 =	vadd.s32 v0, v10;
	v23 =	vld.idx.msk [tilespmem:v3+s21+$0x0], $0xffff;
	v24 =	vadd.s32 $0x3E9, v8  }
0x23f: {  	v29 =	vadd.s32 $0x7D2, v8;
	v26 =	vadd.s32 $0x3E9, v10;
	v27 =	vadd.s32 $0x7D2, v10;
	v28 =	vld.idx.msk [tilespmem:v4+s21+$0x0], $0xffff  }
0x240: {  	v31 =	vadd.s32 $0xBBB, v6;
	v32 =	vadd.s32 $0xBBB, v3;
	v30 =	vadd.s32 $0xBBB, v10;
	v3 =	vld.idx.msk [tilespmem:v5+s21+$0x0], $0xffff;
	[tilespmem:s20+$0xD0] =	vst v2  }
0x241: {  	v33 =	vadd.s32 $0xBBB, v4;
	v34 =	vadd.s32 $0xBBB, v5;
	v2 =	vadd.s32 $0xBBB, v7;
	v4 =	vld.idx.msk [tilespmem:v7+s21+$0x0], $0xffff;
	[tilespmem:s20+$0xE0] =	vst v1;
	s20 =	sadd.s32 $0x200, s20  }
0x242: {  	v1 =	vadd.s32 $0xBBB, v8;
	v5 =	vld.idx.msk [tilespmem:v8+s21+$0x0], $0xffff;
	[tilespmem:s20+$0xFFFFFF70] =	vst v19  }
0x243: {  	[tilespmem:s20+$0xFFFFFF10] =	vst v20;
	v6 =	vld.idx.msk [tilespmem:v25+s21+$0x0], $0xffff  }
0x244: {  	v7 =	vld.idx.msk [tilespmem:v10+s21+$0x0], $0xffff;
	[tilespmem:s20+$0xFFFFFF20] =	vst v23  }
0x245: {  	v10 =	vadd.s32 $0x7D2, v9;
	v8 =	vld.idx.msk [tilespmem:v11+s21+$0x0], $0xffff;
	[tilespmem:s20+$0xFFFFFF30] =	vst v28  }
0x246: {  	v11 =	vld.idx.msk [tilespmem:v13+s21+$0x0], $0xffff;
	[tilespmem:s20+$0xFFFFFF40] =	vst v3  }
0x247: {  	v3 =	vld.idx.msk [tilespmem:v15+s21+$0x0], $0xffff;
	[tilespmem:s20+$0xFFFFFF50] =	vst v4  }
0x248: {  	v4 =	vld.idx.msk [tilespmem:v17+s21+$0x0], $0xffff;
	[tilespmem:s20+$0xFFFFFF60] =	vst v5  }
0x249: {  	v5 =	vld.idx.msk [tilespmem:v21+s21+$0x0], $0xffff;
	[tilespmem:s20+$0xFFFFFFF0] =	vst v6  }
0x24a: {  	[tilespmem:s20+$0xFFFFFF00] =	vst v7;
	v6 =	vld.idx.msk [tilespmem:v10+s21+$0x0], $0xffff  }
0x24b: {  	v7 =	vld.idx.msk [tilespmem:v26+s21+$0x0], $0xffff;
	[tilespmem:s20+$0xFFFFFF90] =	vst v8  }
0x24c: {  	v9 =	vadd.s32 $0xBBB, v9;
	[tilespmem:s20+$0xFFFFFFA0] =	vst v11;
	v8 =	vld.idx.msk [tilespmem:v24+s21+$0x0], $0xffff  }
0x24d: {  	v10 =	vld.idx.msk [tilespmem:v12+s21+$0x0], $0xffff;
	[tilespmem:s20+$0xFFFFFFB0] =	vst v3  }
0x24e: {  	v3 =	vld.idx.msk [tilespmem:v14+s21+$0x0], $0xffff;
	[tilespmem:s20+$0xFFFFFFC0] =	vst v4  }
0x24f: {  	v4 =	vld.idx.msk [tilespmem:v16+s21+$0x0], $0xffff;
	[tilespmem:s20+$0xFFFFFFD0] =	vst v5  }
0x250: {  	v5 =	vld.idx.msk [tilespmem:v18+s21+$0x0], $0xffff;
	[tilespmem:s20+$0x70] =	vst v6  }
0x251: {  	[tilespmem:s20+$0xFFFFFF80] =	vst v7;
	v7 =	vld.idx.msk [tilespmem:v9+s21+$0x0], $0xffff  }
0x252: {  	v9 =	vld.idx.msk [tilespmem:v27+s21+$0x0], $0xffff;
	[tilespmem:s20+$0xFFFFFFE0] =	vst v8  }
0x253: {  	[tilespmem:s20+$0x10] =	vst v10;
	v10 =	vld.idx.msk [tilespmem:v22+s21+$0x0], $0xffff  }
0x254: {  	[tilespmem:s20+$0x20] =	vst v3;
	v6 =	vld.idx.msk [tilespmem:v29+s21+$0x0], $0xffff  }
.Ltmp8:
0x255: {  	v3 =	vld.idx.msk [tilespmem:v31+s21+$0x0], $0xffff;
	[tilespmem:s20+$0x30] =	vst v4;
	(pc) =	sbr.rel @p0 .LBB2_20-.Ltmp8, $4  }
0x256: {  	v4 =	vld.idx.msk [tilespmem:v32+s21+$0x0], $0xffff;
	[tilespmem:s20+$0x40] =	vst v5  }
0x257: {  	v5 =	vld.idx.msk [tilespmem:v33+s21+$0x0], $0xffff;
	[tilespmem:s20+$0xF0] =	vst v7  }
0x258: {  	[tilespmem:s20+$0x0] =	vst v9;
	v7 =	vld.idx.msk [tilespmem:v34+s21+$0x0], $0xffff  }
0x259: {  	s15 =	sadd.s32 $0x80, s15;
	v8 =	vld.idx.msk [tilespmem:v30+s21+$0x0], $0xffff;
	[tilespmem:s20+$0x50] =	vst v10  }
0x25a: {  	_ =	sdelay $0x2  }
0x25b: {  	[tilespmem:s20+$0x60] =	vst v6  }
0x25c: {  	[tilespmem:s20+$0x90] =	vst v3;
	v2 =	vld.idx.msk [tilespmem:v2+s21+$0x0], $0xffff;
	s11 =	sadd.s32 $0x1, s11  }
0x25d: {  	[tilespmem:s20+$0xA0] =	vst v4;
	v1 =	vld.idx.msk [tilespmem:v1+s21+$0x0], $0xffff;
	p0 =	seq.s32 s11, $0xA  }
.Ltmp9:
0x25e: {  	[tilespmem:s20+$0xB0] =	vst v5;
	(pc) =	sbr.rel @!p0 .LBB2_19-.Ltmp9, $4  }
0x25f: {  	[tilespmem:s20+$0xC0] =	vst v7  }
0x260: {  	[tilespmem:s20+$0x80] =	vst v8  }
0x261: {  	[tilespmem:s20+$0xD0] =	vst v2  }
0x262: {  	s12 =	sadd.s32 $0x400, s12;
	s13 =	sadd.s32 $0x1000, s13;
	[tilespmem:s20+$0xE0] =	vst v1  }
0x263: {  	s2 =	simm.s32 $0x8EA0  }
0x264: {  	[hbm4b:s10+s25] =	stream.strided.scatter [tilespmem:s2], [sflag:$0x3], $0x1000, s26, s25, $0x38;
	[tilespmem:$0x1CEA0] =	vst v63  }
0x265: {  	s3 =	sadd.s32 $0x34000, s10;
	s11 =	simm.s32 $0x9EA0  }
0x266: {  	[hbm4b:s3+s25] =	stream.strided.scatter [tilespmem:s11], [sflag:$0x3], $0x1000, s26, s25, $0x38;
	[tilespmem:$0x1CEA0] =	vst v63  }
0x267: {  	s12 =	sadd.s32 $0x68000, s10;
	s13 =	simm.s32 $0xAEA0  }
0x268: {  	[hbm4b:s12+s25] =	stream.strided.scatter [tilespmem:s13], [sflag:$0x3], $0x1000, s26, s25, $0x38;
	[tilespmem:$0x1CEA0] =	vst v63  }
0x269: {  	s15 =	sadd.s32 $0x9C000, s10;
	s20 =	simm.s32 $0xBEA0  }
0x26a: {  	[hbm4b:s15+s25] =	stream.strided.scatter [tilespmem:s20], [sflag:$0x3], $0x1000, s26, s25, $0x38;
	[tilespmem:$0x1CEA0] =	vst v63  }
0x26b: {  	s2 =	sadd.s32 $0xD0000, s10;
	s11 =	simm.s32 $0xCEA0  }
0x26c: {  	[hbm4b:s2+s25] =	stream.strided.scatter [tilespmem:s11], [sflag:$0x3], $0x1000, s26, s25, $0x38;
	[tilespmem:$0x1CEA0] =	vst v63  }
0x26d: {  	s12 =	sadd.s32 $0x104000, s10;
	s13 =	simm.s32 $0xDEA0  }
0x26e: {  	[hbm4b:s12+s25] =	stream.strided.scatter [tilespmem:s13], [sflag:$0x3], $0x1000, s26, s25, $0x38;
	[tilespmem:$0x1CEA0] =	vst v63  }
0x26f: {  	s15 =	sadd.s32 $0x138000, s10;
	s20 =	simm.s32 $0xEEA0  }
0x270: {  	[hbm4b:s15+s25] =	stream.strided.scatter [tilespmem:s20], [sflag:$0x3], $0x1000, s26, s25, $0x38;
	[tilespmem:$0x1CEA0] =	vst v63  }
0x271: {  	s2 =	sadd.s32 $0x16C000, s10;
	s11 =	simm.s32 $0xFEA0  }
0x272: {  	[hbm4b:s2+s25] =	stream.strided.scatter [tilespmem:s11], [sflag:$0x3], $0x1000, s26, s25, $0x38;
	[tilespmem:$0x1CEA0] =	vst v63  }
0x273: {  	s12 =	sadd.s32 $0x1A0000, s10;
	s13 =	simm.s32 $0x10EA0  }
0x274: {  	[hbm4b:s12+s25] =	stream.strided.scatter [tilespmem:s13], [sflag:$0x3], $0x1000, s26, s25, $0x38;
	[tilespmem:$0x1CEA0] =	vst v63  }
0x275: {  	s15 =	sadd.s32 $0x1D4000, s10;
	s20 =	simm.s32 $0x11EA0  }
0x276: {  	[hbm4b:s15+s25] =	stream.strided.scatter [tilespmem:s20], [sflag:$0x3], $0x1000, s26, s25, $0x38;
	[tilespmem:$0x1CEA0] =	vst v63  }
0x277: {  	s1 =	sor.u32 $0xFA4, s1;
	_ =	swait.ge [sflag:s30], $0xA000  }
0x278: {  	s23 =	sadd.s32 s23, s14;
	v0 =	vmov s1;
	s1 =	simm.s32 $0x0;
	[sflag:s30] =	ssyncset.done $0x0  }
0x279: {  	s10 =	simm.s32 $0x40;
	s11 =	simm.s32 $0x12FA0;
	[sflag:s30] =	ssyncadd.s32 $0xFFFF6000  }
.LBB2_23:
0x27a: {  	v1 =	vld [tilespmem:s10+$0x30]  }
0x27b: {  	v2 =	vld [tilespmem:s10+$0xFFFFFFD0]  }
0x27c: {  	v3 =	vld [tilespmem:s10+$0xFFFFFFE0]  }
0x27d: {  	v4 =	vld [tilespmem:s10+$0xFFFFFFF0]  }
0x27e: {  	v5 =	vld [tilespmem:s10+$0x0]  }
0x27f: {  	v6 =	vld [tilespmem:s10+$0x10];
	v1 =	vadd.s32 v0, v1  }
0x280: {  	v7 =	vld [tilespmem:s10+$0x20];
	v2 =	vadd.s32 v0, v2  }
0x281: {  	v8 =	vld [tilespmem:s10+$0xFFFFFFC0];
	v3 =	vadd.s32 v0, v3  }
0x282: {  	v4 =	vadd.s32 v0, v4  }
0x283: {  	v5 =	vadd.s32 v0, v5  }
0x284: {  	v9 =	vadd.s32 v0, v6;
	v6 =	vld.idx.msk [tilespmem:v1+s21+$0x0], $0xffff  }
0x285: {  	v11 =	vadd.s32 v0, v7;
	v10 =	vld.idx.msk [tilespmem:v2+s21+$0x0], $0xffff  }
0x286: {  	v8 =	vadd.s32 v0, v8;
	v7 =	vld.idx.msk [tilespmem:v3+s21+$0x0], $0xffff  }
0x287: {  	v12 =	vadd.s32 $0x3E9, v1;
	v13 =	vld.idx.msk [tilespmem:v4+s21+$0x0], $0xffff  }
0x288: {  	v14 =	vadd.s32 $0x3E9, v2;
	v15 =	vld.idx.msk [tilespmem:v5+s21+$0x0], $0xffff  }
0x289: {  	v16 =	vadd.s32 $0x3E9, v3;
	v17 =	vld.idx.msk [tilespmem:v9+s21+$0x0], $0xffff  }
0x28a: {  	v18 =	vadd.s32 $0x3E9, v4;
	v19 =	vld.idx.msk [tilespmem:v11+s21+$0x0], $0xffff;
	[tilespmem:s11+$0xFFFFFF70] =	vst v6  }
0x28b: {  	v49 =	vadd.s32 $0x3E9, v9;
	v20 =	vld.idx.msk [tilespmem:v8+s21+$0x0], $0xffff;
	[tilespmem:s11+$0xFFFFFF10] =	vst v10  }
0x28c: {  	v51 =	vadd.s32 $0x3E9, v8;
	[tilespmem:s11+$0xFFFFFF20] =	vst v7;
	v10 =	vld.idx.msk [tilespmem:v12+s21+$0x0], $0xffff  }
0x28d: {  	v6 =	vadd.s32 $0x3E9, v5;
	[tilespmem:s11+$0xFFFFFF30] =	vst v13;
	v7 =	vld.idx.msk [tilespmem:v14+s21+$0x0], $0xffff  }
0x28e: {  	v52 =	vadd.s32 $0x3E9, v11;
	[tilespmem:s11+$0xFFFFFF40] =	vst v15;
	v16 =	vld.idx.msk [tilespmem:v16+s21+$0x0], $0xffff  }
0x28f: {  	v50 =	vadd.s32 $0x7D2, v1;
	[tilespmem:s11+$0xFFFFFF50] =	vst v17;
	v18 =	vld.idx.msk [tilespmem:v18+s21+$0x0], $0xffff  }
0x290: {  	v53 =	vadd.s32 $0x7D2, v2;
	[tilespmem:s11+$0xFFFFFF00] =	vst v20;
	v12 =	vld.idx.msk [tilespmem:v49+s21+$0x0], $0xffff  }
0x291: {  	v54 =	vadd.s32 $0x7D2, v3;
	[tilespmem:s11+$0xFFFFFF60] =	vst v19;
	v14 =	vld.idx.msk [tilespmem:v51+s21+$0x0], $0xffff  }
0x292: {  	v56 =	vadd.s32 $0x7D2, v8;
	v6 =	vld.idx.msk [tilespmem:v6+s21+$0x0], $0xffff;
	[tilespmem:s11+$0xFFFFFFF0] =	vst v10  }
0x293: {  	v58 =	vadd.s32 $0x7D2, v9;
	[tilespmem:s11+$0xFFFFFF90] =	vst v7;
	v7 =	vld.idx.msk [tilespmem:v52+s21+$0x0], $0xffff  }
0x294: {  	v10 =	vadd.s32 $0x7D2, v4;
	[tilespmem:s11+$0xFFFFFFA0] =	vst v16;
	v13 =	vld.idx.msk [tilespmem:v50+s21+$0x0], $0xffff  }
0x295: {  	v55 =	vadd.s32 $0x7D2, v5;
	[tilespmem:s11+$0xFFFFFFB0] =	vst v18;
	v57 =	vld.idx.msk [tilespmem:v53+s21+$0x0], $0xffff  }
0x296: {  	v1 =	vadd.s32 $0xBBB, v1;
	[tilespmem:s11+$0xFFFFFF80] =	vst v14;
	v59 =	vld.idx.msk [tilespmem:v54+s21+$0x0], $0xffff  }
0x297: {  	v2 =	vadd.s32 $0xBBB, v2;
	[tilespmem:s11+$0xFFFFFFD0] =	vst v12;
	v15 =	vld.idx.msk [tilespmem:v56+s21+$0x0], $0xffff  }
0x298: {  	v63 =	vld.idx.msk [tilespmem:v58+s21+$0x0], $0xffff;
	[tilespmem:s11+$0xFFFFFFC0] =	vst v6;
	v6 =	vadd.s32 $0x7D2, v11  }
0x299: {  	v61 =	vadd.s32 $0xBBB, v3;
	v10 =	vld.idx.msk [tilespmem:v10+s21+$0x0], $0xffff;
	[tilespmem:s11+$0xFFFFFFE0] =	vst v7  }
0x29a: {  	v8 =	vadd.s32 $0xBBB, v8;
	v60 =	vld.idx.msk [tilespmem:v55+s21+$0x0], $0xffff;
	[tilespmem:s11+$0x70] =	vst v13  }
0x29b: {  	v62 =	vadd.s32 $0xBBB, v4;
	[tilespmem:s11+$0x10] =	vst v57;
	v1 =	vld.idx.msk [tilespmem:v1+s21+$0x0], $0xffff  }
0x29c: {  	v7 =	vadd.s32 $0xBBB, v5;
	[tilespmem:s11+$0x20] =	vst v59;
	v3 =	vld.idx.msk [tilespmem:v2+s21+$0x0], $0xffff  }
0x29d: {  	[tilespmem:s11+$0x0] =	vst v15;
	v6 =	vld.idx.msk [tilespmem:v6+s21+$0x0], $0xffff  }
0x29e: {  	[tilespmem:s11+$0x50] =	vst v63;
	v4 =	vld.idx.msk [tilespmem:v61+s21+$0x0], $0xffff  }
0x29f: {  	v8 =	vld.idx.msk [tilespmem:v8+s21+$0x0], $0xffff;
	[tilespmem:s11+$0x30] =	vst v10  }
0x2a0: {  	[tilespmem:s11+$0x40] =	vst v60;
	v5 =	vld.idx.msk [tilespmem:v62+s21+$0x0], $0xffff  }
0x2a1: {  	s3 =	simm.s32 $0x0;
	s13 =	sadd.s32 $0x80, s10;
	s12 =	smov.u32 s11;
	v2 =	vadd.s32 $0xBBB, v9;
	v7 =	vld.idx.msk [tilespmem:v7+s21+$0x0], $0xffff;
	[tilespmem:s11+$0xF0] =	vst v1;
	v1 =	vadd.s32 $0xBBB, v11  }
.LBB2_24:
0x2a2: {  	v9 =	vld [tilespmem:s13+$0x30];
	s3 =	sadd.s32 $0x8, s3;
	[tilespmem:s12+$0x60] =	vst v6  }
0x2a3: {  	v6 =	vld [tilespmem:s13+$0xFFFFFFD0];
	p0 =	slt.u32 s3, $0x38;
	[tilespmem:s12+$0x90] =	vst v3  }
0x2a4: {  	v3 =	vld [tilespmem:s13+$0xFFFFFFE0];
	[tilespmem:s12+$0xA0] =	vst v4  }
0x2a5: {  	v4 =	vld [tilespmem:s13+$0xFFFFFFF0];
	[tilespmem:s12+$0xB0] =	vst v5  }
0x2a6: {  	v5 =	vld [tilespmem:s13+$0x0];
	[tilespmem:s12+$0xC0] =	vst v7  }
0x2a7: {  	v7 =	vld [tilespmem:s13+$0x10];
	v9 =	vadd.s32 v0, v9;
	[tilespmem:s12+$0x80] =	vst v8  }
0x2a8: {  	v6 =	vadd.s32 v0, v6;
	v8 =	vld [tilespmem:s13+$0x20]  }
0x2a9: {  	v10 =	vld [tilespmem:s13+$0xFFFFFFC0];
	v11 =	vadd.s32 $0x3E9, v6;
	v12 =	vadd.s32 $0x7D2, v6;
	v3 =	vadd.s32 v0, v3  }
0x2aa: {  	v13 =	vadd.s32 $0x3E9, v3;
	v14 =	vadd.s32 $0x7D2, v3;
	v4 =	vadd.s32 v0, v4;
	v2 =	vld.idx.msk [tilespmem:v2+s21+$0x0], $0xffff  }
0x2ab: {  	v15 =	vadd.s32 $0x3E9, v4;
	v16 =	vadd.s32 $0x7D2, v4;
	v5 =	vadd.s32 v0, v5;
	v1 =	vld.idx.msk [tilespmem:v1+s21+$0x0], $0xffff  }
0x2ac: {  	v17 =	vadd.s32 $0x3E9, v5;
	v18 =	vadd.s32 $0x7D2, v5;
	v7 =	vadd.s32 v0, v7;
	v19 =	vld.idx.msk [tilespmem:v9+s21+$0x0], $0xffff  }
0x2ad: {  	v20 =	vld.idx.msk [tilespmem:v6+s21+$0x0], $0xffff;
	v21 =	vadd.s32 $0x3E9, v7;
	v22 =	vadd.s32 $0x7D2, v7;
	v8 =	vadd.s32 v0, v8  }
0x2ae: {  	v25 =	vadd.s32 $0x3E9, v9;
	v10 =	vadd.s32 v0, v10;
	v23 =	vld.idx.msk [tilespmem:v3+s21+$0x0], $0xffff;
	v24 =	vadd.s32 $0x3E9, v8  }
0x2af: {  	v29 =	vadd.s32 $0x7D2, v8;
	v26 =	vadd.s32 $0x3E9, v10;
	v27 =	vadd.s32 $0x7D2, v10;
	v28 =	vld.idx.msk [tilespmem:v4+s21+$0x0], $0xffff  }
0x2b0: {  	v31 =	vadd.s32 $0xBBB, v6;
	v32 =	vadd.s32 $0xBBB, v3;
	v30 =	vadd.s32 $0xBBB, v10;
	v3 =	vld.idx.msk [tilespmem:v5+s21+$0x0], $0xffff;
	[tilespmem:s12+$0xD0] =	vst v2  }
0x2b1: {  	v33 =	vadd.s32 $0xBBB, v4;
	v34 =	vadd.s32 $0xBBB, v5;
	v2 =	vadd.s32 $0xBBB, v7;
	v4 =	vld.idx.msk [tilespmem:v7+s21+$0x0], $0xffff;
	[tilespmem:s12+$0xE0] =	vst v1;
	s12 =	sadd.s32 $0x200, s12  }
0x2b2: {  	v1 =	vadd.s32 $0xBBB, v8;
	v5 =	vld.idx.msk [tilespmem:v8+s21+$0x0], $0xffff;
	[tilespmem:s12+$0xFFFFFF70] =	vst v19  }
0x2b3: {  	[tilespmem:s12+$0xFFFFFF10] =	vst v20;
	v6 =	vld.idx.msk [tilespmem:v25+s21+$0x0], $0xffff  }
0x2b4: {  	v7 =	vld.idx.msk [tilespmem:v10+s21+$0x0], $0xffff;
	[tilespmem:s12+$0xFFFFFF20] =	vst v23  }
0x2b5: {  	v10 =	vadd.s32 $0x7D2, v9;
	v8 =	vld.idx.msk [tilespmem:v11+s21+$0x0], $0xffff;
	[tilespmem:s12+$0xFFFFFF30] =	vst v28  }
0x2b6: {  	v11 =	vld.idx.msk [tilespmem:v13+s21+$0x0], $0xffff;
	[tilespmem:s12+$0xFFFFFF40] =	vst v3  }
0x2b7: {  	v3 =	vld.idx.msk [tilespmem:v15+s21+$0x0], $0xffff;
	[tilespmem:s12+$0xFFFFFF50] =	vst v4  }
0x2b8: {  	v4 =	vld.idx.msk [tilespmem:v17+s21+$0x0], $0xffff;
	[tilespmem:s12+$0xFFFFFF60] =	vst v5  }
0x2b9: {  	v5 =	vld.idx.msk [tilespmem:v21+s21+$0x0], $0xffff;
	[tilespmem:s12+$0xFFFFFFF0] =	vst v6  }
0x2ba: {  	[tilespmem:s12+$0xFFFFFF00] =	vst v7;
	v6 =	vld.idx.msk [tilespmem:v10+s21+$0x0], $0xffff  }
0x2bb: {  	v7 =	vld.idx.msk [tilespmem:v26+s21+$0x0], $0xffff;
	[tilespmem:s12+$0xFFFFFF90] =	vst v8  }
0x2bc: {  	v9 =	vadd.s32 $0xBBB, v9;
	[tilespmem:s12+$0xFFFFFFA0] =	vst v11;
	v8 =	vld.idx.msk [tilespmem:v24+s21+$0x0], $0xffff  }
0x2bd: {  	v10 =	vld.idx.msk [tilespmem:v12+s21+$0x0], $0xffff;
	[tilespmem:s12+$0xFFFFFFB0] =	vst v3  }
0x2be: {  	v3 =	vld.idx.msk [tilespmem:v14+s21+$0x0], $0xffff;
	[tilespmem:s12+$0xFFFFFFC0] =	vst v4  }
0x2bf: {  	v4 =	vld.idx.msk [tilespmem:v16+s21+$0x0], $0xffff;
	[tilespmem:s12+$0xFFFFFFD0] =	vst v5  }
0x2c0: {  	v5 =	vld.idx.msk [tilespmem:v18+s21+$0x0], $0xffff;
	[tilespmem:s12+$0x70] =	vst v6  }
0x2c1: {  	[tilespmem:s12+$0xFFFFFF80] =	vst v7;
	v7 =	vld.idx.msk [tilespmem:v9+s21+$0x0], $0xffff  }
0x2c2: {  	v9 =	vld.idx.msk [tilespmem:v27+s21+$0x0], $0xffff;
	[tilespmem:s12+$0xFFFFFFE0] =	vst v8  }
0x2c3: {  	[tilespmem:s12+$0x10] =	vst v10;
	v10 =	vld.idx.msk [tilespmem:v22+s21+$0x0], $0xffff  }
0x2c4: {  	[tilespmem:s12+$0x20] =	vst v3;
	v6 =	vld.idx.msk [tilespmem:v29+s21+$0x0], $0xffff  }
.Ltmp10:
0x2c5: {  	v3 =	vld.idx.msk [tilespmem:v31+s21+$0x0], $0xffff;
	[tilespmem:s12+$0x30] =	vst v4;
	(pc) =	sbr.rel @p0 .LBB2_24-.Ltmp10, $4  }
0x2c6: {  	v4 =	vld.idx.msk [tilespmem:v32+s21+$0x0], $0xffff;
	[tilespmem:s12+$0x40] =	vst v5  }
0x2c7: {  	v5 =	vld.idx.msk [tilespmem:v33+s21+$0x0], $0xffff;
	[tilespmem:s12+$0xF0] =	vst v7  }
0x2c8: {  	[tilespmem:s12+$0x0] =	vst v9;
	v7 =	vld.idx.msk [tilespmem:v34+s21+$0x0], $0xffff  }
0x2c9: {  	s13 =	sadd.s32 $0x80, s13;
	v8 =	vld.idx.msk [tilespmem:v30+s21+$0x0], $0xffff;
	[tilespmem:s12+$0x50] =	vst v10  }
0x2ca: {  	_ =	sdelay $0x2  }
0x2cb: {  	[tilespmem:s12+$0x60] =	vst v6  }
0x2cc: {  	[tilespmem:s12+$0x90] =	vst v3;
	v2 =	vld.idx.msk [tilespmem:v2+s21+$0x0], $0xffff;
	s1 =	sadd.s32 $0x1, s1  }
0x2cd: {  	[tilespmem:s12+$0xA0] =	vst v4;
	v1 =	vld.idx.msk [tilespmem:v1+s21+$0x0], $0xffff;
	p0 =	seq.s32 s1, $0xA  }
.Ltmp11:
0x2ce: {  	[tilespmem:s12+$0xB0] =	vst v5;
	(pc) =	sbr.rel @!p0 .LBB2_23-.Ltmp11, $4  }
0x2cf: {  	[tilespmem:s12+$0xC0] =	vst v7  }
0x2d0: {  	[tilespmem:s12+$0x80] =	vst v8  }
0x2d1: {  	[tilespmem:s12+$0xD0] =	vst v2  }
0x2d2: {  	s10 =	sadd.s32 $0x400, s10;
	s11 =	sadd.s32 $0x1000, s11;
	[tilespmem:s12+$0xE0] =	vst v1  }
0x2d3: {  	s1 =	simm.s32 $0x12EA0  }
0x2d4: {  	[hbm4b:s23+s25] =	stream.strided.scatter [tilespmem:s1], [sflag:$0x4], $0x1000, s26, s25, $0x38;
	[tilespmem:$0x1CEA0] =	vst v63  }
0x2d5: {  	s11 =	sadd.s32 $0x34000, s23;
	s2 =	simm.s32 $0x13EA0  }
0x2d6: {  	[hbm4b:s11+s25] =	stream.strided.scatter [tilespmem:s2], [sflag:$0x4], $0x1000, s26, s25, $0x38;
	[tilespmem:$0x1CEA0] =	vst v63  }
0x2d7: {  	s12 =	sadd.s32 $0x68000, s23;
	s13 =	simm.s32 $0x14EA0  }
0x2d8: {  	[hbm4b:s12+s25] =	stream.strided.scatter [tilespmem:s13], [sflag:$0x4], $0x1000, s26, s25, $0x38;
	[tilespmem:$0x1CEA0] =	vst v63  }
0x2d9: {  	s15 =	sadd.s32 $0x9C000, s23;
	s20 =	simm.s32 $0x15EA0  }
0x2da: {  	[hbm4b:s15+s25] =	stream.strided.scatter [tilespmem:s20], [sflag:$0x4], $0x1000, s26, s25, $0x38;
	[tilespmem:$0x1CEA0] =	vst v63  }
0x2db: {  	s3 =	sadd.s32 $0xD0000, s23;
	s10 =	simm.s32 $0x16EA0  }
0x2dc: {  	[hbm4b:s3+s25] =	stream.strided.scatter [tilespmem:s10], [sflag:$0x4], $0x1000, s26, s25, $0x38;
	[tilespmem:$0x1CEA0] =	vst v63  }
0x2dd: {  	s11 =	sadd.s32 $0x104000, s23;
	s12 =	simm.s32 $0x17EA0  }
0x2de: {  	[hbm4b:s11+s25] =	stream.strided.scatter [tilespmem:s12], [sflag:$0x4], $0x1000, s26, s25, $0x38;
	[tilespmem:$0x1CEA0] =	vst v63  }
0x2df: {  	s0 =	sadd.s32 $0x1, s0;
	s13 =	sadd.s32 $0x138000, s23  }
0x2e0: {  	[hbm4b:s13+s25] =	stream.strided.scatter [tilespmem:s4], [sflag:$0x4], $0x1000, s26, s25, $0x38;
	[tilespmem:$0x1CEA0] =	vst v63  }
0x2e1: {  	p0 =	seq.s32 s0, $0x6;
	s15 =	sadd.s32 $0x16C000, s23  }
0x2e2: {  	[hbm4b:s15+s25] =	stream.strided.scatter [tilespmem:s17], [sflag:$0x4], $0x1000, s26, s25, $0x38;
	[tilespmem:$0x1CEA0] =	vst v63  }
.Ltmp12:
0x2e3: {  	_ = 	snop;
	(pc) =	sbr.rel @!p0 .LBB2_10-.Ltmp12, $4  }
0x2e4: {  	s20 =	sadd.s32 $0x1A0000, s23  }
0x2e5: {  	[hbm4b:s20+s25] =	stream.strided.scatter [tilespmem:s18], [sflag:$0x4], $0x1000, s26, s25, $0x38;
	[tilespmem:$0x1CEA0] =	vst v63  }
0x2e6: {  	s23 =	sadd.s32 $0x1D4000, s23  }
0x2e7: {  	[hbm4b:s23+s25] =	stream.strided.scatter [tilespmem:s28], [sflag:$0x4], $0x1000, s26, s25, $0x38;
	[tilespmem:$0x1CEA0] =	vst v63  }
0x2e8: {  	_ =	swait.ge [sflag:s29], $0xA000  }
0x2e9: {  	[sflag:s29] =	ssyncset.done $0x0  }
0x2ea: {  	[sflag:s29] =	ssyncadd.s32 $0xFFFF6000  }
0x2eb: {  	_ =	swait.ge [sflag:s30], $0xA000  }
0x2ec: {  	s1 =	rddreg [dreg:$0xd]  }
0x2ed: {  	s0 =	rddreg [dreg:$0xc];
	s1 =	sadd.s32 $0x1, s1  }
0x2ee: {  	p0 =	sne.s32 s1, s0  }
.Ltmp13:
0x2ef: {  	_ = 	snop;
	(pc) =	sbr.rel @p0 .LBB2_1-.Ltmp13, $3  }
0x2f0: {  	_ =	sdelay $0x1  }
0x2f1: {  	[sflag:s30] =	ssyncset.done $0x0  }
0x2f2: {  	[sflag:s30] =	ssyncadd.s32 $0xFFFF6000  }
0x2f3: {  	_ =	sfence.sel $0x180000  }
0x2f4: {  	[bflag:$0x0] =	sbarrier.arrive $0xFFFF  }
0x2f5: {  	_ =	strace $0x90000047  }
0x2f6: {  	s0 =	stileid.u32;
	[bflag:$0x2] =	sbarrier.arrive $0xFFFF  }
0x2f7: {  	p0 =	sne.s32 s0, $0x0;
	s0 =	rddreg [dreg:$0x2]  }
0x2f8: {  	s0 =	sadd.s32 @!p0 $0x100000, s0  }
0x2f9: {  	[sflag:s0] =	ssyncadd.tile.s32 @!p0 $0x1;
	_ =	shalt  }
.Lfunc_end2:
_tile_overlayer_lowered:
.L_overlay_start_2:
0x2fa: {  	(tag) =	ssettag $0x2  }
0x2fb: {  	s0 =	rddreg [dreg:$0x0];
	s2 =	stileid.u32  }
0x2fc: {  	s1 =	rddreg [dreg:$0x1];
	p0 =	sne.s32 s2, $0x0  }
0x2fd: {  	s3 =	rddreg [dreg:$0x2];
	[bflag:$0x3] =	sbarrier.arrive $0xFFFF;
	s2 =	simm.s32 @!p0 $0x1C05  }
0x2fe: {  	[timem:s3], [sflag:s2] =	dma.local @!p0 [hbm:s0], s1  }
0x2ff: {  	s0 =	simm.s32 @!p0 $0x5  }
0x300: {  	_ =	swait.ge @!p0 [sflag:s0], s1  }
0x301: {  	s1 =	ssub.s32 @!p0 $0x0, s1;
	[sflag:s0] =	ssyncset.done @!p0 $0x0  }
0x302: {  	[sflag:s0] =	ssyncadd.s32 @!p0 s1  }
0x303: {  	[bflag:$0x3] =	sbarrier.arrive $0xFFFF  }
0x304: {  	_ =	shalt  }

</sc_bundles>
